<compile_context>
chip_gen: v7x
topology: tpu7x:2x2x1
jax: 0.10.2.dev20260603
libtpu: 0.0.44.dev20260713+nightly
codegen_flags: <defaults>
</compile_context>

<pallas_src>
import jax
import jax.numpy as jnp
from jax import lax
from jax.experimental import pallas as pl
from jax.experimental.pallas import tpu as pltpu
import jax.experimental.pallas.tpu_sc as plsc

N = 19
F32 = jnp.float32
I32 = jnp.int32

O_X = 0
O_W1C = 32
O_AS1 = 96
O_AD1 = 160
O_B1 = 224
O_SCAL = 288
O_WCM = 304
O_WM = 336
O_BM = 368
O_AS2 = 400
O_AD2 = 528
O_B2 = 656
O_HEAD = 784
O_W2T = 784
O_WCT = 8976
P_LEN = 13072

_NEG = -3.4e38
LSTRIDE = 24
PSTRIDE = 48


def _lrelu(v):
    return jnp.maximum(v, 0.2 * v)


def _rsum(vv):
    lane = lax.broadcasted_iota(I32, (16,), 0)
    for sh in (8, 4, 2, 1):
        vv = vv + vv.at[lane ^ sh].get(mode="promise_in_bounds")
    return vv[0]


def _sc_body(p_hbm, out_hbm, P, Hs, H2, LG, PP, SHL, SHP, sem):
    cid = lax.axis_index("c")
    tid = lax.axis_index("s")
    lane = lax.broadcasted_iota(I32, (16,), 0)
    zero = jnp.zeros((16,), F32)

    pltpu.sync_copy(p_hbm.at[pl.ds(0, O_HEAD)], P.at[pl.ds(0, O_HEAD)])
    big = pltpu.async_copy(p_hbm.at[pl.ds(O_W2T, P_LEN - O_W2T)],
                           P.at[pl.ds(O_W2T, P_LEN - O_W2T)], sem)

    def v(off):
        return P[pl.ds(off, 16)]

    acc_s = v(O_W1C) * v(O_AS1)
    acc_d = v(O_W1C) * v(O_AD1)
    for j in range(1, 4):
        acc_s = acc_s + v(O_W1C + 16 * j) * v(O_AS1 + 16 * j)
        acc_d = acc_d + v(O_W1C + 16 * j) * v(O_AD1 + 16 * j)
    cs1 = _rsum(acc_s)
    cd1 = _rsum(acc_d)

    x0 = v(O_X)
    x1 = v(O_X + 16)
    xs_l = [x0[l] for l in range(16)] + [x1[l] for l in range(3)]
    ad0 = x0 * cd1
    ad1 = x1 * cd1

    m0 = jnp.full((16,), _NEG, F32)
    m1 = jnp.full((16,), _NEG, F32)
    for s in range(N):
        a = xs_l[s] * cs1
        m0 = jnp.maximum(m0, _lrelu(a + ad0))
        m1 = jnp.maximum(m1, _lrelu(a + ad1))
    den0 = zero
    den1 = zero
    g0 = zero
    g1 = zero
    for s in range(N):
        a = xs_l[s] * cs1
        e0 = jnp.exp(_lrelu(a + ad0) - m0)
        e1 = jnp.exp(_lrelu(a + ad1) - m1)
        den0 = den0 + e0
        den1 = den1 + e1
        g0 = g0 + e0 * xs_l[s]
        g1 = g1 + e1 * xs_l[s]
    gv0 = g0 / den0
    gv1 = g1 / den1
    g_l = [gv0[l] for l in range(16)] + [gv1[l] for l in range(3)]

    w1 = [v(O_W1C + 16 * j) for j in range(4)]
    b1v = [v(O_B1 + 16 * j) for j in range(4)]
    for d in range(N):
        for j in range(4):
            Hs[pl.ds(d * 64 + 16 * j, 16)] = jnp.maximum(
                g_l[d] * w1[j] + b1v[j], 0.0)

    big.wait()

    a2s = [v(O_AS2 + 16 * j) for j in range(8)]
    a2d = [v(O_AD2 + 16 * j) for j in range(8)]
    hbase0 = jnp.full((16,), 64, I32) * tid
    hbase1 = hbase0 + 16 * 64

    logit = zero

    def row_work(hbase, h2slot, logit, lpos0):
        def body_k(k, carry):
            acc = list(carry)
            wrow = [
                P[pl.ds(pl.multiple_of(O_W2T + k * 128 + 16 * j, 16), 16)]
                for j in range(8)
            ]
            hs = plsc.load_gather(Hs, [hbase + k])
            for j in range(8):
                acc[j] = acc[j] + hs * wrow[j]
            return tuple(acc)

        acc = lax.fori_loop(0, 64, body_k, tuple(zero for _ in range(8)))
        ts = acc[0] * a2s[0]
        td = acc[0] * a2d[0]
        for j in range(1, 8):
            ts = ts + acc[j] * a2s[j]
            td = td + acc[j] * a2d[j]
        for j in range(8):
            H2[pl.ds(h2slot * 128 + 16 * j, 16)] = acc[j]
        logit = logit + jnp.where(lane == lpos0, _rsum(ts), 0.0)
        logit = logit + jnp.where(lane == lpos0 + 1, _rsum(td), 0.0)
        return logit

    logit = row_work(hbase0, 0, logit, 0)

    @pl.when(tid < N - 16)
    def _():
        LG[pl.ds(0, 16)] = row_work(hbase1, 1, logit, 2)

    @pl.when(tid >= N - 16)
    def _():
        LG[pl.ds(0, 16)] = logit

    pltpu.sync_copy(LG.at[pl.ds(0, 16)],
                    SHL.at[pl.ds(tid * LSTRIDE, 16)])
    plsc.subcore_barrier()

    pltpu.sync_copy(SHL, LG)

    l17 = lane * LSTRIDE
    as2v0 = plsc.load_gather(LG, [l17])
    ad2v0 = plsc.load_gather(LG, [l17 + 1])
    as2v1 = plsc.load_gather(LG, [l17 + 2])
    ad2v1 = plsc.load_gather(LG, [l17 + 3])
    as2_l = ([as2v0[l] for l in range(16)]
             + [as2v1[l] for l in range(N - 16)])

    m20 = jnp.full((16,), _NEG, F32)
    m21 = jnp.full((16,), _NEG, F32)
    for s in range(N):
        m20 = jnp.maximum(m20, _lrelu(as2_l[s] + ad2v0))
        m21 = jnp.maximum(m21, _lrelu(as2_l[s] + ad2v1))
    den20 = zero
    den21 = zero
    for s in range(N):
        den20 = den20 + jnp.exp(_lrelu(as2_l[s] + ad2v0) - m20)
        den21 = den21 + jnp.exp(_lrelu(as2_l[s] + ad2v1) - m21)

    b2base = jnp.full((16,), O_B2, I32)
    sb0 = jnp.full((16,), 0, I32)
    sb1 = jnp.full((16,), 128, I32)
    do_pb = tid == 15
    two_rows = tid < N - 16

    def body_f(f, carry):
        q00, q01, q10, q11, pb = carry
        w0 = P[pl.ds(pl.multiple_of(O_WCT + f * 32, 16), 16)]
        w1f = P[pl.ds(pl.multiple_of(O_WCT + f * 32 + 16, 16), 16)]
        pb = pb + plsc.load_gather(P, [b2base + f]) * (w0 + w1f)
        h0 = plsc.load_gather(H2, [sb0 + f])
        h1 = plsc.load_gather(H2, [sb1 + f])
        q00 = q00 + h0 * w0
        q01 = q01 + h0 * w1f
        q10 = q10 + h1 * w0
        q11 = q11 + h1 * w1f
        return (q00, q01, q10, q11, pb)

    q00, q01, q10, q11, pbv = lax.fori_loop(
        0, 128, body_f, (zero, zero, zero, zero, zero), unroll=2)
    pbv = jnp.where(do_pb, pbv, 0.0)

    def exw(as2_s, qq0, qq1):
        ex0 = jnp.exp(_lrelu(as2_s + ad2v0) - m20)
        ex1 = jnp.exp(_lrelu(as2_s + ad2v1) - m21)
        return ex0 * qq0, ex1 * qq1

    as_own0 = plsc.load_gather(LG, [tid * LSTRIDE + jnp.zeros((16,), I32)])[0]
    pa0, pa1 = exw(as_own0, q00, q01)
    as_own1 = plsc.load_gather(LG, [tid * LSTRIDE + jnp.full((16,), 2, I32)])[0]
    pa0b, pa1b = exw(as_own1, q10, q11)
    pa0 = pa0 + jnp.where(two_rows, pa0b, 0.0)
    pa1 = pa1 + jnp.where(two_rows, pa1b, 0.0)

    PP[pl.ds(0, 16)] = pa0
    PP[pl.ds(16, 16)] = pa1
    PP[pl.ds(32, 16)] = pbv
    pltpu.sync_copy(PP, SHP.at[pl.ds(tid * PSTRIDE, PSTRIDE)])
    plsc.subcore_barrier()

    @pl.when((cid == 0) & (tid == 0))
    def _():
        pltpu.sync_copy(SHP, H2.at[pl.ds(0, 16 * PSTRIDE)])
        sa0 = zero
        sa1 = zero
        spb = zero
        for t in range(16):
            sa0 = sa0 + H2[pl.ds(t * PSTRIDE, 16)]
            sa1 = sa1 + H2[pl.ds(t * PSTRIDE + 16, 16)]
            spb = spb + H2[pl.ds(t * PSTRIDE + 32, 16)]
        pa = sa0 / den20 + sa1 / den21
        pred = _rsum(pa) + _rsum(spb)

        mm = v(O_SCAL)[0]
        mc0 = mm * v(O_WM) + v(O_BM)
        mc1 = mm * v(O_WM + 16) + v(O_BM + 16)
        t2 = mc0 * v(O_WCM) + mc1 * v(O_WCM + 16)
        pred = pred + _rsum(t2) + v(O_SCAL)[1]

        pv = jnp.broadcast_to(pred, (16,))
        LG[pl.ds(0, 16)] = 1.0 / (1.0 + jnp.exp(-pv))
        pltpu.sync_copy(LG.at[pl.ds(0, 16)], out_hbm)


def kernel(eeg_dem_scores, mmse, W1, a_src1, a_dst1, b1, W2, a_src2, a_dst2,
           b2, Wm, bm, Wc, bc):
    x = eeg_dem_scores[:, 0]
    wcmat = Wc[0, : N * 128].reshape(N, 128)
    wct = jnp.pad(wcmat.T, ((0, 0), (0, 32 - N)))
    parts = [
        jnp.pad(x, (0, 32 - N)),
        W1[:, 0],
        a_src1, a_dst1, b1,
        jnp.concatenate([mmse, bc, jnp.zeros((14,), F32)]),
        Wc[0, N * 128:],
        Wm[:, 0], bm,
        a_src2, a_dst2, b2,
        W2.T.reshape(-1),
        wct.reshape(-1),
    ]
    p = jnp.concatenate(parts)

    mesh = plsc.VectorSubcoreMesh(core_axis_name="c", subcore_axis_name="s",
                                  num_cores=1)
    out = pl.kernel(
        _sc_body,
        out_type=jax.ShapeDtypeStruct((16,), F32),
        mesh=mesh,
        compiler_params=pltpu.CompilerParams(needs_layout_passes=False),
        scratch_types=[
            pltpu.VMEM((P_LEN,), F32),
            pltpu.VMEM((N * 64,), F32),
            pltpu.VMEM((16 * PSTRIDE,), F32),
            pltpu.VMEM((16 * LSTRIDE + 16,), F32),
            pltpu.VMEM((PSTRIDE,), F32),
            pltpu.VMEM_SHARED((16 * LSTRIDE + 16,), F32),
            pltpu.VMEM_SHARED((16 * PSTRIDE,), F32),
            pltpu.SemaphoreType.DMA,
        ],
    )(p)
    return out[:1].reshape(1, 1)

# --- scband reference (transcript-rebuilt; emitter-appended) ---
"""Pipeline reference for scband-dementia-pred-loss-context-13211319402657 (READ-ONLY COPY).

The authoritative reference and input builder live on the scoring server;
editing this copy changes nothing except your own understanding.
"""

import jax, jax.numpy as jnp
import numpy as np

N = 19

def _edge_index():
    # dense_to_sparse on the fully-dense (all off-diagonal entries positive) adjacency
    # yields row-major (i, j) pairs for all i != j. GATConv(add_self_loops=True)
    # then appends (i, i) self-loops. The dense adjacency VALUES (edge weights) are
    # ignored because GATConv does not consume edge_weight.
    src = []
    dst = []
    for i in range(N):
        for j in range(N):
            if i != j:
                src.append(i)
                dst.append(j)
    for i in range(N):
        src.append(i)
        dst.append(i)
    return jnp.array(src, dtype=jnp.int32), jnp.array(dst, dtype=jnp.int32)

def _gat_conv(x, src, dst, W, a_src, a_dst, b):
    # Single-head GATConv: h = x W^T; e_ij = LeakyReLU(a_src.h_j + a_dst.h_i);
    # softmax over incoming edges of each destination node; weighted scatter-add.
    h = x @ W.T
    alpha_s = h @ a_src
    alpha_d = h @ a_dst
    e = jax.nn.leaky_relu(alpha_s[src] + alpha_d[dst], 0.2)
    e_max = jax.ops.segment_max(e, dst, num_segments=N)
    ex = jnp.exp(e - e_max[dst])
    denom = jax.ops.segment_sum(ex, dst, num_segments=N)
    alpha = ex / denom[dst]
    out = jax.ops.segment_sum(alpha[:, None] * h[src], dst, num_segments=N)
    return out + b

def setup_inputs(seed: int = 0):
    key = jax.random.key(seed)
    ks = jax.random.split(key, 12)
    def gl(k, shape, fan_in):
        return jax.random.uniform(k, shape, dtype=jnp.float32, minval=-1.0, maxval=1.0) / np.sqrt(fan_in)
    return {
        "eeg_dem_scores": jax.random.normal(ks[0], (N, 1), dtype=jnp.float32),
        "mmse": jax.random.uniform(ks[1], (1,), dtype=jnp.float32) * 30.0,
        "W1": gl(ks[2], (64, 1), 1),
        "a_src1": gl(ks[3], (64,), 64),
        "a_dst1": gl(ks[4], (64,), 64),
        "b1": jnp.zeros((64,), dtype=jnp.float32),
        "W2": gl(ks[5], (128, 64), 64),
        "a_src2": gl(ks[6], (128,), 128),
        "a_dst2": gl(ks[7], (128,), 128),
        "b2": jnp.zeros((128,), dtype=jnp.float32),
        "Wm": gl(ks[8], (32, 1), 1),
        "bm": gl(ks[9], (32,), 1),
        "Wc": gl(ks[10], (1, 2464), 2464),
        "bc": gl(ks[11], (1,), 2464),
    }

def reference(eeg_dem_scores, mmse, W1, a_src1, a_dst1, b1, W2, a_src2, a_dst2, b2, Wm, bm, Wc, bc):
    src, dst = _edge_index()
    h = _gat_conv(eeg_dem_scores, src, dst, W1, a_src1, a_dst1, b1)
    h = jax.nn.relu(h)
    h = _gat_conv(h, src, dst, W2, a_src2, a_dst2, b2)
    flat = h.reshape(1, N * 128)
    mmse_ctx = (mmse @ Wm.T + bm)[None, :]
    total = jnp.concatenate([flat, mmse_ctx], axis=1)
    pred = total @ Wc.T + bc
    return jax.nn.sigmoid(pred)

if __name__ == "__main__":
    import jax
    _d = setup_inputs()
    print(jax.jit(kernel)(*tuple(_d.values())))

</pallas_src>

<mosaic_0001>
#map = affine_map<(d0, d1) -> (0)>
module attributes {stable_mosaic.version = 14 : i64} {
  func.func @_sc_body(%arg0: i32, %arg1: i32, %arg2: memref<13072xf32, #tpu.memory_space<hbm>>, %arg3: memref<16xf32, #tpu.memory_space<hbm>>, %arg4: memref<13072xf32, #tpu.memory_space<vmem>>, %arg5: memref<1216xf32, #tpu.memory_space<vmem>>, %arg6: memref<768xf32, #tpu.memory_space<vmem>>, %arg7: memref<400xf32, #tpu.memory_space<vmem>>, %arg8: memref<48xf32, #tpu.memory_space<vmem>>, %arg9: memref<400xf32, #tpu.memory_space<vmem_shared>>, %arg10: memref<768xf32, #tpu.memory_space<vmem_shared>>, %arg11: memref<!tpu.dma_semaphore, #tpu.memory_space<semaphore_mem>>) attributes {dimension_semantics = [#tpu.dimension_semantics<core_parallel>, #tpu.dimension_semantics<subcore_parallel>], iteration_bounds = array<i64: 1, 16>, scalar_prefetch = 0 : i64, scratch_operands = 8 : i64, tpu.core_type = #tpu.core_type<sc_vector_subcore>, window_params = [{transform_indices = #map}, {transform_indices = #map}]} {
    %iota3A = tpu.iota {dimensions = array<i32: 0>} : vector<16xi32>
    %broadcast_in_dim3A = arith.constant 0.000000e+00 : f32
    %broadcast_in_dim3A_0 = vector.broadcast %broadcast_in_dim3A : f32 to vector<16xf32>
    "tpu.region"() ({
      %run_scoped3A = tpu.sem_alloc : memref<!tpu.dma_semaphore, #tpu.memory_space<semaphore_mem>>
      %dma_start3A_2633 = arith.constant 0 : i32
      %dma_start3A_2634 = tpu.memref_slice %arg4[%dma_start3A_2633] : memref<13072xf32, #tpu.memory_space<vmem>> -> memref<784xf32, #tpu.memory_space<vmem>>
      %dma_start3A_2635 = arith.constant 0 : i32
      %dma_start3A_2636 = tpu.memref_slice %arg2[%dma_start3A_2635] : memref<13072xf32, #tpu.memory_space<hbm>> -> memref<784xf32, #tpu.memory_space<hbm>>
      %dma_start3A_2637 = arith.constant 0 : i32
      %dma_start3A_2638 = tpu.memref_slice %arg4[%dma_start3A_2637] : memref<13072xf32, #tpu.memory_space<vmem>> -> memref<784xf32, #tpu.memory_space<vmem>>
      %dma_start3A_2639 = arith.constant 0 : i32
      %dma_start3A_2640 = tpu.memref_slice %arg2[%dma_start3A_2639] : memref<13072xf32, #tpu.memory_space<hbm>> -> memref<784xf32, #tpu.memory_space<hbm>>
      tpu.enqueue_dma source(%dma_start3A_2640 : memref<784xf32, #tpu.memory_space<hbm>>) target(%dma_start3A_2638 : memref<784xf32, #tpu.memory_space<vmem>>) target_semaphore(%run_scoped3A : memref<!tpu.dma_semaphore, #tpu.memory_space<semaphore_mem>>)
      %dma_wait3A_2641 = arith.constant 0 : i32
      %dma_wait3A_2642 = tpu.memref_slice %arg4[%dma_wait3A_2641] : memref<13072xf32, #tpu.memory_space<vmem>> -> memref<784xf32, #tpu.memory_space<vmem>>
      %dma_wait3A_2643 = arith.constant 0 : i32
      %dma_wait3A_2644 = tpu.memref_slice %arg2[%dma_wait3A_2643] : memref<13072xf32, #tpu.memory_space<hbm>> -> memref<784xf32, #tpu.memory_space<hbm>>
      %dma_wait3A_2645 = arith.constant 0 : i32
      %dma_wait3A_2646 = tpu.memref_slice %arg4[%dma_wait3A_2645] : memref<13072xf32, #tpu.memory_space<vmem>> -> memref<784xf32, #tpu.memory_space<vmem>>
      %dma_wait3A_2647 = arith.constant 0 : i32
      %dma_wait3A_2648 = tpu.memref_slice %arg2[%dma_wait3A_2647] : memref<13072xf32, #tpu.memory_space<hbm>> -> memref<784xf32, #tpu.memory_space<hbm>>
      tpu.wait_dma2 semaphore(%run_scoped3A : memref<!tpu.dma_semaphore, #tpu.memory_space<semaphore_mem>>) src(%dma_wait3A_2648 : memref<784xf32, #tpu.memory_space<hbm>>) dst(%dma_wait3A_2646 : memref<784xf32, #tpu.memory_space<vmem>>)
      tpu.yield
    }) : () -> ()
    %dma_start3A = arith.constant 784 : i32
    %dma_start3A_1 = tpu.memref_slice %arg4[%dma_start3A] : memref<13072xf32, #tpu.memory_space<vmem>> -> memref<12288xf32, #tpu.memory_space<vmem>>
    %dma_start3A_2 = arith.constant 784 : i32
    %dma_start3A_3 = tpu.memref_slice %arg2[%dma_start3A_2] : memref<13072xf32, #tpu.memory_space<hbm>> -> memref<12288xf32, #tpu.memory_space<hbm>>
    %dma_start3A_4 = arith.constant 784 : i32
    %dma_start3A_5 = tpu.memref_slice %arg4[%dma_start3A_4] : memref<13072xf32, #tpu.memory_space<vmem>> -> memref<12288xf32, #tpu.memory_space<vmem>>
    %dma_start3A_6 = arith.constant 784 : i32
    %dma_start3A_7 = tpu.memref_slice %arg2[%dma_start3A_6] : memref<13072xf32, #tpu.memory_space<hbm>> -> memref<12288xf32, #tpu.memory_space<hbm>>
    tpu.enqueue_dma source(%dma_start3A_7 : memref<12288xf32, #tpu.memory_space<hbm>>) target(%dma_start3A_5 : memref<12288xf32, #tpu.memory_space<vmem>>) target_semaphore(%arg11 : memref<!tpu.dma_semaphore, #tpu.memory_space<semaphore_mem>>)
    %get3A = arith.constant 32 : index
    %get3A_8 = tpu.vector_load %arg4[%get3A] {strides = array<i32>} : memref<13072xf32, #tpu.memory_space<vmem>>, vector<16xf32>,
    %get3A_9 = arith.constant 96 : index
    %get3A_10 = tpu.vector_load %arg4[%get3A_9] {strides = array<i32>} : memref<13072xf32, #tpu.memory_space<vmem>>, vector<16xf32>,
    %mul3A = arith.mulf %get3A_8, %get3A_10 : vector<16xf32>
    %get3A_11 = arith.constant 32 : index
    %get3A_12 = tpu.vector_load %arg4[%get3A_11] {strides = array<i32>} : memref<13072xf32, #tpu.memory_space<vmem>>, vector<16xf32>,
    %get3A_13 = arith.constant 160 : index
    %get3A_14 = tpu.vector_load %arg4[%get3A_13] {strides = array<i32>} : memref<13072xf32, #tpu.memory_space<vmem>>, vector<16xf32>,
    %mul3A_15 = arith.mulf %get3A_12, %get3A_14 : vector<16xf32>
    %get3A_16 = arith.constant 48 : index
    %get3A_17 = tpu.vector_load %arg4[%get3A_16] {strides = array<i32>} : memref<13072xf32, #tpu.memory_space<vmem>>, vector<16xf32>,
    %get3A_18 = arith.constant 112 : index
    %get3A_19 = tpu.vector_load %arg4[%get3A_18] {strides = array<i32>} : memref<13072xf32, #tpu.memory_space<vmem>>, vector<16xf32>,
    %mul3A_20 = arith.mulf %get3A_17, %get3A_19 : vector<16xf32>
    %add3A = arith.addf %mul3A, %mul3A_20 : vector<16xf32>
    %get3A_21 = arith.constant 48 : index
    %get3A_22 = tpu.vector_load %arg4[%get3A_21] {strides = array<i32>} : memref<13072xf32, #tpu.memory_space<vmem>>, vector<16xf32>,
    %get3A_23 = arith.constant 176 : index
    %get3A_24 = tpu.vector_load %arg4[%get3A_23] {strides = array<i32>} : memref<13072xf32, #tpu.memory_space<vmem>>, vector<16xf32>,
    %mul3A_25 = arith.mulf %get3A_22, %get3A_24 : vector<16xf32>
    %add3A_26 = arith.addf %mul3A_15, %mul3A_25 : vector<16xf32>
    %get3A_27 = arith.constant 64 : index
    %get3A_28 = tpu.vector_load %arg4[%get3A_27] {strides = array<i32>} : memref<13072xf32, #tpu.memory_space<vmem>>, vector<16xf32>,
    %get3A_29 = arith.constant 128 : index
    %get3A_30 = tpu.vector_load %arg4[%get3A_29] {strides = array<i32>} : memref<13072xf32, #tpu.memory_space<vmem>>, vector<16xf32>,
    %mul3A_31 = arith.mulf %get3A_28, %get3A_30 : vector<16xf32>
    %add3A_32 = arith.addf %add3A, %mul3A_31 : vector<16xf32>
    %get3A_33 = arith.constant 64 : index
    %get3A_34 = tpu.vector_load %arg4[%get3A_33] {strides = array<i32>} : memref<13072xf32, #tpu.memory_space<vmem>>, vector<16xf32>,
    %get3A_35 = arith.constant 192 : index
    %get3A_36 = tpu.vector_load %arg4[%get3A_35] {strides = array<i32>} : memref<13072xf32, #tpu.memory_space<vmem>>, vector<16xf32>,
    %mul3A_37 = arith.mulf %get3A_34, %get3A_36 : vector<16xf32>
    %add3A_38 = arith.addf %add3A_26, %mul3A_37 : vector<16xf32>
    %get3A_39 = arith.constant 80 : index
    %get3A_40 = tpu.vector_load %arg4[%get3A_39] {strides = array<i32>} : memref<13072xf32, #tpu.memory_space<vmem>>, vector<16xf32>,
    %get3A_41 = arith.constant 144 : index
    %get3A_42 = tpu.vector_load %arg4[%get3A_41] {strides = array<i32>} : memref<13072xf32, #tpu.memory_space<vmem>>, vector<16xf32>,
    %mul3A_43 = arith.mulf %get3A_40, %get3A_42 : vector<16xf32>
    %add3A_44 = arith.addf %add3A_32, %mul3A_43 : vector<16xf32>
    %get3A_45 = arith.constant 80 : index
    %get3A_46 = tpu.vector_load %arg4[%get3A_45] {strides = array<i32>} : memref<13072xf32, #tpu.memory_space<vmem>>, vector<16xf32>,
    %get3A_47 = arith.constant 208 : index
    %get3A_48 = tpu.vector_load %arg4[%get3A_47] {strides = array<i32>} : memref<13072xf32, #tpu.memory_space<vmem>>, vector<16xf32>,
    %mul3A_49 = arith.mulf %get3A_46, %get3A_48 : vector<16xf32>
    %add3A_50 = arith.addf %add3A_38, %mul3A_49 : vector<16xf32>
    %iota3A_51 = tpu.iota {dimensions = array<i32: 0>} : vector<16xi32>
    %xor3A = arith.constant 8 : i32
    %xor3A_52 = vector.broadcast %xor3A : i32 to vector<16xi32>
    %xor3A_53 = arith.xori %iota3A_51, %xor3A_52 : vector<16xi32>
    %lt3A = arith.constant 0 : i32
    %lt3A_54 = vector.broadcast %lt3A : i32 to vector<16xi32>
    %lt3A_55 = arith.cmpi slt, %xor3A_53, %lt3A_54 : vector<16xi32>
    %add3A_56 = arith.constant 16 : i32
    %add3A_57 = vector.broadcast %add3A_56 : i32 to vector<16xi32>
    %add3A_58 = arith.addi %xor3A_53, %add3A_57 : vector<16xi32>
    %select_n3A = arith.select %lt3A_55, %add3A_58, %xor3A_53 : vector<16xi1>, vector<16xi32>
    %broadcast_in_dim3A_59 = vector.shape_cast %select_n3A : vector<16xi32> to vector<16x1xi32>
    %gather3A = vector.shape_cast %broadcast_in_dim3A_59 : vector<16x1xi32> to vector<16xi32>
    %gather3A_60 = tpu.dynamic_gather %add3A_44[%gather3A] in [0] : vector<16xf32>, vector<16xi32> -> vector<16xf32>
    %add3A_61 = arith.addf %add3A_44, %gather3A_60 : vector<16xf32>
    %xor3A_62 = arith.constant 4 : i32
    %xor3A_63 = vector.broadcast %xor3A_62 : i32 to vector<16xi32>
    %xor3A_64 = arith.xori %iota3A_51, %xor3A_63 : vector<16xi32>
    %lt3A_65 = arith.constant 0 : i32
    %lt3A_66 = vector.broadcast %lt3A_65 : i32 to vector<16xi32>
    %lt3A_67 = arith.cmpi slt, %xor3A_64, %lt3A_66 : vector<16xi32>
    %add3A_68 = arith.constant 16 : i32
    %add3A_69 = vector.broadcast %add3A_68 : i32 to vector<16xi32>
    %add3A_70 = arith.addi %xor3A_64, %add3A_69 : vector<16xi32>
    %select_n3A_71 = arith.select %lt3A_67, %add3A_70, %xor3A_64 : vector<16xi1>, vector<16xi32>
    %broadcast_in_dim3A_72 = vector.shape_cast %select_n3A_71 : vector<16xi32> to vector<16x1xi32>
    %gather3A_73 = vector.shape_cast %broadcast_in_dim3A_72 : vector<16x1xi32> to vector<16xi32>
    %gather3A_74 = tpu.dynamic_gather %add3A_61[%gather3A_73] in [0] : vector<16xf32>, vector<16xi32> -> vector<16xf32>
    %add3A_75 = arith.addf %add3A_61, %gather3A_74 : vector<16xf32>
    %xor3A_76 = arith.constant 2 : i32
    %xor3A_77 = vector.broadcast %xor3A_76 : i32 to vector<16xi32>
    %xor3A_78 = arith.xori %iota3A_51, %xor3A_77 : vector<16xi32>
    %lt3A_79 = arith.constant 0 : i32
    %lt3A_80 = vector.broadcast %lt3A_79 : i32 to vector<16xi32>
    %lt3A_81 = arith.cmpi slt, %xor3A_78, %lt3A_80 : vector<16xi32>
    %add3A_82 = arith.constant 16 : i32
    %add3A_83 = vector.broadcast %add3A_82 : i32 to vector<16xi32>
    %add3A_84 = arith.addi %xor3A_78, %add3A_83 : vector<16xi32>
    %select_n3A_85 = arith.select %lt3A_81, %add3A_84, %xor3A_78 : vector<16xi1>, vector<16xi32>
    %broadcast_in_dim3A_86 = vector.shape_cast %select_n3A_85 : vector<16xi32> to vector<16x1xi32>
    %gather3A_87 = vector.shape_cast %broadcast_in_dim3A_86 : vector<16x1xi32> to vector<16xi32>
    %gather3A_88 = tpu.dynamic_gather %add3A_75[%gather3A_87] in [0] : vector<16xf32>, vector<16xi32> -> vector<16xf32>
    %add3A_89 = arith.addf %add3A_75, %gather3A_88 : vector<16xf32>
    %xor3A_90 = arith.constant 1 : i32
    %xor3A_91 = vector.broadcast %xor3A_90 : i32 to vector<16xi32>
    %xor3A_92 = arith.xori %iota3A_51, %xor3A_91 : vector<16xi32>
    %lt3A_93 = arith.constant 0 : i32
    %lt3A_94 = vector.broadcast %lt3A_93 : i32 to vector<16xi32>
    %lt3A_95 = arith.cmpi slt, %xor3A_92, %lt3A_94 : vector<16xi32>
    %add3A_96 = arith.constant 16 : i32
    %add3A_97 = vector.broadcast %add3A_96 : i32 to vector<16xi32>
    %add3A_98 = arith.addi %xor3A_92, %add3A_97 : vector<16xi32>
    %select_n3A_99 = arith.select %lt3A_95, %add3A_98, %xor3A_92 : vector<16xi1>, vector<16xi32>
    %broadcast_in_dim3A_100 = vector.shape_cast %select_n3A_99 : vector<16xi32> to vector<16x1xi32>
    %gather3A_101 = vector.shape_cast %broadcast_in_dim3A_100 : vector<16x1xi32> to vector<16xi32>
    %gather3A_102 = tpu.dynamic_gather %add3A_89[%gather3A_101] in [0] : vector<16xf32>, vector<16xi32> -> vector<16xf32>
    %add3A_103 = arith.addf %add3A_89, %gather3A_102 : vector<16xf32>
    %slice3A = vector.extract_strided_slice %add3A_103 {offsets = [0], sizes = [1], strides = [1]} : vector<16xf32> to vector<1xf32>
    %squeeze3A = vector.extract %slice3A[0] : f32 from vector<1xf32>
    %iota3A_104 = tpu.iota {dimensions = array<i32: 0>} : vector<16xi32>
    %xor3A_105 = arith.constant 8 : i32
    %xor3A_106 = vector.broadcast %xor3A_105 : i32 to vector<16xi32>
    %xor3A_107 = arith.xori %iota3A_104, %xor3A_106 : vector<16xi32>
    %lt3A_108 = arith.constant 0 : i32
    %lt3A_109 = vector.broadcast %lt3A_108 : i32 to vector<16xi32>
    %lt3A_110 = arith.cmpi slt, %xor3A_107, %lt3A_109 : vector<16xi32>
    %add3A_111 = arith.constant 16 : i32
    %add3A_112 = vector.broadcast %add3A_111 : i32 to vector<16xi32>
    %add3A_113 = arith.addi %xor3A_107, %add3A_112 : vector<16xi32>
    %select_n3A_114 = arith.select %lt3A_110, %add3A_113, %xor3A_107 : vector<16xi1>, vector<16xi32>
    %broadcast_in_dim3A_115 = vector.shape_cast %select_n3A_114 : vector<16xi32> to vector<16x1xi32>
    %gather3A_116 = vector.shape_cast %broadcast_in_dim3A_115 : vector<16x1xi32> to vector<16xi32>
    %gather3A_117 = tpu.dynamic_gather %add3A_50[%gather3A_116] in [0] : vector<16xf32>, vector<16xi32> -> vector<16xf32>
    %add3A_118 = arith.addf %add3A_50, %gather3A_117 : vector<16xf32>
    %xor3A_119 = arith.constant 4 : i32
    %xor3A_120 = vector.broadcast %xor3A_119 : i32 to vector<16xi32>
    %xor3A_121 = arith.xori %iota3A_104, %xor3A_120 : vector<16xi32>
    %lt3A_122 = arith.constant 0 : i32
    %lt3A_123 = vector.broadcast %lt3A_122 : i32 to vector<16xi32>
    %lt3A_124 = arith.cmpi slt, %xor3A_121, %lt3A_123 : vector<16xi32>
    %add3A_125 = arith.constant 16 : i32
    %add3A_126 = vector.broadcast %add3A_125 : i32 to vector<16xi32>
    %add3A_127 = arith.addi %xor3A_121, %add3A_126 : vector<16xi32>
    %select_n3A_128 = arith.select %lt3A_124, %add3A_127, %xor3A_121 : vector<16xi1>, vector<16xi32>
    %broadcast_in_dim3A_129 = vector.shape_cast %select_n3A_128 : vector<16xi32> to vector<16x1xi32>
    %gather3A_130 = vector.shape_cast %broadcast_in_dim3A_129 : vector<16x1xi32> to vector<16xi32>
    %gather3A_131 = tpu.dynamic_gather %add3A_118[%gather3A_130] in [0] : vector<16xf32>, vector<16xi32> -> vector<16xf32>
    %add3A_132 = arith.addf %add3A_118, %gather3A_131 : vector<16xf32>
    %xor3A_133 = arith.constant 2 : i32
    %xor3A_134 = vector.broadcast %xor3A_133 : i32 to vector<16xi32>
    %xor3A_135 = arith.xori %iota3A_104, %xor3A_134 : vector<16xi32>
    %lt3A_136 = arith.constant 0 : i32
    %lt3A_137 = vector.broadcast %lt3A_136 : i32 to vector<16xi32>
    %lt3A_138 = arith.cmpi slt, %xor3A_135, %lt3A_137 : vector<16xi32>
    %add3A_139 = arith.constant 16 : i32
    %add3A_140 = vector.broadcast %add3A_139 : i32 to vector<16xi32>
    %add3A_141 = arith.addi %xor3A_135, %add3A_140 : vector<16xi32>
    %select_n3A_142 = arith.select %lt3A_138, %add3A_141, %xor3A_135 : vector<16xi1>, vector<16xi32>
    %broadcast_in_dim3A_143 = vector.shape_cast %select_n3A_142 : vector<16xi32> to vector<16x1xi32>
    %gather3A_144 = vector.shape_cast %broadcast_in_dim3A_143 : vector<16x1xi32> to vector<16xi32>
    %gather3A_145 = tpu.dynamic_gather %add3A_132[%gather3A_144] in [0] : vector<16xf32>, vector<16xi32> -> vector<16xf32>
    %add3A_146 = arith.addf %add3A_132, %gather3A_145 : vector<16xf32>
    %xor3A_147 = arith.constant 1 : i32
    %xor3A_148 = vector.broadcast %xor3A_147 : i32 to vector<16xi32>
    %xor3A_149 = arith.xori %iota3A_104, %xor3A_148 : vector<16xi32>
    %lt3A_150 = arith.constant 0 : i32
    %lt3A_151 = vector.broadcast %lt3A_150 : i32 to vector<16xi32>
    %lt3A_152 = arith.cmpi slt, %xor3A_149, %lt3A_151 : vector<16xi32>
    %add3A_153 = arith.constant 16 : i32
    %add3A_154 = vector.broadcast %add3A_153 : i32 to vector<16xi32>
    %add3A_155 = arith.addi %xor3A_149, %add3A_154 : vector<16xi32>
    %select_n3A_156 = arith.select %lt3A_152, %add3A_155, %xor3A_149 : vector<16xi1>, vector<16xi32>
    %broadcast_in_dim3A_157 = vector.shape_cast %select_n3A_156 : vector<16xi32> to vector<16x1xi32>
    %gather3A_158 = vector.shape_cast %broadcast_in_dim3A_157 : vector<16x1xi32> to vector<16xi32>
    %gather3A_159 = tpu.dynamic_gather %add3A_146[%gather3A_158] in [0] : vector<16xf32>, vector<16xi32> -> vector<16xf32>
    %add3A_160 = arith.addf %add3A_146, %gather3A_159 : vector<16xf32>
    %slice3A_161 = vector.extract_strided_slice %add3A_160 {offsets = [0], sizes = [1], strides = [1]} : vector<16xf32> to vector<1xf32>
    %squeeze3A_162 = vector.extract %slice3A_161[0] : f32 from vector<1xf32>
    %get3A_163 = arith.constant 0 : index
    %get3A_164 = tpu.vector_load %arg4[%get3A_163] {strides = array<i32>} : memref<13072xf32, #tpu.memory_space<vmem>>, vector<16xf32>,
    %get3A_165 = arith.constant 16 : index
    %get3A_166 = tpu.vector_load %arg4[%get3A_165] {strides = array<i32>} : memref<13072xf32, #tpu.memory_space<vmem>>, vector<16xf32>,
    %slice3A_167 = vector.extract_strided_slice %get3A_164 {offsets = [0], sizes = [1], strides = [1]} : vector<16xf32> to vector<1xf32>
    %squeeze3A_168 = vector.extract %slice3A_167[0] : f32 from vector<1xf32>
    %slice3A_169 = vector.extract_strided_slice %get3A_164 {offsets = [1], sizes = [1], strides = [1]} : vector<16xf32> to vector<1xf32>
    %squeeze3A_170 = vector.extract %slice3A_169[0] : f32 from vector<1xf32>
    %slice3A_171 = vector.extract_strided_slice %get3A_164 {offsets = [2], sizes = [1], strides = [1]} : vector<16xf32> to vector<1xf32>
    %squeeze3A_172 = vector.extract %slice3A_171[0] : f32 from vector<1xf32>
    %slice3A_173 = vector.extract_strided_slice %get3A_164 {offsets = [3], sizes = [1], strides = [1]} : vector<16xf32> to vector<1xf32>
    %squeeze3A_174 = vector.extract %slice3A_173[0] : f32 from vector<1xf32>
    %slice3A_175 = vector.extract_strided_slice %get3A_164 {offsets = [4], sizes = [1], strides = [1]} : vector<16xf32> to vector<1xf32>
    %squeeze3A_176 = vector.extract %slice3A_175[0] : f32 from vector<1xf32>
    %slice3A_177 = vector.extract_strided_slice %get3A_164 {offsets = [5], sizes = [1], strides = [1]} : vector<16xf32> to vector<1xf32>
    %squeeze3A_178 = vector.extract %slice3A_177[0] : f32 from vector<1xf32>
    %slice3A_179 = vector.extract_strided_slice %get3A_164 {offsets = [6], sizes = [1], strides = [1]} : vector<16xf32> to vector<1xf32>
    %squeeze3A_180 = vector.extract %slice3A_179[0] : f32 from vector<1xf32>
    %slice3A_181 = vector.extract_strided_slice %get3A_164 {offsets = [7], sizes = [1], strides = [1]} : vector<16xf32> to vector<1xf32>
    %squeeze3A_182 = vector.extract %slice3A_181[0] : f32 from vector<1xf32>
    %slice3A_183 = vector.extract_strided_slice %get3A_164 {offsets = [8], sizes = [1], strides = [1]} : vector<16xf32> to vector<1xf32>
    %squeeze3A_184 = vector.extract %slice3A_183[0] : f32 from vector<1xf32>
    %slice3A_185 = vector.extract_strided_slice %get3A_164 {offsets = [9], sizes = [1], strides = [1]} : vector<16xf32> to vector<1xf32>
    %squeeze3A_186 = vector.extract %slice3A_185[0] : f32 from vector<1xf32>
    %slice3A_187 = vector.extract_strided_slice %get3A_164 {offsets = [10], sizes = [1], strides = [1]} : vector<16xf32> to vector<1xf32>
    %squeeze3A_188 = vector.extract %slice3A_187[0] : f32 from vector<1xf32>
    %slice3A_189 = vector.extract_strided_slice %get3A_164 {offsets = [11], sizes = [1], strides = [1]} : vector<16xf32> to vector<1xf32>
    %squeeze3A_190 = vector.extract %slice3A_189[0] : f32 from vector<1xf32>
    %slice3A_191 = vector.extract_strided_slice %get3A_164 {offsets = [12], sizes = [1], strides = [1]} : vector<16xf32> to vector<1xf32>
    %squeeze3A_192 = vector.extract %slice3A_191[0] : f32 from vector<1xf32>
    %slice3A_193 = vector.extract_strided_slice %get3A_164 {offsets = [13], sizes = [1], strides = [1]} : vector<16xf32> to vector<1xf32>
    %squeeze3A_194 = vector.extract %slice3A_193[0] : f32 from vector<1xf32>
    %slice3A_195 = vector.extract_strided_slice %get3A_164 {offsets = [14], sizes = [1], strides = [1]} : vector<16xf32> to vector<1xf32>
    %squeeze3A_196 = vector.extract %slice3A_195[0] : f32 from vector<1xf32>
    %slice3A_197 = vector.extract_strided_slice %get3A_164 {offsets = [15], sizes = [1], strides = [1]} : vector<16xf32> to vector<1xf32>
    %squeeze3A_198 = vector.extract %slice3A_197[0] : f32 from vector<1xf32>
    %slice3A_199 = vector.extract_strided_slice %get3A_166 {offsets = [0], sizes = [1], strides = [1]} : vector<16xf32> to vector<1xf32>
    %squeeze3A_200 = vector.extract %slice3A_199[0] : f32 from vector<1xf32>
    %slice3A_201 = vector.extract_strided_slice %get3A_166 {offsets = [1], sizes = [1], strides = [1]} : vector<16xf32> to vector<1xf32>
    %squeeze3A_202 = vector.extract %slice3A_201[0] : f32 from vector<1xf32>
    %slice3A_203 = vector.extract_strided_slice %get3A_166 {offsets = [2], sizes = [1], strides = [1]} : vector<16xf32> to vector<1xf32>
    %squeeze3A_204 = vector.extract %slice3A_203[0] : f32 from vector<1xf32>
    %mul3A_205 = vector.broadcast %squeeze3A_162 : f32 to vector<16xf32>
    %mul3A_206 = arith.mulf %get3A_164, %mul3A_205 : vector<16xf32>
    %mul3A_207 = vector.broadcast %squeeze3A_162 : f32 to vector<16xf32>
    %mul3A_208 = arith.mulf %get3A_166, %mul3A_207 : vector<16xf32>
    %broadcast_in_dim3A_209 = arith.constant -3.400000e+38 : f32
    %broadcast_in_dim3A_210 = vector.broadcast %broadcast_in_dim3A_209 : f32 to vector<16xf32>
    %broadcast_in_dim3A_211 = arith.constant -3.400000e+38 : f32
    %broadcast_in_dim3A_212 = vector.broadcast %broadcast_in_dim3A_211 : f32 to vector<16xf32>
    %mul3A_213 = arith.mulf %squeeze3A_168, %squeeze3A : f32
    %add3A_214 = vector.broadcast %mul3A_213 : f32 to vector<16xf32>
    %add3A_215 = arith.addf %add3A_214, %mul3A_206 : vector<16xf32>
    %mul3A_216 = arith.constant 2.000000e-01 : f32
    %mul3A_217 = vector.broadcast %mul3A_216 : f32 to vector<16xf32>
    %mul3A_218 = arith.mulf %mul3A_217, %add3A_215 : vector<16xf32>
    %max3A = arith.maximumf %add3A_215, %mul3A_218 : vector<16xf32>
    %max3A_219 = arith.maximumf %broadcast_in_dim3A_210, %max3A : vector<16xf32>
    %add3A_220 = vector.broadcast %mul3A_213 : f32 to vector<16xf32>
    %add3A_221 = arith.addf %add3A_220, %mul3A_208 : vector<16xf32>
    %mul3A_222 = arith.constant 2.000000e-01 : f32
    %mul3A_223 = vector.broadcast %mul3A_222 : f32 to vector<16xf32>
    %mul3A_224 = arith.mulf %mul3A_223, %add3A_221 : vector<16xf32>
    %max3A_225 = arith.maximumf %add3A_221, %mul3A_224 : vector<16xf32>
    %max3A_226 = arith.maximumf %broadcast_in_dim3A_212, %max3A_225 : vector<16xf32>
    %mul3A_227 = arith.mulf %squeeze3A_170, %squeeze3A : f32
    %add3A_228 = vector.broadcast %mul3A_227 : f32 to vector<16xf32>
    %add3A_229 = arith.addf %add3A_228, %mul3A_206 : vector<16xf32>
    %mul3A_230 = arith.constant 2.000000e-01 : f32
    %mul3A_231 = vector.broadcast %mul3A_230 : f32 to vector<16xf32>
    %mul3A_232 = arith.mulf %mul3A_231, %add3A_229 : vector<16xf32>
    %max3A_233 = arith.maximumf %add3A_229, %mul3A_232 : vector<16xf32>
    %max3A_234 = arith.maximumf %max3A_219, %max3A_233 : vector<16xf32>
    %add3A_235 = vector.broadcast %mul3A_227 : f32 to vector<16xf32>
    %add3A_236 = arith.addf %add3A_235, %mul3A_208 : vector<16xf32>
    %mul3A_237 = arith.constant 2.000000e-01 : f32
    %mul3A_238 = vector.broadcast %mul3A_237 : f32 to vector<16xf32>
    %mul3A_239 = arith.mulf %mul3A_238, %add3A_236 : vector<16xf32>
    %max3A_240 = arith.maximumf %add3A_236, %mul3A_239 : vector<16xf32>
    %max3A_241 = arith.maximumf %max3A_226, %max3A_240 : vector<16xf32>
    %mul3A_242 = arith.mulf %squeeze3A_172, %squeeze3A : f32
    %add3A_243 = vector.broadcast %mul3A_242 : f32 to vector<16xf32>
    %add3A_244 = arith.addf %add3A_243, %mul3A_206 : vector<16xf32>
    %mul3A_245 = arith.constant 2.000000e-01 : f32
    %mul3A_246 = vector.broadcast %mul3A_245 : f32 to vector<16xf32>
    %mul3A_247 = arith.mulf %mul3A_246, %add3A_244 : vector<16xf32>
    %max3A_248 = arith.maximumf %add3A_244, %mul3A_247 : vector<16xf32>
    %max3A_249 = arith.maximumf %max3A_234, %max3A_248 : vector<16xf32>
    %add3A_250 = vector.broadcast %mul3A_242 : f32 to vector<16xf32>
    %add3A_251 = arith.addf %add3A_250, %mul3A_208 : vector<16xf32>
    %mul3A_252 = arith.constant 2.000000e-01 : f32
    %mul3A_253 = vector.broadcast %mul3A_252 : f32 to vector<16xf32>
    %mul3A_254 = arith.mulf %mul3A_253, %add3A_251 : vector<16xf32>
    %max3A_255 = arith.maximumf %add3A_251, %mul3A_254 : vector<16xf32>
    %max3A_256 = arith.maximumf %max3A_241, %max3A_255 : vector<16xf32>
    %mul3A_257 = arith.mulf %squeeze3A_174, %squeeze3A : f32
    %add3A_258 = vector.broadcast %mul3A_257 : f32 to vector<16xf32>
    %add3A_259 = arith.addf %add3A_258, %mul3A_206 : vector<16xf32>
    %mul3A_260 = arith.constant 2.000000e-01 : f32
    %mul3A_261 = vector.broadcast %mul3A_260 : f32 to vector<16xf32>
    %mul3A_262 = arith.mulf %mul3A_261, %add3A_259 : vector<16xf32>
    %max3A_263 = arith.maximumf %add3A_259, %mul3A_262 : vector<16xf32>
    %max3A_264 = arith.maximumf %max3A_249, %max3A_263 : vector<16xf32>
    %add3A_265 = vector.broadcast %mul3A_257 : f32 to vector<16xf32>
    %add3A_266 = arith.addf %add3A_265, %mul3A_208 : vector<16xf32>
    %mul3A_267 = arith.constant 2.000000e-01 : f32
    %mul3A_268 = vector.broadcast %mul3A_267 : f32 to vector<16xf32>
    %mul3A_269 = arith.mulf %mul3A_268, %add3A_266 : vector<16xf32>
    %max3A_270 = arith.maximumf %add3A_266, %mul3A_269 : vector<16xf32>
    %max3A_271 = arith.maximumf %max3A_256, %max3A_270 : vector<16xf32>
    %mul3A_272 = arith.mulf %squeeze3A_176, %squeeze3A : f32
    %add3A_273 = vector.broadcast %mul3A_272 : f32 to vector<16xf32>
    %add3A_274 = arith.addf %add3A_273, %mul3A_206 : vector<16xf32>
    %mul3A_275 = arith.constant 2.000000e-01 : f32
    %mul3A_276 = vector.broadcast %mul3A_275 : f32 to vector<16xf32>
    %mul3A_277 = arith.mulf %mul3A_276, %add3A_274 : vector<16xf32>
    %max3A_278 = arith.maximumf %add3A_274, %mul3A_277 : vector<16xf32>
    %max3A_279 = arith.maximumf %max3A_264, %max3A_278 : vector<16xf32>
    %add3A_280 = vector.broadcast %mul3A_272 : f32 to vector<16xf32>
    %add3A_281 = arith.addf %add3A_280, %mul3A_208 : vector<16xf32>
    %mul3A_282 = arith.constant 2.000000e-01 : f32
    %mul3A_283 = vector.broadcast %mul3A_282 : f32 to vector<16xf32>
    %mul3A_284 = arith.mulf %mul3A_283, %add3A_281 : vector<16xf32>
    %max3A_285 = arith.maximumf %add3A_281, %mul3A_284 : vector<16xf32>
    %max3A_286 = arith.maximumf %max3A_271, %max3A_285 : vector<16xf32>
    %mul3A_287 = arith.mulf %squeeze3A_178, %squeeze3A : f32
    %add3A_288 = vector.broadcast %mul3A_287 : f32 to vector<16xf32>
    %add3A_289 = arith.addf %add3A_288, %mul3A_206 : vector<16xf32>
    %mul3A_290 = arith.constant 2.000000e-01 : f32
    %mul3A_291 = vector.broadcast %mul3A_290 : f32 to vector<16xf32>
    %mul3A_292 = arith.mulf %mul3A_291, %add3A_289 : vector<16xf32>
    %max3A_293 = arith.maximumf %add3A_289, %mul3A_292 : vector<16xf32>
    %max3A_294 = arith.maximumf %max3A_279, %max3A_293 : vector<16xf32>
    %add3A_295 = vector.broadcast %mul3A_287 : f32 to vector<16xf32>
    %add3A_296 = arith.addf %add3A_295, %mul3A_208 : vector<16xf32>
    %mul3A_297 = arith.constant 2.000000e-01 : f32
    %mul3A_298 = vector.broadcast %mul3A_297 : f32 to vector<16xf32>
    %mul3A_299 = arith.mulf %mul3A_298, %add3A_296 : vector<16xf32>
    %max3A_300 = arith.maximumf %add3A_296, %mul3A_299 : vector<16xf32>
    %max3A_301 = arith.maximumf %max3A_286, %max3A_300 : vector<16xf32>
    %mul3A_302 = arith.mulf %squeeze3A_180, %squeeze3A : f32
    %add3A_303 = vector.broadcast %mul3A_302 : f32 to vector<16xf32>
    %add3A_304 = arith.addf %add3A_303, %mul3A_206 : vector<16xf32>
    %mul3A_305 = arith.constant 2.000000e-01 : f32
    %mul3A_306 = vector.broadcast %mul3A_305 : f32 to vector<16xf32>
    %mul3A_307 = arith.mulf %mul3A_306, %add3A_304 : vector<16xf32>
    %max3A_308 = arith.maximumf %add3A_304, %mul3A_307 : vector<16xf32>
    %max3A_309 = arith.maximumf %max3A_294, %max3A_308 : vector<16xf32>
    %add3A_310 = vector.broadcast %mul3A_302 : f32 to vector<16xf32>
    %add3A_311 = arith.addf %add3A_310, %mul3A_208 : vector<16xf32>
    %mul3A_312 = arith.constant 2.000000e-01 : f32
    %mul3A_313 = vector.broadcast %mul3A_312 : f32 to vector<16xf32>
    %mul3A_314 = arith.mulf %mul3A_313, %add3A_311 : vector<16xf32>
    %max3A_315 = arith.maximumf %add3A_311, %mul3A_314 : vector<16xf32>
    %max3A_316 = arith.maximumf %max3A_301, %max3A_315 : vector<16xf32>
    %mul3A_317 = arith.mulf %squeeze3A_182, %squeeze3A : f32
    %add3A_318 = vector.broadcast %mul3A_317 : f32 to vector<16xf32>
    %add3A_319 = arith.addf %add3A_318, %mul3A_206 : vector<16xf32>
    %mul3A_320 = arith.constant 2.000000e-01 : f32
    %mul3A_321 = vector.broadcast %mul3A_320 : f32 to vector<16xf32>
    %mul3A_322 = arith.mulf %mul3A_321, %add3A_319 : vector<16xf32>
    %max3A_323 = arith.maximumf %add3A_319, %mul3A_322 : vector<16xf32>
    %max3A_324 = arith.maximumf %max3A_309, %max3A_323 : vector<16xf32>
    %add3A_325 = vector.broadcast %mul3A_317 : f32 to vector<16xf32>
    %add3A_326 = arith.addf %add3A_325, %mul3A_208 : vector<16xf32>
    %mul3A_327 = arith.constant 2.000000e-01 : f32
    %mul3A_328 = vector.broadcast %mul3A_327 : f32 to vector<16xf32>
    %mul3A_329 = arith.mulf %mul3A_328, %add3A_326 : vector<16xf32>
    %max3A_330 = arith.maximumf %add3A_326, %mul3A_329 : vector<16xf32>
    %max3A_331 = arith.maximumf %max3A_316, %max3A_330 : vector<16xf32>
    %mul3A_332 = arith.mulf %squeeze3A_184, %squeeze3A : f32
    %add3A_333 = vector.broadcast %mul3A_332 : f32 to vector<16xf32>
    %add3A_334 = arith.addf %add3A_333, %mul3A_206 : vector<16xf32>
    %mul3A_335 = arith.constant 2.000000e-01 : f32
    %mul3A_336 = vector.broadcast %mul3A_335 : f32 to vector<16xf32>
    %mul3A_337 = arith.mulf %mul3A_336, %add3A_334 : vector<16xf32>
    %max3A_338 = arith.maximumf %add3A_334, %mul3A_337 : vector<16xf32>
    %max3A_339 = arith.maximumf %max3A_324, %max3A_338 : vector<16xf32>
    %add3A_340 = vector.broadcast %mul3A_332 : f32 to vector<16xf32>
    %add3A_341 = arith.addf %add3A_340, %mul3A_208 : vector<16xf32>
    %mul3A_342 = arith.constant 2.000000e-01 : f32
    %mul3A_343 = vector.broadcast %mul3A_342 : f32 to vector<16xf32>
    %mul3A_344 = arith.mulf %mul3A_343, %add3A_341 : vector<16xf32>
    %max3A_345 = arith.maximumf %add3A_341, %mul3A_344 : vector<16xf32>
    %max3A_346 = arith.maximumf %max3A_331, %max3A_345 : vector<16xf32>
    %mul3A_347 = arith.mulf %squeeze3A_186, %squeeze3A : f32
    %add3A_348 = vector.broadcast %mul3A_347 : f32 to vector<16xf32>
    %add3A_349 = arith.addf %add3A_348, %mul3A_206 : vector<16xf32>
    %mul3A_350 = arith.constant 2.000000e-01 : f32
    %mul3A_351 = vector.broadcast %mul3A_350 : f32 to vector<16xf32>
    %mul3A_352 = arith.mulf %mul3A_351, %add3A_349 : vector<16xf32>
    %max3A_353 = arith.maximumf %add3A_349, %mul3A_352 : vector<16xf32>
    %max3A_354 = arith.maximumf %max3A_339, %max3A_353 : vector<16xf32>
    %add3A_355 = vector.broadcast %mul3A_347 : f32 to vector<16xf32>
    %add3A_356 = arith.addf %add3A_355, %mul3A_208 : vector<16xf32>
    %mul3A_357 = arith.constant 2.000000e-01 : f32
    %mul3A_358 = vector.broadcast %mul3A_357 : f32 to vector<16xf32>
    %mul3A_359 = arith.mulf %mul3A_358, %add3A_356 : vector<16xf32>
    %max3A_360 = arith.maximumf %add3A_356, %mul3A_359 : vector<16xf32>
    %max3A_361 = arith.maximumf %max3A_346, %max3A_360 : vector<16xf32>
    %mul3A_362 = arith.mulf %squeeze3A_188, %squeeze3A : f32
    %add3A_363 = vector.broadcast %mul3A_362 : f32 to vector<16xf32>
    %add3A_364 = arith.addf %add3A_363, %mul3A_206 : vector<16xf32>
    %mul3A_365 = arith.constant 2.000000e-01 : f32
    %mul3A_366 = vector.broadcast %mul3A_365 : f32 to vector<16xf32>
    %mul3A_367 = arith.mulf %mul3A_366, %add3A_364 : vector<16xf32>
    %max3A_368 = arith.maximumf %add3A_364, %mul3A_367 : vector<16xf32>
    %max3A_369 = arith.maximumf %max3A_354, %max3A_368 : vector<16xf32>
    %add3A_370 = vector.broadcast %mul3A_362 : f32 to vector<16xf32>
    %add3A_371 = arith.addf %add3A_370, %mul3A_208 : vector<16xf32>
    %mul3A_372 = arith.constant 2.000000e-01 : f32
    %mul3A_373 = vector.broadcast %mul3A_372 : f32 to vector<16xf32>
    %mul3A_374 = arith.mulf %mul3A_373, %add3A_371 : vector<16xf32>
    %max3A_375 = arith.maximumf %add3A_371, %mul3A_374 : vector<16xf32>
    %max3A_376 = arith.maximumf %max3A_361, %max3A_375 : vector<16xf32>
    %mul3A_377 = arith.mulf %squeeze3A_190, %squeeze3A : f32
    %add3A_378 = vector.broadcast %mul3A_377 : f32 to vector<16xf32>
    %add3A_379 = arith.addf %add3A_378, %mul3A_206 : vector<16xf32>
    %mul3A_380 = arith.constant 2.000000e-01 : f32
    %mul3A_381 = vector.broadcast %mul3A_380 : f32 to vector<16xf32>
    %mul3A_382 = arith.mulf %mul3A_381, %add3A_379 : vector<16xf32>
    %max3A_383 = arith.maximumf %add3A_379, %mul3A_382 : vector<16xf32>
    %max3A_384 = arith.maximumf %max3A_369, %max3A_383 : vector<16xf32>
    %add3A_385 = vector.broadcast %mul3A_377 : f32 to vector<16xf32>
    %add3A_386 = arith.addf %add3A_385, %mul3A_208 : vector<16xf32>
    %mul3A_387 = arith.constant 2.000000e-01 : f32
    %mul3A_388 = vector.broadcast %mul3A_387 : f32 to vector<16xf32>
    %mul3A_389 = arith.mulf %mul3A_388, %add3A_386 : vector<16xf32>
    %max3A_390 = arith.maximumf %add3A_386, %mul3A_389 : vector<16xf32>
    %max3A_391 = arith.maximumf %max3A_376, %max3A_390 : vector<16xf32>
    %mul3A_392 = arith.mulf %squeeze3A_192, %squeeze3A : f32
    %add3A_393 = vector.broadcast %mul3A_392 : f32 to vector<16xf32>
    %add3A_394 = arith.addf %add3A_393, %mul3A_206 : vector<16xf32>
    %mul3A_395 = arith.constant 2.000000e-01 : f32
    %mul3A_396 = vector.broadcast %mul3A_395 : f32 to vector<16xf32>
    %mul3A_397 = arith.mulf %mul3A_396, %add3A_394 : vector<16xf32>
    %max3A_398 = arith.maximumf %add3A_394, %mul3A_397 : vector<16xf32>
    %max3A_399 = arith.maximumf %max3A_384, %max3A_398 : vector<16xf32>
    %add3A_400 = vector.broadcast %mul3A_392 : f32 to vector<16xf32>
    %add3A_401 = arith.addf %add3A_400, %mul3A_208 : vector<16xf32>
    %mul3A_402 = arith.constant 2.000000e-01 : f32
    %mul3A_403 = vector.broadcast %mul3A_402 : f32 to vector<16xf32>
    %mul3A_404 = arith.mulf %mul3A_403, %add3A_401 : vector<16xf32>
    %max3A_405 = arith.maximumf %add3A_401, %mul3A_404 : vector<16xf32>
    %max3A_406 = arith.maximumf %max3A_391, %max3A_405 : vector<16xf32>
    %mul3A_407 = arith.mulf %squeeze3A_194, %squeeze3A : f32
    %add3A_408 = vector.broadcast %mul3A_407 : f32 to vector<16xf32>
    %add3A_409 = arith.addf %add3A_408, %mul3A_206 : vector<16xf32>
    %mul3A_410 = arith.constant 2.000000e-01 : f32
    %mul3A_411 = vector.broadcast %mul3A_410 : f32 to vector<16xf32>
    %mul3A_412 = arith.mulf %mul3A_411, %add3A_409 : vector<16xf32>
    %max3A_413 = arith.maximumf %add3A_409, %mul3A_412 : vector<16xf32>
    %max3A_414 = arith.maximumf %max3A_399, %max3A_413 : vector<16xf32>
    %add3A_415 = vector.broadcast %mul3A_407 : f32 to vector<16xf32>
    %add3A_416 = arith.addf %add3A_415, %mul3A_208 : vector<16xf32>
    %mul3A_417 = arith.constant 2.000000e-01 : f32
    %mul3A_418 = vector.broadcast %mul3A_417 : f32 to vector<16xf32>
    %mul3A_419 = arith.mulf %mul3A_418, %add3A_416 : vector<16xf32>
    %max3A_420 = arith.maximumf %add3A_416, %mul3A_419 : vector<16xf32>
    %max3A_421 = arith.maximumf %max3A_406, %max3A_420 : vector<16xf32>
    %mul3A_422 = arith.mulf %squeeze3A_196, %squeeze3A : f32
    %add3A_423 = vector.broadcast %mul3A_422 : f32 to vector<16xf32>
    %add3A_424 = arith.addf %add3A_423, %mul3A_206 : vector<16xf32>
    %mul3A_425 = arith.constant 2.000000e-01 : f32
    %mul3A_426 = vector.broadcast %mul3A_425 : f32 to vector<16xf32>
    %mul3A_427 = arith.mulf %mul3A_426, %add3A_424 : vector<16xf32>
    %max3A_428 = arith.maximumf %add3A_424, %mul3A_427 : vector<16xf32>
    %max3A_429 = arith.maximumf %max3A_414, %max3A_428 : vector<16xf32>
    %add3A_430 = vector.broadcast %mul3A_422 : f32 to vector<16xf32>
    %add3A_431 = arith.addf %add3A_430, %mul3A_208 : vector<16xf32>
    %mul3A_432 = arith.constant 2.000000e-01 : f32
    %mul3A_433 = vector.broadcast %mul3A_432 : f32 to vector<16xf32>
    %mul3A_434 = arith.mulf %mul3A_433, %add3A_431 : vector<16xf32>
    %max3A_435 = arith.maximumf %add3A_431, %mul3A_434 : vector<16xf32>
    %max3A_436 = arith.maximumf %max3A_421, %max3A_435 : vector<16xf32>
    %mul3A_437 = arith.mulf %squeeze3A_198, %squeeze3A : f32
    %add3A_438 = vector.broadcast %mul3A_437 : f32 to vector<16xf32>
    %add3A_439 = arith.addf %add3A_438, %mul3A_206 : vector<16xf32>
    %mul3A_440 = arith.constant 2.000000e-01 : f32
    %mul3A_441 = vector.broadcast %mul3A_440 : f32 to vector<16xf32>
    %mul3A_442 = arith.mulf %mul3A_441, %add3A_439 : vector<16xf32>
    %max3A_443 = arith.maximumf %add3A_439, %mul3A_442 : vector<16xf32>
    %max3A_444 = arith.maximumf %max3A_429, %max3A_443 : vector<16xf32>
    %add3A_445 = vector.broadcast %mul3A_437 : f32 to vector<16xf32>
    %add3A_446 = arith.addf %add3A_445, %mul3A_208 : vector<16xf32>
    %mul3A_447 = arith.constant 2.000000e-01 : f32
    %mul3A_448 = vector.broadcast %mul3A_447 : f32 to vector<16xf32>
    %mul3A_449 = arith.mulf %mul3A_448, %add3A_446 : vector<16xf32>
    %max3A_450 = arith.maximumf %add3A_446, %mul3A_449 : vector<16xf32>
    %max3A_451 = arith.maximumf %max3A_436, %max3A_450 : vector<16xf32>
    %mul3A_452 = arith.mulf %squeeze3A_200, %squeeze3A : f32
    %add3A_453 = vector.broadcast %mul3A_452 : f32 to vector<16xf32>
    %add3A_454 = arith.addf %add3A_453, %mul3A_206 : vector<16xf32>
    %mul3A_455 = arith.constant 2.000000e-01 : f32
    %mul3A_456 = vector.broadcast %mul3A_455 : f32 to vector<16xf32>
    %mul3A_457 = arith.mulf %mul3A_456, %add3A_454 : vector<16xf32>
    %max3A_458 = arith.maximumf %add3A_454, %mul3A_457 : vector<16xf32>
    %max3A_459 = arith.maximumf %max3A_444, %max3A_458 : vector<16xf32>
    %add3A_460 = vector.broadcast %mul3A_452 : f32 to vector<16xf32>
    %add3A_461 = arith.addf %add3A_460, %mul3A_208 : vector<16xf32>
    %mul3A_462 = arith.constant 2.000000e-01 : f32
    %mul3A_463 = vector.broadcast %mul3A_462 : f32 to vector<16xf32>
    %mul3A_464 = arith.mulf %mul3A_463, %add3A_461 : vector<16xf32>
    %max3A_465 = arith.maximumf %add3A_461, %mul3A_464 : vector<16xf32>
    %max3A_466 = arith.maximumf %max3A_451, %max3A_465 : vector<16xf32>
    %mul3A_467 = arith.mulf %squeeze3A_202, %squeeze3A : f32
    %add3A_468 = vector.broadcast %mul3A_467 : f32 to vector<16xf32>
    %add3A_469 = arith.addf %add3A_468, %mul3A_206 : vector<16xf32>
    %mul3A_470 = arith.constant 2.000000e-01 : f32
    %mul3A_471 = vector.broadcast %mul3A_470 : f32 to vector<16xf32>
    %mul3A_472 = arith.mulf %mul3A_471, %add3A_469 : vector<16xf32>
    %max3A_473 = arith.maximumf %add3A_469, %mul3A_472 : vector<16xf32>
    %max3A_474 = arith.maximumf %max3A_459, %max3A_473 : vector<16xf32>
    %add3A_475 = vector.broadcast %mul3A_467 : f32 to vector<16xf32>
    %add3A_476 = arith.addf %add3A_475, %mul3A_208 : vector<16xf32>
    %mul3A_477 = arith.constant 2.000000e-01 : f32
    %mul3A_478 = vector.broadcast %mul3A_477 : f32 to vector<16xf32>
    %mul3A_479 = arith.mulf %mul3A_478, %add3A_476 : vector<16xf32>
    %max3A_480 = arith.maximumf %add3A_476, %mul3A_479 : vector<16xf32>
    %max3A_481 = arith.maximumf %max3A_466, %max3A_480 : vector<16xf32>
    %mul3A_482 = arith.mulf %squeeze3A_204, %squeeze3A : f32
    %add3A_483 = vector.broadcast %mul3A_482 : f32 to vector<16xf32>
    %add3A_484 = arith.addf %add3A_483, %mul3A_206 : vector<16xf32>
    %mul3A_485 = arith.constant 2.000000e-01 : f32
    %mul3A_486 = vector.broadcast %mul3A_485 : f32 to vector<16xf32>
    %mul3A_487 = arith.mulf %mul3A_486, %add3A_484 : vector<16xf32>
    %max3A_488 = arith.maximumf %add3A_484, %mul3A_487 : vector<16xf32>
    %max3A_489 = arith.maximumf %max3A_474, %max3A_488 : vector<16xf32>
    %add3A_490 = vector.broadcast %mul3A_482 : f32 to vector<16xf32>
    %add3A_491 = arith.addf %add3A_490, %mul3A_208 : vector<16xf32>
    %mul3A_492 = arith.constant 2.000000e-01 : f32
    %mul3A_493 = vector.broadcast %mul3A_492 : f32 to vector<16xf32>
    %mul3A_494 = arith.mulf %mul3A_493, %add3A_491 : vector<16xf32>
    %max3A_495 = arith.maximumf %add3A_491, %mul3A_494 : vector<16xf32>
    %max3A_496 = arith.maximumf %max3A_481, %max3A_495 : vector<16xf32>
    %mul3A_497 = arith.mulf %squeeze3A_168, %squeeze3A : f32
    %add3A_498 = vector.broadcast %mul3A_497 : f32 to vector<16xf32>
    %add3A_499 = arith.addf %add3A_498, %mul3A_206 : vector<16xf32>
    %mul3A_500 = arith.constant 2.000000e-01 : f32
    %mul3A_501 = vector.broadcast %mul3A_500 : f32 to vector<16xf32>
    %mul3A_502 = arith.mulf %mul3A_501, %add3A_499 : vector<16xf32>
    %max3A_503 = arith.maximumf %add3A_499, %mul3A_502 : vector<16xf32>
    %sub3A = arith.subf %max3A_503, %max3A_489 : vector<16xf32>
    %exp3A = math.exp %sub3A : vector<16xf32>
    %add3A_504 = vector.broadcast %mul3A_497 : f32 to vector<16xf32>
    %add3A_505 = arith.addf %add3A_504, %mul3A_208 : vector<16xf32>
    %mul3A_506 = arith.constant 2.000000e-01 : f32
    %mul3A_507 = vector.broadcast %mul3A_506 : f32 to vector<16xf32>
    %mul3A_508 = arith.mulf %mul3A_507, %add3A_505 : vector<16xf32>
    %max3A_509 = arith.maximumf %add3A_505, %mul3A_508 : vector<16xf32>
    %sub3A_510 = arith.subf %max3A_509, %max3A_496 : vector<16xf32>
    %exp3A_511 = math.exp %sub3A_510 : vector<16xf32>
    %add3A_512 = arith.addf %broadcast_in_dim3A_0, %exp3A : vector<16xf32>
    %add3A_513 = arith.addf %broadcast_in_dim3A_0, %exp3A_511 : vector<16xf32>
    %mul3A_514 = vector.broadcast %squeeze3A_168 : f32 to vector<16xf32>
    %mul3A_515 = arith.mulf %exp3A, %mul3A_514 : vector<16xf32>
    %add3A_516 = arith.addf %broadcast_in_dim3A_0, %mul3A_515 : vector<16xf32>
    %mul3A_517 = vector.broadcast %squeeze3A_168 : f32 to vector<16xf32>
    %mul3A_518 = arith.mulf %exp3A_511, %mul3A_517 : vector<16xf32>
    %add3A_519 = arith.addf %broadcast_in_dim3A_0, %mul3A_518 : vector<16xf32>
    %mul3A_520 = arith.mulf %squeeze3A_170, %squeeze3A : f32
    %add3A_521 = vector.broadcast %mul3A_520 : f32 to vector<16xf32>
    %add3A_522 = arith.addf %add3A_521, %mul3A_206 : vector<16xf32>
    %mul3A_523 = arith.constant 2.000000e-01 : f32
    %mul3A_524 = vector.broadcast %mul3A_523 : f32 to vector<16xf32>
    %mul3A_525 = arith.mulf %mul3A_524, %add3A_522 : vector<16xf32>
    %max3A_526 = arith.maximumf %add3A_522, %mul3A_525 : vector<16xf32>
    %sub3A_527 = arith.subf %max3A_526, %max3A_489 : vector<16xf32>
    %exp3A_528 = math.exp %sub3A_527 : vector<16xf32>
    %add3A_529 = vector.broadcast %mul3A_520 : f32 to vector<16xf32>
    %add3A_530 = arith.addf %add3A_529, %mul3A_208 : vector<16xf32>
    %mul3A_531 = arith.constant 2.000000e-01 : f32
    %mul3A_532 = vector.broadcast %mul3A_531 : f32 to vector<16xf32>
    %mul3A_533 = arith.mulf %mul3A_532, %add3A_530 : vector<16xf32>
    %max3A_534 = arith.maximumf %add3A_530, %mul3A_533 : vector<16xf32>
    %sub3A_535 = arith.subf %max3A_534, %max3A_496 : vector<16xf32>
    %exp3A_536 = math.exp %sub3A_535 : vector<16xf32>
    %add3A_537 = arith.addf %add3A_512, %exp3A_528 : vector<16xf32>
    %add3A_538 = arith.addf %add3A_513, %exp3A_536 : vector<16xf32>
    %mul3A_539 = vector.broadcast %squeeze3A_170 : f32 to vector<16xf32>
    %mul3A_540 = arith.mulf %exp3A_528, %mul3A_539 : vector<16xf32>
    %add3A_541 = arith.addf %add3A_516, %mul3A_540 : vector<16xf32>
    %mul3A_542 = vector.broadcast %squeeze3A_170 : f32 to vector<16xf32>
    %mul3A_543 = arith.mulf %exp3A_536, %mul3A_542 : vector<16xf32>
    %add3A_544 = arith.addf %add3A_519, %mul3A_543 : vector<16xf32>
    %mul3A_545 = arith.mulf %squeeze3A_172, %squeeze3A : f32
    %add3A_546 = vector.broadcast %mul3A_545 : f32 to vector<16xf32>
    %add3A_547 = arith.addf %add3A_546, %mul3A_206 : vector<16xf32>
    %mul3A_548 = arith.constant 2.000000e-01 : f32
    %mul3A_549 = vector.broadcast %mul3A_548 : f32 to vector<16xf32>
    %mul3A_550 = arith.mulf %mul3A_549, %add3A_547 : vector<16xf32>
    %max3A_551 = arith.maximumf %add3A_547, %mul3A_550 : vector<16xf32>
    %sub3A_552 = arith.subf %max3A_551, %max3A_489 : vector<16xf32>
    %exp3A_553 = math.exp %sub3A_552 : vector<16xf32>
    %add3A_554 = vector.broadcast %mul3A_545 : f32 to vector<16xf32>
    %add3A_555 = arith.addf %add3A_554, %mul3A_208 : vector<16xf32>
    %mul3A_556 = arith.constant 2.000000e-01 : f32
    %mul3A_557 = vector.broadcast %mul3A_556 : f32 to vector<16xf32>
    %mul3A_558 = arith.mulf %mul3A_557, %add3A_555 : vector<16xf32>
    %max3A_559 = arith.maximumf %add3A_555, %mul3A_558 : vector<16xf32>
    %sub3A_560 = arith.subf %max3A_559, %max3A_496 : vector<16xf32>
    %exp3A_561 = math.exp %sub3A_560 : vector<16xf32>
    %add3A_562 = arith.addf %add3A_537, %exp3A_553 : vector<16xf32>
    %add3A_563 = arith.addf %add3A_538, %exp3A_561 : vector<16xf32>
    %mul3A_564 = vector.broadcast %squeeze3A_172 : f32 to vector<16xf32>
    %mul3A_565 = arith.mulf %exp3A_553, %mul3A_564 : vector<16xf32>
    %add3A_566 = arith.addf %add3A_541, %mul3A_565 : vector<16xf32>
    %mul3A_567 = vector.broadcast %squeeze3A_172 : f32 to vector<16xf32>
    %mul3A_568 = arith.mulf %exp3A_561, %mul3A_567 : vector<16xf32>
    %add3A_569 = arith.addf %add3A_544, %mul3A_568 : vector<16xf32>
    %mul3A_570 = arith.mulf %squeeze3A_174, %squeeze3A : f32
    %add3A_571 = vector.broadcast %mul3A_570 : f32 to vector<16xf32>
    %add3A_572 = arith.addf %add3A_571, %mul3A_206 : vector<16xf32>
    %mul3A_573 = arith.constant 2.000000e-01 : f32
    %mul3A_574 = vector.broadcast %mul3A_573 : f32 to vector<16xf32>
    %mul3A_575 = arith.mulf %mul3A_574, %add3A_572 : vector<16xf32>
    %max3A_576 = arith.maximumf %add3A_572, %mul3A_575 : vector<16xf32>
    %sub3A_577 = arith.subf %max3A_576, %max3A_489 : vector<16xf32>
    %exp3A_578 = math.exp %sub3A_577 : vector<16xf32>
    %add3A_579 = vector.broadcast %mul3A_570 : f32 to vector<16xf32>
    %add3A_580 = arith.addf %add3A_579, %mul3A_208 : vector<16xf32>
    %mul3A_581 = arith.constant 2.000000e-01 : f32
    %mul3A_582 = vector.broadcast %mul3A_581 : f32 to vector<16xf32>
    %mul3A_583 = arith.mulf %mul3A_582, %add3A_580 : vector<16xf32>
    %max3A_584 = arith.maximumf %add3A_580, %mul3A_583 : vector<16xf32>
    %sub3A_585 = arith.subf %max3A_584, %max3A_496 : vector<16xf32>
    %exp3A_586 = math.exp %sub3A_585 : vector<16xf32>
    %add3A_587 = arith.addf %add3A_562, %exp3A_578 : vector<16xf32>
    %add3A_588 = arith.addf %add3A_563, %exp3A_586 : vector<16xf32>
    %mul3A_589 = vector.broadcast %squeeze3A_174 : f32 to vector<16xf32>
    %mul3A_590 = arith.mulf %exp3A_578, %mul3A_589 : vector<16xf32>
    %add3A_591 = arith.addf %add3A_566, %mul3A_590 : vector<16xf32>
    %mul3A_592 = vector.broadcast %squeeze3A_174 : f32 to vector<16xf32>
    %mul3A_593 = arith.mulf %exp3A_586, %mul3A_592 : vector<16xf32>
    %add3A_594 = arith.addf %add3A_569, %mul3A_593 : vector<16xf32>
    %mul3A_595 = arith.mulf %squeeze3A_176, %squeeze3A : f32
    %add3A_596 = vector.broadcast %mul3A_595 : f32 to vector<16xf32>
    %add3A_597 = arith.addf %add3A_596, %mul3A_206 : vector<16xf32>
    %mul3A_598 = arith.constant 2.000000e-01 : f32
    %mul3A_599 = vector.broadcast %mul3A_598 : f32 to vector<16xf32>
    %mul3A_600 = arith.mulf %mul3A_599, %add3A_597 : vector<16xf32>
    %max3A_601 = arith.maximumf %add3A_597, %mul3A_600 : vector<16xf32>
    %sub3A_602 = arith.subf %max3A_601, %max3A_489 : vector<16xf32>
    %exp3A_603 = math.exp %sub3A_602 : vector<16xf32>
    %add3A_604 = vector.broadcast %mul3A_595 : f32 to vector<16xf32>
    %add3A_605 = arith.addf %add3A_604, %mul3A_208 : vector<16xf32>
    %mul3A_606 = arith.constant 2.000000e-01 : f32
    %mul3A_607 = vector.broadcast %mul3A_606 : f32 to vector<16xf32>
    %mul3A_608 = arith.mulf %mul3A_607, %add3A_605 : vector<16xf32>
    %max3A_609 = arith.maximumf %add3A_605, %mul3A_608 : vector<16xf32>
    %sub3A_610 = arith.subf %max3A_609, %max3A_496 : vector<16xf32>
    %exp3A_611 = math.exp %sub3A_610 : vector<16xf32>
    %add3A_612 = arith.addf %add3A_587, %exp3A_603 : vector<16xf32>
    %add3A_613 = arith.addf %add3A_588, %exp3A_611 : vector<16xf32>
    %mul3A_614 = vector.broadcast %squeeze3A_176 : f32 to vector<16xf32>
    %mul3A_615 = arith.mulf %exp3A_603, %mul3A_614 : vector<16xf32>
    %add3A_616 = arith.addf %add3A_591, %mul3A_615 : vector<16xf32>
    %mul3A_617 = vector.broadcast %squeeze3A_176 : f32 to vector<16xf32>
    %mul3A_618 = arith.mulf %exp3A_611, %mul3A_617 : vector<16xf32>
    %add3A_619 = arith.addf %add3A_594, %mul3A_618 : vector<16xf32>
    %mul3A_620 = arith.mulf %squeeze3A_178, %squeeze3A : f32
    %add3A_621 = vector.broadcast %mul3A_620 : f32 to vector<16xf32>
    %add3A_622 = arith.addf %add3A_621, %mul3A_206 : vector<16xf32>
    %mul3A_623 = arith.constant 2.000000e-01 : f32
    %mul3A_624 = vector.broadcast %mul3A_623 : f32 to vector<16xf32>
    %mul3A_625 = arith.mulf %mul3A_624, %add3A_622 : vector<16xf32>
    %max3A_626 = arith.maximumf %add3A_622, %mul3A_625 : vector<16xf32>
    %sub3A_627 = arith.subf %max3A_626, %max3A_489 : vector<16xf32>
    %exp3A_628 = math.exp %sub3A_627 : vector<16xf32>
    %add3A_629 = vector.broadcast %mul3A_620 : f32 to vector<16xf32>
    %add3A_630 = arith.addf %add3A_629, %mul3A_208 : vector<16xf32>
    %mul3A_631 = arith.constant 2.000000e-01 : f32
    %mul3A_632 = vector.broadcast %mul3A_631 : f32 to vector<16xf32>
    %mul3A_633 = arith.mulf %mul3A_632, %add3A_630 : vector<16xf32>
    %max3A_634 = arith.maximumf %add3A_630, %mul3A_633 : vector<16xf32>
    %sub3A_635 = arith.subf %max3A_634, %max3A_496 : vector<16xf32>
    %exp3A_636 = math.exp %sub3A_635 : vector<16xf32>
    %add3A_637 = arith.addf %add3A_612, %exp3A_628 : vector<16xf32>
    %add3A_638 = arith.addf %add3A_613, %exp3A_636 : vector<16xf32>
    %mul3A_639 = vector.broadcast %squeeze3A_178 : f32 to vector<16xf32>
    %mul3A_640 = arith.mulf %exp3A_628, %mul3A_639 : vector<16xf32>
    %add3A_641 = arith.addf %add3A_616, %mul3A_640 : vector<16xf32>
    %mul3A_642 = vector.broadcast %squeeze3A_178 : f32 to vector<16xf32>
    %mul3A_643 = arith.mulf %exp3A_636, %mul3A_642 : vector<16xf32>
    %add3A_644 = arith.addf %add3A_619, %mul3A_643 : vector<16xf32>
    %mul3A_645 = arith.mulf %squeeze3A_180, %squeeze3A : f32
    %add3A_646 = vector.broadcast %mul3A_645 : f32 to vector<16xf32>
    %add3A_647 = arith.addf %add3A_646, %mul3A_206 : vector<16xf32>
    %mul3A_648 = arith.constant 2.000000e-01 : f32
    %mul3A_649 = vector.broadcast %mul3A_648 : f32 to vector<16xf32>
    %mul3A_650 = arith.mulf %mul3A_649, %add3A_647 : vector<16xf32>
    %max3A_651 = arith.maximumf %add3A_647, %mul3A_650 : vector<16xf32>
    %sub3A_652 = arith.subf %max3A_651, %max3A_489 : vector<16xf32>
    %exp3A_653 = math.exp %sub3A_652 : vector<16xf32>
    %add3A_654 = vector.broadcast %mul3A_645 : f32 to vector<16xf32>
    %add3A_655 = arith.addf %add3A_654, %mul3A_208 : vector<16xf32>
    %mul3A_656 = arith.constant 2.000000e-01 : f32
    %mul3A_657 = vector.broadcast %mul3A_656 : f32 to vector<16xf32>
    %mul3A_658 = arith.mulf %mul3A_657, %add3A_655 : vector<16xf32>
    %max3A_659 = arith.maximumf %add3A_655, %mul3A_658 : vector<16xf32>
    %sub3A_660 = arith.subf %max3A_659, %max3A_496 : vector<16xf32>
    %exp3A_661 = math.exp %sub3A_660 : vector<16xf32>
    %add3A_662 = arith.addf %add3A_637, %exp3A_653 : vector<16xf32>
    %add3A_663 = arith.addf %add3A_638, %exp3A_661 : vector<16xf32>
    %mul3A_664 = vector.broadcast %squeeze3A_180 : f32 to vector<16xf32>
    %mul3A_665 = arith.mulf %exp3A_653, %mul3A_664 : vector<16xf32>
    %add3A_666 = arith.addf %add3A_641, %mul3A_665 : vector<16xf32>
    %mul3A_667 = vector.broadcast %squeeze3A_180 : f32 to vector<16xf32>
    %mul3A_668 = arith.mulf %exp3A_661, %mul3A_667 : vector<16xf32>
    %add3A_669 = arith.addf %add3A_644, %mul3A_668 : vector<16xf32>
    %mul3A_670 = arith.mulf %squeeze3A_182, %squeeze3A : f32
    %add3A_671 = vector.broadcast %mul3A_670 : f32 to vector<16xf32>
    %add3A_672 = arith.addf %add3A_671, %mul3A_206 : vector<16xf32>
    %mul3A_673 = arith.constant 2.000000e-01 : f32
    %mul3A_674 = vector.broadcast %mul3A_673 : f32 to vector<16xf32>
    %mul3A_675 = arith.mulf %mul3A_674, %add3A_672 : vector<16xf32>
    %max3A_676 = arith.maximumf %add3A_672, %mul3A_675 : vector<16xf32>
    %sub3A_677 = arith.subf %max3A_676, %max3A_489 : vector<16xf32>
    %exp3A_678 = math.exp %sub3A_677 : vector<16xf32>
    %add3A_679 = vector.broadcast %mul3A_670 : f32 to vector<16xf32>
    %add3A_680 = arith.addf %add3A_679, %mul3A_208 : vector<16xf32>
    %mul3A_681 = arith.constant 2.000000e-01 : f32
    %mul3A_682 = vector.broadcast %mul3A_681 : f32 to vector<16xf32>
    %mul3A_683 = arith.mulf %mul3A_682, %add3A_680 : vector<16xf32>
    %max3A_684 = arith.maximumf %add3A_680, %mul3A_683 : vector<16xf32>
    %sub3A_685 = arith.subf %max3A_684, %max3A_496 : vector<16xf32>
    %exp3A_686 = math.exp %sub3A_685 : vector<16xf32>
    %add3A_687 = arith.addf %add3A_662, %exp3A_678 : vector<16xf32>
    %add3A_688 = arith.addf %add3A_663, %exp3A_686 : vector<16xf32>
    %mul3A_689 = vector.broadcast %squeeze3A_182 : f32 to vector<16xf32>
    %mul3A_690 = arith.mulf %exp3A_678, %mul3A_689 : vector<16xf32>
    %add3A_691 = arith.addf %add3A_666, %mul3A_690 : vector<16xf32>
    %mul3A_692 = vector.broadcast %squeeze3A_182 : f32 to vector<16xf32>
    %mul3A_693 = arith.mulf %exp3A_686, %mul3A_692 : vector<16xf32>
    %add3A_694 = arith.addf %add3A_669, %mul3A_693 : vector<16xf32>
    %mul3A_695 = arith.mulf %squeeze3A_184, %squeeze3A : f32
    %add3A_696 = vector.broadcast %mul3A_695 : f32 to vector<16xf32>
    %add3A_697 = arith.addf %add3A_696, %mul3A_206 : vector<16xf32>
    %mul3A_698 = arith.constant 2.000000e-01 : f32
    %mul3A_699 = vector.broadcast %mul3A_698 : f32 to vector<16xf32>
    %mul3A_700 = arith.mulf %mul3A_699, %add3A_697 : vector<16xf32>
    %max3A_701 = arith.maximumf %add3A_697, %mul3A_700 : vector<16xf32>
    %sub3A_702 = arith.subf %max3A_701, %max3A_489 : vector<16xf32>
    %exp3A_703 = math.exp %sub3A_702 : vector<16xf32>
    %add3A_704 = vector.broadcast %mul3A_695 : f32 to vector<16xf32>
    %add3A_705 = arith.addf %add3A_704, %mul3A_208 : vector<16xf32>
    %mul3A_706 = arith.constant 2.000000e-01 : f32
    %mul3A_707 = vector.broadcast %mul3A_706 : f32 to vector<16xf32>
    %mul3A_708 = arith.mulf %mul3A_707, %add3A_705 : vector<16xf32>
    %max3A_709 = arith.maximumf %add3A_705, %mul3A_708 : vector<16xf32>
    %sub3A_710 = arith.subf %max3A_709, %max3A_496 : vector<16xf32>
    %exp3A_711 = math.exp %sub3A_710 : vector<16xf32>
    %add3A_712 = arith.addf %add3A_687, %exp3A_703 : vector<16xf32>
    %add3A_713 = arith.addf %add3A_688, %exp3A_711 : vector<16xf32>
    %mul3A_714 = vector.broadcast %squeeze3A_184 : f32 to vector<16xf32>
    %mul3A_715 = arith.mulf %exp3A_703, %mul3A_714 : vector<16xf32>
    %add3A_716 = arith.addf %add3A_691, %mul3A_715 : vector<16xf32>
    %mul3A_717 = vector.broadcast %squeeze3A_184 : f32 to vector<16xf32>
    %mul3A_718 = arith.mulf %exp3A_711, %mul3A_717 : vector<16xf32>
    %add3A_719 = arith.addf %add3A_694, %mul3A_718 : vector<16xf32>
    %mul3A_720 = arith.mulf %squeeze3A_186, %squeeze3A : f32
    %add3A_721 = vector.broadcast %mul3A_720 : f32 to vector<16xf32>
    %add3A_722 = arith.addf %add3A_721, %mul3A_206 : vector<16xf32>
    %mul3A_723 = arith.constant 2.000000e-01 : f32
    %mul3A_724 = vector.broadcast %mul3A_723 : f32 to vector<16xf32>
    %mul3A_725 = arith.mulf %mul3A_724, %add3A_722 : vector<16xf32>
    %max3A_726 = arith.maximumf %add3A_722, %mul3A_725 : vector<16xf32>
    %sub3A_727 = arith.subf %max3A_726, %max3A_489 : vector<16xf32>
    %exp3A_728 = math.exp %sub3A_727 : vector<16xf32>
    %add3A_729 = vector.broadcast %mul3A_720 : f32 to vector<16xf32>
    %add3A_730 = arith.addf %add3A_729, %mul3A_208 : vector<16xf32>
    %mul3A_731 = arith.constant 2.000000e-01 : f32
    %mul3A_732 = vector.broadcast %mul3A_731 : f32 to vector<16xf32>
    %mul3A_733 = arith.mulf %mul3A_732, %add3A_730 : vector<16xf32>
    %max3A_734 = arith.maximumf %add3A_730, %mul3A_733 : vector<16xf32>
    %sub3A_735 = arith.subf %max3A_734, %max3A_496 : vector<16xf32>
    %exp3A_736 = math.exp %sub3A_735 : vector<16xf32>
    %add3A_737 = arith.addf %add3A_712, %exp3A_728 : vector<16xf32>
    %add3A_738 = arith.addf %add3A_713, %exp3A_736 : vector<16xf32>
    %mul3A_739 = vector.broadcast %squeeze3A_186 : f32 to vector<16xf32>
    %mul3A_740 = arith.mulf %exp3A_728, %mul3A_739 : vector<16xf32>
    %add3A_741 = arith.addf %add3A_716, %mul3A_740 : vector<16xf32>
    %mul3A_742 = vector.broadcast %squeeze3A_186 : f32 to vector<16xf32>
    %mul3A_743 = arith.mulf %exp3A_736, %mul3A_742 : vector<16xf32>
    %add3A_744 = arith.addf %add3A_719, %mul3A_743 : vector<16xf32>
    %mul3A_745 = arith.mulf %squeeze3A_188, %squeeze3A : f32
    %add3A_746 = vector.broadcast %mul3A_745 : f32 to vector<16xf32>
    %add3A_747 = arith.addf %add3A_746, %mul3A_206 : vector<16xf32>
    %mul3A_748 = arith.constant 2.000000e-01 : f32
    %mul3A_749 = vector.broadcast %mul3A_748 : f32 to vector<16xf32>
    %mul3A_750 = arith.mulf %mul3A_749, %add3A_747 : vector<16xf32>
    %max3A_751 = arith.maximumf %add3A_747, %mul3A_750 : vector<16xf32>
    %sub3A_752 = arith.subf %max3A_751, %max3A_489 : vector<16xf32>
    %exp3A_753 = math.exp %sub3A_752 : vector<16xf32>
    %add3A_754 = vector.broadcast %mul3A_745 : f32 to vector<16xf32>
    %add3A_755 = arith.addf %add3A_754, %mul3A_208 : vector<16xf32>
    %mul3A_756 = arith.constant 2.000000e-01 : f32
    %mul3A_757 = vector.broadcast %mul3A_756 : f32 to vector<16xf32>
    %mul3A_758 = arith.mulf %mul3A_757, %add3A_755 : vector<16xf32>
    %max3A_759 = arith.maximumf %add3A_755, %mul3A_758 : vector<16xf32>
    %sub3A_760 = arith.subf %max3A_759, %max3A_496 : vector<16xf32>
    %exp3A_761 = math.exp %sub3A_760 : vector<16xf32>
    %add3A_762 = arith.addf %add3A_737, %exp3A_753 : vector<16xf32>
    %add3A_763 = arith.addf %add3A_738, %exp3A_761 : vector<16xf32>
    %mul3A_764 = vector.broadcast %squeeze3A_188 : f32 to vector<16xf32>
    %mul3A_765 = arith.mulf %exp3A_753, %mul3A_764 : vector<16xf32>
    %add3A_766 = arith.addf %add3A_741, %mul3A_765 : vector<16xf32>
    %mul3A_767 = vector.broadcast %squeeze3A_188 : f32 to vector<16xf32>
    %mul3A_768 = arith.mulf %exp3A_761, %mul3A_767 : vector<16xf32>
    %add3A_769 = arith.addf %add3A_744, %mul3A_768 : vector<16xf32>
    %mul3A_770 = arith.mulf %squeeze3A_190, %squeeze3A : f32
    %add3A_771 = vector.broadcast %mul3A_770 : f32 to vector<16xf32>
    %add3A_772 = arith.addf %add3A_771, %mul3A_206 : vector<16xf32>
    %mul3A_773 = arith.constant 2.000000e-01 : f32
    %mul3A_774 = vector.broadcast %mul3A_773 : f32 to vector<16xf32>
    %mul3A_775 = arith.mulf %mul3A_774, %add3A_772 : vector<16xf32>
    %max3A_776 = arith.maximumf %add3A_772, %mul3A_775 : vector<16xf32>
    %sub3A_777 = arith.subf %max3A_776, %max3A_489 : vector<16xf32>
    %exp3A_778 = math.exp %sub3A_777 : vector<16xf32>
    %add3A_779 = vector.broadcast %mul3A_770 : f32 to vector<16xf32>
    %add3A_780 = arith.addf %add3A_779, %mul3A_208 : vector<16xf32>
    %mul3A_781 = arith.constant 2.000000e-01 : f32
    %mul3A_782 = vector.broadcast %mul3A_781 : f32 to vector<16xf32>
    %mul3A_783 = arith.mulf %mul3A_782, %add3A_780 : vector<16xf32>
    %max3A_784 = arith.maximumf %add3A_780, %mul3A_783 : vector<16xf32>
    %sub3A_785 = arith.subf %max3A_784, %max3A_496 : vector<16xf32>
    %exp3A_786 = math.exp %sub3A_785 : vector<16xf32>
    %add3A_787 = arith.addf %add3A_762, %exp3A_778 : vector<16xf32>
    %add3A_788 = arith.addf %add3A_763, %exp3A_786 : vector<16xf32>
    %mul3A_789 = vector.broadcast %squeeze3A_190 : f32 to vector<16xf32>
    %mul3A_790 = arith.mulf %exp3A_778, %mul3A_789 : vector<16xf32>
    %add3A_791 = arith.addf %add3A_766, %mul3A_790 : vector<16xf32>
    %mul3A_792 = vector.broadcast %squeeze3A_190 : f32 to vector<16xf32>
    %mul3A_793 = arith.mulf %exp3A_786, %mul3A_792 : vector<16xf32>
    %add3A_794 = arith.addf %add3A_769, %mul3A_793 : vector<16xf32>
    %mul3A_795 = arith.mulf %squeeze3A_192, %squeeze3A : f32
    %add3A_796 = vector.broadcast %mul3A_795 : f32 to vector<16xf32>
    %add3A_797 = arith.addf %add3A_796, %mul3A_206 : vector<16xf32>
    %mul3A_798 = arith.constant 2.000000e-01 : f32
    %mul3A_799 = vector.broadcast %mul3A_798 : f32 to vector<16xf32>
    %mul3A_800 = arith.mulf %mul3A_799, %add3A_797 : vector<16xf32>
    %max3A_801 = arith.maximumf %add3A_797, %mul3A_800 : vector<16xf32>
    %sub3A_802 = arith.subf %max3A_801, %max3A_489 : vector<16xf32>
    %exp3A_803 = math.exp %sub3A_802 : vector<16xf32>
    %add3A_804 = vector.broadcast %mul3A_795 : f32 to vector<16xf32>
    %add3A_805 = arith.addf %add3A_804, %mul3A_208 : vector<16xf32>
    %mul3A_806 = arith.constant 2.000000e-01 : f32
    %mul3A_807 = vector.broadcast %mul3A_806 : f32 to vector<16xf32>
    %mul3A_808 = arith.mulf %mul3A_807, %add3A_805 : vector<16xf32>
    %max3A_809 = arith.maximumf %add3A_805, %mul3A_808 : vector<16xf32>
    %sub3A_810 = arith.subf %max3A_809, %max3A_496 : vector<16xf32>
    %exp3A_811 = math.exp %sub3A_810 : vector<16xf32>
    %add3A_812 = arith.addf %add3A_787, %exp3A_803 : vector<16xf32>
    %add3A_813 = arith.addf %add3A_788, %exp3A_811 : vector<16xf32>
    %mul3A_814 = vector.broadcast %squeeze3A_192 : f32 to vector<16xf32>
    %mul3A_815 = arith.mulf %exp3A_803, %mul3A_814 : vector<16xf32>
    %add3A_816 = arith.addf %add3A_791, %mul3A_815 : vector<16xf32>
    %mul3A_817 = vector.broadcast %squeeze3A_192 : f32 to vector<16xf32>
    %mul3A_818 = arith.mulf %exp3A_811, %mul3A_817 : vector<16xf32>
    %add3A_819 = arith.addf %add3A_794, %mul3A_818 : vector<16xf32>
    %mul3A_820 = arith.mulf %squeeze3A_194, %squeeze3A : f32
    %add3A_821 = vector.broadcast %mul3A_820 : f32 to vector<16xf32>
    %add3A_822 = arith.addf %add3A_821, %mul3A_206 : vector<16xf32>
    %mul3A_823 = arith.constant 2.000000e-01 : f32
    %mul3A_824 = vector.broadcast %mul3A_823 : f32 to vector<16xf32>
    %mul3A_825 = arith.mulf %mul3A_824, %add3A_822 : vector<16xf32>
    %max3A_826 = arith.maximumf %add3A_822, %mul3A_825 : vector<16xf32>
    %sub3A_827 = arith.subf %max3A_826, %max3A_489 : vector<16xf32>
    %exp3A_828 = math.exp %sub3A_827 : vector<16xf32>
    %add3A_829 = vector.broadcast %mul3A_820 : f32 to vector<16xf32>
    %add3A_830 = arith.addf %add3A_829, %mul3A_208 : vector<16xf32>
    %mul3A_831 = arith.constant 2.000000e-01 : f32
    %mul3A_832 = vector.broadcast %mul3A_831 : f32 to vector<16xf32>
    %mul3A_833 = arith.mulf %mul3A_832, %add3A_830 : vector<16xf32>
    %max3A_834 = arith.maximumf %add3A_830, %mul3A_833 : vector<16xf32>
    %sub3A_835 = arith.subf %max3A_834, %max3A_496 : vector<16xf32>
    %exp3A_836 = math.exp %sub3A_835 : vector<16xf32>
    %add3A_837 = arith.addf %add3A_812, %exp3A_828 : vector<16xf32>
    %add3A_838 = arith.addf %add3A_813, %exp3A_836 : vector<16xf32>
    %mul3A_839 = vector.broadcast %squeeze3A_194 : f32 to vector<16xf32>
    %mul3A_840 = arith.mulf %exp3A_828, %mul3A_839 : vector<16xf32>
    %add3A_841 = arith.addf %add3A_816, %mul3A_840 : vector<16xf32>
    %mul3A_842 = vector.broadcast %squeeze3A_194 : f32 to vector<16xf32>
    %mul3A_843 = arith.mulf %exp3A_836, %mul3A_842 : vector<16xf32>
    %add3A_844 = arith.addf %add3A_819, %mul3A_843 : vector<16xf32>
    %mul3A_845 = arith.mulf %squeeze3A_196, %squeeze3A : f32
    %add3A_846 = vector.broadcast %mul3A_845 : f32 to vector<16xf32>
    %add3A_847 = arith.addf %add3A_846, %mul3A_206 : vector<16xf32>
    %mul3A_848 = arith.constant 2.000000e-01 : f32
    %mul3A_849 = vector.broadcast %mul3A_848 : f32 to vector<16xf32>
    %mul3A_850 = arith.mulf %mul3A_849, %add3A_847 : vector<16xf32>
    %max3A_851 = arith.maximumf %add3A_847, %mul3A_850 : vector<16xf32>
    %sub3A_852 = arith.subf %max3A_851, %max3A_489 : vector<16xf32>
    %exp3A_853 = math.exp %sub3A_852 : vector<16xf32>
    %add3A_854 = vector.broadcast %mul3A_845 : f32 to vector<16xf32>
    %add3A_855 = arith.addf %add3A_854, %mul3A_208 : vector<16xf32>
    %mul3A_856 = arith.constant 2.000000e-01 : f32
    %mul3A_857 = vector.broadcast %mul3A_856 : f32 to vector<16xf32>
    %mul3A_858 = arith.mulf %mul3A_857, %add3A_855 : vector<16xf32>
    %max3A_859 = arith.maximumf %add3A_855, %mul3A_858 : vector<16xf32>
    %sub3A_860 = arith.subf %max3A_859, %max3A_496 : vector<16xf32>
    %exp3A_861 = math.exp %sub3A_860 : vector<16xf32>
    %add3A_862 = arith.addf %add3A_837, %exp3A_853 : vector<16xf32>
    %add3A_863 = arith.addf %add3A_838, %exp3A_861 : vector<16xf32>
    %mul3A_864 = vector.broadcast %squeeze3A_196 : f32 to vector<16xf32>
    %mul3A_865 = arith.mulf %exp3A_853, %mul3A_864 : vector<16xf32>
    %add3A_866 = arith.addf %add3A_841, %mul3A_865 : vector<16xf32>
    %mul3A_867 = vector.broadcast %squeeze3A_196 : f32 to vector<16xf32>
    %mul3A_868 = arith.mulf %exp3A_861, %mul3A_867 : vector<16xf32>
    %add3A_869 = arith.addf %add3A_844, %mul3A_868 : vector<16xf32>
    %mul3A_870 = arith.mulf %squeeze3A_198, %squeeze3A : f32
    %add3A_871 = vector.broadcast %mul3A_870 : f32 to vector<16xf32>
    %add3A_872 = arith.addf %add3A_871, %mul3A_206 : vector<16xf32>
    %mul3A_873 = arith.constant 2.000000e-01 : f32
    %mul3A_874 = vector.broadcast %mul3A_873 : f32 to vector<16xf32>
    %mul3A_875 = arith.mulf %mul3A_874, %add3A_872 : vector<16xf32>
    %max3A_876 = arith.maximumf %add3A_872, %mul3A_875 : vector<16xf32>
    %sub3A_877 = arith.subf %max3A_876, %max3A_489 : vector<16xf32>
    %exp3A_878 = math.exp %sub3A_877 : vector<16xf32>
    %add3A_879 = vector.broadcast %mul3A_870 : f32 to vector<16xf32>
    %add3A_880 = arith.addf %add3A_879, %mul3A_208 : vector<16xf32>
    %mul3A_881 = arith.constant 2.000000e-01 : f32
    %mul3A_882 = vector.broadcast %mul3A_881 : f32 to vector<16xf32>
    %mul3A_883 = arith.mulf %mul3A_882, %add3A_880 : vector<16xf32>
    %max3A_884 = arith.maximumf %add3A_880, %mul3A_883 : vector<16xf32>
    %sub3A_885 = arith.subf %max3A_884, %max3A_496 : vector<16xf32>
    %exp3A_886 = math.exp %sub3A_885 : vector<16xf32>
    %add3A_887 = arith.addf %add3A_862, %exp3A_878 : vector<16xf32>
    %add3A_888 = arith.addf %add3A_863, %exp3A_886 : vector<16xf32>
    %mul3A_889 = vector.broadcast %squeeze3A_198 : f32 to vector<16xf32>
    %mul3A_890 = arith.mulf %exp3A_878, %mul3A_889 : vector<16xf32>
    %add3A_891 = arith.addf %add3A_866, %mul3A_890 : vector<16xf32>
    %mul3A_892 = vector.broadcast %squeeze3A_198 : f32 to vector<16xf32>
    %mul3A_893 = arith.mulf %exp3A_886, %mul3A_892 : vector<16xf32>
    %add3A_894 = arith.addf %add3A_869, %mul3A_893 : vector<16xf32>
    %mul3A_895 = arith.mulf %squeeze3A_200, %squeeze3A : f32
    %add3A_896 = vector.broadcast %mul3A_895 : f32 to vector<16xf32>
    %add3A_897 = arith.addf %add3A_896, %mul3A_206 : vector<16xf32>
    %mul3A_898 = arith.constant 2.000000e-01 : f32
    %mul3A_899 = vector.broadcast %mul3A_898 : f32 to vector<16xf32>
    %mul3A_900 = arith.mulf %mul3A_899, %add3A_897 : vector<16xf32>
    %max3A_901 = arith.maximumf %add3A_897, %mul3A_900 : vector<16xf32>
    %sub3A_902 = arith.subf %max3A_901, %max3A_489 : vector<16xf32>
    %exp3A_903 = math.exp %sub3A_902 : vector<16xf32>
    %add3A_904 = vector.broadcast %mul3A_895 : f32 to vector<16xf32>
    %add3A_905 = arith.addf %add3A_904, %mul3A_208 : vector<16xf32>
    %mul3A_906 = arith.constant 2.000000e-01 : f32
    %mul3A_907 = vector.broadcast %mul3A_906 : f32 to vector<16xf32>
    %mul3A_908 = arith.mulf %mul3A_907, %add3A_905 : vector<16xf32>
    %max3A_909 = arith.maximumf %add3A_905, %mul3A_908 : vector<16xf32>
    %sub3A_910 = arith.subf %max3A_909, %max3A_496 : vector<16xf32>
    %exp3A_911 = math.exp %sub3A_910 : vector<16xf32>
    %add3A_912 = arith.addf %add3A_887, %exp3A_903 : vector<16xf32>
    %add3A_913 = arith.addf %add3A_888, %exp3A_911 : vector<16xf32>
    %mul3A_914 = vector.broadcast %squeeze3A_200 : f32 to vector<16xf32>
    %mul3A_915 = arith.mulf %exp3A_903, %mul3A_914 : vector<16xf32>
    %add3A_916 = arith.addf %add3A_891, %mul3A_915 : vector<16xf32>
    %mul3A_917 = vector.broadcast %squeeze3A_200 : f32 to vector<16xf32>
    %mul3A_918 = arith.mulf %exp3A_911, %mul3A_917 : vector<16xf32>
    %add3A_919 = arith.addf %add3A_894, %mul3A_918 : vector<16xf32>
    %mul3A_920 = arith.mulf %squeeze3A_202, %squeeze3A : f32
    %add3A_921 = vector.broadcast %mul3A_920 : f32 to vector<16xf32>
    %add3A_922 = arith.addf %add3A_921, %mul3A_206 : vector<16xf32>
    %mul3A_923 = arith.constant 2.000000e-01 : f32
    %mul3A_924 = vector.broadcast %mul3A_923 : f32 to vector<16xf32>
    %mul3A_925 = arith.mulf %mul3A_924, %add3A_922 : vector<16xf32>
    %max3A_926 = arith.maximumf %add3A_922, %mul3A_925 : vector<16xf32>
    %sub3A_927 = arith.subf %max3A_926, %max3A_489 : vector<16xf32>
    %exp3A_928 = math.exp %sub3A_927 : vector<16xf32>
    %add3A_929 = vector.broadcast %mul3A_920 : f32 to vector<16xf32>
    %add3A_930 = arith.addf %add3A_929, %mul3A_208 : vector<16xf32>
    %mul3A_931 = arith.constant 2.000000e-01 : f32
    %mul3A_932 = vector.broadcast %mul3A_931 : f32 to vector<16xf32>
    %mul3A_933 = arith.mulf %mul3A_932, %add3A_930 : vector<16xf32>
    %max3A_934 = arith.maximumf %add3A_930, %mul3A_933 : vector<16xf32>
    %sub3A_935 = arith.subf %max3A_934, %max3A_496 : vector<16xf32>
    %exp3A_936 = math.exp %sub3A_935 : vector<16xf32>
    %add3A_937 = arith.addf %add3A_912, %exp3A_928 : vector<16xf32>
    %add3A_938 = arith.addf %add3A_913, %exp3A_936 : vector<16xf32>
    %mul3A_939 = vector.broadcast %squeeze3A_202 : f32 to vector<16xf32>
    %mul3A_940 = arith.mulf %exp3A_928, %mul3A_939 : vector<16xf32>
    %add3A_941 = arith.addf %add3A_916, %mul3A_940 : vector<16xf32>
    %mul3A_942 = vector.broadcast %squeeze3A_202 : f32 to vector<16xf32>
    %mul3A_943 = arith.mulf %exp3A_936, %mul3A_942 : vector<16xf32>
    %add3A_944 = arith.addf %add3A_919, %mul3A_943 : vector<16xf32>
    %mul3A_945 = arith.mulf %squeeze3A_204, %squeeze3A : f32
    %add3A_946 = vector.broadcast %mul3A_945 : f32 to vector<16xf32>
    %add3A_947 = arith.addf %add3A_946, %mul3A_206 : vector<16xf32>
    %mul3A_948 = arith.constant 2.000000e-01 : f32
    %mul3A_949 = vector.broadcast %mul3A_948 : f32 to vector<16xf32>
    %mul3A_950 = arith.mulf %mul3A_949, %add3A_947 : vector<16xf32>
    %max3A_951 = arith.maximumf %add3A_947, %mul3A_950 : vector<16xf32>
    %sub3A_952 = arith.subf %max3A_951, %max3A_489 : vector<16xf32>
    %exp3A_953 = math.exp %sub3A_952 : vector<16xf32>
    %add3A_954 = vector.broadcast %mul3A_945 : f32 to vector<16xf32>
    %add3A_955 = arith.addf %add3A_954, %mul3A_208 : vector<16xf32>
    %mul3A_956 = arith.constant 2.000000e-01 : f32
    %mul3A_957 = vector.broadcast %mul3A_956 : f32 to vector<16xf32>
    %mul3A_958 = arith.mulf %mul3A_957, %add3A_955 : vector<16xf32>
    %max3A_959 = arith.maximumf %add3A_955, %mul3A_958 : vector<16xf32>
    %sub3A_960 = arith.subf %max3A_959, %max3A_496 : vector<16xf32>
    %exp3A_961 = math.exp %sub3A_960 : vector<16xf32>
    %add3A_962 = arith.addf %add3A_937, %exp3A_953 : vector<16xf32>
    %add3A_963 = arith.addf %add3A_938, %exp3A_961 : vector<16xf32>
    %mul3A_964 = vector.broadcast %squeeze3A_204 : f32 to vector<16xf32>
    %mul3A_965 = arith.mulf %exp3A_953, %mul3A_964 : vector<16xf32>
    %add3A_966 = arith.addf %add3A_941, %mul3A_965 : vector<16xf32>
    %mul3A_967 = vector.broadcast %squeeze3A_204 : f32 to vector<16xf32>
    %mul3A_968 = arith.mulf %exp3A_961, %mul3A_967 : vector<16xf32>
    %add3A_969 = arith.addf %add3A_944, %mul3A_968 : vector<16xf32>
    %div3A = arith.divf %add3A_966, %add3A_962 : vector<16xf32>
    %div3A_970 = arith.divf %add3A_969, %add3A_963 : vector<16xf32>
    %slice3A_971 = vector.extract_strided_slice %div3A {offsets = [0], sizes = [1], strides = [1]} : vector<16xf32> to vector<1xf32>
    %squeeze3A_972 = vector.extract %slice3A_971[0] : f32 from vector<1xf32>
    %slice3A_973 = vector.extract_strided_slice %div3A {offsets = [1], sizes = [1], strides = [1]} : vector<16xf32> to vector<1xf32>
    %squeeze3A_974 = vector.extract %slice3A_973[0] : f32 from vector<1xf32>
    %slice3A_975 = vector.extract_strided_slice %div3A {offsets = [2], sizes = [1], strides = [1]} : vector<16xf32> to vector<1xf32>
    %squeeze3A_976 = vector.extract %slice3A_975[0] : f32 from vector<1xf32>
    %slice3A_977 = vector.extract_strided_slice %div3A {offsets = [3], sizes = [1], strides = [1]} : vector<16xf32> to vector<1xf32>
    %squeeze3A_978 = vector.extract %slice3A_977[0] : f32 from vector<1xf32>
    %slice3A_979 = vector.extract_strided_slice %div3A {offsets = [4], sizes = [1], strides = [1]} : vector<16xf32> to vector<1xf32>
    %squeeze3A_980 = vector.extract %slice3A_979[0] : f32 from vector<1xf32>
    %slice3A_981 = vector.extract_strided_slice %div3A {offsets = [5], sizes = [1], strides = [1]} : vector<16xf32> to vector<1xf32>
    %squeeze3A_982 = vector.extract %slice3A_981[0] : f32 from vector<1xf32>
    %slice3A_983 = vector.extract_strided_slice %div3A {offsets = [6], sizes = [1], strides = [1]} : vector<16xf32> to vector<1xf32>
    %squeeze3A_984 = vector.extract %slice3A_983[0] : f32 from vector<1xf32>
    %slice3A_985 = vector.extract_strided_slice %div3A {offsets = [7], sizes = [1], strides = [1]} : vector<16xf32> to vector<1xf32>
    %squeeze3A_986 = vector.extract %slice3A_985[0] : f32 from vector<1xf32>
    %slice3A_987 = vector.extract_strided_slice %div3A {offsets = [8], sizes = [1], strides = [1]} : vector<16xf32> to vector<1xf32>
    %squeeze3A_988 = vector.extract %slice3A_987[0] : f32 from vector<1xf32>
    %slice3A_989 = vector.extract_strided_slice %div3A {offsets = [9], sizes = [1], strides = [1]} : vector<16xf32> to vector<1xf32>
    %squeeze3A_990 = vector.extract %slice3A_989[0] : f32 from vector<1xf32>
    %slice3A_991 = vector.extract_strided_slice %div3A {offsets = [10], sizes = [1], strides = [1]} : vector<16xf32> to vector<1xf32>
    %squeeze3A_992 = vector.extract %slice3A_991[0] : f32 from vector<1xf32>
    %slice3A_993 = vector.extract_strided_slice %div3A {offsets = [11], sizes = [1], strides = [1]} : vector<16xf32> to vector<1xf32>
    %squeeze3A_994 = vector.extract %slice3A_993[0] : f32 from vector<1xf32>
    %slice3A_995 = vector.extract_strided_slice %div3A {offsets = [12], sizes = [1], strides = [1]} : vector<16xf32> to vector<1xf32>
    %squeeze3A_996 = vector.extract %slice3A_995[0] : f32 from vector<1xf32>
    %slice3A_997 = vector.extract_strided_slice %div3A {offsets = [13], sizes = [1], strides = [1]} : vector<16xf32> to vector<1xf32>
    %squeeze3A_998 = vector.extract %slice3A_997[0] : f32 from vector<1xf32>
    %slice3A_999 = vector.extract_strided_slice %div3A {offsets = [14], sizes = [1], strides = [1]} : vector<16xf32> to vector<1xf32>
    %squeeze3A_1000 = vector.extract %slice3A_999[0] : f32 from vector<1xf32>
    %slice3A_1001 = vector.extract_strided_slice %div3A {offsets = [15], sizes = [1], strides = [1]} : vector<16xf32> to vector<1xf32>
    %squeeze3A_1002 = vector.extract %slice3A_1001[0] : f32 from vector<1xf32>
    %slice3A_1003 = vector.extract_strided_slice %div3A_970 {offsets = [0], sizes = [1], strides = [1]} : vector<16xf32> to vector<1xf32>
    %squeeze3A_1004 = vector.extract %slice3A_1003[0] : f32 from vector<1xf32>
    %slice3A_1005 = vector.extract_strided_slice %div3A_970 {offsets = [1], sizes = [1], strides = [1]} : vector<16xf32> to vector<1xf32>
    %squeeze3A_1006 = vector.extract %slice3A_1005[0] : f32 from vector<1xf32>
    %slice3A_1007 = vector.extract_strided_slice %div3A_970 {offsets = [2], sizes = [1], strides = [1]} : vector<16xf32> to vector<1xf32>
    %squeeze3A_1008 = vector.extract %slice3A_1007[0] : f32 from vector<1xf32>
    %get3A_1009 = arith.constant 32 : index
    %get3A_1010 = tpu.vector_load %arg4[%get3A_1009] {strides = array<i32>} : memref<13072xf32, #tpu.memory_space<vmem>>, vector<16xf32>,
    %get3A_1011 = arith.constant 48 : index
    %get3A_1012 = tpu.vector_load %arg4[%get3A_1011] {strides = array<i32>} : memref<13072xf32, #tpu.memory_space<vmem>>, vector<16xf32>,
    %get3A_1013 = arith.constant 64 : index
    %get3A_1014 = tpu.vector_load %arg4[%get3A_1013] {strides = array<i32>} : memref<13072xf32, #tpu.memory_space<vmem>>, vector<16xf32>,
    %get3A_1015 = arith.constant 80 : index
    %get3A_1016 = tpu.vector_load %arg4[%get3A_1015] {strides = array<i32>} : memref<13072xf32, #tpu.memory_space<vmem>>, vector<16xf32>,
    %get3A_1017 = arith.constant 224 : index
    %get3A_1018 = tpu.vector_load %arg4[%get3A_1017] {strides = array<i32>} : memref<13072xf32, #tpu.memory_space<vmem>>, vector<16xf32>,
    %get3A_1019 = arith.constant 240 : index
    %get3A_1020 = tpu.vector_load %arg4[%get3A_1019] {strides = array<i32>} : memref<13072xf32, #tpu.memory_space<vmem>>, vector<16xf32>,
    %get3A_1021 = arith.constant 256 : index
    %get3A_1022 = tpu.vector_load %arg4[%get3A_1021] {strides = array<i32>} : memref<13072xf32, #tpu.memory_space<vmem>>, vector<16xf32>,
    %get3A_1023 = arith.constant 272 : index
    %get3A_1024 = tpu.vector_load %arg4[%get3A_1023] {strides = array<i32>} : memref<13072xf32, #tpu.memory_space<vmem>>, vector<16xf32>,
    %mul3A_1025 = vector.broadcast %squeeze3A_972 : f32 to vector<16xf32>
    %mul3A_1026 = arith.mulf %mul3A_1025, %get3A_1010 : vector<16xf32>
    %add3A_1027 = arith.addf %mul3A_1026, %get3A_1018 : vector<16xf32>
    %max3A_1028 = arith.constant 0.000000e+00 : f32
    %max3A_1029 = vector.broadcast %max3A_1028 : f32 to vector<16xf32>
    %max3A_1030 = arith.maximumf %add3A_1027, %max3A_1029 : vector<16xf32>
    %swap3A = arith.constant 0 : index
    %swap3A_1031 = tpu.vector_load %arg5[%swap3A] {strides = array<i32>} : memref<1216xf32, #tpu.memory_space<vmem>>, vector<16xf32>,
    tpu.vector_store %arg5[%swap3A], %max3A_1030 {strides = array<i32>} : memref<1216xf32, #tpu.memory_space<vmem>>, vector<16xf32>,
    %mul3A_1032 = vector.broadcast %squeeze3A_972 : f32 to vector<16xf32>
    %mul3A_1033 = arith.mulf %mul3A_1032, %get3A_1012 : vector<16xf32>
    %add3A_1034 = arith.addf %mul3A_1033, %get3A_1020 : vector<16xf32>
    %max3A_1035 = arith.constant 0.000000e+00 : f32
    %max3A_1036 = vector.broadcast %max3A_1035 : f32 to vector<16xf32>
    %max3A_1037 = arith.maximumf %add3A_1034, %max3A_1036 : vector<16xf32>
    %swap3A_1038 = arith.constant 16 : index
    %swap3A_1039 = tpu.vector_load %arg5[%swap3A_1038] {strides = array<i32>} : memref<1216xf32, #tpu.memory_space<vmem>>, vector<16xf32>,
    tpu.vector_store %arg5[%swap3A_1038], %max3A_1037 {strides = array<i32>} : memref<1216xf32, #tpu.memory_space<vmem>>, vector<16xf32>,
    %mul3A_1040 = vector.broadcast %squeeze3A_972 : f32 to vector<16xf32>
    %mul3A_1041 = arith.mulf %mul3A_1040, %get3A_1014 : vector<16xf32>
    %add3A_1042 = arith.addf %mul3A_1041, %get3A_1022 : vector<16xf32>
    %max3A_1043 = arith.constant 0.000000e+00 : f32
    %max3A_1044 = vector.broadcast %max3A_1043 : f32 to vector<16xf32>
    %max3A_1045 = arith.maximumf %add3A_1042, %max3A_1044 : vector<16xf32>
    %swap3A_1046 = arith.constant 32 : index
    %swap3A_1047 = tpu.vector_load %arg5[%swap3A_1046] {strides = array<i32>} : memref<1216xf32, #tpu.memory_space<vmem>>, vector<16xf32>,
    tpu.vector_store %arg5[%swap3A_1046], %max3A_1045 {strides = array<i32>} : memref<1216xf32, #tpu.memory_space<vmem>>, vector<16xf32>,
    %mul3A_1048 = vector.broadcast %squeeze3A_972 : f32 to vector<16xf32>
    %mul3A_1049 = arith.mulf %mul3A_1048, %get3A_1016 : vector<16xf32>
    %add3A_1050 = arith.addf %mul3A_1049, %get3A_1024 : vector<16xf32>
    %max3A_1051 = arith.constant 0.000000e+00 : f32
    %max3A_1052 = vector.broadcast %max3A_1051 : f32 to vector<16xf32>
    %max3A_1053 = arith.maximumf %add3A_1050, %max3A_1052 : vector<16xf32>
    %swap3A_1054 = arith.constant 48 : index
    %swap3A_1055 = tpu.vector_load %arg5[%swap3A_1054] {strides = array<i32>} : memref<1216xf32, #tpu.memory_space<vmem>>, vector<16xf32>,
    tpu.vector_store %arg5[%swap3A_1054], %max3A_1053 {strides = array<i32>} : memref<1216xf32, #tpu.memory_space<vmem>>, vector<16xf32>,
    %mul3A_1056 = vector.broadcast %squeeze3A_974 : f32 to vector<16xf32>
    %mul3A_1057 = arith.mulf %mul3A_1056, %get3A_1010 : vector<16xf32>
    %add3A_1058 = arith.addf %mul3A_1057, %get3A_1018 : vector<16xf32>
    %max3A_1059 = arith.constant 0.000000e+00 : f32
    %max3A_1060 = vector.broadcast %max3A_1059 : f32 to vector<16xf32>
    %max3A_1061 = arith.maximumf %add3A_1058, %max3A_1060 : vector<16xf32>
    %swap3A_1062 = arith.constant 64 : index
    %swap3A_1063 = tpu.vector_load %arg5[%swap3A_1062] {strides = array<i32>} : memref<1216xf32, #tpu.memory_space<vmem>>, vector<16xf32>,
    tpu.vector_store %arg5[%swap3A_1062], %max3A_1061 {strides = array<i32>} : memref<1216xf32, #tpu.memory_space<vmem>>, vector<16xf32>,
    %mul3A_1064 = vector.broadcast %squeeze3A_974 : f32 to vector<16xf32>
    %mul3A_1065 = arith.mulf %mul3A_1064, %get3A_1012 : vector<16xf32>
    %add3A_1066 = arith.addf %mul3A_1065, %get3A_1020 : vector<16xf32>
    %max3A_1067 = arith.constant 0.000000e+00 : f32
    %max3A_1068 = vector.broadcast %max3A_1067 : f32 to vector<16xf32>
    %max3A_1069 = arith.maximumf %add3A_1066, %max3A_1068 : vector<16xf32>
    %swap3A_1070 = arith.constant 80 : index
    %swap3A_1071 = tpu.vector_load %arg5[%swap3A_1070] {strides = array<i32>} : memref<1216xf32, #tpu.memory_space<vmem>>, vector<16xf32>,
    tpu.vector_store %arg5[%swap3A_1070], %max3A_1069 {strides = array<i32>} : memref<1216xf32, #tpu.memory_space<vmem>>, vector<16xf32>,
    %mul3A_1072 = vector.broadcast %squeeze3A_974 : f32 to vector<16xf32>
    %mul3A_1073 = arith.mulf %mul3A_1072, %get3A_1014 : vector<16xf32>
    %add3A_1074 = arith.addf %mul3A_1073, %get3A_1022 : vector<16xf32>
    %max3A_1075 = arith.constant 0.000000e+00 : f32
    %max3A_1076 = vector.broadcast %max3A_1075 : f32 to vector<16xf32>
    %max3A_1077 = arith.maximumf %add3A_1074, %max3A_1076 : vector<16xf32>
    %swap3A_1078 = arith.constant 96 : index
    %swap3A_1079 = tpu.vector_load %arg5[%swap3A_1078] {strides = array<i32>} : memref<1216xf32, #tpu.memory_space<vmem>>, vector<16xf32>,
    tpu.vector_store %arg5[%swap3A_1078], %max3A_1077 {strides = array<i32>} : memref<1216xf32, #tpu.memory_space<vmem>>, vector<16xf32>,
    %mul3A_1080 = vector.broadcast %squeeze3A_974 : f32 to vector<16xf32>
    %mul3A_1081 = arith.mulf %mul3A_1080, %get3A_1016 : vector<16xf32>
    %add3A_1082 = arith.addf %mul3A_1081, %get3A_1024 : vector<16xf32>
    %max3A_1083 = arith.constant 0.000000e+00 : f32
    %max3A_1084 = vector.broadcast %max3A_1083 : f32 to vector<16xf32>
    %max3A_1085 = arith.maximumf %add3A_1082, %max3A_1084 : vector<16xf32>
    %swap3A_1086 = arith.constant 112 : index
    %swap3A_1087 = tpu.vector_load %arg5[%swap3A_1086] {strides = array<i32>} : memref<1216xf32, #tpu.memory_space<vmem>>, vector<16xf32>,
    tpu.vector_store %arg5[%swap3A_1086], %max3A_1085 {strides = array<i32>} : memref<1216xf32, #tpu.memory_space<vmem>>, vector<16xf32>,
    %mul3A_1088 = vector.broadcast %squeeze3A_976 : f32 to vector<16xf32>
    %mul3A_1089 = arith.mulf %mul3A_1088, %get3A_1010 : vector<16xf32>
    %add3A_1090 = arith.addf %mul3A_1089, %get3A_1018 : vector<16xf32>
    %max3A_1091 = arith.constant 0.000000e+00 : f32
    %max3A_1092 = vector.broadcast %max3A_1091 : f32 to vector<16xf32>
    %max3A_1093 = arith.maximumf %add3A_1090, %max3A_1092 : vector<16xf32>
    %swap3A_1094 = arith.constant 128 : index
    %swap3A_1095 = tpu.vector_load %arg5[%swap3A_1094] {strides = array<i32>} : memref<1216xf32, #tpu.memory_space<vmem>>, vector<16xf32>,
    tpu.vector_store %arg5[%swap3A_1094], %max3A_1093 {strides = array<i32>} : memref<1216xf32, #tpu.memory_space<vmem>>, vector<16xf32>,
    %mul3A_1096 = vector.broadcast %squeeze3A_976 : f32 to vector<16xf32>
    %mul3A_1097 = arith.mulf %mul3A_1096, %get3A_1012 : vector<16xf32>
    %add3A_1098 = arith.addf %mul3A_1097, %get3A_1020 : vector<16xf32>
    %max3A_1099 = arith.constant 0.000000e+00 : f32
    %max3A_1100 = vector.broadcast %max3A_1099 : f32 to vector<16xf32>
    %max3A_1101 = arith.maximumf %add3A_1098, %max3A_1100 : vector<16xf32>
    %swap3A_1102 = arith.constant 144 : index
    %swap3A_1103 = tpu.vector_load %arg5[%swap3A_1102] {strides = array<i32>} : memref<1216xf32, #tpu.memory_space<vmem>>, vector<16xf32>,
    tpu.vector_store %arg5[%swap3A_1102], %max3A_1101 {strides = array<i32>} : memref<1216xf32, #tpu.memory_space<vmem>>, vector<16xf32>,
    %mul3A_1104 = vector.broadcast %squeeze3A_976 : f32 to vector<16xf32>
    %mul3A_1105 = arith.mulf %mul3A_1104, %get3A_1014 : vector<16xf32>
    %add3A_1106 = arith.addf %mul3A_1105, %get3A_1022 : vector<16xf32>
    %max3A_1107 = arith.constant 0.000000e+00 : f32
    %max3A_1108 = vector.broadcast %max3A_1107 : f32 to vector<16xf32>
    %max3A_1109 = arith.maximumf %add3A_1106, %max3A_1108 : vector<16xf32>
    %swap3A_1110 = arith.constant 160 : index
    %swap3A_1111 = tpu.vector_load %arg5[%swap3A_1110] {strides = array<i32>} : memref<1216xf32, #tpu.memory_space<vmem>>, vector<16xf32>,
    tpu.vector_store %arg5[%swap3A_1110], %max3A_1109 {strides = array<i32>} : memref<1216xf32, #tpu.memory_space<vmem>>, vector<16xf32>,
    %mul3A_1112 = vector.broadcast %squeeze3A_976 : f32 to vector<16xf32>
    %mul3A_1113 = arith.mulf %mul3A_1112, %get3A_1016 : vector<16xf32>
    %add3A_1114 = arith.addf %mul3A_1113, %get3A_1024 : vector<16xf32>
    %max3A_1115 = arith.constant 0.000000e+00 : f32
    %max3A_1116 = vector.broadcast %max3A_1115 : f32 to vector<16xf32>
    %max3A_1117 = arith.maximumf %add3A_1114, %max3A_1116 : vector<16xf32>
    %swap3A_1118 = arith.constant 176 : index
    %swap3A_1119 = tpu.vector_load %arg5[%swap3A_1118] {strides = array<i32>} : memref<1216xf32, #tpu.memory_space<vmem>>, vector<16xf32>,
    tpu.vector_store %arg5[%swap3A_1118], %max3A_1117 {strides = array<i32>} : memref<1216xf32, #tpu.memory_space<vmem>>, vector<16xf32>,
    %mul3A_1120 = vector.broadcast %squeeze3A_978 : f32 to vector<16xf32>
    %mul3A_1121 = arith.mulf %mul3A_1120, %get3A_1010 : vector<16xf32>
    %add3A_1122 = arith.addf %mul3A_1121, %get3A_1018 : vector<16xf32>
    %max3A_1123 = arith.constant 0.000000e+00 : f32
    %max3A_1124 = vector.broadcast %max3A_1123 : f32 to vector<16xf32>
    %max3A_1125 = arith.maximumf %add3A_1122, %max3A_1124 : vector<16xf32>
    %swap3A_1126 = arith.constant 192 : index
    %swap3A_1127 = tpu.vector_load %arg5[%swap3A_1126] {strides = array<i32>} : memref<1216xf32, #tpu.memory_space<vmem>>, vector<16xf32>,
    tpu.vector_store %arg5[%swap3A_1126], %max3A_1125 {strides = array<i32>} : memref<1216xf32, #tpu.memory_space<vmem>>, vector<16xf32>,
    %mul3A_1128 = vector.broadcast %squeeze3A_978 : f32 to vector<16xf32>
    %mul3A_1129 = arith.mulf %mul3A_1128, %get3A_1012 : vector<16xf32>
    %add3A_1130 = arith.addf %mul3A_1129, %get3A_1020 : vector<16xf32>
    %max3A_1131 = arith.constant 0.000000e+00 : f32
    %max3A_1132 = vector.broadcast %max3A_1131 : f32 to vector<16xf32>
    %max3A_1133 = arith.maximumf %add3A_1130, %max3A_1132 : vector<16xf32>
    %swap3A_1134 = arith.constant 208 : index
    %swap3A_1135 = tpu.vector_load %arg5[%swap3A_1134] {strides = array<i32>} : memref<1216xf32, #tpu.memory_space<vmem>>, vector<16xf32>,
    tpu.vector_store %arg5[%swap3A_1134], %max3A_1133 {strides = array<i32>} : memref<1216xf32, #tpu.memory_space<vmem>>, vector<16xf32>,
    %mul3A_1136 = vector.broadcast %squeeze3A_978 : f32 to vector<16xf32>
    %mul3A_1137 = arith.mulf %mul3A_1136, %get3A_1014 : vector<16xf32>
    %add3A_1138 = arith.addf %mul3A_1137, %get3A_1022 : vector<16xf32>
    %max3A_1139 = arith.constant 0.000000e+00 : f32
    %max3A_1140 = vector.broadcast %max3A_1139 : f32 to vector<16xf32>
    %max3A_1141 = arith.maximumf %add3A_1138, %max3A_1140 : vector<16xf32>
    %swap3A_1142 = arith.constant 224 : index
    %swap3A_1143 = tpu.vector_load %arg5[%swap3A_1142] {strides = array<i32>} : memref<1216xf32, #tpu.memory_space<vmem>>, vector<16xf32>,
    tpu.vector_store %arg5[%swap3A_1142], %max3A_1141 {strides = array<i32>} : memref<1216xf32, #tpu.memory_space<vmem>>, vector<16xf32>,
    %mul3A_1144 = vector.broadcast %squeeze3A_978 : f32 to vector<16xf32>
    %mul3A_1145 = arith.mulf %mul3A_1144, %get3A_1016 : vector<16xf32>
    %add3A_1146 = arith.addf %mul3A_1145, %get3A_1024 : vector<16xf32>
    %max3A_1147 = arith.constant 0.000000e+00 : f32
    %max3A_1148 = vector.broadcast %max3A_1147 : f32 to vector<16xf32>
    %max3A_1149 = arith.maximumf %add3A_1146, %max3A_1148 : vector<16xf32>
    %swap3A_1150 = arith.constant 240 : index
    %swap3A_1151 = tpu.vector_load %arg5[%swap3A_1150] {strides = array<i32>} : memref<1216xf32, #tpu.memory_space<vmem>>, vector<16xf32>,
    tpu.vector_store %arg5[%swap3A_1150], %max3A_1149 {strides = array<i32>} : memref<1216xf32, #tpu.memory_space<vmem>>, vector<16xf32>,
    %mul3A_1152 = vector.broadcast %squeeze3A_980 : f32 to vector<16xf32>
    %mul3A_1153 = arith.mulf %mul3A_1152, %get3A_1010 : vector<16xf32>
    %add3A_1154 = arith.addf %mul3A_1153, %get3A_1018 : vector<16xf32>
    %max3A_1155 = arith.constant 0.000000e+00 : f32
    %max3A_1156 = vector.broadcast %max3A_1155 : f32 to vector<16xf32>
    %max3A_1157 = arith.maximumf %add3A_1154, %max3A_1156 : vector<16xf32>
    %swap3A_1158 = arith.constant 256 : index
    %swap3A_1159 = tpu.vector_load %arg5[%swap3A_1158] {strides = array<i32>} : memref<1216xf32, #tpu.memory_space<vmem>>, vector<16xf32>,
    tpu.vector_store %arg5[%swap3A_1158], %max3A_1157 {strides = array<i32>} : memref<1216xf32, #tpu.memory_space<vmem>>, vector<16xf32>,
    %mul3A_1160 = vector.broadcast %squeeze3A_980 : f32 to vector<16xf32>
    %mul3A_1161 = arith.mulf %mul3A_1160, %get3A_1012 : vector<16xf32>
    %add3A_1162 = arith.addf %mul3A_1161, %get3A_1020 : vector<16xf32>
    %max3A_1163 = arith.constant 0.000000e+00 : f32
    %max3A_1164 = vector.broadcast %max3A_1163 : f32 to vector<16xf32>
    %max3A_1165 = arith.maximumf %add3A_1162, %max3A_1164 : vector<16xf32>
    %swap3A_1166 = arith.constant 272 : index
    %swap3A_1167 = tpu.vector_load %arg5[%swap3A_1166] {strides = array<i32>} : memref<1216xf32, #tpu.memory_space<vmem>>, vector<16xf32>,
    tpu.vector_store %arg5[%swap3A_1166], %max3A_1165 {strides = array<i32>} : memref<1216xf32, #tpu.memory_space<vmem>>, vector<16xf32>,
    %mul3A_1168 = vector.broadcast %squeeze3A_980 : f32 to vector<16xf32>
    %mul3A_1169 = arith.mulf %mul3A_1168, %get3A_1014 : vector<16xf32>
    %add3A_1170 = arith.addf %mul3A_1169, %get3A_1022 : vector<16xf32>
    %max3A_1171 = arith.constant 0.000000e+00 : f32
    %max3A_1172 = vector.broadcast %max3A_1171 : f32 to vector<16xf32>
    %max3A_1173 = arith.maximumf %add3A_1170, %max3A_1172 : vector<16xf32>
    %swap3A_1174 = arith.constant 288 : index
    %swap3A_1175 = tpu.vector_load %arg5[%swap3A_1174] {strides = array<i32>} : memref<1216xf32, #tpu.memory_space<vmem>>, vector<16xf32>,
    tpu.vector_store %arg5[%swap3A_1174], %max3A_1173 {strides = array<i32>} : memref<1216xf32, #tpu.memory_space<vmem>>, vector<16xf32>,
    %mul3A_1176 = vector.broadcast %squeeze3A_980 : f32 to vector<16xf32>
    %mul3A_1177 = arith.mulf %mul3A_1176, %get3A_1016 : vector<16xf32>
    %add3A_1178 = arith.addf %mul3A_1177, %get3A_1024 : vector<16xf32>
    %max3A_1179 = arith.constant 0.000000e+00 : f32
    %max3A_1180 = vector.broadcast %max3A_1179 : f32 to vector<16xf32>
    %max3A_1181 = arith.maximumf %add3A_1178, %max3A_1180 : vector<16xf32>
    %swap3A_1182 = arith.constant 304 : index
    %swap3A_1183 = tpu.vector_load %arg5[%swap3A_1182] {strides = array<i32>} : memref<1216xf32, #tpu.memory_space<vmem>>, vector<16xf32>,
    tpu.vector_store %arg5[%swap3A_1182], %max3A_1181 {strides = array<i32>} : memref<1216xf32, #tpu.memory_space<vmem>>, vector<16xf32>,
    %mul3A_1184 = vector.broadcast %squeeze3A_982 : f32 to vector<16xf32>
    %mul3A_1185 = arith.mulf %mul3A_1184, %get3A_1010 : vector<16xf32>
    %add3A_1186 = arith.addf %mul3A_1185, %get3A_1018 : vector<16xf32>
    %max3A_1187 = arith.constant 0.000000e+00 : f32
    %max3A_1188 = vector.broadcast %max3A_1187 : f32 to vector<16xf32>
    %max3A_1189 = arith.maximumf %add3A_1186, %max3A_1188 : vector<16xf32>
    %swap3A_1190 = arith.constant 320 : index
    %swap3A_1191 = tpu.vector_load %arg5[%swap3A_1190] {strides = array<i32>} : memref<1216xf32, #tpu.memory_space<vmem>>, vector<16xf32>,
    tpu.vector_store %arg5[%swap3A_1190], %max3A_1189 {strides = array<i32>} : memref<1216xf32, #tpu.memory_space<vmem>>, vector<16xf32>,
    %mul3A_1192 = vector.broadcast %squeeze3A_982 : f32 to vector<16xf32>
    %mul3A_1193 = arith.mulf %mul3A_1192, %get3A_1012 : vector<16xf32>
    %add3A_1194 = arith.addf %mul3A_1193, %get3A_1020 : vector<16xf32>
    %max3A_1195 = arith.constant 0.000000e+00 : f32
    %max3A_1196 = vector.broadcast %max3A_1195 : f32 to vector<16xf32>
    %max3A_1197 = arith.maximumf %add3A_1194, %max3A_1196 : vector<16xf32>
    %swap3A_1198 = arith.constant 336 : index
    %swap3A_1199 = tpu.vector_load %arg5[%swap3A_1198] {strides = array<i32>} : memref<1216xf32, #tpu.memory_space<vmem>>, vector<16xf32>,
    tpu.vector_store %arg5[%swap3A_1198], %max3A_1197 {strides = array<i32>} : memref<1216xf32, #tpu.memory_space<vmem>>, vector<16xf32>,
    %mul3A_1200 = vector.broadcast %squeeze3A_982 : f32 to vector<16xf32>
    %mul3A_1201 = arith.mulf %mul3A_1200, %get3A_1014 : vector<16xf32>
    %add3A_1202 = arith.addf %mul3A_1201, %get3A_1022 : vector<16xf32>
    %max3A_1203 = arith.constant 0.000000e+00 : f32
    %max3A_1204 = vector.broadcast %max3A_1203 : f32 to vector<16xf32>
    %max3A_1205 = arith.maximumf %add3A_1202, %max3A_1204 : vector<16xf32>
    %swap3A_1206 = arith.constant 352 : index
    %swap3A_1207 = tpu.vector_load %arg5[%swap3A_1206] {strides = array<i32>} : memref<1216xf32, #tpu.memory_space<vmem>>, vector<16xf32>,
    tpu.vector_store %arg5[%swap3A_1206], %max3A_1205 {strides = array<i32>} : memref<1216xf32, #tpu.memory_space<vmem>>, vector<16xf32>,
    %mul3A_1208 = vector.broadcast %squeeze3A_982 : f32 to vector<16xf32>
    %mul3A_1209 = arith.mulf %mul3A_1208, %get3A_1016 : vector<16xf32>
    %add3A_1210 = arith.addf %mul3A_1209, %get3A_1024 : vector<16xf32>
    %max3A_1211 = arith.constant 0.000000e+00 : f32
    %max3A_1212 = vector.broadcast %max3A_1211 : f32 to vector<16xf32>
    %max3A_1213 = arith.maximumf %add3A_1210, %max3A_1212 : vector<16xf32>
    %swap3A_1214 = arith.constant 368 : index
    %swap3A_1215 = tpu.vector_load %arg5[%swap3A_1214] {strides = array<i32>} : memref<1216xf32, #tpu.memory_space<vmem>>, vector<16xf32>,
    tpu.vector_store %arg5[%swap3A_1214], %max3A_1213 {strides = array<i32>} : memref<1216xf32, #tpu.memory_space<vmem>>, vector<16xf32>,
    %mul3A_1216 = vector.broadcast %squeeze3A_984 : f32 to vector<16xf32>
    %mul3A_1217 = arith.mulf %mul3A_1216, %get3A_1010 : vector<16xf32>
    %add3A_1218 = arith.addf %mul3A_1217, %get3A_1018 : vector<16xf32>
    %max3A_1219 = arith.constant 0.000000e+00 : f32
    %max3A_1220 = vector.broadcast %max3A_1219 : f32 to vector<16xf32>
    %max3A_1221 = arith.maximumf %add3A_1218, %max3A_1220 : vector<16xf32>
    %swap3A_1222 = arith.constant 384 : index
    %swap3A_1223 = tpu.vector_load %arg5[%swap3A_1222] {strides = array<i32>} : memref<1216xf32, #tpu.memory_space<vmem>>, vector<16xf32>,
    tpu.vector_store %arg5[%swap3A_1222], %max3A_1221 {strides = array<i32>} : memref<1216xf32, #tpu.memory_space<vmem>>, vector<16xf32>,
    %mul3A_1224 = vector.broadcast %squeeze3A_984 : f32 to vector<16xf32>
    %mul3A_1225 = arith.mulf %mul3A_1224, %get3A_1012 : vector<16xf32>
    %add3A_1226 = arith.addf %mul3A_1225, %get3A_1020 : vector<16xf32>
    %max3A_1227 = arith.constant 0.000000e+00 : f32
    %max3A_1228 = vector.broadcast %max3A_1227 : f32 to vector<16xf32>
    %max3A_1229 = arith.maximumf %add3A_1226, %max3A_1228 : vector<16xf32>
    %swap3A_1230 = arith.constant 400 : index
    %swap3A_1231 = tpu.vector_load %arg5[%swap3A_1230] {strides = array<i32>} : memref<1216xf32, #tpu.memory_space<vmem>>, vector<16xf32>,
    tpu.vector_store %arg5[%swap3A_1230], %max3A_1229 {strides = array<i32>} : memref<1216xf32, #tpu.memory_space<vmem>>, vector<16xf32>,
    %mul3A_1232 = vector.broadcast %squeeze3A_984 : f32 to vector<16xf32>
    %mul3A_1233 = arith.mulf %mul3A_1232, %get3A_1014 : vector<16xf32>
    %add3A_1234 = arith.addf %mul3A_1233, %get3A_1022 : vector<16xf32>
    %max3A_1235 = arith.constant 0.000000e+00 : f32
    %max3A_1236 = vector.broadcast %max3A_1235 : f32 to vector<16xf32>
    %max3A_1237 = arith.maximumf %add3A_1234, %max3A_1236 : vector<16xf32>
    %swap3A_1238 = arith.constant 416 : index
    %swap3A_1239 = tpu.vector_load %arg5[%swap3A_1238] {strides = array<i32>} : memref<1216xf32, #tpu.memory_space<vmem>>, vector<16xf32>,
    tpu.vector_store %arg5[%swap3A_1238], %max3A_1237 {strides = array<i32>} : memref<1216xf32, #tpu.memory_space<vmem>>, vector<16xf32>,
    %mul3A_1240 = vector.broadcast %squeeze3A_984 : f32 to vector<16xf32>
    %mul3A_1241 = arith.mulf %mul3A_1240, %get3A_1016 : vector<16xf32>
    %add3A_1242 = arith.addf %mul3A_1241, %get3A_1024 : vector<16xf32>
    %max3A_1243 = arith.constant 0.000000e+00 : f32
    %max3A_1244 = vector.broadcast %max3A_1243 : f32 to vector<16xf32>
    %max3A_1245 = arith.maximumf %add3A_1242, %max3A_1244 : vector<16xf32>
    %swap3A_1246 = arith.constant 432 : index
    %swap3A_1247 = tpu.vector_load %arg5[%swap3A_1246] {strides = array<i32>} : memref<1216xf32, #tpu.memory_space<vmem>>, vector<16xf32>,
    tpu.vector_store %arg5[%swap3A_1246], %max3A_1245 {strides = array<i32>} : memref<1216xf32, #tpu.memory_space<vmem>>, vector<16xf32>,
    %mul3A_1248 = vector.broadcast %squeeze3A_986 : f32 to vector<16xf32>
    %mul3A_1249 = arith.mulf %mul3A_1248, %get3A_1010 : vector<16xf32>
    %add3A_1250 = arith.addf %mul3A_1249, %get3A_1018 : vector<16xf32>
    %max3A_1251 = arith.constant 0.000000e+00 : f32
    %max3A_1252 = vector.broadcast %max3A_1251 : f32 to vector<16xf32>
    %max3A_1253 = arith.maximumf %add3A_1250, %max3A_1252 : vector<16xf32>
    %swap3A_1254 = arith.constant 448 : index
    %swap3A_1255 = tpu.vector_load %arg5[%swap3A_1254] {strides = array<i32>} : memref<1216xf32, #tpu.memory_space<vmem>>, vector<16xf32>,
    tpu.vector_store %arg5[%swap3A_1254], %max3A_1253 {strides = array<i32>} : memref<1216xf32, #tpu.memory_space<vmem>>, vector<16xf32>,
    %mul3A_1256 = vector.broadcast %squeeze3A_986 : f32 to vector<16xf32>
    %mul3A_1257 = arith.mulf %mul3A_1256, %get3A_1012 : vector<16xf32>
    %add3A_1258 = arith.addf %mul3A_1257, %get3A_1020 : vector<16xf32>
    %max3A_1259 = arith.constant 0.000000e+00 : f32
    %max3A_1260 = vector.broadcast %max3A_1259 : f32 to vector<16xf32>
    %max3A_1261 = arith.maximumf %add3A_1258, %max3A_1260 : vector<16xf32>
    %swap3A_1262 = arith.constant 464 : index
    %swap3A_1263 = tpu.vector_load %arg5[%swap3A_1262] {strides = array<i32>} : memref<1216xf32, #tpu.memory_space<vmem>>, vector<16xf32>,
    tpu.vector_store %arg5[%swap3A_1262], %max3A_1261 {strides = array<i32>} : memref<1216xf32, #tpu.memory_space<vmem>>, vector<16xf32>,
    %mul3A_1264 = vector.broadcast %squeeze3A_986 : f32 to vector<16xf32>
    %mul3A_1265 = arith.mulf %mul3A_1264, %get3A_1014 : vector<16xf32>
    %add3A_1266 = arith.addf %mul3A_1265, %get3A_1022 : vector<16xf32>
    %max3A_1267 = arith.constant 0.000000e+00 : f32
    %max3A_1268 = vector.broadcast %max3A_1267 : f32 to vector<16xf32>
    %max3A_1269 = arith.maximumf %add3A_1266, %max3A_1268 : vector<16xf32>
    %swap3A_1270 = arith.constant 480 : index
    %swap3A_1271 = tpu.vector_load %arg5[%swap3A_1270] {strides = array<i32>} : memref<1216xf32, #tpu.memory_space<vmem>>, vector<16xf32>,
    tpu.vector_store %arg5[%swap3A_1270], %max3A_1269 {strides = array<i32>} : memref<1216xf32, #tpu.memory_space<vmem>>, vector<16xf32>,
    %mul3A_1272 = vector.broadcast %squeeze3A_986 : f32 to vector<16xf32>
    %mul3A_1273 = arith.mulf %mul3A_1272, %get3A_1016 : vector<16xf32>
    %add3A_1274 = arith.addf %mul3A_1273, %get3A_1024 : vector<16xf32>
    %max3A_1275 = arith.constant 0.000000e+00 : f32
    %max3A_1276 = vector.broadcast %max3A_1275 : f32 to vector<16xf32>
    %max3A_1277 = arith.maximumf %add3A_1274, %max3A_1276 : vector<16xf32>
    %swap3A_1278 = arith.constant 496 : index
    %swap3A_1279 = tpu.vector_load %arg5[%swap3A_1278] {strides = array<i32>} : memref<1216xf32, #tpu.memory_space<vmem>>, vector<16xf32>,
    tpu.vector_store %arg5[%swap3A_1278], %max3A_1277 {strides = array<i32>} : memref<1216xf32, #tpu.memory_space<vmem>>, vector<16xf32>,
    %mul3A_1280 = vector.broadcast %squeeze3A_988 : f32 to vector<16xf32>
    %mul3A_1281 = arith.mulf %mul3A_1280, %get3A_1010 : vector<16xf32>
    %add3A_1282 = arith.addf %mul3A_1281, %get3A_1018 : vector<16xf32>
    %max3A_1283 = arith.constant 0.000000e+00 : f32
    %max3A_1284 = vector.broadcast %max3A_1283 : f32 to vector<16xf32>
    %max3A_1285 = arith.maximumf %add3A_1282, %max3A_1284 : vector<16xf32>
    %swap3A_1286 = arith.constant 512 : index
    %swap3A_1287 = tpu.vector_load %arg5[%swap3A_1286] {strides = array<i32>} : memref<1216xf32, #tpu.memory_space<vmem>>, vector<16xf32>,
    tpu.vector_store %arg5[%swap3A_1286], %max3A_1285 {strides = array<i32>} : memref<1216xf32, #tpu.memory_space<vmem>>, vector<16xf32>,
    %mul3A_1288 = vector.broadcast %squeeze3A_988 : f32 to vector<16xf32>
    %mul3A_1289 = arith.mulf %mul3A_1288, %get3A_1012 : vector<16xf32>
    %add3A_1290 = arith.addf %mul3A_1289, %get3A_1020 : vector<16xf32>
    %max3A_1291 = arith.constant 0.000000e+00 : f32
    %max3A_1292 = vector.broadcast %max3A_1291 : f32 to vector<16xf32>
    %max3A_1293 = arith.maximumf %add3A_1290, %max3A_1292 : vector<16xf32>
    %swap3A_1294 = arith.constant 528 : index
    %swap3A_1295 = tpu.vector_load %arg5[%swap3A_1294] {strides = array<i32>} : memref<1216xf32, #tpu.memory_space<vmem>>, vector<16xf32>,
    tpu.vector_store %arg5[%swap3A_1294], %max3A_1293 {strides = array<i32>} : memref<1216xf32, #tpu.memory_space<vmem>>, vector<16xf32>,
    %mul3A_1296 = vector.broadcast %squeeze3A_988 : f32 to vector<16xf32>
    %mul3A_1297 = arith.mulf %mul3A_1296, %get3A_1014 : vector<16xf32>
    %add3A_1298 = arith.addf %mul3A_1297, %get3A_1022 : vector<16xf32>
    %max3A_1299 = arith.constant 0.000000e+00 : f32
    %max3A_1300 = vector.broadcast %max3A_1299 : f32 to vector<16xf32>
    %max3A_1301 = arith.maximumf %add3A_1298, %max3A_1300 : vector<16xf32>
    %swap3A_1302 = arith.constant 544 : index
    %swap3A_1303 = tpu.vector_load %arg5[%swap3A_1302] {strides = array<i32>} : memref<1216xf32, #tpu.memory_space<vmem>>, vector<16xf32>,
    tpu.vector_store %arg5[%swap3A_1302], %max3A_1301 {strides = array<i32>} : memref<1216xf32, #tpu.memory_space<vmem>>, vector<16xf32>,
    %mul3A_1304 = vector.broadcast %squeeze3A_988 : f32 to vector<16xf32>
    %mul3A_1305 = arith.mulf %mul3A_1304, %get3A_1016 : vector<16xf32>
    %add3A_1306 = arith.addf %mul3A_1305, %get3A_1024 : vector<16xf32>
    %max3A_1307 = arith.constant 0.000000e+00 : f32
    %max3A_1308 = vector.broadcast %max3A_1307 : f32 to vector<16xf32>
    %max3A_1309 = arith.maximumf %add3A_1306, %max3A_1308 : vector<16xf32>
    %swap3A_1310 = arith.constant 560 : index
    %swap3A_1311 = tpu.vector_load %arg5[%swap3A_1310] {strides = array<i32>} : memref<1216xf32, #tpu.memory_space<vmem>>, vector<16xf32>,
    tpu.vector_store %arg5[%swap3A_1310], %max3A_1309 {strides = array<i32>} : memref<1216xf32, #tpu.memory_space<vmem>>, vector<16xf32>,
    %mul3A_1312 = vector.broadcast %squeeze3A_990 : f32 to vector<16xf32>
    %mul3A_1313 = arith.mulf %mul3A_1312, %get3A_1010 : vector<16xf32>
    %add3A_1314 = arith.addf %mul3A_1313, %get3A_1018 : vector<16xf32>
    %max3A_1315 = arith.constant 0.000000e+00 : f32
    %max3A_1316 = vector.broadcast %max3A_1315 : f32 to vector<16xf32>
    %max3A_1317 = arith.maximumf %add3A_1314, %max3A_1316 : vector<16xf32>
    %swap3A_1318 = arith.constant 576 : index
    %swap3A_1319 = tpu.vector_load %arg5[%swap3A_1318] {strides = array<i32>} : memref<1216xf32, #tpu.memory_space<vmem>>, vector<16xf32>,
    tpu.vector_store %arg5[%swap3A_1318], %max3A_1317 {strides = array<i32>} : memref<1216xf32, #tpu.memory_space<vmem>>, vector<16xf32>,
    %mul3A_1320 = vector.broadcast %squeeze3A_990 : f32 to vector<16xf32>
    %mul3A_1321 = arith.mulf %mul3A_1320, %get3A_1012 : vector<16xf32>
    %add3A_1322 = arith.addf %mul3A_1321, %get3A_1020 : vector<16xf32>
    %max3A_1323 = arith.constant 0.000000e+00 : f32
    %max3A_1324 = vector.broadcast %max3A_1323 : f32 to vector<16xf32>
    %max3A_1325 = arith.maximumf %add3A_1322, %max3A_1324 : vector<16xf32>
    %swap3A_1326 = arith.constant 592 : index
    %swap3A_1327 = tpu.vector_load %arg5[%swap3A_1326] {strides = array<i32>} : memref<1216xf32, #tpu.memory_space<vmem>>, vector<16xf32>,
    tpu.vector_store %arg5[%swap3A_1326], %max3A_1325 {strides = array<i32>} : memref<1216xf32, #tpu.memory_space<vmem>>, vector<16xf32>,
    %mul3A_1328 = vector.broadcast %squeeze3A_990 : f32 to vector<16xf32>
    %mul3A_1329 = arith.mulf %mul3A_1328, %get3A_1014 : vector<16xf32>
    %add3A_1330 = arith.addf %mul3A_1329, %get3A_1022 : vector<16xf32>
    %max3A_1331 = arith.constant 0.000000e+00 : f32
    %max3A_1332 = vector.broadcast %max3A_1331 : f32 to vector<16xf32>
    %max3A_1333 = arith.maximumf %add3A_1330, %max3A_1332 : vector<16xf32>
    %swap3A_1334 = arith.constant 608 : index
    %swap3A_1335 = tpu.vector_load %arg5[%swap3A_1334] {strides = array<i32>} : memref<1216xf32, #tpu.memory_space<vmem>>, vector<16xf32>,
    tpu.vector_store %arg5[%swap3A_1334], %max3A_1333 {strides = array<i32>} : memref<1216xf32, #tpu.memory_space<vmem>>, vector<16xf32>,
    %mul3A_1336 = vector.broadcast %squeeze3A_990 : f32 to vector<16xf32>
    %mul3A_1337 = arith.mulf %mul3A_1336, %get3A_1016 : vector<16xf32>
    %add3A_1338 = arith.addf %mul3A_1337, %get3A_1024 : vector<16xf32>
    %max3A_1339 = arith.constant 0.000000e+00 : f32
    %max3A_1340 = vector.broadcast %max3A_1339 : f32 to vector<16xf32>
    %max3A_1341 = arith.maximumf %add3A_1338, %max3A_1340 : vector<16xf32>
    %swap3A_1342 = arith.constant 624 : index
    %swap3A_1343 = tpu.vector_load %arg5[%swap3A_1342] {strides = array<i32>} : memref<1216xf32, #tpu.memory_space<vmem>>, vector<16xf32>,
    tpu.vector_store %arg5[%swap3A_1342], %max3A_1341 {strides = array<i32>} : memref<1216xf32, #tpu.memory_space<vmem>>, vector<16xf32>,
    %mul3A_1344 = vector.broadcast %squeeze3A_992 : f32 to vector<16xf32>
    %mul3A_1345 = arith.mulf %mul3A_1344, %get3A_1010 : vector<16xf32>
    %add3A_1346 = arith.addf %mul3A_1345, %get3A_1018 : vector<16xf32>
    %max3A_1347 = arith.constant 0.000000e+00 : f32
    %max3A_1348 = vector.broadcast %max3A_1347 : f32 to vector<16xf32>
    %max3A_1349 = arith.maximumf %add3A_1346, %max3A_1348 : vector<16xf32>
    %swap3A_1350 = arith.constant 640 : index
    %swap3A_1351 = tpu.vector_load %arg5[%swap3A_1350] {strides = array<i32>} : memref<1216xf32, #tpu.memory_space<vmem>>, vector<16xf32>,
    tpu.vector_store %arg5[%swap3A_1350], %max3A_1349 {strides = array<i32>} : memref<1216xf32, #tpu.memory_space<vmem>>, vector<16xf32>,
    %mul3A_1352 = vector.broadcast %squeeze3A_992 : f32 to vector<16xf32>
    %mul3A_1353 = arith.mulf %mul3A_1352, %get3A_1012 : vector<16xf32>
    %add3A_1354 = arith.addf %mul3A_1353, %get3A_1020 : vector<16xf32>
    %max3A_1355 = arith.constant 0.000000e+00 : f32
    %max3A_1356 = vector.broadcast %max3A_1355 : f32 to vector<16xf32>
    %max3A_1357 = arith.maximumf %add3A_1354, %max3A_1356 : vector<16xf32>
    %swap3A_1358 = arith.constant 656 : index
    %swap3A_1359 = tpu.vector_load %arg5[%swap3A_1358] {strides = array<i32>} : memref<1216xf32, #tpu.memory_space<vmem>>, vector<16xf32>,
    tpu.vector_store %arg5[%swap3A_1358], %max3A_1357 {strides = array<i32>} : memref<1216xf32, #tpu.memory_space<vmem>>, vector<16xf32>,
    %mul3A_1360 = vector.broadcast %squeeze3A_992 : f32 to vector<16xf32>
    %mul3A_1361 = arith.mulf %mul3A_1360, %get3A_1014 : vector<16xf32>
    %add3A_1362 = arith.addf %mul3A_1361, %get3A_1022 : vector<16xf32>
    %max3A_1363 = arith.constant 0.000000e+00 : f32
    %max3A_1364 = vector.broadcast %max3A_1363 : f32 to vector<16xf32>
    %max3A_1365 = arith.maximumf %add3A_1362, %max3A_1364 : vector<16xf32>
    %swap3A_1366 = arith.constant 672 : index
    %swap3A_1367 = tpu.vector_load %arg5[%swap3A_1366] {strides = array<i32>} : memref<1216xf32, #tpu.memory_space<vmem>>, vector<16xf32>,
    tpu.vector_store %arg5[%swap3A_1366], %max3A_1365 {strides = array<i32>} : memref<1216xf32, #tpu.memory_space<vmem>>, vector<16xf32>,
    %mul3A_1368 = vector.broadcast %squeeze3A_992 : f32 to vector<16xf32>
    %mul3A_1369 = arith.mulf %mul3A_1368, %get3A_1016 : vector<16xf32>
    %add3A_1370 = arith.addf %mul3A_1369, %get3A_1024 : vector<16xf32>
    %max3A_1371 = arith.constant 0.000000e+00 : f32
    %max3A_1372 = vector.broadcast %max3A_1371 : f32 to vector<16xf32>
    %max3A_1373 = arith.maximumf %add3A_1370, %max3A_1372 : vector<16xf32>
    %swap3A_1374 = arith.constant 688 : index
    %swap3A_1375 = tpu.vector_load %arg5[%swap3A_1374] {strides = array<i32>} : memref<1216xf32, #tpu.memory_space<vmem>>, vector<16xf32>,
    tpu.vector_store %arg5[%swap3A_1374], %max3A_1373 {strides = array<i32>} : memref<1216xf32, #tpu.memory_space<vmem>>, vector<16xf32>,
    %mul3A_1376 = vector.broadcast %squeeze3A_994 : f32 to vector<16xf32>
    %mul3A_1377 = arith.mulf %mul3A_1376, %get3A_1010 : vector<16xf32>
    %add3A_1378 = arith.addf %mul3A_1377, %get3A_1018 : vector<16xf32>
    %max3A_1379 = arith.constant 0.000000e+00 : f32
    %max3A_1380 = vector.broadcast %max3A_1379 : f32 to vector<16xf32>
    %max3A_1381 = arith.maximumf %add3A_1378, %max3A_1380 : vector<16xf32>
    %swap3A_1382 = arith.constant 704 : index
    %swap3A_1383 = tpu.vector_load %arg5[%swap3A_1382] {strides = array<i32>} : memref<1216xf32, #tpu.memory_space<vmem>>, vector<16xf32>,
    tpu.vector_store %arg5[%swap3A_1382], %max3A_1381 {strides = array<i32>} : memref<1216xf32, #tpu.memory_space<vmem>>, vector<16xf32>,
    %mul3A_1384 = vector.broadcast %squeeze3A_994 : f32 to vector<16xf32>
    %mul3A_1385 = arith.mulf %mul3A_1384, %get3A_1012 : vector<16xf32>
    %add3A_1386 = arith.addf %mul3A_1385, %get3A_1020 : vector<16xf32>
    %max3A_1387 = arith.constant 0.000000e+00 : f32
    %max3A_1388 = vector.broadcast %max3A_1387 : f32 to vector<16xf32>
    %max3A_1389 = arith.maximumf %add3A_1386, %max3A_1388 : vector<16xf32>
    %swap3A_1390 = arith.constant 720 : index
    %swap3A_1391 = tpu.vector_load %arg5[%swap3A_1390] {strides = array<i32>} : memref<1216xf32, #tpu.memory_space<vmem>>, vector<16xf32>,
    tpu.vector_store %arg5[%swap3A_1390], %max3A_1389 {strides = array<i32>} : memref<1216xf32, #tpu.memory_space<vmem>>, vector<16xf32>,
    %mul3A_1392 = vector.broadcast %squeeze3A_994 : f32 to vector<16xf32>
    %mul3A_1393 = arith.mulf %mul3A_1392, %get3A_1014 : vector<16xf32>
    %add3A_1394 = arith.addf %mul3A_1393, %get3A_1022 : vector<16xf32>
    %max3A_1395 = arith.constant 0.000000e+00 : f32
    %max3A_1396 = vector.broadcast %max3A_1395 : f32 to vector<16xf32>
    %max3A_1397 = arith.maximumf %add3A_1394, %max3A_1396 : vector<16xf32>
    %swap3A_1398 = arith.constant 736 : index
    %swap3A_1399 = tpu.vector_load %arg5[%swap3A_1398] {strides = array<i32>} : memref<1216xf32, #tpu.memory_space<vmem>>, vector<16xf32>,
    tpu.vector_store %arg5[%swap3A_1398], %max3A_1397 {strides = array<i32>} : memref<1216xf32, #tpu.memory_space<vmem>>, vector<16xf32>,
    %mul3A_1400 = vector.broadcast %squeeze3A_994 : f32 to vector<16xf32>
    %mul3A_1401 = arith.mulf %mul3A_1400, %get3A_1016 : vector<16xf32>
    %add3A_1402 = arith.addf %mul3A_1401, %get3A_1024 : vector<16xf32>
    %max3A_1403 = arith.constant 0.000000e+00 : f32
    %max3A_1404 = vector.broadcast %max3A_1403 : f32 to vector<16xf32>
    %max3A_1405 = arith.maximumf %add3A_1402, %max3A_1404 : vector<16xf32>
    %swap3A_1406 = arith.constant 752 : index
    %swap3A_1407 = tpu.vector_load %arg5[%swap3A_1406] {strides = array<i32>} : memref<1216xf32, #tpu.memory_space<vmem>>, vector<16xf32>,
    tpu.vector_store %arg5[%swap3A_1406], %max3A_1405 {strides = array<i32>} : memref<1216xf32, #tpu.memory_space<vmem>>, vector<16xf32>,
    %mul3A_1408 = vector.broadcast %squeeze3A_996 : f32 to vector<16xf32>
    %mul3A_1409 = arith.mulf %mul3A_1408, %get3A_1010 : vector<16xf32>
    %add3A_1410 = arith.addf %mul3A_1409, %get3A_1018 : vector<16xf32>
    %max3A_1411 = arith.constant 0.000000e+00 : f32
    %max3A_1412 = vector.broadcast %max3A_1411 : f32 to vector<16xf32>
    %max3A_1413 = arith.maximumf %add3A_1410, %max3A_1412 : vector<16xf32>
    %swap3A_1414 = arith.constant 768 : index
    %swap3A_1415 = tpu.vector_load %arg5[%swap3A_1414] {strides = array<i32>} : memref<1216xf32, #tpu.memory_space<vmem>>, vector<16xf32>,
    tpu.vector_store %arg5[%swap3A_1414], %max3A_1413 {strides = array<i32>} : memref<1216xf32, #tpu.memory_space<vmem>>, vector<16xf32>,
    %mul3A_1416 = vector.broadcast %squeeze3A_996 : f32 to vector<16xf32>
    %mul3A_1417 = arith.mulf %mul3A_1416, %get3A_1012 : vector<16xf32>
    %add3A_1418 = arith.addf %mul3A_1417, %get3A_1020 : vector<16xf32>
    %max3A_1419 = arith.constant 0.000000e+00 : f32
    %max3A_1420 = vector.broadcast %max3A_1419 : f32 to vector<16xf32>
    %max3A_1421 = arith.maximumf %add3A_1418, %max3A_1420 : vector<16xf32>
    %swap3A_1422 = arith.constant 784 : index
    %swap3A_1423 = tpu.vector_load %arg5[%swap3A_1422] {strides = array<i32>} : memref<1216xf32, #tpu.memory_space<vmem>>, vector<16xf32>,
    tpu.vector_store %arg5[%swap3A_1422], %max3A_1421 {strides = array<i32>} : memref<1216xf32, #tpu.memory_space<vmem>>, vector<16xf32>,
    %mul3A_1424 = vector.broadcast %squeeze3A_996 : f32 to vector<16xf32>
    %mul3A_1425 = arith.mulf %mul3A_1424, %get3A_1014 : vector<16xf32>
    %add3A_1426 = arith.addf %mul3A_1425, %get3A_1022 : vector<16xf32>
    %max3A_1427 = arith.constant 0.000000e+00 : f32
    %max3A_1428 = vector.broadcast %max3A_1427 : f32 to vector<16xf32>
    %max3A_1429 = arith.maximumf %add3A_1426, %max3A_1428 : vector<16xf32>
    %swap3A_1430 = arith.constant 800 : index
    %swap3A_1431 = tpu.vector_load %arg5[%swap3A_1430] {strides = array<i32>} : memref<1216xf32, #tpu.memory_space<vmem>>, vector<16xf32>,
    tpu.vector_store %arg5[%swap3A_1430], %max3A_1429 {strides = array<i32>} : memref<1216xf32, #tpu.memory_space<vmem>>, vector<16xf32>,
    %mul3A_1432 = vector.broadcast %squeeze3A_996 : f32 to vector<16xf32>
    %mul3A_1433 = arith.mulf %mul3A_1432, %get3A_1016 : vector<16xf32>
    %add3A_1434 = arith.addf %mul3A_1433, %get3A_1024 : vector<16xf32>
    %max3A_1435 = arith.constant 0.000000e+00 : f32
    %max3A_1436 = vector.broadcast %max3A_1435 : f32 to vector<16xf32>
    %max3A_1437 = arith.maximumf %add3A_1434, %max3A_1436 : vector<16xf32>
    %swap3A_1438 = arith.constant 816 : index
    %swap3A_1439 = tpu.vector_load %arg5[%swap3A_1438] {strides = array<i32>} : memref<1216xf32, #tpu.memory_space<vmem>>, vector<16xf32>,
    tpu.vector_store %arg5[%swap3A_1438], %max3A_1437 {strides = array<i32>} : memref<1216xf32, #tpu.memory_space<vmem>>, vector<16xf32>,
    %mul3A_1440 = vector.broadcast %squeeze3A_998 : f32 to vector<16xf32>
    %mul3A_1441 = arith.mulf %mul3A_1440, %get3A_1010 : vector<16xf32>
    %add3A_1442 = arith.addf %mul3A_1441, %get3A_1018 : vector<16xf32>
    %max3A_1443 = arith.constant 0.000000e+00 : f32
    %max3A_1444 = vector.broadcast %max3A_1443 : f32 to vector<16xf32>
    %max3A_1445 = arith.maximumf %add3A_1442, %max3A_1444 : vector<16xf32>
    %swap3A_1446 = arith.constant 832 : index
    %swap3A_1447 = tpu.vector_load %arg5[%swap3A_1446] {strides = array<i32>} : memref<1216xf32, #tpu.memory_space<vmem>>, vector<16xf32>,
    tpu.vector_store %arg5[%swap3A_1446], %max3A_1445 {strides = array<i32>} : memref<1216xf32, #tpu.memory_space<vmem>>, vector<16xf32>,
    %mul3A_1448 = vector.broadcast %squeeze3A_998 : f32 to vector<16xf32>
    %mul3A_1449 = arith.mulf %mul3A_1448, %get3A_1012 : vector<16xf32>
    %add3A_1450 = arith.addf %mul3A_1449, %get3A_1020 : vector<16xf32>
    %max3A_1451 = arith.constant 0.000000e+00 : f32
    %max3A_1452 = vector.broadcast %max3A_1451 : f32 to vector<16xf32>
    %max3A_1453 = arith.maximumf %add3A_1450, %max3A_1452 : vector<16xf32>
    %swap3A_1454 = arith.constant 848 : index
    %swap3A_1455 = tpu.vector_load %arg5[%swap3A_1454] {strides = array<i32>} : memref<1216xf32, #tpu.memory_space<vmem>>, vector<16xf32>,
    tpu.vector_store %arg5[%swap3A_1454], %max3A_1453 {strides = array<i32>} : memref<1216xf32, #tpu.memory_space<vmem>>, vector<16xf32>,
    %mul3A_1456 = vector.broadcast %squeeze3A_998 : f32 to vector<16xf32>
    %mul3A_1457 = arith.mulf %mul3A_1456, %get3A_1014 : vector<16xf32>
    %add3A_1458 = arith.addf %mul3A_1457, %get3A_1022 : vector<16xf32>
    %max3A_1459 = arith.constant 0.000000e+00 : f32
    %max3A_1460 = vector.broadcast %max3A_1459 : f32 to vector<16xf32>
    %max3A_1461 = arith.maximumf %add3A_1458, %max3A_1460 : vector<16xf32>
    %swap3A_1462 = arith.constant 864 : index
    %swap3A_1463 = tpu.vector_load %arg5[%swap3A_1462] {strides = array<i32>} : memref<1216xf32, #tpu.memory_space<vmem>>, vector<16xf32>,
    tpu.vector_store %arg5[%swap3A_1462], %max3A_1461 {strides = array<i32>} : memref<1216xf32, #tpu.memory_space<vmem>>, vector<16xf32>,
    %mul3A_1464 = vector.broadcast %squeeze3A_998 : f32 to vector<16xf32>
    %mul3A_1465 = arith.mulf %mul3A_1464, %get3A_1016 : vector<16xf32>
    %add3A_1466 = arith.addf %mul3A_1465, %get3A_1024 : vector<16xf32>
    %max3A_1467 = arith.constant 0.000000e+00 : f32
    %max3A_1468 = vector.broadcast %max3A_1467 : f32 to vector<16xf32>
    %max3A_1469 = arith.maximumf %add3A_1466, %max3A_1468 : vector<16xf32>
    %swap3A_1470 = arith.constant 880 : index
    %swap3A_1471 = tpu.vector_load %arg5[%swap3A_1470] {strides = array<i32>} : memref<1216xf32, #tpu.memory_space<vmem>>, vector<16xf32>,
    tpu.vector_store %arg5[%swap3A_1470], %max3A_1469 {strides = array<i32>} : memref<1216xf32, #tpu.memory_space<vmem>>, vector<16xf32>,
    %mul3A_1472 = vector.broadcast %squeeze3A_1000 : f32 to vector<16xf32>
    %mul3A_1473 = arith.mulf %mul3A_1472, %get3A_1010 : vector<16xf32>
    %add3A_1474 = arith.addf %mul3A_1473, %get3A_1018 : vector<16xf32>
    %max3A_1475 = arith.constant 0.000000e+00 : f32
    %max3A_1476 = vector.broadcast %max3A_1475 : f32 to vector<16xf32>
    %max3A_1477 = arith.maximumf %add3A_1474, %max3A_1476 : vector<16xf32>
    %swap3A_1478 = arith.constant 896 : index
    %swap3A_1479 = tpu.vector_load %arg5[%swap3A_1478] {strides = array<i32>} : memref<1216xf32, #tpu.memory_space<vmem>>, vector<16xf32>,
    tpu.vector_store %arg5[%swap3A_1478], %max3A_1477 {strides = array<i32>} : memref<1216xf32, #tpu.memory_space<vmem>>, vector<16xf32>,
    %mul3A_1480 = vector.broadcast %squeeze3A_1000 : f32 to vector<16xf32>
    %mul3A_1481 = arith.mulf %mul3A_1480, %get3A_1012 : vector<16xf32>
    %add3A_1482 = arith.addf %mul3A_1481, %get3A_1020 : vector<16xf32>
    %max3A_1483 = arith.constant 0.000000e+00 : f32
    %max3A_1484 = vector.broadcast %max3A_1483 : f32 to vector<16xf32>
    %max3A_1485 = arith.maximumf %add3A_1482, %max3A_1484 : vector<16xf32>
    %swap3A_1486 = arith.constant 912 : index
    %swap3A_1487 = tpu.vector_load %arg5[%swap3A_1486] {strides = array<i32>} : memref<1216xf32, #tpu.memory_space<vmem>>, vector<16xf32>,
    tpu.vector_store %arg5[%swap3A_1486], %max3A_1485 {strides = array<i32>} : memref<1216xf32, #tpu.memory_space<vmem>>, vector<16xf32>,
    %mul3A_1488 = vector.broadcast %squeeze3A_1000 : f32 to vector<16xf32>
    %mul3A_1489 = arith.mulf %mul3A_1488, %get3A_1014 : vector<16xf32>
    %add3A_1490 = arith.addf %mul3A_1489, %get3A_1022 : vector<16xf32>
    %max3A_1491 = arith.constant 0.000000e+00 : f32
    %max3A_1492 = vector.broadcast %max3A_1491 : f32 to vector<16xf32>
    %max3A_1493 = arith.maximumf %add3A_1490, %max3A_1492 : vector<16xf32>
    %swap3A_1494 = arith.constant 928 : index
    %swap3A_1495 = tpu.vector_load %arg5[%swap3A_1494] {strides = array<i32>} : memref<1216xf32, #tpu.memory_space<vmem>>, vector<16xf32>,
    tpu.vector_store %arg5[%swap3A_1494], %max3A_1493 {strides = array<i32>} : memref<1216xf32, #tpu.memory_space<vmem>>, vector<16xf32>,
    %mul3A_1496 = vector.broadcast %squeeze3A_1000 : f32 to vector<16xf32>
    %mul3A_1497 = arith.mulf %mul3A_1496, %get3A_1016 : vector<16xf32>
    %add3A_1498 = arith.addf %mul3A_1497, %get3A_1024 : vector<16xf32>
    %max3A_1499 = arith.constant 0.000000e+00 : f32
    %max3A_1500 = vector.broadcast %max3A_1499 : f32 to vector<16xf32>
    %max3A_1501 = arith.maximumf %add3A_1498, %max3A_1500 : vector<16xf32>
    %swap3A_1502 = arith.constant 944 : index
    %swap3A_1503 = tpu.vector_load %arg5[%swap3A_1502] {strides = array<i32>} : memref<1216xf32, #tpu.memory_space<vmem>>, vector<16xf32>,
    tpu.vector_store %arg5[%swap3A_1502], %max3A_1501 {strides = array<i32>} : memref<1216xf32, #tpu.memory_space<vmem>>, vector<16xf32>,
    %mul3A_1504 = vector.broadcast %squeeze3A_1002 : f32 to vector<16xf32>
    %mul3A_1505 = arith.mulf %mul3A_1504, %get3A_1010 : vector<16xf32>
    %add3A_1506 = arith.addf %mul3A_1505, %get3A_1018 : vector<16xf32>
    %max3A_1507 = arith.constant 0.000000e+00 : f32
    %max3A_1508 = vector.broadcast %max3A_1507 : f32 to vector<16xf32>
    %max3A_1509 = arith.maximumf %add3A_1506, %max3A_1508 : vector<16xf32>
    %swap3A_1510 = arith.constant 960 : index
    %swap3A_1511 = tpu.vector_load %arg5[%swap3A_1510] {strides = array<i32>} : memref<1216xf32, #tpu.memory_space<vmem>>, vector<16xf32>,
    tpu.vector_store %arg5[%swap3A_1510], %max3A_1509 {strides = array<i32>} : memref<1216xf32, #tpu.memory_space<vmem>>, vector<16xf32>,
    %mul3A_1512 = vector.broadcast %squeeze3A_1002 : f32 to vector<16xf32>
    %mul3A_1513 = arith.mulf %mul3A_1512, %get3A_1012 : vector<16xf32>
    %add3A_1514 = arith.addf %mul3A_1513, %get3A_1020 : vector<16xf32>
    %max3A_1515 = arith.constant 0.000000e+00 : f32
    %max3A_1516 = vector.broadcast %max3A_1515 : f32 to vector<16xf32>
    %max3A_1517 = arith.maximumf %add3A_1514, %max3A_1516 : vector<16xf32>
    %swap3A_1518 = arith.constant 976 : index
    %swap3A_1519 = tpu.vector_load %arg5[%swap3A_1518] {strides = array<i32>} : memref<1216xf32, #tpu.memory_space<vmem>>, vector<16xf32>,
    tpu.vector_store %arg5[%swap3A_1518], %max3A_1517 {strides = array<i32>} : memref<1216xf32, #tpu.memory_space<vmem>>, vector<16xf32>,
    %mul3A_1520 = vector.broadcast %squeeze3A_1002 : f32 to vector<16xf32>
    %mul3A_1521 = arith.mulf %mul3A_1520, %get3A_1014 : vector<16xf32>
    %add3A_1522 = arith.addf %mul3A_1521, %get3A_1022 : vector<16xf32>
    %max3A_1523 = arith.constant 0.000000e+00 : f32
    %max3A_1524 = vector.broadcast %max3A_1523 : f32 to vector<16xf32>
    %max3A_1525 = arith.maximumf %add3A_1522, %max3A_1524 : vector<16xf32>
    %swap3A_1526 = arith.constant 992 : index
    %swap3A_1527 = tpu.vector_load %arg5[%swap3A_1526] {strides = array<i32>} : memref<1216xf32, #tpu.memory_space<vmem>>, vector<16xf32>,
    tpu.vector_store %arg5[%swap3A_1526], %max3A_1525 {strides = array<i32>} : memref<1216xf32, #tpu.memory_space<vmem>>, vector<16xf32>,
    %mul3A_1528 = vector.broadcast %squeeze3A_1002 : f32 to vector<16xf32>
    %mul3A_1529 = arith.mulf %mul3A_1528, %get3A_1016 : vector<16xf32>
    %add3A_1530 = arith.addf %mul3A_1529, %get3A_1024 : vector<16xf32>
    %max3A_1531 = arith.constant 0.000000e+00 : f32
    %max3A_1532 = vector.broadcast %max3A_1531 : f32 to vector<16xf32>
    %max3A_1533 = arith.maximumf %add3A_1530, %max3A_1532 : vector<16xf32>
    %swap3A_1534 = arith.constant 1008 : index
    %swap3A_1535 = tpu.vector_load %arg5[%swap3A_1534] {strides = array<i32>} : memref<1216xf32, #tpu.memory_space<vmem>>, vector<16xf32>,
    tpu.vector_store %arg5[%swap3A_1534], %max3A_1533 {strides = array<i32>} : memref<1216xf32, #tpu.memory_space<vmem>>, vector<16xf32>,
    %mul3A_1536 = vector.broadcast %squeeze3A_1004 : f32 to vector<16xf32>
    %mul3A_1537 = arith.mulf %mul3A_1536, %get3A_1010 : vector<16xf32>
    %add3A_1538 = arith.addf %mul3A_1537, %get3A_1018 : vector<16xf32>
    %max3A_1539 = arith.constant 0.000000e+00 : f32
    %max3A_1540 = vector.broadcast %max3A_1539 : f32 to vector<16xf32>
    %max3A_1541 = arith.maximumf %add3A_1538, %max3A_1540 : vector<16xf32>
    %swap3A_1542 = arith.constant 1024 : index
    %swap3A_1543 = tpu.vector_load %arg5[%swap3A_1542] {strides = array<i32>} : memref<1216xf32, #tpu.memory_space<vmem>>, vector<16xf32>,
    tpu.vector_store %arg5[%swap3A_1542], %max3A_1541 {strides = array<i32>} : memref<1216xf32, #tpu.memory_space<vmem>>, vector<16xf32>,
    %mul3A_1544 = vector.broadcast %squeeze3A_1004 : f32 to vector<16xf32>
    %mul3A_1545 = arith.mulf %mul3A_1544, %get3A_1012 : vector<16xf32>
    %add3A_1546 = arith.addf %mul3A_1545, %get3A_1020 : vector<16xf32>
    %max3A_1547 = arith.constant 0.000000e+00 : f32
    %max3A_1548 = vector.broadcast %max3A_1547 : f32 to vector<16xf32>
    %max3A_1549 = arith.maximumf %add3A_1546, %max3A_1548 : vector<16xf32>
    %swap3A_1550 = arith.constant 1040 : index
    %swap3A_1551 = tpu.vector_load %arg5[%swap3A_1550] {strides = array<i32>} : memref<1216xf32, #tpu.memory_space<vmem>>, vector<16xf32>,
    tpu.vector_store %arg5[%swap3A_1550], %max3A_1549 {strides = array<i32>} : memref<1216xf32, #tpu.memory_space<vmem>>, vector<16xf32>,
    %mul3A_1552 = vector.broadcast %squeeze3A_1004 : f32 to vector<16xf32>
    %mul3A_1553 = arith.mulf %mul3A_1552, %get3A_1014 : vector<16xf32>
    %add3A_1554 = arith.addf %mul3A_1553, %get3A_1022 : vector<16xf32>
    %max3A_1555 = arith.constant 0.000000e+00 : f32
    %max3A_1556 = vector.broadcast %max3A_1555 : f32 to vector<16xf32>
    %max3A_1557 = arith.maximumf %add3A_1554, %max3A_1556 : vector<16xf32>
    %swap3A_1558 = arith.constant 1056 : index
    %swap3A_1559 = tpu.vector_load %arg5[%swap3A_1558] {strides = array<i32>} : memref<1216xf32, #tpu.memory_space<vmem>>, vector<16xf32>,
    tpu.vector_store %arg5[%swap3A_1558], %max3A_1557 {strides = array<i32>} : memref<1216xf32, #tpu.memory_space<vmem>>, vector<16xf32>,
    %mul3A_1560 = vector.broadcast %squeeze3A_1004 : f32 to vector<16xf32>
    %mul3A_1561 = arith.mulf %mul3A_1560, %get3A_1016 : vector<16xf32>
    %add3A_1562 = arith.addf %mul3A_1561, %get3A_1024 : vector<16xf32>
    %max3A_1563 = arith.constant 0.000000e+00 : f32
    %max3A_1564 = vector.broadcast %max3A_1563 : f32 to vector<16xf32>
    %max3A_1565 = arith.maximumf %add3A_1562, %max3A_1564 : vector<16xf32>
    %swap3A_1566 = arith.constant 1072 : index
    %swap3A_1567 = tpu.vector_load %arg5[%swap3A_1566] {strides = array<i32>} : memref<1216xf32, #tpu.memory_space<vmem>>, vector<16xf32>,
    tpu.vector_store %arg5[%swap3A_1566], %max3A_1565 {strides = array<i32>} : memref<1216xf32, #tpu.memory_space<vmem>>, vector<16xf32>,
    %mul3A_1568 = vector.broadcast %squeeze3A_1006 : f32 to vector<16xf32>
    %mul3A_1569 = arith.mulf %mul3A_1568, %get3A_1010 : vector<16xf32>
    %add3A_1570 = arith.addf %mul3A_1569, %get3A_1018 : vector<16xf32>
    %max3A_1571 = arith.constant 0.000000e+00 : f32
    %max3A_1572 = vector.broadcast %max3A_1571 : f32 to vector<16xf32>
    %max3A_1573 = arith.maximumf %add3A_1570, %max3A_1572 : vector<16xf32>
    %swap3A_1574 = arith.constant 1088 : index
    %swap3A_1575 = tpu.vector_load %arg5[%swap3A_1574] {strides = array<i32>} : memref<1216xf32, #tpu.memory_space<vmem>>, vector<16xf32>,
    tpu.vector_store %arg5[%swap3A_1574], %max3A_1573 {strides = array<i32>} : memref<1216xf32, #tpu.memory_space<vmem>>, vector<16xf32>,
    %mul3A_1576 = vector.broadcast %squeeze3A_1006 : f32 to vector<16xf32>
    %mul3A_1577 = arith.mulf %mul3A_1576, %get3A_1012 : vector<16xf32>
    %add3A_1578 = arith.addf %mul3A_1577, %get3A_1020 : vector<16xf32>
    %max3A_1579 = arith.constant 0.000000e+00 : f32
    %max3A_1580 = vector.broadcast %max3A_1579 : f32 to vector<16xf32>
    %max3A_1581 = arith.maximumf %add3A_1578, %max3A_1580 : vector<16xf32>
    %swap3A_1582 = arith.constant 1104 : index
    %swap3A_1583 = tpu.vector_load %arg5[%swap3A_1582] {strides = array<i32>} : memref<1216xf32, #tpu.memory_space<vmem>>, vector<16xf32>,
    tpu.vector_store %arg5[%swap3A_1582], %max3A_1581 {strides = array<i32>} : memref<1216xf32, #tpu.memory_space<vmem>>, vector<16xf32>,
    %mul3A_1584 = vector.broadcast %squeeze3A_1006 : f32 to vector<16xf32>
    %mul3A_1585 = arith.mulf %mul3A_1584, %get3A_1014 : vector<16xf32>
    %add3A_1586 = arith.addf %mul3A_1585, %get3A_1022 : vector<16xf32>
    %max3A_1587 = arith.constant 0.000000e+00 : f32
    %max3A_1588 = vector.broadcast %max3A_1587 : f32 to vector<16xf32>
    %max3A_1589 = arith.maximumf %add3A_1586, %max3A_1588 : vector<16xf32>
    %swap3A_1590 = arith.constant 1120 : index
    %swap3A_1591 = tpu.vector_load %arg5[%swap3A_1590] {strides = array<i32>} : memref<1216xf32, #tpu.memory_space<vmem>>, vector<16xf32>,
    tpu.vector_store %arg5[%swap3A_1590], %max3A_1589 {strides = array<i32>} : memref<1216xf32, #tpu.memory_space<vmem>>, vector<16xf32>,
    %mul3A_1592 = vector.broadcast %squeeze3A_1006 : f32 to vector<16xf32>
    %mul3A_1593 = arith.mulf %mul3A_1592, %get3A_1016 : vector<16xf32>
    %add3A_1594 = arith.addf %mul3A_1593, %get3A_1024 : vector<16xf32>
    %max3A_1595 = arith.constant 0.000000e+00 : f32
    %max3A_1596 = vector.broadcast %max3A_1595 : f32 to vector<16xf32>
    %max3A_1597 = arith.maximumf %add3A_1594, %max3A_1596 : vector<16xf32>
    %swap3A_1598 = arith.constant 1136 : index
    %swap3A_1599 = tpu.vector_load %arg5[%swap3A_1598] {strides = array<i32>} : memref<1216xf32, #tpu.memory_space<vmem>>, vector<16xf32>,
    tpu.vector_store %arg5[%swap3A_1598], %max3A_1597 {strides = array<i32>} : memref<1216xf32, #tpu.memory_space<vmem>>, vector<16xf32>,
    %mul3A_1600 = vector.broadcast %squeeze3A_1008 : f32 to vector<16xf32>
    %mul3A_1601 = arith.mulf %mul3A_1600, %get3A_1010 : vector<16xf32>
    %add3A_1602 = arith.addf %mul3A_1601, %get3A_1018 : vector<16xf32>
    %max3A_1603 = arith.constant 0.000000e+00 : f32
    %max3A_1604 = vector.broadcast %max3A_1603 : f32 to vector<16xf32>
    %max3A_1605 = arith.maximumf %add3A_1602, %max3A_1604 : vector<16xf32>
    %swap3A_1606 = arith.constant 1152 : index
    %swap3A_1607 = tpu.vector_load %arg5[%swap3A_1606] {strides = array<i32>} : memref<1216xf32, #tpu.memory_space<vmem>>, vector<16xf32>,
    tpu.vector_store %arg5[%swap3A_1606], %max3A_1605 {strides = array<i32>} : memref<1216xf32, #tpu.memory_space<vmem>>, vector<16xf32>,
    %mul3A_1608 = vector.broadcast %squeeze3A_1008 : f32 to vector<16xf32>
    %mul3A_1609 = arith.mulf %mul3A_1608, %get3A_1012 : vector<16xf32>
    %add3A_1610 = arith.addf %mul3A_1609, %get3A_1020 : vector<16xf32>
    %max3A_1611 = arith.constant 0.000000e+00 : f32
    %max3A_1612 = vector.broadcast %max3A_1611 : f32 to vector<16xf32>
    %max3A_1613 = arith.maximumf %add3A_1610, %max3A_1612 : vector<16xf32>
    %swap3A_1614 = arith.constant 1168 : index
    %swap3A_1615 = tpu.vector_load %arg5[%swap3A_1614] {strides = array<i32>} : memref<1216xf32, #tpu.memory_space<vmem>>, vector<16xf32>,
    tpu.vector_store %arg5[%swap3A_1614], %max3A_1613 {strides = array<i32>} : memref<1216xf32, #tpu.memory_space<vmem>>, vector<16xf32>,
    %mul3A_1616 = vector.broadcast %squeeze3A_1008 : f32 to vector<16xf32>
    %mul3A_1617 = arith.mulf %mul3A_1616, %get3A_1014 : vector<16xf32>
    %add3A_1618 = arith.addf %mul3A_1617, %get3A_1022 : vector<16xf32>
    %max3A_1619 = arith.constant 0.000000e+00 : f32
    %max3A_1620 = vector.broadcast %max3A_1619 : f32 to vector<16xf32>
    %max3A_1621 = arith.maximumf %add3A_1618, %max3A_1620 : vector<16xf32>
    %swap3A_1622 = arith.constant 1184 : index
    %swap3A_1623 = tpu.vector_load %arg5[%swap3A_1622] {strides = array<i32>} : memref<1216xf32, #tpu.memory_space<vmem>>, vector<16xf32>,
    tpu.vector_store %arg5[%swap3A_1622], %max3A_1621 {strides = array<i32>} : memref<1216xf32, #tpu.memory_space<vmem>>, vector<16xf32>,
    %mul3A_1624 = vector.broadcast %squeeze3A_1008 : f32 to vector<16xf32>
    %mul3A_1625 = arith.mulf %mul3A_1624, %get3A_1016 : vector<16xf32>
    %add3A_1626 = arith.addf %mul3A_1625, %get3A_1024 : vector<16xf32>
    %max3A_1627 = arith.constant 0.000000e+00 : f32
    %max3A_1628 = vector.broadcast %max3A_1627 : f32 to vector<16xf32>
    %max3A_1629 = arith.maximumf %add3A_1626, %max3A_1628 : vector<16xf32>
    %swap3A_1630 = arith.constant 1200 : index
    %swap3A_1631 = tpu.vector_load %arg5[%swap3A_1630] {strides = array<i32>} : memref<1216xf32, #tpu.memory_space<vmem>>, vector<16xf32>,
    tpu.vector_store %arg5[%swap3A_1630], %max3A_1629 {strides = array<i32>} : memref<1216xf32, #tpu.memory_space<vmem>>, vector<16xf32>,
    %dma_wait3A = arith.constant 784 : i32
    %dma_wait3A_1632 = tpu.memref_slice %arg4[%dma_wait3A] : memref<13072xf32, #tpu.memory_space<vmem>> -> memref<12288xf32, #tpu.memory_space<vmem>>
    %dma_wait3A_1633 = arith.constant 784 : i32
    %dma_wait3A_1634 = tpu.memref_slice %arg2[%dma_wait3A_1633] : memref<13072xf32, #tpu.memory_space<hbm>> -> memref<12288xf32, #tpu.memory_space<hbm>>
    %dma_wait3A_1635 = arith.constant 784 : i32
    %dma_wait3A_1636 = tpu.memref_slice %arg4[%dma_wait3A_1635] : memref<13072xf32, #tpu.memory_space<vmem>> -> memref<12288xf32, #tpu.memory_space<vmem>>
    %dma_wait3A_1637 = arith.constant 784 : i32
    %dma_wait3A_1638 = tpu.memref_slice %arg2[%dma_wait3A_1637] : memref<13072xf32, #tpu.memory_space<hbm>> -> memref<12288xf32, #tpu.memory_space<hbm>>
    tpu.wait_dma2 semaphore(%arg11 : memref<!tpu.dma_semaphore, #tpu.memory_space<semaphore_mem>>) src(%dma_wait3A_1638 : memref<12288xf32, #tpu.memory_space<hbm>>) dst(%dma_wait3A_1636 : memref<12288xf32, #tpu.memory_space<vmem>>)
    %get3A_1639 = arith.constant 400 : index
    %get3A_1640 = tpu.vector_load %arg4[%get3A_1639] {strides = array<i32>} : memref<13072xf32, #tpu.memory_space<vmem>>, vector<16xf32>,
    %get3A_1641 = arith.constant 416 : index
    %get3A_1642 = tpu.vector_load %arg4[%get3A_1641] {strides = array<i32>} : memref<13072xf32, #tpu.memory_space<vmem>>, vector<16xf32>,
    %get3A_1643 = arith.constant 432 : index
    %get3A_1644 = tpu.vector_load %arg4[%get3A_1643] {strides = array<i32>} : memref<13072xf32, #tpu.memory_space<vmem>>, vector<16xf32>,
    %get3A_1645 = arith.constant 448 : index
    %get3A_1646 = tpu.vector_load %arg4[%get3A_1645] {strides = array<i32>} : memref<13072xf32, #tpu.memory_space<vmem>>, vector<16xf32>,
    %get3A_1647 = arith.constant 464 : index
    %get3A_1648 = tpu.vector_load %arg4[%get3A_1647] {strides = array<i32>} : memref<13072xf32, #tpu.memory_space<vmem>>, vector<16xf32>,
    %get3A_1649 = arith.constant 480 : index
    %get3A_1650 = tpu.vector_load %arg4[%get3A_1649] {strides = array<i32>} : memref<13072xf32, #tpu.memory_space<vmem>>, vector<16xf32>,
    %get3A_1651 = arith.constant 496 : index
    %get3A_1652 = tpu.vector_load %arg4[%get3A_1651] {strides = array<i32>} : memref<13072xf32, #tpu.memory_space<vmem>>, vector<16xf32>,
    %get3A_1653 = arith.constant 512 : index
    %get3A_1654 = tpu.vector_load %arg4[%get3A_1653] {strides = array<i32>} : memref<13072xf32, #tpu.memory_space<vmem>>, vector<16xf32>,
    %get3A_1655 = arith.constant 528 : index
    %get3A_1656 = tpu.vector_load %arg4[%get3A_1655] {strides = array<i32>} : memref<13072xf32, #tpu.memory_space<vmem>>, vector<16xf32>,
    %get3A_1657 = arith.constant 544 : index
    %get3A_1658 = tpu.vector_load %arg4[%get3A_1657] {strides = array<i32>} : memref<13072xf32, #tpu.memory_space<vmem>>, vector<16xf32>,
    %get3A_1659 = arith.constant 560 : index
    %get3A_1660 = tpu.vector_load %arg4[%get3A_1659] {strides = array<i32>} : memref<13072xf32, #tpu.memory_space<vmem>>, vector<16xf32>,
    %get3A_1661 = arith.constant 576 : index
    %get3A_1662 = tpu.vector_load %arg4[%get3A_1661] {strides = array<i32>} : memref<13072xf32, #tpu.memory_space<vmem>>, vector<16xf32>,
    %get3A_1663 = arith.constant 592 : index
    %get3A_1664 = tpu.vector_load %arg4[%get3A_1663] {strides = array<i32>} : memref<13072xf32, #tpu.memory_space<vmem>>, vector<16xf32>,
    %get3A_1665 = arith.constant 608 : index
    %get3A_1666 = tpu.vector_load %arg4[%get3A_1665] {strides = array<i32>} : memref<13072xf32, #tpu.memory_space<vmem>>, vector<16xf32>,
    %get3A_1667 = arith.constant 624 : index
    %get3A_1668 = tpu.vector_load %arg4[%get3A_1667] {strides = array<i32>} : memref<13072xf32, #tpu.memory_space<vmem>>, vector<16xf32>,
    %get3A_1669 = arith.constant 640 : index
    %get3A_1670 = tpu.vector_load %arg4[%get3A_1669] {strides = array<i32>} : memref<13072xf32, #tpu.memory_space<vmem>>, vector<16xf32>,
    %broadcast_in_dim3A_1671 = arith.constant 64 : i32
    %broadcast_in_dim3A_1672 = vector.broadcast %broadcast_in_dim3A_1671 : i32 to vector<16xi32>
    %mul3A_1673 = vector.broadcast %arg1 : i32 to vector<16xi32>
    %mul3A_1674 = arith.muli %broadcast_in_dim3A_1672, %mul3A_1673 : vector<16xi32>
    %add3A_1675 = arith.constant 1024 : i32
    %add3A_1676 = vector.broadcast %add3A_1675 : i32 to vector<16xi32>
    %add3A_1677 = arith.addi %mul3A_1674, %add3A_1676 : vector<16xi32>
    %scan3A = arith.constant 0 : i32
    %scan3A_1678 = arith.constant 64 : i32
    %scan3A_1679 = arith.addi %scan3A, %scan3A_1678 : i32
    %scan3A_1680 = arith.constant 1 : i32
    %scan3A_1681:8 = scf.for %scan3A_2633 = %scan3A to %scan3A_1679 step %scan3A_1680 iter_args(%scan3A_2634 = %broadcast_in_dim3A_0, %scan3A_2635 = %broadcast_in_dim3A_0, %scan3A_2636 = %broadcast_in_dim3A_0, %scan3A_2637 = %broadcast_in_dim3A_0, %scan3A_2638 = %broadcast_in_dim3A_0, %scan3A_2639 = %broadcast_in_dim3A_0, %scan3A_2640 = %broadcast_in_dim3A_0, %scan3A_2641 = %broadcast_in_dim3A_0) -> (vector<16xf32>, vector<16xf32>, vector<16xf32>, vector<16xf32>, vector<16xf32>, vector<16xf32>, vector<16xf32>, vector<16xf32>)  : i32 {
      %mul3A_2642 = arith.constant 128 : i32
      %mul3A_2643 = arith.muli %scan3A_2633, %mul3A_2642 : i32
      %add3A_2644 = arith.constant 784 : i32
      %add3A_2645 = arith.addi %add3A_2644, %mul3A_2643 : i32
      %add3A_2646 = arith.constant 0 : i32
      %add3A_2647 = arith.addi %add3A_2645, %add3A_2646 : i32
      %multiple_of3A = tpu.assume_multiple %add3A_2647, 16 : i32
      %get3A_2648 = arith.index_cast %multiple_of3A : i32 to index
      %get3A_2649 = tpu.vector_load %arg4[%get3A_2648] {strides = array<i32>} : memref<13072xf32, #tpu.memory_space<vmem>>, vector<16xf32>,
      %mul3A_2650 = arith.constant 128 : i32
      %mul3A_2651 = arith.muli %scan3A_2633, %mul3A_2650 : i32
      %add3A_2652 = arith.constant 784 : i32
      %add3A_2653 = arith.addi %add3A_2652, %mul3A_2651 : i32
      %add3A_2654 = arith.constant 16 : i32
      %add3A_2655 = arith.addi %add3A_2653, %add3A_2654 : i32
      %multiple_of3A_2656 = tpu.assume_multiple %add3A_2655, 16 : i32
      %get3A_2657 = arith.index_cast %multiple_of3A_2656 : i32 to index
      %get3A_2658 = tpu.vector_load %arg4[%get3A_2657] {strides = array<i32>} : memref<13072xf32, #tpu.memory_space<vmem>>, vector<16xf32>,
      %mul3A_2659 = arith.constant 128 : i32
      %mul3A_2660 = arith.muli %scan3A_2633, %mul3A_2659 : i32
      %add3A_2661 = arith.constant 784 : i32
      %add3A_2662 = arith.addi %add3A_2661, %mul3A_2660 : i32
      %add3A_2663 = arith.constant 32 : i32
      %add3A_2664 = arith.addi %add3A_2662, %add3A_2663 : i32
      %multiple_of3A_2665 = tpu.assume_multiple %add3A_2664, 16 : i32
      %get3A_2666 = arith.index_cast %multiple_of3A_2665 : i32 to index
      %get3A_2667 = tpu.vector_load %arg4[%get3A_2666] {strides = array<i32>} : memref<13072xf32, #tpu.memory_space<vmem>>, vector<16xf32>,
      %mul3A_2668 = arith.constant 128 : i32
      %mul3A_2669 = arith.muli %scan3A_2633, %mul3A_2668 : i32
      %add3A_2670 = arith.constant 784 : i32
      %add3A_2671 = arith.addi %add3A_2670, %mul3A_2669 : i32
      %add3A_2672 = arith.constant 48 : i32
      %add3A_2673 = arith.addi %add3A_2671, %add3A_2672 : i32
      %multiple_of3A_2674 = tpu.assume_multiple %add3A_2673, 16 : i32
      %get3A_2675 = arith.index_cast %multiple_of3A_2674 : i32 to index
      %get3A_2676 = tpu.vector_load %arg4[%get3A_2675] {strides = array<i32>} : memref<13072xf32, #tpu.memory_space<vmem>>, vector<16xf32>,
      %mul3A_2677 = arith.constant 128 : i32
      %mul3A_2678 = arith.muli %scan3A_2633, %mul3A_2677 : i32
      %add3A_2679 = arith.constant 784 : i32
      %add3A_2680 = arith.addi %add3A_2679, %mul3A_2678 : i32
      %add3A_2681 = arith.constant 64 : i32
      %add3A_2682 = arith.addi %add3A_2680, %add3A_2681 : i32
      %multiple_of3A_2683 = tpu.assume_multiple %add3A_2682, 16 : i32
      %get3A_2684 = arith.index_cast %multiple_of3A_2683 : i32 to index
      %get3A_2685 = tpu.vector_load %arg4[%get3A_2684] {strides = array<i32>} : memref<13072xf32, #tpu.memory_space<vmem>>, vector<16xf32>,
      %mul3A_2686 = arith.constant 128 : i32
      %mul3A_2687 = arith.muli %scan3A_2633, %mul3A_2686 : i32
      %add3A_2688 = arith.constant 784 : i32
      %add3A_2689 = arith.addi %add3A_2688, %mul3A_2687 : i32
      %add3A_2690 = arith.constant 80 : i32
      %add3A_2691 = arith.addi %add3A_2689, %add3A_2690 : i32
      %multiple_of3A_2692 = tpu.assume_multiple %add3A_2691, 16 : i32
      %get3A_2693 = arith.index_cast %multiple_of3A_2692 : i32 to index
      %get3A_2694 = tpu.vector_load %arg4[%get3A_2693] {strides = array<i32>} : memref<13072xf32, #tpu.memory_space<vmem>>, vector<16xf32>,
      %mul3A_2695 = arith.constant 128 : i32
      %mul3A_2696 = arith.muli %scan3A_2633, %mul3A_2695 : i32
      %add3A_2697 = arith.constant 784 : i32
      %add3A_2698 = arith.addi %add3A_2697, %mul3A_2696 : i32
      %add3A_2699 = arith.constant 96 : i32
      %add3A_2700 = arith.addi %add3A_2698, %add3A_2699 : i32
      %multiple_of3A_2701 = tpu.assume_multiple %add3A_2700, 16 : i32
      %get3A_2702 = arith.index_cast %multiple_of3A_2701 : i32 to index
      %get3A_2703 = tpu.vector_load %arg4[%get3A_2702] {strides = array<i32>} : memref<13072xf32, #tpu.memory_space<vmem>>, vector<16xf32>,
      %mul3A_2704 = arith.constant 128 : i32
      %mul3A_2705 = arith.muli %scan3A_2633, %mul3A_2704 : i32
      %add3A_2706 = arith.constant 784 : i32
      %add3A_2707 = arith.addi %add3A_2706, %mul3A_2705 : i32
      %add3A_2708 = arith.constant 112 : i32
      %add3A_2709 = arith.addi %add3A_2707, %add3A_2708 : i32
      %multiple_of3A_2710 = tpu.assume_multiple %add3A_2709, 16 : i32
      %get3A_2711 = arith.index_cast %multiple_of3A_2710 : i32 to index
      %get3A_2712 = tpu.vector_load %arg4[%get3A_2711] {strides = array<i32>} : memref<13072xf32, #tpu.memory_space<vmem>>, vector<16xf32>,
      %add3A_2713 = vector.broadcast %scan3A_2633 : i32 to vector<16xi32>
      %add3A_2714 = arith.addi %mul3A_1674, %add3A_2713 : vector<16xi32>
      %gather3A_2715 = tpu.vector_load_idx %arg5[%add3A_2714] : memref<1216xf32, #tpu.memory_space<vmem>>[vector<16xi32>], vector<16xf32>,
      %mul3A_2716 = arith.mulf %gather3A_2715, %get3A_2649 : vector<16xf32>
      %add3A_2717 = arith.addf %scan3A_2634, %mul3A_2716 : vector<16xf32>
      %mul3A_2718 = arith.mulf %gather3A_2715, %get3A_2658 : vector<16xf32>
      %add3A_2719 = arith.addf %scan3A_2635, %mul3A_2718 : vector<16xf32>
      %mul3A_2720 = arith.mulf %gather3A_2715, %get3A_2667 : vector<16xf32>
      %add3A_2721 = arith.addf %scan3A_2636, %mul3A_2720 : vector<16xf32>
      %mul3A_2722 = arith.mulf %gather3A_2715, %get3A_2676 : vector<16xf32>
      %add3A_2723 = arith.addf %scan3A_2637, %mul3A_2722 : vector<16xf32>
      %mul3A_2724 = arith.mulf %gather3A_2715, %get3A_2685 : vector<16xf32>
      %add3A_2725 = arith.addf %scan3A_2638, %mul3A_2724 : vector<16xf32>
      %mul3A_2726 = arith.mulf %gather3A_2715, %get3A_2694 : vector<16xf32>
      %add3A_2727 = arith.addf %scan3A_2639, %mul3A_2726 : vector<16xf32>
      %mul3A_2728 = arith.mulf %gather3A_2715, %get3A_2703 : vector<16xf32>
      %add3A_2729 = arith.addf %scan3A_2640, %mul3A_2728 : vector<16xf32>
      %mul3A_2730 = arith.mulf %gather3A_2715, %get3A_2712 : vector<16xf32>
      %add3A_2731 = arith.addf %scan3A_2641, %mul3A_2730 : vector<16xf32>
      scf.yield %add3A_2717, %add3A_2719, %add3A_2721, %add3A_2723, %add3A_2725, %add3A_2727, %add3A_2729, %add3A_2731 : vector<16xf32>, vector<16xf32>, vector<16xf32>, vector<16xf32>, vector<16xf32>, vector<16xf32>, vector<16xf32>, vector<16xf32>
    }
    %scan3A_1682 = arith.constant 64 : i32
    %mul3A_1683 = arith.mulf %scan3A_1681#0, %get3A_1640 : vector<16xf32>
    %mul3A_1684 = arith.mulf %scan3A_1681#0, %get3A_1656 : vector<16xf32>
    %mul3A_1685 = arith.mulf %scan3A_1681#1, %get3A_1642 : vector<16xf32>
    %add3A_1686 = arith.addf %mul3A_1683, %mul3A_1685 : vector<16xf32>
    %mul3A_1687 = arith.mulf %scan3A_1681#1, %get3A_1658 : vector<16xf32>
    %add3A_1688 = arith.addf %mul3A_1684, %mul3A_1687 : vector<16xf32>
    %mul3A_1689 = arith.mulf %scan3A_1681#2, %get3A_1644 : vector<16xf32>
    %add3A_1690 = arith.addf %add3A_1686, %mul3A_1689 : vector<16xf32>
    %mul3A_1691 = arith.mulf %scan3A_1681#2, %get3A_1660 : vector<16xf32>
    %add3A_1692 = arith.addf %add3A_1688, %mul3A_1691 : vector<16xf32>
    %mul3A_1693 = arith.mulf %scan3A_1681#3, %get3A_1646 : vector<16xf32>
    %add3A_1694 = arith.addf %add3A_1690, %mul3A_1693 : vector<16xf32>
    %mul3A_1695 = arith.mulf %scan3A_1681#3, %get3A_1662 : vector<16xf32>
    %add3A_1696 = arith.addf %add3A_1692, %mul3A_1695 : vector<16xf32>
    %mul3A_1697 = arith.mulf %scan3A_1681#4, %get3A_1648 : vector<16xf32>
    %add3A_1698 = arith.addf %add3A_1694, %mul3A_1697 : vector<16xf32>
    %mul3A_1699 = arith.mulf %scan3A_1681#4, %get3A_1664 : vector<16xf32>
    %add3A_1700 = arith.addf %add3A_1696, %mul3A_1699 : vector<16xf32>
    %mul3A_1701 = arith.mulf %scan3A_1681#5, %get3A_1650 : vector<16xf32>
    %add3A_1702 = arith.addf %add3A_1698, %mul3A_1701 : vector<16xf32>
    %mul3A_1703 = arith.mulf %scan3A_1681#5, %get3A_1666 : vector<16xf32>
    %add3A_1704 = arith.addf %add3A_1700, %mul3A_1703 : vector<16xf32>
    %mul3A_1705 = arith.mulf %scan3A_1681#6, %get3A_1652 : vector<16xf32>
    %add3A_1706 = arith.addf %add3A_1702, %mul3A_1705 : vector<16xf32>
    %mul3A_1707 = arith.mulf %scan3A_1681#6, %get3A_1668 : vector<16xf32>
    %add3A_1708 = arith.addf %add3A_1704, %mul3A_1707 : vector<16xf32>
    %mul3A_1709 = arith.mulf %scan3A_1681#7, %get3A_1654 : vector<16xf32>
    %add3A_1710 = arith.addf %add3A_1706, %mul3A_1709 : vector<16xf32>
    %mul3A_1711 = arith.mulf %scan3A_1681#7, %get3A_1670 : vector<16xf32>
    %add3A_1712 = arith.addf %add3A_1708, %mul3A_1711 : vector<16xf32>
    %swap3A_1713 = arith.constant 0 : index
    %swap3A_1714 = tpu.vector_load %arg6[%swap3A_1713] {strides = array<i32>} : memref<768xf32, #tpu.memory_space<vmem>>, vector<16xf32>,
    tpu.vector_store %arg6[%swap3A_1713], %scan3A_1681#0 {strides = array<i32>} : memref<768xf32, #tpu.memory_space<vmem>>, vector<16xf32>,
    %swap3A_1715 = arith.constant 16 : index
    %swap3A_1716 = tpu.vector_load %arg6[%swap3A_1715] {strides = array<i32>} : memref<768xf32, #tpu.memory_space<vmem>>, vector<16xf32>,
    tpu.vector_store %arg6[%swap3A_1715], %scan3A_1681#1 {strides = array<i32>} : memref<768xf32, #tpu.memory_space<vmem>>, vector<16xf32>,
    %swap3A_1717 = arith.constant 32 : index
    %swap3A_1718 = tpu.vector_load %arg6[%swap3A_1717] {strides = array<i32>} : memref<768xf32, #tpu.memory_space<vmem>>, vector<16xf32>,
    tpu.vector_store %arg6[%swap3A_1717], %scan3A_1681#2 {strides = array<i32>} : memref<768xf32, #tpu.memory_space<vmem>>, vector<16xf32>,
    %swap3A_1719 = arith.constant 48 : index
    %swap3A_1720 = tpu.vector_load %arg6[%swap3A_1719] {strides = array<i32>} : memref<768xf32, #tpu.memory_space<vmem>>, vector<16xf32>,
    tpu.vector_store %arg6[%swap3A_1719], %scan3A_1681#3 {strides = array<i32>} : memref<768xf32, #tpu.memory_space<vmem>>, vector<16xf32>,
    %swap3A_1721 = arith.constant 64 : index
    %swap3A_1722 = tpu.vector_load %arg6[%swap3A_1721] {strides = array<i32>} : memref<768xf32, #tpu.memory_space<vmem>>, vector<16xf32>,
    tpu.vector_store %arg6[%swap3A_1721], %scan3A_1681#4 {strides = array<i32>} : memref<768xf32, #tpu.memory_space<vmem>>, vector<16xf32>,
    %swap3A_1723 = arith.constant 80 : index
    %swap3A_1724 = tpu.vector_load %arg6[%swap3A_1723] {strides = array<i32>} : memref<768xf32, #tpu.memory_space<vmem>>, vector<16xf32>,
    tpu.vector_store %arg6[%swap3A_1723], %scan3A_1681#5 {strides = array<i32>} : memref<768xf32, #tpu.memory_space<vmem>>, vector<16xf32>,
    %swap3A_1725 = arith.constant 96 : index
    %swap3A_1726 = tpu.vector_load %arg6[%swap3A_1725] {strides = array<i32>} : memref<768xf32, #tpu.memory_space<vmem>>, vector<16xf32>,
    tpu.vector_store %arg6[%swap3A_1725], %scan3A_1681#6 {strides = array<i32>} : memref<768xf32, #tpu.memory_space<vmem>>, vector<16xf32>,
    %swap3A_1727 = arith.constant 112 : index
    %swap3A_1728 = tpu.vector_load %arg6[%swap3A_1727] {strides = array<i32>} : memref<768xf32, #tpu.memory_space<vmem>>, vector<16xf32>,
    tpu.vector_store %arg6[%swap3A_1727], %scan3A_1681#7 {strides = array<i32>} : memref<768xf32, #tpu.memory_space<vmem>>, vector<16xf32>,
    %eq3A = arith.constant 0 : i32
    %eq3A_1729 = vector.broadcast %eq3A : i32 to vector<16xi32>
    %eq3A_1730 = arith.cmpi eq, %iota3A, %eq3A_1729 : vector<16xi32>
    %iota3A_1731 = tpu.iota {dimensions = array<i32: 0>} : vector<16xi32>
    %xor3A_1732 = arith.constant 8 : i32
    %xor3A_1733 = vector.broadcast %xor3A_1732 : i32 to vector<16xi32>
    %xor3A_1734 = arith.xori %iota3A_1731, %xor3A_1733 : vector<16xi32>
    %lt3A_1735 = arith.constant 0 : i32
    %lt3A_1736 = vector.broadcast %lt3A_1735 : i32 to vector<16xi32>
    %lt3A_1737 = arith.cmpi slt, %xor3A_1734, %lt3A_1736 : vector<16xi32>
    %add3A_1738 = arith.constant 16 : i32
    %add3A_1739 = vector.broadcast %add3A_1738 : i32 to vector<16xi32>
    %add3A_1740 = arith.addi %xor3A_1734, %add3A_1739 : vector<16xi32>
    %select_n3A_1741 = arith.select %lt3A_1737, %add3A_1740, %xor3A_1734 : vector<16xi1>, vector<16xi32>
    %broadcast_in_dim3A_1742 = vector.shape_cast %select_n3A_1741 : vector<16xi32> to vector<16x1xi32>
    %gather3A_1743 = vector.shape_cast %broadcast_in_dim3A_1742 : vector<16x1xi32> to vector<16xi32>
    %gather3A_1744 = tpu.dynamic_gather %add3A_1710[%gather3A_1743] in [0] : vector<16xf32>, vector<16xi32> -> vector<16xf32>
    %add3A_1745 = arith.addf %add3A_1710, %gather3A_1744 : vector<16xf32>
    %xor3A_1746 = arith.constant 4 : i32
    %xor3A_1747 = vector.broadcast %xor3A_1746 : i32 to vector<16xi32>
    %xor3A_1748 = arith.xori %iota3A_1731, %xor3A_1747 : vector<16xi32>
    %lt3A_1749 = arith.constant 0 : i32
    %lt3A_1750 = vector.broadcast %lt3A_1749 : i32 to vector<16xi32>
    %lt3A_1751 = arith.cmpi slt, %xor3A_1748, %lt3A_1750 : vector<16xi32>
    %add3A_1752 = arith.constant 16 : i32
    %add3A_1753 = vector.broadcast %add3A_1752 : i32 to vector<16xi32>
    %add3A_1754 = arith.addi %xor3A_1748, %add3A_1753 : vector<16xi32>
    %select_n3A_1755 = arith.select %lt3A_1751, %add3A_1754, %xor3A_1748 : vector<16xi1>, vector<16xi32>
    %broadcast_in_dim3A_1756 = vector.shape_cast %select_n3A_1755 : vector<16xi32> to vector<16x1xi32>
    %gather3A_1757 = vector.shape_cast %broadcast_in_dim3A_1756 : vector<16x1xi32> to vector<16xi32>
    %gather3A_1758 = tpu.dynamic_gather %add3A_1745[%gather3A_1757] in [0] : vector<16xf32>, vector<16xi32> -> vector<16xf32>
    %add3A_1759 = arith.addf %add3A_1745, %gather3A_1758 : vector<16xf32>
    %xor3A_1760 = arith.constant 2 : i32
    %xor3A_1761 = vector.broadcast %xor3A_1760 : i32 to vector<16xi32>
    %xor3A_1762 = arith.xori %iota3A_1731, %xor3A_1761 : vector<16xi32>
    %lt3A_1763 = arith.constant 0 : i32
    %lt3A_1764 = vector.broadcast %lt3A_1763 : i32 to vector<16xi32>
    %lt3A_1765 = arith.cmpi slt, %xor3A_1762, %lt3A_1764 : vector<16xi32>
    %add3A_1766 = arith.constant 16 : i32
    %add3A_1767 = vector.broadcast %add3A_1766 : i32 to vector<16xi32>
    %add3A_1768 = arith.addi %xor3A_1762, %add3A_1767 : vector<16xi32>
    %select_n3A_1769 = arith.select %lt3A_1765, %add3A_1768, %xor3A_1762 : vector<16xi1>, vector<16xi32>
    %broadcast_in_dim3A_1770 = vector.shape_cast %select_n3A_1769 : vector<16xi32> to vector<16x1xi32>
    %gather3A_1771 = vector.shape_cast %broadcast_in_dim3A_1770 : vector<16x1xi32> to vector<16xi32>
    %gather3A_1772 = tpu.dynamic_gather %add3A_1759[%gather3A_1771] in [0] : vector<16xf32>, vector<16xi32> -> vector<16xf32>
    %add3A_1773 = arith.addf %add3A_1759, %gather3A_1772 : vector<16xf32>
    %xor3A_1774 = arith.constant 1 : i32
    %xor3A_1775 = vector.broadcast %xor3A_1774 : i32 to vector<16xi32>
    %xor3A_1776 = arith.xori %iota3A_1731, %xor3A_1775 : vector<16xi32>
    %lt3A_1777 = arith.constant 0 : i32
    %lt3A_1778 = vector.broadcast %lt3A_1777 : i32 to vector<16xi32>
    %lt3A_1779 = arith.cmpi slt, %xor3A_1776, %lt3A_1778 : vector<16xi32>
    %add3A_1780 = arith.constant 16 : i32
    %add3A_1781 = vector.broadcast %add3A_1780 : i32 to vector<16xi32>
    %add3A_1782 = arith.addi %xor3A_1776, %add3A_1781 : vector<16xi32>
    %select_n3A_1783 = arith.select %lt3A_1779, %add3A_1782, %xor3A_1776 : vector<16xi1>, vector<16xi32>
    %broadcast_in_dim3A_1784 = vector.shape_cast %select_n3A_1783 : vector<16xi32> to vector<16x1xi32>
    %gather3A_1785 = vector.shape_cast %broadcast_in_dim3A_1784 : vector<16x1xi32> to vector<16xi32>
    %gather3A_1786 = tpu.dynamic_gather %add3A_1773[%gather3A_1785] in [0] : vector<16xf32>, vector<16xi32> -> vector<16xf32>
    %add3A_1787 = arith.addf %add3A_1773, %gather3A_1786 : vector<16xf32>
    %slice3A_1788 = vector.extract_strided_slice %add3A_1787 {offsets = [0], sizes = [1], strides = [1]} : vector<16xf32> to vector<1xf32>
    %squeeze3A_1789 = vector.extract %slice3A_1788[0] : f32 from vector<1xf32>
    %jit3A = arith.constant 0.000000e+00 : f32
    %broadcast_in_dim3A_1790 = vector.broadcast %squeeze3A_1789 : f32 to vector<16xf32>
    %broadcast_in_dim3A_1791 = vector.broadcast %jit3A : f32 to vector<16xf32>
    %select_n3A_1792 = arith.select %eq3A_1730, %broadcast_in_dim3A_1790, %broadcast_in_dim3A_1791 : vector<16xi1>, vector<16xf32>
    %add3A_1793 = arith.addf %broadcast_in_dim3A_0, %select_n3A_1792 : vector<16xf32>
    %eq3A_1794 = arith.constant 1 : i32
    %eq3A_1795 = vector.broadcast %eq3A_1794 : i32 to vector<16xi32>
    %eq3A_1796 = arith.cmpi eq, %iota3A, %eq3A_1795 : vector<16xi32>
    %iota3A_1797 = tpu.iota {dimensions = array<i32: 0>} : vector<16xi32>
    %xor3A_1798 = arith.constant 8 : i32
    %xor3A_1799 = vector.broadcast %xor3A_1798 : i32 to vector<16xi32>
    %xor3A_1800 = arith.xori %iota3A_1797, %xor3A_1799 : vector<16xi32>
    %lt3A_1801 = arith.constant 0 : i32
    %lt3A_1802 = vector.broadcast %lt3A_1801 : i32 to vector<16xi32>
    %lt3A_1803 = arith.cmpi slt, %xor3A_1800, %lt3A_1802 : vector<16xi32>
    %add3A_1804 = arith.constant 16 : i32
    %add3A_1805 = vector.broadcast %add3A_1804 : i32 to vector<16xi32>
    %add3A_1806 = arith.addi %xor3A_1800, %add3A_1805 : vector<16xi32>
    %select_n3A_1807 = arith.select %lt3A_1803, %add3A_1806, %xor3A_1800 : vector<16xi1>, vector<16xi32>
    %broadcast_in_dim3A_1808 = vector.shape_cast %select_n3A_1807 : vector<16xi32> to vector<16x1xi32>
    %gather3A_1809 = vector.shape_cast %broadcast_in_dim3A_1808 : vector<16x1xi32> to vector<16xi32>
    %gather3A_1810 = tpu.dynamic_gather %add3A_1712[%gather3A_1809] in [0] : vector<16xf32>, vector<16xi32> -> vector<16xf32>
    %add3A_1811 = arith.addf %add3A_1712, %gather3A_1810 : vector<16xf32>
    %xor3A_1812 = arith.constant 4 : i32
    %xor3A_1813 = vector.broadcast %xor3A_1812 : i32 to vector<16xi32>
    %xor3A_1814 = arith.xori %iota3A_1797, %xor3A_1813 : vector<16xi32>
    %lt3A_1815 = arith.constant 0 : i32
    %lt3A_1816 = vector.broadcast %lt3A_1815 : i32 to vector<16xi32>
    %lt3A_1817 = arith.cmpi slt, %xor3A_1814, %lt3A_1816 : vector<16xi32>
    %add3A_1818 = arith.constant 16 : i32
    %add3A_1819 = vector.broadcast %add3A_1818 : i32 to vector<16xi32>
    %add3A_1820 = arith.addi %xor3A_1814, %add3A_1819 : vector<16xi32>
    %select_n3A_1821 = arith.select %lt3A_1817, %add3A_1820, %xor3A_1814 : vector<16xi1>, vector<16xi32>
    %broadcast_in_dim3A_1822 = vector.shape_cast %select_n3A_1821 : vector<16xi32> to vector<16x1xi32>
    %gather3A_1823 = vector.shape_cast %broadcast_in_dim3A_1822 : vector<16x1xi32> to vector<16xi32>
    %gather3A_1824 = tpu.dynamic_gather %add3A_1811[%gather3A_1823] in [0] : vector<16xf32>, vector<16xi32> -> vector<16xf32>
    %add3A_1825 = arith.addf %add3A_1811, %gather3A_1824 : vector<16xf32>
    %xor3A_1826 = arith.constant 2 : i32
    %xor3A_1827 = vector.broadcast %xor3A_1826 : i32 to vector<16xi32>
    %xor3A_1828 = arith.xori %iota3A_1797, %xor3A_1827 : vector<16xi32>
    %lt3A_1829 = arith.constant 0 : i32
    %lt3A_1830 = vector.broadcast %lt3A_1829 : i32 to vector<16xi32>
    %lt3A_1831 = arith.cmpi slt, %xor3A_1828, %lt3A_1830 : vector<16xi32>
    %add3A_1832 = arith.constant 16 : i32
    %add3A_1833 = vector.broadcast %add3A_1832 : i32 to vector<16xi32>
    %add3A_1834 = arith.addi %xor3A_1828, %add3A_1833 : vector<16xi32>
    %select_n3A_1835 = arith.select %lt3A_1831, %add3A_1834, %xor3A_1828 : vector<16xi1>, vector<16xi32>
    %broadcast_in_dim3A_1836 = vector.shape_cast %select_n3A_1835 : vector<16xi32> to vector<16x1xi32>
    %gather3A_1837 = vector.shape_cast %broadcast_in_dim3A_1836 : vector<16x1xi32> to vector<16xi32>
    %gather3A_1838 = tpu.dynamic_gather %add3A_1825[%gather3A_1837] in [0] : vector<16xf32>, vector<16xi32> -> vector<16xf32>
    %add3A_1839 = arith.addf %add3A_1825, %gather3A_1838 : vector<16xf32>
    %xor3A_1840 = arith.constant 1 : i32
    %xor3A_1841 = vector.broadcast %xor3A_1840 : i32 to vector<16xi32>
    %xor3A_1842 = arith.xori %iota3A_1797, %xor3A_1841 : vector<16xi32>
    %lt3A_1843 = arith.constant 0 : i32
    %lt3A_1844 = vector.broadcast %lt3A_1843 : i32 to vector<16xi32>
    %lt3A_1845 = arith.cmpi slt, %xor3A_1842, %lt3A_1844 : vector<16xi32>
    %add3A_1846 = arith.constant 16 : i32
    %add3A_1847 = vector.broadcast %add3A_1846 : i32 to vector<16xi32>
    %add3A_1848 = arith.addi %xor3A_1842, %add3A_1847 : vector<16xi32>
    %select_n3A_1849 = arith.select %lt3A_1845, %add3A_1848, %xor3A_1842 : vector<16xi1>, vector<16xi32>
    %broadcast_in_dim3A_1850 = vector.shape_cast %select_n3A_1849 : vector<16xi32> to vector<16x1xi32>
    %gather3A_1851 = vector.shape_cast %broadcast_in_dim3A_1850 : vector<16x1xi32> to vector<16xi32>
    %gather3A_1852 = tpu.dynamic_gather %add3A_1839[%gather3A_1851] in [0] : vector<16xf32>, vector<16xi32> -> vector<16xf32>
    %add3A_1853 = arith.addf %add3A_1839, %gather3A_1852 : vector<16xf32>
    %slice3A_1854 = vector.extract_strided_slice %add3A_1853 {offsets = [0], sizes = [1], strides = [1]} : vector<16xf32> to vector<1xf32>
    %squeeze3A_1855 = vector.extract %slice3A_1854[0] : f32 from vector<1xf32>
    %jit3A_1856 = arith.constant 0.000000e+00 : f32
    %broadcast_in_dim3A_1857 = vector.broadcast %squeeze3A_1855 : f32 to vector<16xf32>
    %broadcast_in_dim3A_1858 = vector.broadcast %jit3A_1856 : f32 to vector<16xf32>
    %select_n3A_1859 = arith.select %eq3A_1796, %broadcast_in_dim3A_1857, %broadcast_in_dim3A_1858 : vector<16xi1>, vector<16xf32>
    %add3A_1860 = arith.addf %add3A_1793, %select_n3A_1859 : vector<16xf32>
    %lt3A_1861 = arith.constant 3 : i32
    %lt3A_1862 = arith.cmpi slt, %arg1, %lt3A_1861 : i32
    %convert_element_type3A = arith.extui %lt3A_1862 : i1 to i32
    %cond3A = arith.constant 0 : i32
    %cond3A_1863 = arith.cmpi ne, %convert_element_type3A, %cond3A : i32
    scf.if %cond3A_1863 {
      %scan3A_2633 = arith.constant 0 : i32
      %scan3A_2634 = arith.constant 64 : i32
      %scan3A_2635 = arith.addi %scan3A_2633, %scan3A_2634 : i32
      %scan3A_2636 = arith.constant 1 : i32
      %scan3A_2637:8 = scf.for %scan3A_2821 = %scan3A_2633 to %scan3A_2635 step %scan3A_2636 iter_args(%scan3A_2822 = %broadcast_in_dim3A_0, %scan3A_2823 = %broadcast_in_dim3A_0, %scan3A_2824 = %broadcast_in_dim3A_0, %scan3A_2825 = %broadcast_in_dim3A_0, %scan3A_2826 = %broadcast_in_dim3A_0, %scan3A_2827 = %broadcast_in_dim3A_0, %scan3A_2828 = %broadcast_in_dim3A_0, %scan3A_2829 = %broadcast_in_dim3A_0) -> (vector<16xf32>, vector<16xf32>, vector<16xf32>, vector<16xf32>, vector<16xf32>, vector<16xf32>, vector<16xf32>, vector<16xf32>)  : i32 {
        %mul3A_2830 = arith.constant 128 : i32
        %mul3A_2831 = arith.muli %scan3A_2821, %mul3A_2830 : i32
        %add3A_2832 = arith.constant 784 : i32
        %add3A_2833 = arith.addi %add3A_2832, %mul3A_2831 : i32
        %add3A_2834 = arith.constant 0 : i32
        %add3A_2835 = arith.addi %add3A_2833, %add3A_2834 : i32
        %multiple_of3A = tpu.assume_multiple %add3A_2835, 16 : i32
        %get3A_2836 = arith.index_cast %multiple_of3A : i32 to index
        %get3A_2837 = tpu.vector_load %arg4[%get3A_2836] {strides = array<i32>} : memref<13072xf32, #tpu.memory_space<vmem>>, vector<16xf32>,
        %mul3A_2838 = arith.constant 128 : i32
        %mul3A_2839 = arith.muli %scan3A_2821, %mul3A_2838 : i32
        %add3A_2840 = arith.constant 784 : i32
        %add3A_2841 = arith.addi %add3A_2840, %mul3A_2839 : i32
        %add3A_2842 = arith.constant 16 : i32
        %add3A_2843 = arith.addi %add3A_2841, %add3A_2842 : i32
        %multiple_of3A_2844 = tpu.assume_multiple %add3A_2843, 16 : i32
        %get3A_2845 = arith.index_cast %multiple_of3A_2844 : i32 to index
        %get3A_2846 = tpu.vector_load %arg4[%get3A_2845] {strides = array<i32>} : memref<13072xf32, #tpu.memory_space<vmem>>, vector<16xf32>,
        %mul3A_2847 = arith.constant 128 : i32
        %mul3A_2848 = arith.muli %scan3A_2821, %mul3A_2847 : i32
        %add3A_2849 = arith.constant 784 : i32
        %add3A_2850 = arith.addi %add3A_2849, %mul3A_2848 : i32
        %add3A_2851 = arith.constant 32 : i32
        %add3A_2852 = arith.addi %add3A_2850, %add3A_2851 : i32
        %multiple_of3A_2853 = tpu.assume_multiple %add3A_2852, 16 : i32
        %get3A_2854 = arith.index_cast %multiple_of3A_2853 : i32 to index
        %get3A_2855 = tpu.vector_load %arg4[%get3A_2854] {strides = array<i32>} : memref<13072xf32, #tpu.memory_space<vmem>>, vector<16xf32>,
        %mul3A_2856 = arith.constant 128 : i32
        %mul3A_2857 = arith.muli %scan3A_2821, %mul3A_2856 : i32
        %add3A_2858 = arith.constant 784 : i32
        %add3A_2859 = arith.addi %add3A_2858, %mul3A_2857 : i32
        %add3A_2860 = arith.constant 48 : i32
        %add3A_2861 = arith.addi %add3A_2859, %add3A_2860 : i32
        %multiple_of3A_2862 = tpu.assume_multiple %add3A_2861, 16 : i32
        %get3A_2863 = arith.index_cast %multiple_of3A_2862 : i32 to index
        %get3A_2864 = tpu.vector_load %arg4[%get3A_2863] {strides = array<i32>} : memref<13072xf32, #tpu.memory_space<vmem>>, vector<16xf32>,
        %mul3A_2865 = arith.constant 128 : i32
        %mul3A_2866 = arith.muli %scan3A_2821, %mul3A_2865 : i32
        %add3A_2867 = arith.constant 784 : i32
        %add3A_2868 = arith.addi %add3A_2867, %mul3A_2866 : i32
        %add3A_2869 = arith.constant 64 : i32
        %add3A_2870 = arith.addi %add3A_2868, %add3A_2869 : i32
        %multiple_of3A_2871 = tpu.assume_multiple %add3A_2870, 16 : i32
        %get3A_2872 = arith.index_cast %multiple_of3A_2871 : i32 to index
        %get3A_2873 = tpu.vector_load %arg4[%get3A_2872] {strides = array<i32>} : memref<13072xf32, #tpu.memory_space<vmem>>, vector<16xf32>,
        %mul3A_2874 = arith.constant 128 : i32
        %mul3A_2875 = arith.muli %scan3A_2821, %mul3A_2874 : i32
        %add3A_2876 = arith.constant 784 : i32
        %add3A_2877 = arith.addi %add3A_2876, %mul3A_2875 : i32
        %add3A_2878 = arith.constant 80 : i32
        %add3A_2879 = arith.addi %add3A_2877, %add3A_2878 : i32
        %multiple_of3A_2880 = tpu.assume_multiple %add3A_2879, 16 : i32
        %get3A_2881 = arith.index_cast %multiple_of3A_2880 : i32 to index
        %get3A_2882 = tpu.vector_load %arg4[%get3A_2881] {strides = array<i32>} : memref<13072xf32, #tpu.memory_space<vmem>>, vector<16xf32>,
        %mul3A_2883 = arith.constant 128 : i32
        %mul3A_2884 = arith.muli %scan3A_2821, %mul3A_2883 : i32
        %add3A_2885 = arith.constant 784 : i32
        %add3A_2886 = arith.addi %add3A_2885, %mul3A_2884 : i32
        %add3A_2887 = arith.constant 96 : i32
        %add3A_2888 = arith.addi %add3A_2886, %add3A_2887 : i32
        %multiple_of3A_2889 = tpu.assume_multiple %add3A_2888, 16 : i32
        %get3A_2890 = arith.index_cast %multiple_of3A_2889 : i32 to index
        %get3A_2891 = tpu.vector_load %arg4[%get3A_2890] {strides = array<i32>} : memref<13072xf32, #tpu.memory_space<vmem>>, vector<16xf32>,
        %mul3A_2892 = arith.constant 128 : i32
        %mul3A_2893 = arith.muli %scan3A_2821, %mul3A_2892 : i32
        %add3A_2894 = arith.constant 784 : i32
        %add3A_2895 = arith.addi %add3A_2894, %mul3A_2893 : i32
        %add3A_2896 = arith.constant 112 : i32
        %add3A_2897 = arith.addi %add3A_2895, %add3A_2896 : i32
        %multiple_of3A_2898 = tpu.assume_multiple %add3A_2897, 16 : i32
        %get3A_2899 = arith.index_cast %multiple_of3A_2898 : i32 to index
        %get3A_2900 = tpu.vector_load %arg4[%get3A_2899] {strides = array<i32>} : memref<13072xf32, #tpu.memory_space<vmem>>, vector<16xf32>,
        %add3A_2901 = vector.broadcast %scan3A_2821 : i32 to vector<16xi32>
        %add3A_2902 = arith.addi %add3A_1677, %add3A_2901 : vector<16xi32>
        %gather3A_2903 = tpu.vector_load_idx %arg5[%add3A_2902] : memref<1216xf32, #tpu.memory_space<vmem>>[vector<16xi32>], vector<16xf32>,
        %mul3A_2904 = arith.mulf %gather3A_2903, %get3A_2837 : vector<16xf32>
        %add3A_2905 = arith.addf %scan3A_2822, %mul3A_2904 : vector<16xf32>
        %mul3A_2906 = arith.mulf %gather3A_2903, %get3A_2846 : vector<16xf32>
        %add3A_2907 = arith.addf %scan3A_2823, %mul3A_2906 : vector<16xf32>
        %mul3A_2908 = arith.mulf %gather3A_2903, %get3A_2855 : vector<16xf32>
        %add3A_2909 = arith.addf %scan3A_2824, %mul3A_2908 : vector<16xf32>
        %mul3A_2910 = arith.mulf %gather3A_2903, %get3A_2864 : vector<16xf32>
        %add3A_2911 = arith.addf %scan3A_2825, %mul3A_2910 : vector<16xf32>
        %mul3A_2912 = arith.mulf %gather3A_2903, %get3A_2873 : vector<16xf32>
        %add3A_2913 = arith.addf %scan3A_2826, %mul3A_2912 : vector<16xf32>
        %mul3A_2914 = arith.mulf %gather3A_2903, %get3A_2882 : vector<16xf32>
        %add3A_2915 = arith.addf %scan3A_2827, %mul3A_2914 : vector<16xf32>
        %mul3A_2916 = arith.mulf %gather3A_2903, %get3A_2891 : vector<16xf32>
        %add3A_2917 = arith.addf %scan3A_2828, %mul3A_2916 : vector<16xf32>
        %mul3A_2918 = arith.mulf %gather3A_2903, %get3A_2900 : vector<16xf32>
        %add3A_2919 = arith.addf %scan3A_2829, %mul3A_2918 : vector<16xf32>
        scf.yield %add3A_2905, %add3A_2907, %add3A_2909, %add3A_2911, %add3A_2913, %add3A_2915, %add3A_2917, %add3A_2919 : vector<16xf32>, vector<16xf32>, vector<16xf32>, vector<16xf32>, vector<16xf32>, vector<16xf32>, vector<16xf32>, vector<16xf32>
      }
      %scan3A_2638 = arith.constant 64 : i32
      %mul3A_2639 = arith.mulf %scan3A_2637#0, %get3A_1640 : vector<16xf32>
      %mul3A_2640 = arith.mulf %scan3A_2637#0, %get3A_1656 : vector<16xf32>
      %mul3A_2641 = arith.mulf %scan3A_2637#1, %get3A_1642 : vector<16xf32>
      %add3A_2642 = arith.addf %mul3A_2639, %mul3A_2641 : vector<16xf32>
      %mul3A_2643 = arith.mulf %scan3A_2637#1, %get3A_1658 : vector<16xf32>
      %add3A_2644 = arith.addf %mul3A_2640, %mul3A_2643 : vector<16xf32>
      %mul3A_2645 = arith.mulf %scan3A_2637#2, %get3A_1644 : vector<16xf32>
      %add3A_2646 = arith.addf %add3A_2642, %mul3A_2645 : vector<16xf32>
      %mul3A_2647 = arith.mulf %scan3A_2637#2, %get3A_1660 : vector<16xf32>
      %add3A_2648 = arith.addf %add3A_2644, %mul3A_2647 : vector<16xf32>
      %mul3A_2649 = arith.mulf %scan3A_2637#3, %get3A_1646 : vector<16xf32>
      %add3A_2650 = arith.addf %add3A_2646, %mul3A_2649 : vector<16xf32>
      %mul3A_2651 = arith.mulf %scan3A_2637#3, %get3A_1662 : vector<16xf32>
      %add3A_2652 = arith.addf %add3A_2648, %mul3A_2651 : vector<16xf32>
      %mul3A_2653 = arith.mulf %scan3A_2637#4, %get3A_1648 : vector<16xf32>
      %add3A_2654 = arith.addf %add3A_2650, %mul3A_2653 : vector<16xf32>
      %mul3A_2655 = arith.mulf %scan3A_2637#4, %get3A_1664 : vector<16xf32>
      %add3A_2656 = arith.addf %add3A_2652, %mul3A_2655 : vector<16xf32>
      %mul3A_2657 = arith.mulf %scan3A_2637#5, %get3A_1650 : vector<16xf32>
      %add3A_2658 = arith.addf %add3A_2654, %mul3A_2657 : vector<16xf32>
      %mul3A_2659 = arith.mulf %scan3A_2637#5, %get3A_1666 : vector<16xf32>
      %add3A_2660 = arith.addf %add3A_2656, %mul3A_2659 : vector<16xf32>
      %mul3A_2661 = arith.mulf %scan3A_2637#6, %get3A_1652 : vector<16xf32>
      %add3A_2662 = arith.addf %add3A_2658, %mul3A_2661 : vector<16xf32>
      %mul3A_2663 = arith.mulf %scan3A_2637#6, %get3A_1668 : vector<16xf32>
      %add3A_2664 = arith.addf %add3A_2660, %mul3A_2663 : vector<16xf32>
      %mul3A_2665 = arith.mulf %scan3A_2637#7, %get3A_1654 : vector<16xf32>
      %add3A_2666 = arith.addf %add3A_2662, %mul3A_2665 : vector<16xf32>
      %mul3A_2667 = arith.mulf %scan3A_2637#7, %get3A_1670 : vector<16xf32>
      %add3A_2668 = arith.addf %add3A_2664, %mul3A_2667 : vector<16xf32>
      %swap3A_2669 = arith.constant 128 : index
      %swap3A_2670 = tpu.vector_load %arg6[%swap3A_2669] {strides = array<i32>} : memref<768xf32, #tpu.memory_space<vmem>>, vector<16xf32>,
      tpu.vector_store %arg6[%swap3A_2669], %scan3A_2637#0 {strides = array<i32>} : memref<768xf32, #tpu.memory_space<vmem>>, vector<16xf32>,
      %swap3A_2671 = arith.constant 144 : index
      %swap3A_2672 = tpu.vector_load %arg6[%swap3A_2671] {strides = array<i32>} : memref<768xf32, #tpu.memory_space<vmem>>, vector<16xf32>,
      tpu.vector_store %arg6[%swap3A_2671], %scan3A_2637#1 {strides = array<i32>} : memref<768xf32, #tpu.memory_space<vmem>>, vector<16xf32>,
      %swap3A_2673 = arith.constant 160 : index
      %swap3A_2674 = tpu.vector_load %arg6[%swap3A_2673] {strides = array<i32>} : memref<768xf32, #tpu.memory_space<vmem>>, vector<16xf32>,
      tpu.vector_store %arg6[%swap3A_2673], %scan3A_2637#2 {strides = array<i32>} : memref<768xf32, #tpu.memory_space<vmem>>, vector<16xf32>,
      %swap3A_2675 = arith.constant 176 : index
      %swap3A_2676 = tpu.vector_load %arg6[%swap3A_2675] {strides = array<i32>} : memref<768xf32, #tpu.memory_space<vmem>>, vector<16xf32>,
      tpu.vector_store %arg6[%swap3A_2675], %scan3A_2637#3 {strides = array<i32>} : memref<768xf32, #tpu.memory_space<vmem>>, vector<16xf32>,
      %swap3A_2677 = arith.constant 192 : index
      %swap3A_2678 = tpu.vector_load %arg6[%swap3A_2677] {strides = array<i32>} : memref<768xf32, #tpu.memory_space<vmem>>, vector<16xf32>,
      tpu.vector_store %arg6[%swap3A_2677], %scan3A_2637#4 {strides = array<i32>} : memref<768xf32, #tpu.memory_space<vmem>>, vector<16xf32>,
      %swap3A_2679 = arith.constant 208 : index
      %swap3A_2680 = tpu.vector_load %arg6[%swap3A_2679] {strides = array<i32>} : memref<768xf32, #tpu.memory_space<vmem>>, vector<16xf32>,
      tpu.vector_store %arg6[%swap3A_2679], %scan3A_2637#5 {strides = array<i32>} : memref<768xf32, #tpu.memory_space<vmem>>, vector<16xf32>,
      %swap3A_2681 = arith.constant 224 : index
      %swap3A_2682 = tpu.vector_load %arg6[%swap3A_2681] {strides = array<i32>} : memref<768xf32, #tpu.memory_space<vmem>>, vector<16xf32>,
      tpu.vector_store %arg6[%swap3A_2681], %scan3A_2637#6 {strides = array<i32>} : memref<768xf32, #tpu.memory_space<vmem>>, vector<16xf32>,
      %swap3A_2683 = arith.constant 240 : index
      %swap3A_2684 = tpu.vector_load %arg6[%swap3A_2683] {strides = array<i32>} : memref<768xf32, #tpu.memory_space<vmem>>, vector<16xf32>,
      tpu.vector_store %arg6[%swap3A_2683], %scan3A_2637#7 {strides = array<i32>} : memref<768xf32, #tpu.memory_space<vmem>>, vector<16xf32>,
      %eq3A_2685 = arith.constant 2 : i32
      %eq3A_2686 = vector.broadcast %eq3A_2685 : i32 to vector<16xi32>
      %eq3A_2687 = arith.cmpi eq, %iota3A, %eq3A_2686 : vector<16xi32>
      %iota3A_2688 = tpu.iota {dimensions = array<i32: 0>} : vector<16xi32>
      %xor3A_2689 = arith.constant 8 : i32
      %xor3A_2690 = vector.broadcast %xor3A_2689 : i32 to vector<16xi32>
      %xor3A_2691 = arith.xori %iota3A_2688, %xor3A_2690 : vector<16xi32>
      %lt3A_2692 = arith.constant 0 : i32
      %lt3A_2693 = vector.broadcast %lt3A_2692 : i32 to vector<16xi32>
      %lt3A_2694 = arith.cmpi slt, %xor3A_2691, %lt3A_2693 : vector<16xi32>
      %add3A_2695 = arith.constant 16 : i32
      %add3A_2696 = vector.broadcast %add3A_2695 : i32 to vector<16xi32>
      %add3A_2697 = arith.addi %xor3A_2691, %add3A_2696 : vector<16xi32>
      %select_n3A_2698 = arith.select %lt3A_2694, %add3A_2697, %xor3A_2691 : vector<16xi1>, vector<16xi32>
      %broadcast_in_dim3A_2699 = vector.shape_cast %select_n3A_2698 : vector<16xi32> to vector<16x1xi32>
      %gather3A_2700 = vector.shape_cast %broadcast_in_dim3A_2699 : vector<16x1xi32> to vector<16xi32>
      %gather3A_2701 = tpu.dynamic_gather %add3A_2666[%gather3A_2700] in [0] : vector<16xf32>, vector<16xi32> -> vector<16xf32>
      %add3A_2702 = arith.addf %add3A_2666, %gather3A_2701 : vector<16xf32>
      %xor3A_2703 = arith.constant 4 : i32
      %xor3A_2704 = vector.broadcast %xor3A_2703 : i32 to vector<16xi32>
      %xor3A_2705 = arith.xori %iota3A_2688, %xor3A_2704 : vector<16xi32>
      %lt3A_2706 = arith.constant 0 : i32
      %lt3A_2707 = vector.broadcast %lt3A_2706 : i32 to vector<16xi32>
      %lt3A_2708 = arith.cmpi slt, %xor3A_2705, %lt3A_2707 : vector<16xi32>
      %add3A_2709 = arith.constant 16 : i32
      %add3A_2710 = vector.broadcast %add3A_2709 : i32 to vector<16xi32>
      %add3A_2711 = arith.addi %xor3A_2705, %add3A_2710 : vector<16xi32>
      %select_n3A_2712 = arith.select %lt3A_2708, %add3A_2711, %xor3A_2705 : vector<16xi1>, vector<16xi32>
      %broadcast_in_dim3A_2713 = vector.shape_cast %select_n3A_2712 : vector<16xi32> to vector<16x1xi32>
      %gather3A_2714 = vector.shape_cast %broadcast_in_dim3A_2713 : vector<16x1xi32> to vector<16xi32>
      %gather3A_2715 = tpu.dynamic_gather %add3A_2702[%gather3A_2714] in [0] : vector<16xf32>, vector<16xi32> -> vector<16xf32>
      %add3A_2716 = arith.addf %add3A_2702, %gather3A_2715 : vector<16xf32>
      %xor3A_2717 = arith.constant 2 : i32
      %xor3A_2718 = vector.broadcast %xor3A_2717 : i32 to vector<16xi32>
      %xor3A_2719 = arith.xori %iota3A_2688, %xor3A_2718 : vector<16xi32>
      %lt3A_2720 = arith.constant 0 : i32
      %lt3A_2721 = vector.broadcast %lt3A_2720 : i32 to vector<16xi32>
      %lt3A_2722 = arith.cmpi slt, %xor3A_2719, %lt3A_2721 : vector<16xi32>
      %add3A_2723 = arith.constant 16 : i32
      %add3A_2724 = vector.broadcast %add3A_2723 : i32 to vector<16xi32>
      %add3A_2725 = arith.addi %xor3A_2719, %add3A_2724 : vector<16xi32>
      %select_n3A_2726 = arith.select %lt3A_2722, %add3A_2725, %xor3A_2719 : vector<16xi1>, vector<16xi32>
      %broadcast_in_dim3A_2727 = vector.shape_cast %select_n3A_2726 : vector<16xi32> to vector<16x1xi32>
      %gather3A_2728 = vector.shape_cast %broadcast_in_dim3A_2727 : vector<16x1xi32> to vector<16xi32>
      %gather3A_2729 = tpu.dynamic_gather %add3A_2716[%gather3A_2728] in [0] : vector<16xf32>, vector<16xi32> -> vector<16xf32>
      %add3A_2730 = arith.addf %add3A_2716, %gather3A_2729 : vector<16xf32>
      %xor3A_2731 = arith.constant 1 : i32
      %xor3A_2732 = vector.broadcast %xor3A_2731 : i32 to vector<16xi32>
      %xor3A_2733 = arith.xori %iota3A_2688, %xor3A_2732 : vector<16xi32>
      %lt3A_2734 = arith.constant 0 : i32
      %lt3A_2735 = vector.broadcast %lt3A_2734 : i32 to vector<16xi32>
      %lt3A_2736 = arith.cmpi slt, %xor3A_2733, %lt3A_2735 : vector<16xi32>
      %add3A_2737 = arith.constant 16 : i32
      %add3A_2738 = vector.broadcast %add3A_2737 : i32 to vector<16xi32>
      %add3A_2739 = arith.addi %xor3A_2733, %add3A_2738 : vector<16xi32>
      %select_n3A_2740 = arith.select %lt3A_2736, %add3A_2739, %xor3A_2733 : vector<16xi1>, vector<16xi32>
      %broadcast_in_dim3A_2741 = vector.shape_cast %select_n3A_2740 : vector<16xi32> to vector<16x1xi32>
      %gather3A_2742 = vector.shape_cast %broadcast_in_dim3A_2741 : vector<16x1xi32> to vector<16xi32>
      %gather3A_2743 = tpu.dynamic_gather %add3A_2730[%gather3A_2742] in [0] : vector<16xf32>, vector<16xi32> -> vector<16xf32>
      %add3A_2744 = arith.addf %add3A_2730, %gather3A_2743 : vector<16xf32>
      %slice3A_2745 = vector.extract_strided_slice %add3A_2744 {offsets = [0], sizes = [1], strides = [1]} : vector<16xf32> to vector<1xf32>
      %squeeze3A_2746 = vector.extract %slice3A_2745[0] : f32 from vector<1xf32>
      %jit3A_2747 = arith.constant 0.000000e+00 : f32
      %broadcast_in_dim3A_2748 = vector.broadcast %squeeze3A_2746 : f32 to vector<16xf32>
      %broadcast_in_dim3A_2749 = vector.broadcast %jit3A_2747 : f32 to vector<16xf32>
      %select_n3A_2750 = arith.select %eq3A_2687, %broadcast_in_dim3A_2748, %broadcast_in_dim3A_2749 : vector<16xi1>, vector<16xf32>
      %add3A_2751 = arith.addf %add3A_1860, %select_n3A_2750 : vector<16xf32>
      %eq3A_2752 = arith.constant 3 : i32
      %eq3A_2753 = vector.broadcast %eq3A_2752 : i32 to vector<16xi32>
      %eq3A_2754 = arith.cmpi eq, %iota3A, %eq3A_2753 : vector<16xi32>
      %iota3A_2755 = tpu.iota {dimensions = array<i32: 0>} : vector<16xi32>
      %xor3A_2756 = arith.constant 8 : i32
      %xor3A_2757 = vector.broadcast %xor3A_2756 : i32 to vector<16xi32>
      %xor3A_2758 = arith.xori %iota3A_2755, %xor3A_2757 : vector<16xi32>
      %lt3A_2759 = arith.constant 0 : i32
      %lt3A_2760 = vector.broadcast %lt3A_2759 : i32 to vector<16xi32>
      %lt3A_2761 = arith.cmpi slt, %xor3A_2758, %lt3A_2760 : vector<16xi32>
      %add3A_2762 = arith.constant 16 : i32
      %add3A_2763 = vector.broadcast %add3A_2762 : i32 to vector<16xi32>
      %add3A_2764 = arith.addi %xor3A_2758, %add3A_2763 : vector<16xi32>
      %select_n3A_2765 = arith.select %lt3A_2761, %add3A_2764, %xor3A_2758 : vector<16xi1>, vector<16xi32>
      %broadcast_in_dim3A_2766 = vector.shape_cast %select_n3A_2765 : vector<16xi32> to vector<16x1xi32>
      %gather3A_2767 = vector.shape_cast %broadcast_in_dim3A_2766 : vector<16x1xi32> to vector<16xi32>
      %gather3A_2768 = tpu.dynamic_gather %add3A_2668[%gather3A_2767] in [0] : vector<16xf32>, vector<16xi32> -> vector<16xf32>
      %add3A_2769 = arith.addf %add3A_2668, %gather3A_2768 : vector<16xf32>
      %xor3A_2770 = arith.constant 4 : i32
      %xor3A_2771 = vector.broadcast %xor3A_2770 : i32 to vector<16xi32>
      %xor3A_2772 = arith.xori %iota3A_2755, %xor3A_2771 : vector<16xi32>
      %lt3A_2773 = arith.constant 0 : i32
      %lt3A_2774 = vector.broadcast %lt3A_2773 : i32 to vector<16xi32>
      %lt3A_2775 = arith.cmpi slt, %xor3A_2772, %lt3A_2774 : vector<16xi32>
      %add3A_2776 = arith.constant 16 : i32
      %add3A_2777 = vector.broadcast %add3A_2776 : i32 to vector<16xi32>
      %add3A_2778 = arith.addi %xor3A_2772, %add3A_2777 : vector<16xi32>
      %select_n3A_2779 = arith.select %lt3A_2775, %add3A_2778, %xor3A_2772 : vector<16xi1>, vector<16xi32>
      %broadcast_in_dim3A_2780 = vector.shape_cast %select_n3A_2779 : vector<16xi32> to vector<16x1xi32>
      %gather3A_2781 = vector.shape_cast %broadcast_in_dim3A_2780 : vector<16x1xi32> to vector<16xi32>
      %gather3A_2782 = tpu.dynamic_gather %add3A_2769[%gather3A_2781] in [0] : vector<16xf32>, vector<16xi32> -> vector<16xf32>
      %add3A_2783 = arith.addf %add3A_2769, %gather3A_2782 : vector<16xf32>
      %xor3A_2784 = arith.constant 2 : i32
      %xor3A_2785 = vector.broadcast %xor3A_2784 : i32 to vector<16xi32>
      %xor3A_2786 = arith.xori %iota3A_2755, %xor3A_2785 : vector<16xi32>
      %lt3A_2787 = arith.constant 0 : i32
      %lt3A_2788 = vector.broadcast %lt3A_2787 : i32 to vector<16xi32>
      %lt3A_2789 = arith.cmpi slt, %xor3A_2786, %lt3A_2788 : vector<16xi32>
      %add3A_2790 = arith.constant 16 : i32
      %add3A_2791 = vector.broadcast %add3A_2790 : i32 to vector<16xi32>
      %add3A_2792 = arith.addi %xor3A_2786, %add3A_2791 : vector<16xi32>
      %select_n3A_2793 = arith.select %lt3A_2789, %add3A_2792, %xor3A_2786 : vector<16xi1>, vector<16xi32>
      %broadcast_in_dim3A_2794 = vector.shape_cast %select_n3A_2793 : vector<16xi32> to vector<16x1xi32>
      %gather3A_2795 = vector.shape_cast %broadcast_in_dim3A_2794 : vector<16x1xi32> to vector<16xi32>
      %gather3A_2796 = tpu.dynamic_gather %add3A_2783[%gather3A_2795] in [0] : vector<16xf32>, vector<16xi32> -> vector<16xf32>
      %add3A_2797 = arith.addf %add3A_2783, %gather3A_2796 : vector<16xf32>
      %xor3A_2798 = arith.constant 1 : i32
      %xor3A_2799 = vector.broadcast %xor3A_2798 : i32 to vector<16xi32>
      %xor3A_2800 = arith.xori %iota3A_2755, %xor3A_2799 : vector<16xi32>
      %lt3A_2801 = arith.constant 0 : i32
      %lt3A_2802 = vector.broadcast %lt3A_2801 : i32 to vector<16xi32>
      %lt3A_2803 = arith.cmpi slt, %xor3A_2800, %lt3A_2802 : vector<16xi32>
      %add3A_2804 = arith.constant 16 : i32
      %add3A_2805 = vector.broadcast %add3A_2804 : i32 to vector<16xi32>
      %add3A_2806 = arith.addi %xor3A_2800, %add3A_2805 : vector<16xi32>
      %select_n3A_2807 = arith.select %lt3A_2803, %add3A_2806, %xor3A_2800 : vector<16xi1>, vector<16xi32>
      %broadcast_in_dim3A_2808 = vector.shape_cast %select_n3A_2807 : vector<16xi32> to vector<16x1xi32>
      %gather3A_2809 = vector.shape_cast %broadcast_in_dim3A_2808 : vector<16x1xi32> to vector<16xi32>
      %gather3A_2810 = tpu.dynamic_gather %add3A_2797[%gather3A_2809] in [0] : vector<16xf32>, vector<16xi32> -> vector<16xf32>
      %add3A_2811 = arith.addf %add3A_2797, %gather3A_2810 : vector<16xf32>
      %slice3A_2812 = vector.extract_strided_slice %add3A_2811 {offsets = [0], sizes = [1], strides = [1]} : vector<16xf32> to vector<1xf32>
      %squeeze3A_2813 = vector.extract %slice3A_2812[0] : f32 from vector<1xf32>
      %jit3A_2814 = arith.constant 0.000000e+00 : f32
      %broadcast_in_dim3A_2815 = vector.broadcast %squeeze3A_2813 : f32 to vector<16xf32>
      %broadcast_in_dim3A_2816 = vector.broadcast %jit3A_2814 : f32 to vector<16xf32>
      %select_n3A_2817 = arith.select %eq3A_2754, %broadcast_in_dim3A_2815, %broadcast_in_dim3A_2816 : vector<16xi1>, vector<16xf32>
      %add3A_2818 = arith.addf %add3A_2751, %select_n3A_2817 : vector<16xf32>
      %swap3A_2819 = arith.constant 0 : index
      %swap3A_2820 = tpu.vector_load %arg7[%swap3A_2819] {strides = array<i32>} : memref<400xf32, #tpu.memory_space<vmem>>, vector<16xf32>,
      tpu.vector_store %arg7[%swap3A_2819], %add3A_2818 {strides = array<i32>} : memref<400xf32, #tpu.memory_space<vmem>>, vector<16xf32>,
    } else {
    }
    %ge3A = arith.constant 3 : i32
    %ge3A_1864 = arith.cmpi sge, %arg1, %ge3A : i32
    %convert_element_type3A_1865 = arith.extui %ge3A_1864 : i1 to i32
    %cond3A_1866 = arith.constant 0 : i32
    %cond3A_1867 = arith.cmpi ne, %convert_element_type3A_1865, %cond3A_1866 : i32
    scf.if %cond3A_1867 {
      %swap3A_2633 = arith.constant 0 : index
      %swap3A_2634 = tpu.vector_load %arg7[%swap3A_2633] {strides = array<i32>} : memref<400xf32, #tpu.memory_space<vmem>>, vector<16xf32>,
      tpu.vector_store %arg7[%swap3A_2633], %add3A_1860 {strides = array<i32>} : memref<400xf32, #tpu.memory_space<vmem>>, vector<16xf32>,
    } else {
    }
    %mul3A_1868 = arith.constant 24 : i32
    %mul3A_1869 = arith.muli %arg1, %mul3A_1868 : i32
    "tpu.region"() ({
      %run_scoped3A = tpu.sem_alloc : memref<!tpu.dma_semaphore, #tpu.memory_space<semaphore_mem>>
      %dma_start3A_2633 = arith.constant 0 : i32
      %dma_start3A_2634 = tpu.memref_slice %arg7[%dma_start3A_2633] : memref<400xf32, #tpu.memory_space<vmem>> -> memref<16xf32, #tpu.memory_space<vmem>>
      %dma_start3A_2635 = tpu.memref_slice %arg9[%mul3A_1869] : memref<400xf32, #tpu.memory_space<vmem_shared>> -> memref<16xf32, #tpu.memory_space<vmem_shared>>
      %dma_start3A_2636 = tpu.memref_slice %arg9[%mul3A_1869] : memref<400xf32, #tpu.memory_space<vmem_shared>> -> memref<16xf32, #tpu.memory_space<vmem_shared>>
      %dma_start3A_2637 = arith.constant 0 : i32
      %dma_start3A_2638 = tpu.memref_slice %arg7[%dma_start3A_2637] : memref<400xf32, #tpu.memory_space<vmem>> -> memref<16xf32, #tpu.memory_space<vmem>>
      tpu.enqueue_dma source(%dma_start3A_2638 : memref<16xf32, #tpu.memory_space<vmem>>) target(%dma_start3A_2636 : memref<16xf32, #tpu.memory_space<vmem_shared>>) target_semaphore(%run_scoped3A : memref<!tpu.dma_semaphore, #tpu.memory_space<semaphore_mem>>)
      %dma_wait3A_2639 = arith.constant 0 : i32
      %dma_wait3A_2640 = tpu.memref_slice %arg7[%dma_wait3A_2639] : memref<400xf32, #tpu.memory_space<vmem>> -> memref<16xf32, #tpu.memory_space<vmem>>
      %dma_wait3A_2641 = tpu.memref_slice %arg9[%mul3A_1869] : memref<400xf32, #tpu.memory_space<vmem_shared>> -> memref<16xf32, #tpu.memory_space<vmem_shared>>
      %dma_wait3A_2642 = tpu.memref_slice %arg9[%mul3A_1869] : memref<400xf32, #tpu.memory_space<vmem_shared>> -> memref<16xf32, #tpu.memory_space<vmem_shared>>
      %dma_wait3A_2643 = arith.constant 0 : i32
      %dma_wait3A_2644 = tpu.memref_slice %arg7[%dma_wait3A_2643] : memref<400xf32, #tpu.memory_space<vmem>> -> memref<16xf32, #tpu.memory_space<vmem>>
      tpu.wait_dma2 semaphore(%run_scoped3A : memref<!tpu.dma_semaphore, #tpu.memory_space<semaphore_mem>>) src(%dma_wait3A_2644 : memref<16xf32, #tpu.memory_space<vmem>>) dst(%dma_wait3A_2642 : memref<16xf32, #tpu.memory_space<vmem_shared>>)
      tpu.yield
    }) : () -> ()
    %barrier3A = arith.constant 0 : index
    tpu.barrier barrier_id(%barrier3A)
    "tpu.region"() ({
      %run_scoped3A = tpu.sem_alloc : memref<!tpu.dma_semaphore, #tpu.memory_space<semaphore_mem>>
      tpu.enqueue_dma source(%arg9 : memref<400xf32, #tpu.memory_space<vmem_shared>>) target(%arg7 : memref<400xf32, #tpu.memory_space<vmem>>) target_semaphore(%run_scoped3A : memref<!tpu.dma_semaphore, #tpu.memory_space<semaphore_mem>>)
      tpu.wait_dma2 semaphore(%run_scoped3A : memref<!tpu.dma_semaphore, #tpu.memory_space<semaphore_mem>>) src(%arg9 : memref<400xf32, #tpu.memory_space<vmem_shared>>) dst(%arg7 : memref<400xf32, #tpu.memory_space<vmem>>)
      tpu.yield
    }) : () -> ()
    %mul3A_1870 = arith.constant 24 : i32
    %mul3A_1871 = vector.broadcast %mul3A_1870 : i32 to vector<16xi32>
    %mul3A_1872 = arith.muli %iota3A, %mul3A_1871 : vector<16xi32>
    %gather3A_1873 = tpu.vector_load_idx %arg7[%mul3A_1872] : memref<400xf32, #tpu.memory_space<vmem>>[vector<16xi32>], vector<16xf32>,
    %add3A_1874 = arith.constant 1 : i32
    %add3A_1875 = vector.broadcast %add3A_1874 : i32 to vector<16xi32>
    %add3A_1876 = arith.addi %mul3A_1872, %add3A_1875 : vector<16xi32>
    %gather3A_1877 = tpu.vector_load_idx %arg7[%add3A_1876] : memref<400xf32, #tpu.memory_space<vmem>>[vector<16xi32>], vector<16xf32>,
    %add3A_1878 = arith.constant 2 : i32
    %add3A_1879 = vector.broadcast %add3A_1878 : i32 to vector<16xi32>
    %add3A_1880 = arith.addi %mul3A_1872, %add3A_1879 : vector<16xi32>
    %gather3A_1881 = tpu.vector_load_idx %arg7[%add3A_1880] : memref<400xf32, #tpu.memory_space<vmem>>[vector<16xi32>], vector<16xf32>,
    %add3A_1882 = arith.constant 3 : i32
    %add3A_1883 = vector.broadcast %add3A_1882 : i32 to vector<16xi32>
    %add3A_1884 = arith.addi %mul3A_1872, %add3A_1883 : vector<16xi32>
    %gather3A_1885 = tpu.vector_load_idx %arg7[%add3A_1884] : memref<400xf32, #tpu.memory_space<vmem>>[vector<16xi32>], vector<16xf32>,
    %slice3A_1886 = vector.extract_strided_slice %gather3A_1873 {offsets = [0], sizes = [1], strides = [1]} : vector<16xf32> to vector<1xf32>
    %squeeze3A_1887 = vector.extract %slice3A_1886[0] : f32 from vector<1xf32>
    %slice3A_1888 = vector.extract_strided_slice %gather3A_1873 {offsets = [1], sizes = [1], strides = [1]} : vector<16xf32> to vector<1xf32>
    %squeeze3A_1889 = vector.extract %slice3A_1888[0] : f32 from vector<1xf32>
    %slice3A_1890 = vector.extract_strided_slice %gather3A_1873 {offsets = [2], sizes = [1], strides = [1]} : vector<16xf32> to vector<1xf32>
    %squeeze3A_1891 = vector.extract %slice3A_1890[0] : f32 from vector<1xf32>
    %slice3A_1892 = vector.extract_strided_slice %gather3A_1873 {offsets = [3], sizes = [1], strides = [1]} : vector<16xf32> to vector<1xf32>
    %squeeze3A_1893 = vector.extract %slice3A_1892[0] : f32 from vector<1xf32>
    %slice3A_1894 = vector.extract_strided_slice %gather3A_1873 {offsets = [4], sizes = [1], strides = [1]} : vector<16xf32> to vector<1xf32>
    %squeeze3A_1895 = vector.extract %slice3A_1894[0] : f32 from vector<1xf32>
    %slice3A_1896 = vector.extract_strided_slice %gather3A_1873 {offsets = [5], sizes = [1], strides = [1]} : vector<16xf32> to vector<1xf32>
    %squeeze3A_1897 = vector.extract %slice3A_1896[0] : f32 from vector<1xf32>
    %slice3A_1898 = vector.extract_strided_slice %gather3A_1873 {offsets = [6], sizes = [1], strides = [1]} : vector<16xf32> to vector<1xf32>
    %squeeze3A_1899 = vector.extract %slice3A_1898[0] : f32 from vector<1xf32>
    %slice3A_1900 = vector.extract_strided_slice %gather3A_1873 {offsets = [7], sizes = [1], strides = [1]} : vector<16xf32> to vector<1xf32>
    %squeeze3A_1901 = vector.extract %slice3A_1900[0] : f32 from vector<1xf32>
    %slice3A_1902 = vector.extract_strided_slice %gather3A_1873 {offsets = [8], sizes = [1], strides = [1]} : vector<16xf32> to vector<1xf32>
    %squeeze3A_1903 = vector.extract %slice3A_1902[0] : f32 from vector<1xf32>
    %slice3A_1904 = vector.extract_strided_slice %gather3A_1873 {offsets = [9], sizes = [1], strides = [1]} : vector<16xf32> to vector<1xf32>
    %squeeze3A_1905 = vector.extract %slice3A_1904[0] : f32 from vector<1xf32>
    %slice3A_1906 = vector.extract_strided_slice %gather3A_1873 {offsets = [10], sizes = [1], strides = [1]} : vector<16xf32> to vector<1xf32>
    %squeeze3A_1907 = vector.extract %slice3A_1906[0] : f32 from vector<1xf32>
    %slice3A_1908 = vector.extract_strided_slice %gather3A_1873 {offsets = [11], sizes = [1], strides = [1]} : vector<16xf32> to vector<1xf32>
    %squeeze3A_1909 = vector.extract %slice3A_1908[0] : f32 from vector<1xf32>
    %slice3A_1910 = vector.extract_strided_slice %gather3A_1873 {offsets = [12], sizes = [1], strides = [1]} : vector<16xf32> to vector<1xf32>
    %squeeze3A_1911 = vector.extract %slice3A_1910[0] : f32 from vector<1xf32>
    %slice3A_1912 = vector.extract_strided_slice %gather3A_1873 {offsets = [13], sizes = [1], strides = [1]} : vector<16xf32> to vector<1xf32>
    %squeeze3A_1913 = vector.extract %slice3A_1912[0] : f32 from vector<1xf32>
    %slice3A_1914 = vector.extract_strided_slice %gather3A_1873 {offsets = [14], sizes = [1], strides = [1]} : vector<16xf32> to vector<1xf32>
    %squeeze3A_1915 = vector.extract %slice3A_1914[0] : f32 from vector<1xf32>
    %slice3A_1916 = vector.extract_strided_slice %gather3A_1873 {offsets = [15], sizes = [1], strides = [1]} : vector<16xf32> to vector<1xf32>
    %squeeze3A_1917 = vector.extract %slice3A_1916[0] : f32 from vector<1xf32>
    %slice3A_1918 = vector.extract_strided_slice %gather3A_1881 {offsets = [0], sizes = [1], strides = [1]} : vector<16xf32> to vector<1xf32>
    %squeeze3A_1919 = vector.extract %slice3A_1918[0] : f32 from vector<1xf32>
    %slice3A_1920 = vector.extract_strided_slice %gather3A_1881 {offsets = [1], sizes = [1], strides = [1]} : vector<16xf32> to vector<1xf32>
    %squeeze3A_1921 = vector.extract %slice3A_1920[0] : f32 from vector<1xf32>
    %slice3A_1922 = vector.extract_strided_slice %gather3A_1881 {offsets = [2], sizes = [1], strides = [1]} : vector<16xf32> to vector<1xf32>
    %squeeze3A_1923 = vector.extract %slice3A_1922[0] : f32 from vector<1xf32>
    %broadcast_in_dim3A_1924 = arith.constant -3.400000e+38 : f32
    %broadcast_in_dim3A_1925 = vector.broadcast %broadcast_in_dim3A_1924 : f32 to vector<16xf32>
    %broadcast_in_dim3A_1926 = arith.constant -3.400000e+38 : f32
    %broadcast_in_dim3A_1927 = vector.broadcast %broadcast_in_dim3A_1926 : f32 to vector<16xf32>
    %add3A_1928 = vector.broadcast %squeeze3A_1887 : f32 to vector<16xf32>
    %add3A_1929 = arith.addf %add3A_1928, %gather3A_1877 : vector<16xf32>
    %mul3A_1930 = arith.constant 2.000000e-01 : f32
    %mul3A_1931 = vector.broadcast %mul3A_1930 : f32 to vector<16xf32>
    %mul3A_1932 = arith.mulf %mul3A_1931, %add3A_1929 : vector<16xf32>
    %max3A_1933 = arith.maximumf %add3A_1929, %mul3A_1932 : vector<16xf32>
    %max3A_1934 = arith.maximumf %broadcast_in_dim3A_1925, %max3A_1933 : vector<16xf32>
    %add3A_1935 = vector.broadcast %squeeze3A_1887 : f32 to vector<16xf32>
    %add3A_1936 = arith.addf %add3A_1935, %gather3A_1885 : vector<16xf32>
    %mul3A_1937 = arith.constant 2.000000e-01 : f32
    %mul3A_1938 = vector.broadcast %mul3A_1937 : f32 to vector<16xf32>
    %mul3A_1939 = arith.mulf %mul3A_1938, %add3A_1936 : vector<16xf32>
    %max3A_1940 = arith.maximumf %add3A_1936, %mul3A_1939 : vector<16xf32>
    %max3A_1941 = arith.maximumf %broadcast_in_dim3A_1927, %max3A_1940 : vector<16xf32>
    %add3A_1942 = vector.broadcast %squeeze3A_1889 : f32 to vector<16xf32>
    %add3A_1943 = arith.addf %add3A_1942, %gather3A_1877 : vector<16xf32>
    %mul3A_1944 = arith.constant 2.000000e-01 : f32
    %mul3A_1945 = vector.broadcast %mul3A_1944 : f32 to vector<16xf32>
    %mul3A_1946 = arith.mulf %mul3A_1945, %add3A_1943 : vector<16xf32>
    %max3A_1947 = arith.maximumf %add3A_1943, %mul3A_1946 : vector<16xf32>
    %max3A_1948 = arith.maximumf %max3A_1934, %max3A_1947 : vector<16xf32>
    %add3A_1949 = vector.broadcast %squeeze3A_1889 : f32 to vector<16xf32>
    %add3A_1950 = arith.addf %add3A_1949, %gather3A_1885 : vector<16xf32>
    %mul3A_1951 = arith.constant 2.000000e-01 : f32
    %mul3A_1952 = vector.broadcast %mul3A_1951 : f32 to vector<16xf32>
    %mul3A_1953 = arith.mulf %mul3A_1952, %add3A_1950 : vector<16xf32>
    %max3A_1954 = arith.maximumf %add3A_1950, %mul3A_1953 : vector<16xf32>
    %max3A_1955 = arith.maximumf %max3A_1941, %max3A_1954 : vector<16xf32>
    %add3A_1956 = vector.broadcast %squeeze3A_1891 : f32 to vector<16xf32>
    %add3A_1957 = arith.addf %add3A_1956, %gather3A_1877 : vector<16xf32>
    %mul3A_1958 = arith.constant 2.000000e-01 : f32
    %mul3A_1959 = vector.broadcast %mul3A_1958 : f32 to vector<16xf32>
    %mul3A_1960 = arith.mulf %mul3A_1959, %add3A_1957 : vector<16xf32>
    %max3A_1961 = arith.maximumf %add3A_1957, %mul3A_1960 : vector<16xf32>
    %max3A_1962 = arith.maximumf %max3A_1948, %max3A_1961 : vector<16xf32>
    %add3A_1963 = vector.broadcast %squeeze3A_1891 : f32 to vector<16xf32>
    %add3A_1964 = arith.addf %add3A_1963, %gather3A_1885 : vector<16xf32>
    %mul3A_1965 = arith.constant 2.000000e-01 : f32
    %mul3A_1966 = vector.broadcast %mul3A_1965 : f32 to vector<16xf32>
    %mul3A_1967 = arith.mulf %mul3A_1966, %add3A_1964 : vector<16xf32>
    %max3A_1968 = arith.maximumf %add3A_1964, %mul3A_1967 : vector<16xf32>
    %max3A_1969 = arith.maximumf %max3A_1955, %max3A_1968 : vector<16xf32>
    %add3A_1970 = vector.broadcast %squeeze3A_1893 : f32 to vector<16xf32>
    %add3A_1971 = arith.addf %add3A_1970, %gather3A_1877 : vector<16xf32>
    %mul3A_1972 = arith.constant 2.000000e-01 : f32
    %mul3A_1973 = vector.broadcast %mul3A_1972 : f32 to vector<16xf32>
    %mul3A_1974 = arith.mulf %mul3A_1973, %add3A_1971 : vector<16xf32>
    %max3A_1975 = arith.maximumf %add3A_1971, %mul3A_1974 : vector<16xf32>
    %max3A_1976 = arith.maximumf %max3A_1962, %max3A_1975 : vector<16xf32>
    %add3A_1977 = vector.broadcast %squeeze3A_1893 : f32 to vector<16xf32>
    %add3A_1978 = arith.addf %add3A_1977, %gather3A_1885 : vector<16xf32>
    %mul3A_1979 = arith.constant 2.000000e-01 : f32
    %mul3A_1980 = vector.broadcast %mul3A_1979 : f32 to vector<16xf32>
    %mul3A_1981 = arith.mulf %mul3A_1980, %add3A_1978 : vector<16xf32>
    %max3A_1982 = arith.maximumf %add3A_1978, %mul3A_1981 : vector<16xf32>
    %max3A_1983 = arith.maximumf %max3A_1969, %max3A_1982 : vector<16xf32>
    %add3A_1984 = vector.broadcast %squeeze3A_1895 : f32 to vector<16xf32>
    %add3A_1985 = arith.addf %add3A_1984, %gather3A_1877 : vector<16xf32>
    %mul3A_1986 = arith.constant 2.000000e-01 : f32
    %mul3A_1987 = vector.broadcast %mul3A_1986 : f32 to vector<16xf32>
    %mul3A_1988 = arith.mulf %mul3A_1987, %add3A_1985 : vector<16xf32>
    %max3A_1989 = arith.maximumf %add3A_1985, %mul3A_1988 : vector<16xf32>
    %max3A_1990 = arith.maximumf %max3A_1976, %max3A_1989 : vector<16xf32>
    %add3A_1991 = vector.broadcast %squeeze3A_1895 : f32 to vector<16xf32>
    %add3A_1992 = arith.addf %add3A_1991, %gather3A_1885 : vector<16xf32>
    %mul3A_1993 = arith.constant 2.000000e-01 : f32
    %mul3A_1994 = vector.broadcast %mul3A_1993 : f32 to vector<16xf32>
    %mul3A_1995 = arith.mulf %mul3A_1994, %add3A_1992 : vector<16xf32>
    %max3A_1996 = arith.maximumf %add3A_1992, %mul3A_1995 : vector<16xf32>
    %max3A_1997 = arith.maximumf %max3A_1983, %max3A_1996 : vector<16xf32>
    %add3A_1998 = vector.broadcast %squeeze3A_1897 : f32 to vector<16xf32>
    %add3A_1999 = arith.addf %add3A_1998, %gather3A_1877 : vector<16xf32>
    %mul3A_2000 = arith.constant 2.000000e-01 : f32
    %mul3A_2001 = vector.broadcast %mul3A_2000 : f32 to vector<16xf32>
    %mul3A_2002 = arith.mulf %mul3A_2001, %add3A_1999 : vector<16xf32>
    %max3A_2003 = arith.maximumf %add3A_1999, %mul3A_2002 : vector<16xf32>
    %max3A_2004 = arith.maximumf %max3A_1990, %max3A_2003 : vector<16xf32>
    %add3A_2005 = vector.broadcast %squeeze3A_1897 : f32 to vector<16xf32>
    %add3A_2006 = arith.addf %add3A_2005, %gather3A_1885 : vector<16xf32>
    %mul3A_2007 = arith.constant 2.000000e-01 : f32
    %mul3A_2008 = vector.broadcast %mul3A_2007 : f32 to vector<16xf32>
    %mul3A_2009 = arith.mulf %mul3A_2008, %add3A_2006 : vector<16xf32>
    %max3A_2010 = arith.maximumf %add3A_2006, %mul3A_2009 : vector<16xf32>
    %max3A_2011 = arith.maximumf %max3A_1997, %max3A_2010 : vector<16xf32>
    %add3A_2012 = vector.broadcast %squeeze3A_1899 : f32 to vector<16xf32>
    %add3A_2013 = arith.addf %add3A_2012, %gather3A_1877 : vector<16xf32>
    %mul3A_2014 = arith.constant 2.000000e-01 : f32
    %mul3A_2015 = vector.broadcast %mul3A_2014 : f32 to vector<16xf32>
    %mul3A_2016 = arith.mulf %mul3A_2015, %add3A_2013 : vector<16xf32>
    %max3A_2017 = arith.maximumf %add3A_2013, %mul3A_2016 : vector<16xf32>
    %max3A_2018 = arith.maximumf %max3A_2004, %max3A_2017 : vector<16xf32>
    %add3A_2019 = vector.broadcast %squeeze3A_1899 : f32 to vector<16xf32>
    %add3A_2020 = arith.addf %add3A_2019, %gather3A_1885 : vector<16xf32>
    %mul3A_2021 = arith.constant 2.000000e-01 : f32
    %mul3A_2022 = vector.broadcast %mul3A_2021 : f32 to vector<16xf32>
    %mul3A_2023 = arith.mulf %mul3A_2022, %add3A_2020 : vector<16xf32>
    %max3A_2024 = arith.maximumf %add3A_2020, %mul3A_2023 : vector<16xf32>
    %max3A_2025 = arith.maximumf %max3A_2011, %max3A_2024 : vector<16xf32>
    %add3A_2026 = vector.broadcast %squeeze3A_1901 : f32 to vector<16xf32>
    %add3A_2027 = arith.addf %add3A_2026, %gather3A_1877 : vector<16xf32>
    %mul3A_2028 = arith.constant 2.000000e-01 : f32
    %mul3A_2029 = vector.broadcast %mul3A_2028 : f32 to vector<16xf32>
    %mul3A_2030 = arith.mulf %mul3A_2029, %add3A_2027 : vector<16xf32>
    %max3A_2031 = arith.maximumf %add3A_2027, %mul3A_2030 : vector<16xf32>
    %max3A_2032 = arith.maximumf %max3A_2018, %max3A_2031 : vector<16xf32>
    %add3A_2033 = vector.broadcast %squeeze3A_1901 : f32 to vector<16xf32>
    %add3A_2034 = arith.addf %add3A_2033, %gather3A_1885 : vector<16xf32>
    %mul3A_2035 = arith.constant 2.000000e-01 : f32
    %mul3A_2036 = vector.broadcast %mul3A_2035 : f32 to vector<16xf32>
    %mul3A_2037 = arith.mulf %mul3A_2036, %add3A_2034 : vector<16xf32>
    %max3A_2038 = arith.maximumf %add3A_2034, %mul3A_2037 : vector<16xf32>
    %max3A_2039 = arith.maximumf %max3A_2025, %max3A_2038 : vector<16xf32>
    %add3A_2040 = vector.broadcast %squeeze3A_1903 : f32 to vector<16xf32>
    %add3A_2041 = arith.addf %add3A_2040, %gather3A_1877 : vector<16xf32>
    %mul3A_2042 = arith.constant 2.000000e-01 : f32
    %mul3A_2043 = vector.broadcast %mul3A_2042 : f32 to vector<16xf32>
    %mul3A_2044 = arith.mulf %mul3A_2043, %add3A_2041 : vector<16xf32>
    %max3A_2045 = arith.maximumf %add3A_2041, %mul3A_2044 : vector<16xf32>
    %max3A_2046 = arith.maximumf %max3A_2032, %max3A_2045 : vector<16xf32>
    %add3A_2047 = vector.broadcast %squeeze3A_1903 : f32 to vector<16xf32>
    %add3A_2048 = arith.addf %add3A_2047, %gather3A_1885 : vector<16xf32>
    %mul3A_2049 = arith.constant 2.000000e-01 : f32
    %mul3A_2050 = vector.broadcast %mul3A_2049 : f32 to vector<16xf32>
    %mul3A_2051 = arith.mulf %mul3A_2050, %add3A_2048 : vector<16xf32>
    %max3A_2052 = arith.maximumf %add3A_2048, %mul3A_2051 : vector<16xf32>
    %max3A_2053 = arith.maximumf %max3A_2039, %max3A_2052 : vector<16xf32>
    %add3A_2054 = vector.broadcast %squeeze3A_1905 : f32 to vector<16xf32>
    %add3A_2055 = arith.addf %add3A_2054, %gather3A_1877 : vector<16xf32>
    %mul3A_2056 = arith.constant 2.000000e-01 : f32
    %mul3A_2057 = vector.broadcast %mul3A_2056 : f32 to vector<16xf32>
    %mul3A_2058 = arith.mulf %mul3A_2057, %add3A_2055 : vector<16xf32>
    %max3A_2059 = arith.maximumf %add3A_2055, %mul3A_2058 : vector<16xf32>
    %max3A_2060 = arith.maximumf %max3A_2046, %max3A_2059 : vector<16xf32>
    %add3A_2061 = vector.broadcast %squeeze3A_1905 : f32 to vector<16xf32>
    %add3A_2062 = arith.addf %add3A_2061, %gather3A_1885 : vector<16xf32>
    %mul3A_2063 = arith.constant 2.000000e-01 : f32
    %mul3A_2064 = vector.broadcast %mul3A_2063 : f32 to vector<16xf32>
    %mul3A_2065 = arith.mulf %mul3A_2064, %add3A_2062 : vector<16xf32>
    %max3A_2066 = arith.maximumf %add3A_2062, %mul3A_2065 : vector<16xf32>
    %max3A_2067 = arith.maximumf %max3A_2053, %max3A_2066 : vector<16xf32>
    %add3A_2068 = vector.broadcast %squeeze3A_1907 : f32 to vector<16xf32>
    %add3A_2069 = arith.addf %add3A_2068, %gather3A_1877 : vector<16xf32>
    %mul3A_2070 = arith.constant 2.000000e-01 : f32
    %mul3A_2071 = vector.broadcast %mul3A_2070 : f32 to vector<16xf32>
    %mul3A_2072 = arith.mulf %mul3A_2071, %add3A_2069 : vector<16xf32>
    %max3A_2073 = arith.maximumf %add3A_2069, %mul3A_2072 : vector<16xf32>
    %max3A_2074 = arith.maximumf %max3A_2060, %max3A_2073 : vector<16xf32>
    %add3A_2075 = vector.broadcast %squeeze3A_1907 : f32 to vector<16xf32>
    %add3A_2076 = arith.addf %add3A_2075, %gather3A_1885 : vector<16xf32>
    %mul3A_2077 = arith.constant 2.000000e-01 : f32
    %mul3A_2078 = vector.broadcast %mul3A_2077 : f32 to vector<16xf32>
    %mul3A_2079 = arith.mulf %mul3A_2078, %add3A_2076 : vector<16xf32>
    %max3A_2080 = arith.maximumf %add3A_2076, %mul3A_2079 : vector<16xf32>
    %max3A_2081 = arith.maximumf %max3A_2067, %max3A_2080 : vector<16xf32>
    %add3A_2082 = vector.broadcast %squeeze3A_1909 : f32 to vector<16xf32>
    %add3A_2083 = arith.addf %add3A_2082, %gather3A_1877 : vector<16xf32>
    %mul3A_2084 = arith.constant 2.000000e-01 : f32
    %mul3A_2085 = vector.broadcast %mul3A_2084 : f32 to vector<16xf32>
    %mul3A_2086 = arith.mulf %mul3A_2085, %add3A_2083 : vector<16xf32>
    %max3A_2087 = arith.maximumf %add3A_2083, %mul3A_2086 : vector<16xf32>
    %max3A_2088 = arith.maximumf %max3A_2074, %max3A_2087 : vector<16xf32>
    %add3A_2089 = vector.broadcast %squeeze3A_1909 : f32 to vector<16xf32>
    %add3A_2090 = arith.addf %add3A_2089, %gather3A_1885 : vector<16xf32>
    %mul3A_2091 = arith.constant 2.000000e-01 : f32
    %mul3A_2092 = vector.broadcast %mul3A_2091 : f32 to vector<16xf32>
    %mul3A_2093 = arith.mulf %mul3A_2092, %add3A_2090 : vector<16xf32>
    %max3A_2094 = arith.maximumf %add3A_2090, %mul3A_2093 : vector<16xf32>
    %max3A_2095 = arith.maximumf %max3A_2081, %max3A_2094 : vector<16xf32>
    %add3A_2096 = vector.broadcast %squeeze3A_1911 : f32 to vector<16xf32>
    %add3A_2097 = arith.addf %add3A_2096, %gather3A_1877 : vector<16xf32>
    %mul3A_2098 = arith.constant 2.000000e-01 : f32
    %mul3A_2099 = vector.broadcast %mul3A_2098 : f32 to vector<16xf32>
    %mul3A_2100 = arith.mulf %mul3A_2099, %add3A_2097 : vector<16xf32>
    %max3A_2101 = arith.maximumf %add3A_2097, %mul3A_2100 : vector<16xf32>
    %max3A_2102 = arith.maximumf %max3A_2088, %max3A_2101 : vector<16xf32>
    %add3A_2103 = vector.broadcast %squeeze3A_1911 : f32 to vector<16xf32>
    %add3A_2104 = arith.addf %add3A_2103, %gather3A_1885 : vector<16xf32>
    %mul3A_2105 = arith.constant 2.000000e-01 : f32
    %mul3A_2106 = vector.broadcast %mul3A_2105 : f32 to vector<16xf32>
    %mul3A_2107 = arith.mulf %mul3A_2106, %add3A_2104 : vector<16xf32>
    %max3A_2108 = arith.maximumf %add3A_2104, %mul3A_2107 : vector<16xf32>
    %max3A_2109 = arith.maximumf %max3A_2095, %max3A_2108 : vector<16xf32>
    %add3A_2110 = vector.broadcast %squeeze3A_1913 : f32 to vector<16xf32>
    %add3A_2111 = arith.addf %add3A_2110, %gather3A_1877 : vector<16xf32>
    %mul3A_2112 = arith.constant 2.000000e-01 : f32
    %mul3A_2113 = vector.broadcast %mul3A_2112 : f32 to vector<16xf32>
    %mul3A_2114 = arith.mulf %mul3A_2113, %add3A_2111 : vector<16xf32>
    %max3A_2115 = arith.maximumf %add3A_2111, %mul3A_2114 : vector<16xf32>
    %max3A_2116 = arith.maximumf %max3A_2102, %max3A_2115 : vector<16xf32>
    %add3A_2117 = vector.broadcast %squeeze3A_1913 : f32 to vector<16xf32>
    %add3A_2118 = arith.addf %add3A_2117, %gather3A_1885 : vector<16xf32>
    %mul3A_2119 = arith.constant 2.000000e-01 : f32
    %mul3A_2120 = vector.broadcast %mul3A_2119 : f32 to vector<16xf32>
    %mul3A_2121 = arith.mulf %mul3A_2120, %add3A_2118 : vector<16xf32>
    %max3A_2122 = arith.maximumf %add3A_2118, %mul3A_2121 : vector<16xf32>
    %max3A_2123 = arith.maximumf %max3A_2109, %max3A_2122 : vector<16xf32>
    %add3A_2124 = vector.broadcast %squeeze3A_1915 : f32 to vector<16xf32>
    %add3A_2125 = arith.addf %add3A_2124, %gather3A_1877 : vector<16xf32>
    %mul3A_2126 = arith.constant 2.000000e-01 : f32
    %mul3A_2127 = vector.broadcast %mul3A_2126 : f32 to vector<16xf32>
    %mul3A_2128 = arith.mulf %mul3A_2127, %add3A_2125 : vector<16xf32>
    %max3A_2129 = arith.maximumf %add3A_2125, %mul3A_2128 : vector<16xf32>
    %max3A_2130 = arith.maximumf %max3A_2116, %max3A_2129 : vector<16xf32>
    %add3A_2131 = vector.broadcast %squeeze3A_1915 : f32 to vector<16xf32>
    %add3A_2132 = arith.addf %add3A_2131, %gather3A_1885 : vector<16xf32>
    %mul3A_2133 = arith.constant 2.000000e-01 : f32
    %mul3A_2134 = vector.broadcast %mul3A_2133 : f32 to vector<16xf32>
    %mul3A_2135 = arith.mulf %mul3A_2134, %add3A_2132 : vector<16xf32>
    %max3A_2136 = arith.maximumf %add3A_2132, %mul3A_2135 : vector<16xf32>
    %max3A_2137 = arith.maximumf %max3A_2123, %max3A_2136 : vector<16xf32>
    %add3A_2138 = vector.broadcast %squeeze3A_1917 : f32 to vector<16xf32>
    %add3A_2139 = arith.addf %add3A_2138, %gather3A_1877 : vector<16xf32>
    %mul3A_2140 = arith.constant 2.000000e-01 : f32
    %mul3A_2141 = vector.broadcast %mul3A_2140 : f32 to vector<16xf32>
    %mul3A_2142 = arith.mulf %mul3A_2141, %add3A_2139 : vector<16xf32>
    %max3A_2143 = arith.maximumf %add3A_2139, %mul3A_2142 : vector<16xf32>
    %max3A_2144 = arith.maximumf %max3A_2130, %max3A_2143 : vector<16xf32>
    %add3A_2145 = vector.broadcast %squeeze3A_1917 : f32 to vector<16xf32>
    %add3A_2146 = arith.addf %add3A_2145, %gather3A_1885 : vector<16xf32>
    %mul3A_2147 = arith.constant 2.000000e-01 : f32
    %mul3A_2148 = vector.broadcast %mul3A_2147 : f32 to vector<16xf32>
    %mul3A_2149 = arith.mulf %mul3A_2148, %add3A_2146 : vector<16xf32>
    %max3A_2150 = arith.maximumf %add3A_2146, %mul3A_2149 : vector<16xf32>
    %max3A_2151 = arith.maximumf %max3A_2137, %max3A_2150 : vector<16xf32>
    %add3A_2152 = vector.broadcast %squeeze3A_1919 : f32 to vector<16xf32>
    %add3A_2153 = arith.addf %add3A_2152, %gather3A_1877 : vector<16xf32>
    %mul3A_2154 = arith.constant 2.000000e-01 : f32
    %mul3A_2155 = vector.broadcast %mul3A_2154 : f32 to vector<16xf32>
    %mul3A_2156 = arith.mulf %mul3A_2155, %add3A_2153 : vector<16xf32>
    %max3A_2157 = arith.maximumf %add3A_2153, %mul3A_2156 : vector<16xf32>
    %max3A_2158 = arith.maximumf %max3A_2144, %max3A_2157 : vector<16xf32>
    %add3A_2159 = vector.broadcast %squeeze3A_1919 : f32 to vector<16xf32>
    %add3A_2160 = arith.addf %add3A_2159, %gather3A_1885 : vector<16xf32>
    %mul3A_2161 = arith.constant 2.000000e-01 : f32
    %mul3A_2162 = vector.broadcast %mul3A_2161 : f32 to vector<16xf32>
    %mul3A_2163 = arith.mulf %mul3A_2162, %add3A_2160 : vector<16xf32>
    %max3A_2164 = arith.maximumf %add3A_2160, %mul3A_2163 : vector<16xf32>
    %max3A_2165 = arith.maximumf %max3A_2151, %max3A_2164 : vector<16xf32>
    %add3A_2166 = vector.broadcast %squeeze3A_1921 : f32 to vector<16xf32>
    %add3A_2167 = arith.addf %add3A_2166, %gather3A_1877 : vector<16xf32>
    %mul3A_2168 = arith.constant 2.000000e-01 : f32
    %mul3A_2169 = vector.broadcast %mul3A_2168 : f32 to vector<16xf32>
    %mul3A_2170 = arith.mulf %mul3A_2169, %add3A_2167 : vector<16xf32>
    %max3A_2171 = arith.maximumf %add3A_2167, %mul3A_2170 : vector<16xf32>
    %max3A_2172 = arith.maximumf %max3A_2158, %max3A_2171 : vector<16xf32>
    %add3A_2173 = vector.broadcast %squeeze3A_1921 : f32 to vector<16xf32>
    %add3A_2174 = arith.addf %add3A_2173, %gather3A_1885 : vector<16xf32>
    %mul3A_2175 = arith.constant 2.000000e-01 : f32
    %mul3A_2176 = vector.broadcast %mul3A_2175 : f32 to vector<16xf32>
    %mul3A_2177 = arith.mulf %mul3A_2176, %add3A_2174 : vector<16xf32>
    %max3A_2178 = arith.maximumf %add3A_2174, %mul3A_2177 : vector<16xf32>
    %max3A_2179 = arith.maximumf %max3A_2165, %max3A_2178 : vector<16xf32>
    %add3A_2180 = vector.broadcast %squeeze3A_1923 : f32 to vector<16xf32>
    %add3A_2181 = arith.addf %add3A_2180, %gather3A_1877 : vector<16xf32>
    %mul3A_2182 = arith.constant 2.000000e-01 : f32
    %mul3A_2183 = vector.broadcast %mul3A_2182 : f32 to vector<16xf32>
    %mul3A_2184 = arith.mulf %mul3A_2183, %add3A_2181 : vector<16xf32>
    %max3A_2185 = arith.maximumf %add3A_2181, %mul3A_2184 : vector<16xf32>
    %max3A_2186 = arith.maximumf %max3A_2172, %max3A_2185 : vector<16xf32>
    %add3A_2187 = vector.broadcast %squeeze3A_1923 : f32 to vector<16xf32>
    %add3A_2188 = arith.addf %add3A_2187, %gather3A_1885 : vector<16xf32>
    %mul3A_2189 = arith.constant 2.000000e-01 : f32
    %mul3A_2190 = vector.broadcast %mul3A_2189 : f32 to vector<16xf32>
    %mul3A_2191 = arith.mulf %mul3A_2190, %add3A_2188 : vector<16xf32>
    %max3A_2192 = arith.maximumf %add3A_2188, %mul3A_2191 : vector<16xf32>
    %max3A_2193 = arith.maximumf %max3A_2179, %max3A_2192 : vector<16xf32>
    %add3A_2194 = vector.broadcast %squeeze3A_1887 : f32 to vector<16xf32>
    %add3A_2195 = arith.addf %add3A_2194, %gather3A_1877 : vector<16xf32>
    %mul3A_2196 = arith.constant 2.000000e-01 : f32
    %mul3A_2197 = vector.broadcast %mul3A_2196 : f32 to vector<16xf32>
    %mul3A_2198 = arith.mulf %mul3A_2197, %add3A_2195 : vector<16xf32>
    %max3A_2199 = arith.maximumf %add3A_2195, %mul3A_2198 : vector<16xf32>
    %sub3A_2200 = arith.subf %max3A_2199, %max3A_2186 : vector<16xf32>
    %exp3A_2201 = math.exp %sub3A_2200 : vector<16xf32>
    %add3A_2202 = arith.addf %broadcast_in_dim3A_0, %exp3A_2201 : vector<16xf32>
    %add3A_2203 = vector.broadcast %squeeze3A_1887 : f32 to vector<16xf32>
    %add3A_2204 = arith.addf %add3A_2203, %gather3A_1885 : vector<16xf32>
    %mul3A_2205 = arith.constant 2.000000e-01 : f32
    %mul3A_2206 = vector.broadcast %mul3A_2205 : f32 to vector<16xf32>
    %mul3A_2207 = arith.mulf %mul3A_2206, %add3A_2204 : vector<16xf32>
    %max3A_2208 = arith.maximumf %add3A_2204, %mul3A_2207 : vector<16xf32>
    %sub3A_2209 = arith.subf %max3A_2208, %max3A_2193 : vector<16xf32>
    %exp3A_2210 = math.exp %sub3A_2209 : vector<16xf32>
    %add3A_2211 = arith.addf %broadcast_in_dim3A_0, %exp3A_2210 : vector<16xf32>
    %add3A_2212 = vector.broadcast %squeeze3A_1889 : f32 to vector<16xf32>
    %add3A_2213 = arith.addf %add3A_2212, %gather3A_1877 : vector<16xf32>
    %mul3A_2214 = arith.constant 2.000000e-01 : f32
    %mul3A_2215 = vector.broadcast %mul3A_2214 : f32 to vector<16xf32>
    %mul3A_2216 = arith.mulf %mul3A_2215, %add3A_2213 : vector<16xf32>
    %max3A_2217 = arith.maximumf %add3A_2213, %mul3A_2216 : vector<16xf32>
    %sub3A_2218 = arith.subf %max3A_2217, %max3A_2186 : vector<16xf32>
    %exp3A_2219 = math.exp %sub3A_2218 : vector<16xf32>
    %add3A_2220 = arith.addf %add3A_2202, %exp3A_2219 : vector<16xf32>
    %add3A_2221 = vector.broadcast %squeeze3A_1889 : f32 to vector<16xf32>
    %add3A_2222 = arith.addf %add3A_2221, %gather3A_1885 : vector<16xf32>
    %mul3A_2223 = arith.constant 2.000000e-01 : f32
    %mul3A_2224 = vector.broadcast %mul3A_2223 : f32 to vector<16xf32>
    %mul3A_2225 = arith.mulf %mul3A_2224, %add3A_2222 : vector<16xf32>
    %max3A_2226 = arith.maximumf %add3A_2222, %mul3A_2225 : vector<16xf32>
    %sub3A_2227 = arith.subf %max3A_2226, %max3A_2193 : vector<16xf32>
    %exp3A_2228 = math.exp %sub3A_2227 : vector<16xf32>
    %add3A_2229 = arith.addf %add3A_2211, %exp3A_2228 : vector<16xf32>
    %add3A_2230 = vector.broadcast %squeeze3A_1891 : f32 to vector<16xf32>
    %add3A_2231 = arith.addf %add3A_2230, %gather3A_1877 : vector<16xf32>
    %mul3A_2232 = arith.constant 2.000000e-01 : f32
    %mul3A_2233 = vector.broadcast %mul3A_2232 : f32 to vector<16xf32>
    %mul3A_2234 = arith.mulf %mul3A_2233, %add3A_2231 : vector<16xf32>
    %max3A_2235 = arith.maximumf %add3A_2231, %mul3A_2234 : vector<16xf32>
    %sub3A_2236 = arith.subf %max3A_2235, %max3A_2186 : vector<16xf32>
    %exp3A_2237 = math.exp %sub3A_2236 : vector<16xf32>
    %add3A_2238 = arith.addf %add3A_2220, %exp3A_2237 : vector<16xf32>
    %add3A_2239 = vector.broadcast %squeeze3A_1891 : f32 to vector<16xf32>
    %add3A_2240 = arith.addf %add3A_2239, %gather3A_1885 : vector<16xf32>
    %mul3A_2241 = arith.constant 2.000000e-01 : f32
    %mul3A_2242 = vector.broadcast %mul3A_2241 : f32 to vector<16xf32>
    %mul3A_2243 = arith.mulf %mul3A_2242, %add3A_2240 : vector<16xf32>
    %max3A_2244 = arith.maximumf %add3A_2240, %mul3A_2243 : vector<16xf32>
    %sub3A_2245 = arith.subf %max3A_2244, %max3A_2193 : vector<16xf32>
    %exp3A_2246 = math.exp %sub3A_2245 : vector<16xf32>
    %add3A_2247 = arith.addf %add3A_2229, %exp3A_2246 : vector<16xf32>
    %add3A_2248 = vector.broadcast %squeeze3A_1893 : f32 to vector<16xf32>
    %add3A_2249 = arith.addf %add3A_2248, %gather3A_1877 : vector<16xf32>
    %mul3A_2250 = arith.constant 2.000000e-01 : f32
    %mul3A_2251 = vector.broadcast %mul3A_2250 : f32 to vector<16xf32>
    %mul3A_2252 = arith.mulf %mul3A_2251, %add3A_2249 : vector<16xf32>
    %max3A_2253 = arith.maximumf %add3A_2249, %mul3A_2252 : vector<16xf32>
    %sub3A_2254 = arith.subf %max3A_2253, %max3A_2186 : vector<16xf32>
    %exp3A_2255 = math.exp %sub3A_2254 : vector<16xf32>
    %add3A_2256 = arith.addf %add3A_2238, %exp3A_2255 : vector<16xf32>
    %add3A_2257 = vector.broadcast %squeeze3A_1893 : f32 to vector<16xf32>
    %add3A_2258 = arith.addf %add3A_2257, %gather3A_1885 : vector<16xf32>
    %mul3A_2259 = arith.constant 2.000000e-01 : f32
    %mul3A_2260 = vector.broadcast %mul3A_2259 : f32 to vector<16xf32>
    %mul3A_2261 = arith.mulf %mul3A_2260, %add3A_2258 : vector<16xf32>
    %max3A_2262 = arith.maximumf %add3A_2258, %mul3A_2261 : vector<16xf32>
    %sub3A_2263 = arith.subf %max3A_2262, %max3A_2193 : vector<16xf32>
    %exp3A_2264 = math.exp %sub3A_2263 : vector<16xf32>
    %add3A_2265 = arith.addf %add3A_2247, %exp3A_2264 : vector<16xf32>
    %add3A_2266 = vector.broadcast %squeeze3A_1895 : f32 to vector<16xf32>
    %add3A_2267 = arith.addf %add3A_2266, %gather3A_1877 : vector<16xf32>
    %mul3A_2268 = arith.constant 2.000000e-01 : f32
    %mul3A_2269 = vector.broadcast %mul3A_2268 : f32 to vector<16xf32>
    %mul3A_2270 = arith.mulf %mul3A_2269, %add3A_2267 : vector<16xf32>
    %max3A_2271 = arith.maximumf %add3A_2267, %mul3A_2270 : vector<16xf32>
    %sub3A_2272 = arith.subf %max3A_2271, %max3A_2186 : vector<16xf32>
    %exp3A_2273 = math.exp %sub3A_2272 : vector<16xf32>
    %add3A_2274 = arith.addf %add3A_2256, %exp3A_2273 : vector<16xf32>
    %add3A_2275 = vector.broadcast %squeeze3A_1895 : f32 to vector<16xf32>
    %add3A_2276 = arith.addf %add3A_2275, %gather3A_1885 : vector<16xf32>
    %mul3A_2277 = arith.constant 2.000000e-01 : f32
    %mul3A_2278 = vector.broadcast %mul3A_2277 : f32 to vector<16xf32>
    %mul3A_2279 = arith.mulf %mul3A_2278, %add3A_2276 : vector<16xf32>
    %max3A_2280 = arith.maximumf %add3A_2276, %mul3A_2279 : vector<16xf32>
    %sub3A_2281 = arith.subf %max3A_2280, %max3A_2193 : vector<16xf32>
    %exp3A_2282 = math.exp %sub3A_2281 : vector<16xf32>
    %add3A_2283 = arith.addf %add3A_2265, %exp3A_2282 : vector<16xf32>
    %add3A_2284 = vector.broadcast %squeeze3A_1897 : f32 to vector<16xf32>
    %add3A_2285 = arith.addf %add3A_2284, %gather3A_1877 : vector<16xf32>
    %mul3A_2286 = arith.constant 2.000000e-01 : f32
    %mul3A_2287 = vector.broadcast %mul3A_2286 : f32 to vector<16xf32>
    %mul3A_2288 = arith.mulf %mul3A_2287, %add3A_2285 : vector<16xf32>
    %max3A_2289 = arith.maximumf %add3A_2285, %mul3A_2288 : vector<16xf32>
    %sub3A_2290 = arith.subf %max3A_2289, %max3A_2186 : vector<16xf32>
    %exp3A_2291 = math.exp %sub3A_2290 : vector<16xf32>
    %add3A_2292 = arith.addf %add3A_2274, %exp3A_2291 : vector<16xf32>
    %add3A_2293 = vector.broadcast %squeeze3A_1897 : f32 to vector<16xf32>
    %add3A_2294 = arith.addf %add3A_2293, %gather3A_1885 : vector<16xf32>
    %mul3A_2295 = arith.constant 2.000000e-01 : f32
    %mul3A_2296 = vector.broadcast %mul3A_2295 : f32 to vector<16xf32>
    %mul3A_2297 = arith.mulf %mul3A_2296, %add3A_2294 : vector<16xf32>
    %max3A_2298 = arith.maximumf %add3A_2294, %mul3A_2297 : vector<16xf32>
    %sub3A_2299 = arith.subf %max3A_2298, %max3A_2193 : vector<16xf32>
    %exp3A_2300 = math.exp %sub3A_2299 : vector<16xf32>
    %add3A_2301 = arith.addf %add3A_2283, %exp3A_2300 : vector<16xf32>
    %add3A_2302 = vector.broadcast %squeeze3A_1899 : f32 to vector<16xf32>
    %add3A_2303 = arith.addf %add3A_2302, %gather3A_1877 : vector<16xf32>
    %mul3A_2304 = arith.constant 2.000000e-01 : f32
    %mul3A_2305 = vector.broadcast %mul3A_2304 : f32 to vector<16xf32>
    %mul3A_2306 = arith.mulf %mul3A_2305, %add3A_2303 : vector<16xf32>
    %max3A_2307 = arith.maximumf %add3A_2303, %mul3A_2306 : vector<16xf32>
    %sub3A_2308 = arith.subf %max3A_2307, %max3A_2186 : vector<16xf32>
    %exp3A_2309 = math.exp %sub3A_2308 : vector<16xf32>
    %add3A_2310 = arith.addf %add3A_2292, %exp3A_2309 : vector<16xf32>
    %add3A_2311 = vector.broadcast %squeeze3A_1899 : f32 to vector<16xf32>
    %add3A_2312 = arith.addf %add3A_2311, %gather3A_1885 : vector<16xf32>
    %mul3A_2313 = arith.constant 2.000000e-01 : f32
    %mul3A_2314 = vector.broadcast %mul3A_2313 : f32 to vector<16xf32>
    %mul3A_2315 = arith.mulf %mul3A_2314, %add3A_2312 : vector<16xf32>
    %max3A_2316 = arith.maximumf %add3A_2312, %mul3A_2315 : vector<16xf32>
    %sub3A_2317 = arith.subf %max3A_2316, %max3A_2193 : vector<16xf32>
    %exp3A_2318 = math.exp %sub3A_2317 : vector<16xf32>
    %add3A_2319 = arith.addf %add3A_2301, %exp3A_2318 : vector<16xf32>
    %add3A_2320 = vector.broadcast %squeeze3A_1901 : f32 to vector<16xf32>
    %add3A_2321 = arith.addf %add3A_2320, %gather3A_1877 : vector<16xf32>
    %mul3A_2322 = arith.constant 2.000000e-01 : f32
    %mul3A_2323 = vector.broadcast %mul3A_2322 : f32 to vector<16xf32>
    %mul3A_2324 = arith.mulf %mul3A_2323, %add3A_2321 : vector<16xf32>
    %max3A_2325 = arith.maximumf %add3A_2321, %mul3A_2324 : vector<16xf32>
    %sub3A_2326 = arith.subf %max3A_2325, %max3A_2186 : vector<16xf32>
    %exp3A_2327 = math.exp %sub3A_2326 : vector<16xf32>
    %add3A_2328 = arith.addf %add3A_2310, %exp3A_2327 : vector<16xf32>
    %add3A_2329 = vector.broadcast %squeeze3A_1901 : f32 to vector<16xf32>
    %add3A_2330 = arith.addf %add3A_2329, %gather3A_1885 : vector<16xf32>
    %mul3A_2331 = arith.constant 2.000000e-01 : f32
    %mul3A_2332 = vector.broadcast %mul3A_2331 : f32 to vector<16xf32>
    %mul3A_2333 = arith.mulf %mul3A_2332, %add3A_2330 : vector<16xf32>
    %max3A_2334 = arith.maximumf %add3A_2330, %mul3A_2333 : vector<16xf32>
    %sub3A_2335 = arith.subf %max3A_2334, %max3A_2193 : vector<16xf32>
    %exp3A_2336 = math.exp %sub3A_2335 : vector<16xf32>
    %add3A_2337 = arith.addf %add3A_2319, %exp3A_2336 : vector<16xf32>
    %add3A_2338 = vector.broadcast %squeeze3A_1903 : f32 to vector<16xf32>
    %add3A_2339 = arith.addf %add3A_2338, %gather3A_1877 : vector<16xf32>
    %mul3A_2340 = arith.constant 2.000000e-01 : f32
    %mul3A_2341 = vector.broadcast %mul3A_2340 : f32 to vector<16xf32>
    %mul3A_2342 = arith.mulf %mul3A_2341, %add3A_2339 : vector<16xf32>
    %max3A_2343 = arith.maximumf %add3A_2339, %mul3A_2342 : vector<16xf32>
    %sub3A_2344 = arith.subf %max3A_2343, %max3A_2186 : vector<16xf32>
    %exp3A_2345 = math.exp %sub3A_2344 : vector<16xf32>
    %add3A_2346 = arith.addf %add3A_2328, %exp3A_2345 : vector<16xf32>
    %add3A_2347 = vector.broadcast %squeeze3A_1903 : f32 to vector<16xf32>
    %add3A_2348 = arith.addf %add3A_2347, %gather3A_1885 : vector<16xf32>
    %mul3A_2349 = arith.constant 2.000000e-01 : f32
    %mul3A_2350 = vector.broadcast %mul3A_2349 : f32 to vector<16xf32>
    %mul3A_2351 = arith.mulf %mul3A_2350, %add3A_2348 : vector<16xf32>
    %max3A_2352 = arith.maximumf %add3A_2348, %mul3A_2351 : vector<16xf32>
    %sub3A_2353 = arith.subf %max3A_2352, %max3A_2193 : vector<16xf32>
    %exp3A_2354 = math.exp %sub3A_2353 : vector<16xf32>
    %add3A_2355 = arith.addf %add3A_2337, %exp3A_2354 : vector<16xf32>
    %add3A_2356 = vector.broadcast %squeeze3A_1905 : f32 to vector<16xf32>
    %add3A_2357 = arith.addf %add3A_2356, %gather3A_1877 : vector<16xf32>
    %mul3A_2358 = arith.constant 2.000000e-01 : f32
    %mul3A_2359 = vector.broadcast %mul3A_2358 : f32 to vector<16xf32>
    %mul3A_2360 = arith.mulf %mul3A_2359, %add3A_2357 : vector<16xf32>
    %max3A_2361 = arith.maximumf %add3A_2357, %mul3A_2360 : vector<16xf32>
    %sub3A_2362 = arith.subf %max3A_2361, %max3A_2186 : vector<16xf32>
    %exp3A_2363 = math.exp %sub3A_2362 : vector<16xf32>
    %add3A_2364 = arith.addf %add3A_2346, %exp3A_2363 : vector<16xf32>
    %add3A_2365 = vector.broadcast %squeeze3A_1905 : f32 to vector<16xf32>
    %add3A_2366 = arith.addf %add3A_2365, %gather3A_1885 : vector<16xf32>
    %mul3A_2367 = arith.constant 2.000000e-01 : f32
    %mul3A_2368 = vector.broadcast %mul3A_2367 : f32 to vector<16xf32>
    %mul3A_2369 = arith.mulf %mul3A_2368, %add3A_2366 : vector<16xf32>
    %max3A_2370 = arith.maximumf %add3A_2366, %mul3A_2369 : vector<16xf32>
    %sub3A_2371 = arith.subf %max3A_2370, %max3A_2193 : vector<16xf32>
    %exp3A_2372 = math.exp %sub3A_2371 : vector<16xf32>
    %add3A_2373 = arith.addf %add3A_2355, %exp3A_2372 : vector<16xf32>
    %add3A_2374 = vector.broadcast %squeeze3A_1907 : f32 to vector<16xf32>
    %add3A_2375 = arith.addf %add3A_2374, %gather3A_1877 : vector<16xf32>
    %mul3A_2376 = arith.constant 2.000000e-01 : f32
    %mul3A_2377 = vector.broadcast %mul3A_2376 : f32 to vector<16xf32>
    %mul3A_2378 = arith.mulf %mul3A_2377, %add3A_2375 : vector<16xf32>
    %max3A_2379 = arith.maximumf %add3A_2375, %mul3A_2378 : vector<16xf32>
    %sub3A_2380 = arith.subf %max3A_2379, %max3A_2186 : vector<16xf32>
    %exp3A_2381 = math.exp %sub3A_2380 : vector<16xf32>
    %add3A_2382 = arith.addf %add3A_2364, %exp3A_2381 : vector<16xf32>
    %add3A_2383 = vector.broadcast %squeeze3A_1907 : f32 to vector<16xf32>
    %add3A_2384 = arith.addf %add3A_2383, %gather3A_1885 : vector<16xf32>
    %mul3A_2385 = arith.constant 2.000000e-01 : f32
    %mul3A_2386 = vector.broadcast %mul3A_2385 : f32 to vector<16xf32>
    %mul3A_2387 = arith.mulf %mul3A_2386, %add3A_2384 : vector<16xf32>
    %max3A_2388 = arith.maximumf %add3A_2384, %mul3A_2387 : vector<16xf32>
    %sub3A_2389 = arith.subf %max3A_2388, %max3A_2193 : vector<16xf32>
    %exp3A_2390 = math.exp %sub3A_2389 : vector<16xf32>
    %add3A_2391 = arith.addf %add3A_2373, %exp3A_2390 : vector<16xf32>
    %add3A_2392 = vector.broadcast %squeeze3A_1909 : f32 to vector<16xf32>
    %add3A_2393 = arith.addf %add3A_2392, %gather3A_1877 : vector<16xf32>
    %mul3A_2394 = arith.constant 2.000000e-01 : f32
    %mul3A_2395 = vector.broadcast %mul3A_2394 : f32 to vector<16xf32>
    %mul3A_2396 = arith.mulf %mul3A_2395, %add3A_2393 : vector<16xf32>
    %max3A_2397 = arith.maximumf %add3A_2393, %mul3A_2396 : vector<16xf32>
    %sub3A_2398 = arith.subf %max3A_2397, %max3A_2186 : vector<16xf32>
    %exp3A_2399 = math.exp %sub3A_2398 : vector<16xf32>
    %add3A_2400 = arith.addf %add3A_2382, %exp3A_2399 : vector<16xf32>
    %add3A_2401 = vector.broadcast %squeeze3A_1909 : f32 to vector<16xf32>
    %add3A_2402 = arith.addf %add3A_2401, %gather3A_1885 : vector<16xf32>
    %mul3A_2403 = arith.constant 2.000000e-01 : f32
    %mul3A_2404 = vector.broadcast %mul3A_2403 : f32 to vector<16xf32>
    %mul3A_2405 = arith.mulf %mul3A_2404, %add3A_2402 : vector<16xf32>
    %max3A_2406 = arith.maximumf %add3A_2402, %mul3A_2405 : vector<16xf32>
    %sub3A_2407 = arith.subf %max3A_2406, %max3A_2193 : vector<16xf32>
    %exp3A_2408 = math.exp %sub3A_2407 : vector<16xf32>
    %add3A_2409 = arith.addf %add3A_2391, %exp3A_2408 : vector<16xf32>
    %add3A_2410 = vector.broadcast %squeeze3A_1911 : f32 to vector<16xf32>
    %add3A_2411 = arith.addf %add3A_2410, %gather3A_1877 : vector<16xf32>
    %mul3A_2412 = arith.constant 2.000000e-01 : f32
    %mul3A_2413 = vector.broadcast %mul3A_2412 : f32 to vector<16xf32>
    %mul3A_2414 = arith.mulf %mul3A_2413, %add3A_2411 : vector<16xf32>
    %max3A_2415 = arith.maximumf %add3A_2411, %mul3A_2414 : vector<16xf32>
    %sub3A_2416 = arith.subf %max3A_2415, %max3A_2186 : vector<16xf32>
    %exp3A_2417 = math.exp %sub3A_2416 : vector<16xf32>
    %add3A_2418 = arith.addf %add3A_2400, %exp3A_2417 : vector<16xf32>
    %add3A_2419 = vector.broadcast %squeeze3A_1911 : f32 to vector<16xf32>
    %add3A_2420 = arith.addf %add3A_2419, %gather3A_1885 : vector<16xf32>
    %mul3A_2421 = arith.constant 2.000000e-01 : f32
    %mul3A_2422 = vector.broadcast %mul3A_2421 : f32 to vector<16xf32>
    %mul3A_2423 = arith.mulf %mul3A_2422, %add3A_2420 : vector<16xf32>
    %max3A_2424 = arith.maximumf %add3A_2420, %mul3A_2423 : vector<16xf32>
    %sub3A_2425 = arith.subf %max3A_2424, %max3A_2193 : vector<16xf32>
    %exp3A_2426 = math.exp %sub3A_2425 : vector<16xf32>
    %add3A_2427 = arith.addf %add3A_2409, %exp3A_2426 : vector<16xf32>
    %add3A_2428 = vector.broadcast %squeeze3A_1913 : f32 to vector<16xf32>
    %add3A_2429 = arith.addf %add3A_2428, %gather3A_1877 : vector<16xf32>
    %mul3A_2430 = arith.constant 2.000000e-01 : f32
    %mul3A_2431 = vector.broadcast %mul3A_2430 : f32 to vector<16xf32>
    %mul3A_2432 = arith.mulf %mul3A_2431, %add3A_2429 : vector<16xf32>
    %max3A_2433 = arith.maximumf %add3A_2429, %mul3A_2432 : vector<16xf32>
    %sub3A_2434 = arith.subf %max3A_2433, %max3A_2186 : vector<16xf32>
    %exp3A_2435 = math.exp %sub3A_2434 : vector<16xf32>
    %add3A_2436 = arith.addf %add3A_2418, %exp3A_2435 : vector<16xf32>
    %add3A_2437 = vector.broadcast %squeeze3A_1913 : f32 to vector<16xf32>
    %add3A_2438 = arith.addf %add3A_2437, %gather3A_1885 : vector<16xf32>
    %mul3A_2439 = arith.constant 2.000000e-01 : f32
    %mul3A_2440 = vector.broadcast %mul3A_2439 : f32 to vector<16xf32>
    %mul3A_2441 = arith.mulf %mul3A_2440, %add3A_2438 : vector<16xf32>
    %max3A_2442 = arith.maximumf %add3A_2438, %mul3A_2441 : vector<16xf32>
    %sub3A_2443 = arith.subf %max3A_2442, %max3A_2193 : vector<16xf32>
    %exp3A_2444 = math.exp %sub3A_2443 : vector<16xf32>
    %add3A_2445 = arith.addf %add3A_2427, %exp3A_2444 : vector<16xf32>
    %add3A_2446 = vector.broadcast %squeeze3A_1915 : f32 to vector<16xf32>
    %add3A_2447 = arith.addf %add3A_2446, %gather3A_1877 : vector<16xf32>
    %mul3A_2448 = arith.constant 2.000000e-01 : f32
    %mul3A_2449 = vector.broadcast %mul3A_2448 : f32 to vector<16xf32>
    %mul3A_2450 = arith.mulf %mul3A_2449, %add3A_2447 : vector<16xf32>
    %max3A_2451 = arith.maximumf %add3A_2447, %mul3A_2450 : vector<16xf32>
    %sub3A_2452 = arith.subf %max3A_2451, %max3A_2186 : vector<16xf32>
    %exp3A_2453 = math.exp %sub3A_2452 : vector<16xf32>
    %add3A_2454 = arith.addf %add3A_2436, %exp3A_2453 : vector<16xf32>
    %add3A_2455 = vector.broadcast %squeeze3A_1915 : f32 to vector<16xf32>
    %add3A_2456 = arith.addf %add3A_2455, %gather3A_1885 : vector<16xf32>
    %mul3A_2457 = arith.constant 2.000000e-01 : f32
    %mul3A_2458 = vector.broadcast %mul3A_2457 : f32 to vector<16xf32>
    %mul3A_2459 = arith.mulf %mul3A_2458, %add3A_2456 : vector<16xf32>
    %max3A_2460 = arith.maximumf %add3A_2456, %mul3A_2459 : vector<16xf32>
    %sub3A_2461 = arith.subf %max3A_2460, %max3A_2193 : vector<16xf32>
    %exp3A_2462 = math.exp %sub3A_2461 : vector<16xf32>
    %add3A_2463 = arith.addf %add3A_2445, %exp3A_2462 : vector<16xf32>
    %add3A_2464 = vector.broadcast %squeeze3A_1917 : f32 to vector<16xf32>
    %add3A_2465 = arith.addf %add3A_2464, %gather3A_1877 : vector<16xf32>
    %mul3A_2466 = arith.constant 2.000000e-01 : f32
    %mul3A_2467 = vector.broadcast %mul3A_2466 : f32 to vector<16xf32>
    %mul3A_2468 = arith.mulf %mul3A_2467, %add3A_2465 : vector<16xf32>
    %max3A_2469 = arith.maximumf %add3A_2465, %mul3A_2468 : vector<16xf32>
    %sub3A_2470 = arith.subf %max3A_2469, %max3A_2186 : vector<16xf32>
    %exp3A_2471 = math.exp %sub3A_2470 : vector<16xf32>
    %add3A_2472 = arith.addf %add3A_2454, %exp3A_2471 : vector<16xf32>
    %add3A_2473 = vector.broadcast %squeeze3A_1917 : f32 to vector<16xf32>
    %add3A_2474 = arith.addf %add3A_2473, %gather3A_1885 : vector<16xf32>
    %mul3A_2475 = arith.constant 2.000000e-01 : f32
    %mul3A_2476 = vector.broadcast %mul3A_2475 : f32 to vector<16xf32>
    %mul3A_2477 = arith.mulf %mul3A_2476, %add3A_2474 : vector<16xf32>
    %max3A_2478 = arith.maximumf %add3A_2474, %mul3A_2477 : vector<16xf32>
    %sub3A_2479 = arith.subf %max3A_2478, %max3A_2193 : vector<16xf32>
    %exp3A_2480 = math.exp %sub3A_2479 : vector<16xf32>
    %add3A_2481 = arith.addf %add3A_2463, %exp3A_2480 : vector<16xf32>
    %add3A_2482 = vector.broadcast %squeeze3A_1919 : f32 to vector<16xf32>
    %add3A_2483 = arith.addf %add3A_2482, %gather3A_1877 : vector<16xf32>
    %mul3A_2484 = arith.constant 2.000000e-01 : f32
    %mul3A_2485 = vector.broadcast %mul3A_2484 : f32 to vector<16xf32>
    %mul3A_2486 = arith.mulf %mul3A_2485, %add3A_2483 : vector<16xf32>
    %max3A_2487 = arith.maximumf %add3A_2483, %mul3A_2486 : vector<16xf32>
    %sub3A_2488 = arith.subf %max3A_2487, %max3A_2186 : vector<16xf32>
    %exp3A_2489 = math.exp %sub3A_2488 : vector<16xf32>
    %add3A_2490 = arith.addf %add3A_2472, %exp3A_2489 : vector<16xf32>
    %add3A_2491 = vector.broadcast %squeeze3A_1919 : f32 to vector<16xf32>
    %add3A_2492 = arith.addf %add3A_2491, %gather3A_1885 : vector<16xf32>
    %mul3A_2493 = arith.constant 2.000000e-01 : f32
    %mul3A_2494 = vector.broadcast %mul3A_2493 : f32 to vector<16xf32>
    %mul3A_2495 = arith.mulf %mul3A_2494, %add3A_2492 : vector<16xf32>
    %max3A_2496 = arith.maximumf %add3A_2492, %mul3A_2495 : vector<16xf32>
    %sub3A_2497 = arith.subf %max3A_2496, %max3A_2193 : vector<16xf32>
    %exp3A_2498 = math.exp %sub3A_2497 : vector<16xf32>
    %add3A_2499 = arith.addf %add3A_2481, %exp3A_2498 : vector<16xf32>
    %add3A_2500 = vector.broadcast %squeeze3A_1921 : f32 to vector<16xf32>
    %add3A_2501 = arith.addf %add3A_2500, %gather3A_1877 : vector<16xf32>
    %mul3A_2502 = arith.constant 2.000000e-01 : f32
    %mul3A_2503 = vector.broadcast %mul3A_2502 : f32 to vector<16xf32>
    %mul3A_2504 = arith.mulf %mul3A_2503, %add3A_2501 : vector<16xf32>
    %max3A_2505 = arith.maximumf %add3A_2501, %mul3A_2504 : vector<16xf32>
    %sub3A_2506 = arith.subf %max3A_2505, %max3A_2186 : vector<16xf32>
    %exp3A_2507 = math.exp %sub3A_2506 : vector<16xf32>
    %add3A_2508 = arith.addf %add3A_2490, %exp3A_2507 : vector<16xf32>
    %add3A_2509 = vector.broadcast %squeeze3A_1921 : f32 to vector<16xf32>
    %add3A_2510 = arith.addf %add3A_2509, %gather3A_1885 : vector<16xf32>
    %mul3A_2511 = arith.constant 2.000000e-01 : f32
    %mul3A_2512 = vector.broadcast %mul3A_2511 : f32 to vector<16xf32>
    %mul3A_2513 = arith.mulf %mul3A_2512, %add3A_2510 : vector<16xf32>
    %max3A_2514 = arith.maximumf %add3A_2510, %mul3A_2513 : vector<16xf32>
    %sub3A_2515 = arith.subf %max3A_2514, %max3A_2193 : vector<16xf32>
    %exp3A_2516 = math.exp %sub3A_2515 : vector<16xf32>
    %add3A_2517 = arith.addf %add3A_2499, %exp3A_2516 : vector<16xf32>
    %add3A_2518 = vector.broadcast %squeeze3A_1923 : f32 to vector<16xf32>
    %add3A_2519 = arith.addf %add3A_2518, %gather3A_1877 : vector<16xf32>
    %mul3A_2520 = arith.constant 2.000000e-01 : f32
    %mul3A_2521 = vector.broadcast %mul3A_2520 : f32 to vector<16xf32>
    %mul3A_2522 = arith.mulf %mul3A_2521, %add3A_2519 : vector<16xf32>
    %max3A_2523 = arith.maximumf %add3A_2519, %mul3A_2522 : vector<16xf32>
    %sub3A_2524 = arith.subf %max3A_2523, %max3A_2186 : vector<16xf32>
    %exp3A_2525 = math.exp %sub3A_2524 : vector<16xf32>
    %add3A_2526 = arith.addf %add3A_2508, %exp3A_2525 : vector<16xf32>
    %add3A_2527 = vector.broadcast %squeeze3A_1923 : f32 to vector<16xf32>
    %add3A_2528 = arith.addf %add3A_2527, %gather3A_1885 : vector<16xf32>
    %mul3A_2529 = arith.constant 2.000000e-01 : f32
    %mul3A_2530 = vector.broadcast %mul3A_2529 : f32 to vector<16xf32>
    %mul3A_2531 = arith.mulf %mul3A_2530, %add3A_2528 : vector<16xf32>
    %max3A_2532 = arith.maximumf %add3A_2528, %mul3A_2531 : vector<16xf32>
    %sub3A_2533 = arith.subf %max3A_2532, %max3A_2193 : vector<16xf32>
    %exp3A_2534 = math.exp %sub3A_2533 : vector<16xf32>
    %add3A_2535 = arith.addf %add3A_2517, %exp3A_2534 : vector<16xf32>
    %broadcast_in_dim3A_2536 = arith.constant 656 : i32
    %broadcast_in_dim3A_2537 = vector.broadcast %broadcast_in_dim3A_2536 : i32 to vector<16xi32>
    %broadcast_in_dim3A_2538 = arith.constant 0 : i32
    %broadcast_in_dim3A_2539 = vector.broadcast %broadcast_in_dim3A_2538 : i32 to vector<16xi32>
    %broadcast_in_dim3A_2540 = arith.constant 128 : i32
    %broadcast_in_dim3A_2541 = vector.broadcast %broadcast_in_dim3A_2540 : i32 to vector<16xi32>
    %eq3A_2542 = arith.constant 15 : i32
    %eq3A_2543 = arith.cmpi eq, %arg1, %eq3A_2542 : i32
    %lt3A_2544 = arith.constant 3 : i32
    %lt3A_2545 = arith.cmpi slt, %arg1, %lt3A_2544 : i32
    %scan3A_2546 = arith.constant 0 : i32
    %scan3A_2547 = arith.constant 128 : i32
    %scan3A_2548 = arith.addi %scan3A_2546, %scan3A_2547 : i32
    %scan3A_2549 = arith.constant 2 : i32
    %scan3A_2550:5 = scf.for %scan3A_2633 = %scan3A_2546 to %scan3A_2548 step %scan3A_2549 iter_args(%scan3A_2634 = %broadcast_in_dim3A_0, %scan3A_2635 = %broadcast_in_dim3A_0, %scan3A_2636 = %broadcast_in_dim3A_0, %scan3A_2637 = %broadcast_in_dim3A_0, %scan3A_2638 = %broadcast_in_dim3A_0) -> (vector<16xf32>, vector<16xf32>, vector<16xf32>, vector<16xf32>, vector<16xf32>)  : i32 {
      %mul3A_2639 = arith.constant 32 : i32
      %mul3A_2640 = arith.muli %scan3A_2633, %mul3A_2639 : i32
      %add3A_2641 = arith.constant 8976 : i32
      %add3A_2642 = arith.addi %add3A_2641, %mul3A_2640 : i32
      %multiple_of3A = tpu.assume_multiple %add3A_2642, 16 : i32
      %get3A_2643 = arith.index_cast %multiple_of3A : i32 to index
      %get3A_2644 = tpu.vector_load %arg4[%get3A_2643] {strides = array<i32>} : memref<13072xf32, #tpu.memory_space<vmem>>, vector<16xf32>,
      %mul3A_2645 = arith.constant 32 : i32
      %mul3A_2646 = arith.muli %scan3A_2633, %mul3A_2645 : i32
      %add3A_2647 = arith.constant 8976 : i32
      %add3A_2648 = arith.addi %add3A_2647, %mul3A_2646 : i32
      %add3A_2649 = arith.constant 16 : i32
      %add3A_2650 = arith.addi %add3A_2648, %add3A_2649 : i32
      %multiple_of3A_2651 = tpu.assume_multiple %add3A_2650, 16 : i32
      %get3A_2652 = arith.index_cast %multiple_of3A_2651 : i32 to index
      %get3A_2653 = tpu.vector_load %arg4[%get3A_2652] {strides = array<i32>} : memref<13072xf32, #tpu.memory_space<vmem>>, vector<16xf32>,
      %add3A_2654 = vector.broadcast %scan3A_2633 : i32 to vector<16xi32>
      %add3A_2655 = arith.addi %broadcast_in_dim3A_2537, %add3A_2654 : vector<16xi32>
      %gather3A_2656 = tpu.vector_load_idx %arg4[%add3A_2655] : memref<13072xf32, #tpu.memory_space<vmem>>[vector<16xi32>], vector<16xf32>,
      %add3A_2657 = arith.addf %get3A_2644, %get3A_2653 : vector<16xf32>
      %mul3A_2658 = arith.mulf %gather3A_2656, %add3A_2657 : vector<16xf32>
      %add3A_2659 = arith.addf %scan3A_2638, %mul3A_2658 : vector<16xf32>
      %add3A_2660 = vector.broadcast %scan3A_2633 : i32 to vector<16xi32>
      %add3A_2661 = arith.addi %broadcast_in_dim3A_2539, %add3A_2660 : vector<16xi32>
      %gather3A_2662 = tpu.vector_load_idx %arg6[%add3A_2661] : memref<768xf32, #tpu.memory_space<vmem>>[vector<16xi32>], vector<16xf32>,
      %add3A_2663 = vector.broadcast %scan3A_2633 : i32 to vector<16xi32>
      %add3A_2664 = arith.addi %broadcast_in_dim3A_2541, %add3A_2663 : vector<16xi32>
      %gather3A_2665 = tpu.vector_load_idx %arg6[%add3A_2664] : memref<768xf32, #tpu.memory_space<vmem>>[vector<16xi32>], vector<16xf32>,
      %mul3A_2666 = arith.mulf %gather3A_2662, %get3A_2644 : vector<16xf32>
      %add3A_2667 = arith.addf %scan3A_2634, %mul3A_2666 : vector<16xf32>
      %mul3A_2668 = arith.mulf %gather3A_2662, %get3A_2653 : vector<16xf32>
      %add3A_2669 = arith.addf %scan3A_2635, %mul3A_2668 : vector<16xf32>
      %mul3A_2670 = arith.mulf %gather3A_2665, %get3A_2644 : vector<16xf32>
      %add3A_2671 = arith.addf %scan3A_2636, %mul3A_2670 : vector<16xf32>
      %mul3A_2672 = arith.mulf %gather3A_2665, %get3A_2653 : vector<16xf32>
      %add3A_2673 = arith.addf %scan3A_2637, %mul3A_2672 : vector<16xf32>
      %scan3A_2674 = arith.constant 1 : i32
      %scan3A_2675 = arith.addi %scan3A_2633, %scan3A_2674 : i32
      %mul3A_2676 = arith.constant 32 : i32
      %mul3A_2677 = arith.muli %scan3A_2675, %mul3A_2676 : i32
      %add3A_2678 = arith.constant 8976 : i32
      %add3A_2679 = arith.addi %add3A_2678, %mul3A_2677 : i32
      %multiple_of3A_2680 = tpu.assume_multiple %add3A_2679, 16 : i32
      %get3A_2681 = arith.index_cast %multiple_of3A_2680 : i32 to index
      %get3A_2682 = tpu.vector_load %arg4[%get3A_2681] {strides = array<i32>} : memref<13072xf32, #tpu.memory_space<vmem>>, vector<16xf32>,
      %mul3A_2683 = arith.constant 32 : i32
      %mul3A_2684 = arith.muli %scan3A_2675, %mul3A_2683 : i32
      %add3A_2685 = arith.constant 8976 : i32
      %add3A_2686 = arith.addi %add3A_2685, %mul3A_2684 : i32
      %add3A_2687 = arith.constant 16 : i32
      %add3A_2688 = arith.addi %add3A_2686, %add3A_2687 : i32
      %multiple_of3A_2689 = tpu.assume_multiple %add3A_2688, 16 : i32
      %get3A_2690 = arith.index_cast %multiple_of3A_2689 : i32 to index
      %get3A_2691 = tpu.vector_load %arg4[%get3A_2690] {strides = array<i32>} : memref<13072xf32, #tpu.memory_space<vmem>>, vector<16xf32>,
      %add3A_2692 = vector.broadcast %scan3A_2675 : i32 to vector<16xi32>
      %add3A_2693 = arith.addi %broadcast_in_dim3A_2537, %add3A_2692 : vector<16xi32>
      %gather3A_2694 = tpu.vector_load_idx %arg4[%add3A_2693] : memref<13072xf32, #tpu.memory_space<vmem>>[vector<16xi32>], vector<16xf32>,
      %add3A_2695 = arith.addf %get3A_2682, %get3A_2691 : vector<16xf32>
      %mul3A_2696 = arith.mulf %gather3A_2694, %add3A_2695 : vector<16xf32>
      %add3A_2697 = arith.addf %add3A_2659, %mul3A_2696 : vector<16xf32>
      %add3A_2698 = vector.broadcast %scan3A_2675 : i32 to vector<16xi32>
      %add3A_2699 = arith.addi %broadcast_in_dim3A_2539, %add3A_2698 : vector<16xi32>
      %gather3A_2700 = tpu.vector_load_idx %arg6[%add3A_2699] : memref<768xf32, #tpu.memory_space<vmem>>[vector<16xi32>], vector<16xf32>,
      %add3A_2701 = vector.broadcast %scan3A_2675 : i32 to vector<16xi32>
      %add3A_2702 = arith.addi %broadcast_in_dim3A_2541, %add3A_2701 : vector<16xi32>
      %gather3A_2703 = tpu.vector_load_idx %arg6[%add3A_2702] : memref<768xf32, #tpu.memory_space<vmem>>[vector<16xi32>], vector<16xf32>,
      %mul3A_2704 = arith.mulf %gather3A_2700, %get3A_2682 : vector<16xf32>
      %add3A_2705 = arith.addf %add3A_2667, %mul3A_2704 : vector<16xf32>
      %mul3A_2706 = arith.mulf %gather3A_2700, %get3A_2691 : vector<16xf32>
      %add3A_2707 = arith.addf %add3A_2669, %mul3A_2706 : vector<16xf32>
      %mul3A_2708 = arith.mulf %gather3A_2703, %get3A_2682 : vector<16xf32>
      %add3A_2709 = arith.addf %add3A_2671, %mul3A_2708 : vector<16xf32>
      %mul3A_2710 = arith.mulf %gather3A_2703, %get3A_2691 : vector<16xf32>
      %add3A_2711 = arith.addf %add3A_2673, %mul3A_2710 : vector<16xf32>
      scf.yield %add3A_2705, %add3A_2707, %add3A_2709, %add3A_2711, %add3A_2697 : vector<16xf32>, vector<16xf32>, vector<16xf32>, vector<16xf32>, vector<16xf32>
    }
    %scan3A_2551 = arith.constant 128 : i32
    %jit3A_2552 = arith.constant 0.000000e+00 : f32
    %broadcast_in_dim3A_2553 = vector.broadcast %jit3A_2552 : f32 to vector<16xf32>
    %select_n3A_2554 = arith.select %eq3A_2543, %scan3A_2550#4, %broadcast_in_dim3A_2553 : vector<16xf32>
    %mul3A_2555 = arith.constant 24 : i32
    %mul3A_2556 = arith.muli %arg1, %mul3A_2555 : i32
    %broadcast_in_dim3A_2557 = arith.constant 0 : i32
    %broadcast_in_dim3A_2558 = vector.broadcast %broadcast_in_dim3A_2557 : i32 to vector<16xi32>
    %add3A_2559 = vector.broadcast %mul3A_2556 : i32 to vector<16xi32>
    %add3A_2560 = arith.addi %add3A_2559, %broadcast_in_dim3A_2558 : vector<16xi32>
    %gather3A_2561 = tpu.vector_load_idx %arg7[%add3A_2560] : memref<400xf32, #tpu.memory_space<vmem>>[vector<16xi32>], vector<16xf32>,
    %slice3A_2562 = vector.extract_strided_slice %gather3A_2561 {offsets = [0], sizes = [1], strides = [1]} : vector<16xf32> to vector<1xf32>
    %squeeze3A_2563 = vector.extract %slice3A_2562[0] : f32 from vector<1xf32>
    %add3A_2564 = vector.broadcast %squeeze3A_2563 : f32 to vector<16xf32>
    %add3A_2565 = arith.addf %add3A_2564, %gather3A_1877 : vector<16xf32>
    %mul3A_2566 = arith.constant 2.000000e-01 : f32
    %mul3A_2567 = vector.broadcast %mul3A_2566 : f32 to vector<16xf32>
    %mul3A_2568 = arith.mulf %mul3A_2567, %add3A_2565 : vector<16xf32>
    %max3A_2569 = arith.maximumf %add3A_2565, %mul3A_2568 : vector<16xf32>
    %sub3A_2570 = arith.subf %max3A_2569, %max3A_2186 : vector<16xf32>
    %exp3A_2571 = math.exp %sub3A_2570 : vector<16xf32>
    %add3A_2572 = vector.broadcast %squeeze3A_2563 : f32 to vector<16xf32>
    %add3A_2573 = arith.addf %add3A_2572, %gather3A_1885 : vector<16xf32>
    %mul3A_2574 = arith.constant 2.000000e-01 : f32
    %mul3A_2575 = vector.broadcast %mul3A_2574 : f32 to vector<16xf32>
    %mul3A_2576 = arith.mulf %mul3A_2575, %add3A_2573 : vector<16xf32>
    %max3A_2577 = arith.maximumf %add3A_2573, %mul3A_2576 : vector<16xf32>
    %sub3A_2578 = arith.subf %max3A_2577, %max3A_2193 : vector<16xf32>
    %exp3A_2579 = math.exp %sub3A_2578 : vector<16xf32>
    %mul3A_2580 = arith.mulf %exp3A_2571, %scan3A_2550#0 : vector<16xf32>
    %mul3A_2581 = arith.mulf %exp3A_2579, %scan3A_2550#1 : vector<16xf32>
    %mul3A_2582 = arith.constant 24 : i32
    %mul3A_2583 = arith.muli %arg1, %mul3A_2582 : i32
    %broadcast_in_dim3A_2584 = arith.constant 2 : i32
    %broadcast_in_dim3A_2585 = vector.broadcast %broadcast_in_dim3A_2584 : i32 to vector<16xi32>
    %add3A_2586 = vector.broadcast %mul3A_2583 : i32 to vector<16xi32>
    %add3A_2587 = arith.addi %add3A_2586, %broadcast_in_dim3A_2585 : vector<16xi32>
    %gather3A_2588 = tpu.vector_load_idx %arg7[%add3A_2587] : memref<400xf32, #tpu.memory_space<vmem>>[vector<16xi32>], vector<16xf32>,
    %slice3A_2589 = vector.extract_strided_slice %gather3A_2588 {offsets = [0], sizes = [1], strides = [1]} : vector<16xf32> to vector<1xf32>
    %squeeze3A_2590 = vector.extract %slice3A_2589[0] : f32 from vector<1xf32>
    %add3A_2591 = vector.broadcast %squeeze3A_2590 : f32 to vector<16xf32>
    %add3A_2592 = arith.addf %add3A_2591, %gather3A_1877 : vector<16xf32>
    %mul3A_2593 = arith.constant 2.000000e-01 : f32
    %mul3A_2594 = vector.broadcast %mul3A_2593 : f32 to vector<16xf32>
    %mul3A_2595 = arith.mulf %mul3A_2594, %add3A_2592 : vector<16xf32>
    %max3A_2596 = arith.maximumf %add3A_2592, %mul3A_2595 : vector<16xf32>
    %sub3A_2597 = arith.subf %max3A_2596, %max3A_2186 : vector<16xf32>
    %exp3A_2598 = math.exp %sub3A_2597 : vector<16xf32>
    %add3A_2599 = vector.broadcast %squeeze3A_2590 : f32 to vector<16xf32>
    %add3A_2600 = arith.addf %add3A_2599, %gather3A_1885 : vector<16xf32>
    %mul3A_2601 = arith.constant 2.000000e-01 : f32
    %mul3A_2602 = vector.broadcast %mul3A_2601 : f32 to vector<16xf32>
    %mul3A_2603 = arith.mulf %mul3A_2602, %add3A_2600 : vector<16xf32>
    %max3A_2604 = arith.maximumf %add3A_2600, %mul3A_2603 : vector<16xf32>
    %sub3A_2605 = arith.subf %max3A_2604, %max3A_2193 : vector<16xf32>
    %exp3A_2606 = math.exp %sub3A_2605 : vector<16xf32>
    %mul3A_2607 = arith.mulf %exp3A_2598, %scan3A_2550#2 : vector<16xf32>
    %mul3A_2608 = arith.mulf %exp3A_2606, %scan3A_2550#3 : vector<16xf32>
    %jit3A_2609 = arith.constant 0.000000e+00 : f32
    %broadcast_in_dim3A_2610 = vector.broadcast %jit3A_2609 : f32 to vector<16xf32>
    %select_n3A_2611 = arith.select %lt3A_2545, %mul3A_2607, %broadcast_in_dim3A_2610 : vector<16xf32>
    %add3A_2612 = arith.addf %mul3A_2580, %select_n3A_2611 : vector<16xf32>
    %jit3A_2613 = arith.constant 0.000000e+00 : f32
    %broadcast_in_dim3A_2614 = vector.broadcast %jit3A_2613 : f32 to vector<16xf32>
    %select_n3A_2615 = arith.select %lt3A_2545, %mul3A_2608, %broadcast_in_dim3A_2614 : vector<16xf32>
    %add3A_2616 = arith.addf %mul3A_2581, %select_n3A_2615 : vector<16xf32>
    %swap3A_2617 = arith.constant 0 : index
    %swap3A_2618 = tpu.vector_load %arg8[%swap3A_2617] {strides = array<i32>} : memref<48xf32, #tpu.memory_space<vmem>>, vector<16xf32>,
    tpu.vector_store %arg8[%swap3A_2617], %add3A_2612 {strides = array<i32>} : memref<48xf32, #tpu.memory_space<vmem>>, vector<16xf32>,
    %swap3A_2619 = arith.constant 16 : index
    %swap3A_2620 = tpu.vector_load %arg8[%swap3A_2619] {strides = array<i32>} : memref<48xf32, #tpu.memory_space<vmem>>, vector<16xf32>,
    tpu.vector_store %arg8[%swap3A_2619], %add3A_2616 {strides = array<i32>} : memref<48xf32, #tpu.memory_space<vmem>>, vector<16xf32>,
    %swap3A_2621 = arith.constant 32 : index
    %swap3A_2622 = tpu.vector_load %arg8[%swap3A_2621] {strides = array<i32>} : memref<48xf32, #tpu.memory_space<vmem>>, vector<16xf32>,
    tpu.vector_store %arg8[%swap3A_2621], %select_n3A_2554 {strides = array<i32>} : memref<48xf32, #tpu.memory_space<vmem>>, vector<16xf32>,
    %mul3A_2623 = arith.constant 48 : i32
    %mul3A_2624 = arith.muli %arg1, %mul3A_2623 : i32
    "tpu.region"() ({
      %run_scoped3A = tpu.sem_alloc : memref<!tpu.dma_semaphore, #tpu.memory_space<semaphore_mem>>
      %dma_start3A_2633 = tpu.memref_slice %arg10[%mul3A_2624] : memref<768xf32, #tpu.memory_space<vmem_shared>> -> memref<48xf32, #tpu.memory_space<vmem_shared>>
      %dma_start3A_2634 = tpu.memref_slice %arg10[%mul3A_2624] : memref<768xf32, #tpu.memory_space<vmem_shared>> -> memref<48xf32, #tpu.memory_space<vmem_shared>>
      tpu.enqueue_dma source(%arg8 : memref<48xf32, #tpu.memory_space<vmem>>) target(%dma_start3A_2634 : memref<48xf32, #tpu.memory_space<vmem_shared>>) target_semaphore(%run_scoped3A : memref<!tpu.dma_semaphore, #tpu.memory_space<semaphore_mem>>)
      %dma_wait3A_2635 = tpu.memref_slice %arg10[%mul3A_2624] : memref<768xf32, #tpu.memory_space<vmem_shared>> -> memref<48xf32, #tpu.memory_space<vmem_shared>>
      %dma_wait3A_2636 = tpu.memref_slice %arg10[%mul3A_2624] : memref<768xf32, #tpu.memory_space<vmem_shared>> -> memref<48xf32, #tpu.memory_space<vmem_shared>>
      tpu.wait_dma2 semaphore(%run_scoped3A : memref<!tpu.dma_semaphore, #tpu.memory_space<semaphore_mem>>) src(%arg8 : memref<48xf32, #tpu.memory_space<vmem>>) dst(%dma_wait3A_2636 : memref<48xf32, #tpu.memory_space<vmem_shared>>)
      tpu.yield
    }) : () -> ()
    %barrier3A_2625 = arith.constant 0 : index
    tpu.barrier barrier_id(%barrier3A_2625)
    %eq3A_2626 = arith.constant 0 : i32
    %eq3A_2627 = arith.cmpi eq, %arg0, %eq3A_2626 : i32
    %eq3A_2628 = arith.constant 0 : i32
    %eq3A_2629 = arith.cmpi eq, %arg1, %eq3A_2628 : i32
    %and3A = arith.andi %eq3A_2627, %eq3A_2629 : i1
    %convert_element_type3A_2630 = arith.extui %and3A : i1 to i32
    %cond3A_2631 = arith.constant 0 : i32
    %cond3A_2632 = arith.cmpi ne, %convert_element_type3A_2630, %cond3A_2631 : i32
    scf.if %cond3A_2632 {
      "tpu.region"() ({
        %run_scoped3A = tpu.sem_alloc : memref<!tpu.dma_semaphore, #tpu.memory_space<semaphore_mem>>
        %dma_start3A_3001 = arith.constant 0 : i32
        %dma_start3A_3002 = tpu.memref_slice %arg6[%dma_start3A_3001] : memref<768xf32, #tpu.memory_space<vmem>> -> memref<768xf32, #tpu.memory_space<vmem>>
        %dma_start3A_3003 = arith.constant 0 : i32
        %dma_start3A_3004 = tpu.memref_slice %arg6[%dma_start3A_3003] : memref<768xf32, #tpu.memory_space<vmem>> -> memref<768xf32, #tpu.memory_space<vmem>>
        tpu.enqueue_dma source(%arg10 : memref<768xf32, #tpu.memory_space<vmem_shared>>) target(%dma_start3A_3004 : memref<768xf32, #tpu.memory_space<vmem>>) target_semaphore(%run_scoped3A : memref<!tpu.dma_semaphore, #tpu.memory_space<semaphore_mem>>)
        %dma_wait3A_3005 = arith.constant 0 : i32
        %dma_wait3A_3006 = tpu.memref_slice %arg6[%dma_wait3A_3005] : memref<768xf32, #tpu.memory_space<vmem>> -> memref<768xf32, #tpu.memory_space<vmem>>
        %dma_wait3A_3007 = arith.constant 0 : i32
        %dma_wait3A_3008 = tpu.memref_slice %arg6[%dma_wait3A_3007] : memref<768xf32, #tpu.memory_space<vmem>> -> memref<768xf32, #tpu.memory_space<vmem>>
        tpu.wait_dma2 semaphore(%run_scoped3A : memref<!tpu.dma_semaphore, #tpu.memory_space<semaphore_mem>>) src(%arg10 : memref<768xf32, #tpu.memory_space<vmem_shared>>) dst(%dma_wait3A_3008 : memref<768xf32, #tpu.memory_space<vmem>>)
        tpu.yield
      }) : () -> ()
      %get3A_2633 = arith.constant 0 : index
      %get3A_2634 = tpu.vector_load %arg6[%get3A_2633] {strides = array<i32>} : memref<768xf32, #tpu.memory_space<vmem>>, vector<16xf32>,
      %add3A_2635 = arith.addf %broadcast_in_dim3A_0, %get3A_2634 : vector<16xf32>
      %get3A_2636 = arith.constant 16 : index
      %get3A_2637 = tpu.vector_load %arg6[%get3A_2636] {strides = array<i32>} : memref<768xf32, #tpu.memory_space<vmem>>, vector<16xf32>,
      %add3A_2638 = arith.addf %broadcast_in_dim3A_0, %get3A_2637 : vector<16xf32>
      %get3A_2639 = arith.constant 32 : index
      %get3A_2640 = tpu.vector_load %arg6[%get3A_2639] {strides = array<i32>} : memref<768xf32, #tpu.memory_space<vmem>>, vector<16xf32>,
      %add3A_2641 = arith.addf %broadcast_in_dim3A_0, %get3A_2640 : vector<16xf32>
      %get3A_2642 = arith.constant 48 : index
      %get3A_2643 = tpu.vector_load %arg6[%get3A_2642] {strides = array<i32>} : memref<768xf32, #tpu.memory_space<vmem>>, vector<16xf32>,
      %add3A_2644 = arith.addf %add3A_2635, %get3A_2643 : vector<16xf32>
      %get3A_2645 = arith.constant 64 : index
      %get3A_2646 = tpu.vector_load %arg6[%get3A_2645] {strides = array<i32>} : memref<768xf32, #tpu.memory_space<vmem>>, vector<16xf32>,
      %add3A_2647 = arith.addf %add3A_2638, %get3A_2646 : vector<16xf32>
      %get3A_2648 = arith.constant 80 : index
      %get3A_2649 = tpu.vector_load %arg6[%get3A_2648] {strides = array<i32>} : memref<768xf32, #tpu.memory_space<vmem>>, vector<16xf32>,
      %add3A_2650 = arith.addf %add3A_2641, %get3A_2649 : vector<16xf32>
      %get3A_2651 = arith.constant 96 : index
      %get3A_2652 = tpu.vector_load %arg6[%get3A_2651] {strides = array<i32>} : memref<768xf32, #tpu.memory_space<vmem>>, vector<16xf32>,
      %add3A_2653 = arith.addf %add3A_2644, %get3A_2652 : vector<16xf32>
      %get3A_2654 = arith.constant 112 : index
      %get3A_2655 = tpu.vector_load %arg6[%get3A_2654] {strides = array<i32>} : memref<768xf32, #tpu.memory_space<vmem>>, vector<16xf32>,
      %add3A_2656 = arith.addf %add3A_2647, %get3A_2655 : vector<16xf32>
      %get3A_2657 = arith.constant 128 : index
      %get3A_2658 = tpu.vector_load %arg6[%get3A_2657] {strides = array<i32>} : memref<768xf32, #tpu.memory_space<vmem>>, vector<16xf32>,
      %add3A_2659 = arith.addf %add3A_2650, %get3A_2658 : vector<16xf32>
      %get3A_2660 = arith.constant 144 : index
      %get3A_2661 = tpu.vector_load %arg6[%get3A_2660] {strides = array<i32>} : memref<768xf32, #tpu.memory_space<vmem>>, vector<16xf32>,
      %add3A_2662 = arith.addf %add3A_2653, %get3A_2661 : vector<16xf32>
      %get3A_2663 = arith.constant 160 : index
      %get3A_2664 = tpu.vector_load %arg6[%get3A_2663] {strides = array<i32>} : memref<768xf32, #tpu.memory_space<vmem>>, vector<16xf32>,
      %add3A_2665 = arith.addf %add3A_2656, %get3A_2664 : vector<16xf32>
      %get3A_2666 = arith.constant 176 : index
      %get3A_2667 = tpu.vector_load %arg6[%get3A_2666] {strides = array<i32>} : memref<768xf32, #tpu.memory_space<vmem>>, vector<16xf32>,
      %add3A_2668 = arith.addf %add3A_2659, %get3A_2667 : vector<16xf32>
      %get3A_2669 = arith.constant 192 : index
      %get3A_2670 = tpu.vector_load %arg6[%get3A_2669] {strides = array<i32>} : memref<768xf32, #tpu.memory_space<vmem>>, vector<16xf32>,
      %add3A_2671 = arith.addf %add3A_2662, %get3A_2670 : vector<16xf32>
      %get3A_2672 = arith.constant 208 : index
      %get3A_2673 = tpu.vector_load %arg6[%get3A_2672] {strides = array<i32>} : memref<768xf32, #tpu.memory_space<vmem>>, vector<16xf32>,
      %add3A_2674 = arith.addf %add3A_2665, %get3A_2673 : vector<16xf32>
      %get3A_2675 = arith.constant 224 : index
      %get3A_2676 = tpu.vector_load %arg6[%get3A_2675] {strides = array<i32>} : memref<768xf32, #tpu.memory_space<vmem>>, vector<16xf32>,
      %add3A_2677 = arith.addf %add3A_2668, %get3A_2676 : vector<16xf32>
      %get3A_2678 = arith.constant 240 : index
      %get3A_2679 = tpu.vector_load %arg6[%get3A_2678] {strides = array<i32>} : memref<768xf32, #tpu.memory_space<vmem>>, vector<16xf32>,
      %add3A_2680 = arith.addf %add3A_2671, %get3A_2679 : vector<16xf32>
      %get3A_2681 = arith.constant 256 : index
      %get3A_2682 = tpu.vector_load %arg6[%get3A_2681] {strides = array<i32>} : memref<768xf32, #tpu.memory_space<vmem>>, vector<16xf32>,
      %add3A_2683 = arith.addf %add3A_2674, %get3A_2682 : vector<16xf32>
      %get3A_2684 = arith.constant 272 : index
      %get3A_2685 = tpu.vector_load %arg6[%get3A_2684] {strides = array<i32>} : memref<768xf32, #tpu.memory_space<vmem>>, vector<16xf32>,
      %add3A_2686 = arith.addf %add3A_2677, %get3A_2685 : vector<16xf32>
      %get3A_2687 = arith.constant 288 : index
      %get3A_2688 = tpu.vector_load %arg6[%get3A_2687] {strides = array<i32>} : memref<768xf32, #tpu.memory_space<vmem>>, vector<16xf32>,
      %add3A_2689 = arith.addf %add3A_2680, %get3A_2688 : vector<16xf32>
      %get3A_2690 = arith.constant 304 : index
      %get3A_2691 = tpu.vector_load %arg6[%get3A_2690] {strides = array<i32>} : memref<768xf32, #tpu.memory_space<vmem>>, vector<16xf32>,
      %add3A_2692 = arith.addf %add3A_2683, %get3A_2691 : vector<16xf32>
      %get3A_2693 = arith.constant 320 : index
      %get3A_2694 = tpu.vector_load %arg6[%get3A_2693] {strides = array<i32>} : memref<768xf32, #tpu.memory_space<vmem>>, vector<16xf32>,
      %add3A_2695 = arith.addf %add3A_2686, %get3A_2694 : vector<16xf32>
      %get3A_2696 = arith.constant 336 : index
      %get3A_2697 = tpu.vector_load %arg6[%get3A_2696] {strides = array<i32>} : memref<768xf32, #tpu.memory_space<vmem>>, vector<16xf32>,
      %add3A_2698 = arith.addf %add3A_2689, %get3A_2697 : vector<16xf32>
      %get3A_2699 = arith.constant 352 : index
      %get3A_2700 = tpu.vector_load %arg6[%get3A_2699] {strides = array<i32>} : memref<768xf32, #tpu.memory_space<vmem>>, vector<16xf32>,
      %add3A_2701 = arith.addf %add3A_2692, %get3A_2700 : vector<16xf32>
      %get3A_2702 = arith.constant 368 : index
      %get3A_2703 = tpu.vector_load %arg6[%get3A_2702] {strides = array<i32>} : memref<768xf32, #tpu.memory_space<vmem>>, vector<16xf32>,
      %add3A_2704 = arith.addf %add3A_2695, %get3A_2703 : vector<16xf32>
      %get3A_2705 = arith.constant 384 : index
      %get3A_2706 = tpu.vector_load %arg6[%get3A_2705] {strides = array<i32>} : memref<768xf32, #tpu.memory_space<vmem>>, vector<16xf32>,
      %add3A_2707 = arith.addf %add3A_2698, %get3A_2706 : vector<16xf32>
      %get3A_2708 = arith.constant 400 : index
      %get3A_2709 = tpu.vector_load %arg6[%get3A_2708] {strides = array<i32>} : memref<768xf32, #tpu.memory_space<vmem>>, vector<16xf32>,
      %add3A_2710 = arith.addf %add3A_2701, %get3A_2709 : vector<16xf32>
      %get3A_2711 = arith.constant 416 : index
      %get3A_2712 = tpu.vector_load %arg6[%get3A_2711] {strides = array<i32>} : memref<768xf32, #tpu.memory_space<vmem>>, vector<16xf32>,
      %add3A_2713 = arith.addf %add3A_2704, %get3A_2712 : vector<16xf32>
      %get3A_2714 = arith.constant 432 : index
      %get3A_2715 = tpu.vector_load %arg6[%get3A_2714] {strides = array<i32>} : memref<768xf32, #tpu.memory_space<vmem>>, vector<16xf32>,
      %add3A_2716 = arith.addf %add3A_2707, %get3A_2715 : vector<16xf32>
      %get3A_2717 = arith.constant 448 : index
      %get3A_2718 = tpu.vector_load %arg6[%get3A_2717] {strides = array<i32>} : memref<768xf32, #tpu.memory_space<vmem>>, vector<16xf32>,
      %add3A_2719 = arith.addf %add3A_2710, %get3A_2718 : vector<16xf32>
      %get3A_2720 = arith.constant 464 : index
      %get3A_2721 = tpu.vector_load %arg6[%get3A_2720] {strides = array<i32>} : memref<768xf32, #tpu.memory_space<vmem>>, vector<16xf32>,
      %add3A_2722 = arith.addf %add3A_2713, %get3A_2721 : vector<16xf32>
      %get3A_2723 = arith.constant 480 : index
      %get3A_2724 = tpu.vector_load %arg6[%get3A_2723] {strides = array<i32>} : memref<768xf32, #tpu.memory_space<vmem>>, vector<16xf32>,
      %add3A_2725 = arith.addf %add3A_2716, %get3A_2724 : vector<16xf32>
      %get3A_2726 = arith.constant 496 : index
      %get3A_2727 = tpu.vector_load %arg6[%get3A_2726] {strides = array<i32>} : memref<768xf32, #tpu.memory_space<vmem>>, vector<16xf32>,
      %add3A_2728 = arith.addf %add3A_2719, %get3A_2727 : vector<16xf32>
      %get3A_2729 = arith.constant 512 : index
      %get3A_2730 = tpu.vector_load %arg6[%get3A_2729] {strides = array<i32>} : memref<768xf32, #tpu.memory_space<vmem>>, vector<16xf32>,
      %add3A_2731 = arith.addf %add3A_2722, %get3A_2730 : vector<16xf32>
      %get3A_2732 = arith.constant 528 : index
      %get3A_2733 = tpu.vector_load %arg6[%get3A_2732] {strides = array<i32>} : memref<768xf32, #tpu.memory_space<vmem>>, vector<16xf32>,
      %add3A_2734 = arith.addf %add3A_2725, %get3A_2733 : vector<16xf32>
      %get3A_2735 = arith.constant 544 : index
      %get3A_2736 = tpu.vector_load %arg6[%get3A_2735] {strides = array<i32>} : memref<768xf32, #tpu.memory_space<vmem>>, vector<16xf32>,
      %add3A_2737 = arith.addf %add3A_2728, %get3A_2736 : vector<16xf32>
      %get3A_2738 = arith.constant 560 : index
      %get3A_2739 = tpu.vector_load %arg6[%get3A_2738] {strides = array<i32>} : memref<768xf32, #tpu.memory_space<vmem>>, vector<16xf32>,
      %add3A_2740 = arith.addf %add3A_2731, %get3A_2739 : vector<16xf32>
      %get3A_2741 = arith.constant 576 : index
      %get3A_2742 = tpu.vector_load %arg6[%get3A_2741] {strides = array<i32>} : memref<768xf32, #tpu.memory_space<vmem>>, vector<16xf32>,
      %add3A_2743 = arith.addf %add3A_2734, %get3A_2742 : vector<16xf32>
      %get3A_2744 = arith.constant 592 : index
      %get3A_2745 = tpu.vector_load %arg6[%get3A_2744] {strides = array<i32>} : memref<768xf32, #tpu.memory_space<vmem>>, vector<16xf32>,
      %add3A_2746 = arith.addf %add3A_2737, %get3A_2745 : vector<16xf32>
      %get3A_2747 = arith.constant 608 : index
      %get3A_2748 = tpu.vector_load %arg6[%get3A_2747] {strides = array<i32>} : memref<768xf32, #tpu.memory_space<vmem>>, vector<16xf32>,
      %add3A_2749 = arith.addf %add3A_2740, %get3A_2748 : vector<16xf32>
      %get3A_2750 = arith.constant 624 : index
      %get3A_2751 = tpu.vector_load %arg6[%get3A_2750] {strides = array<i32>} : memref<768xf32, #tpu.memory_space<vmem>>, vector<16xf32>,
      %add3A_2752 = arith.addf %add3A_2743, %get3A_2751 : vector<16xf32>
      %get3A_2753 = arith.constant 640 : index
      %get3A_2754 = tpu.vector_load %arg6[%get3A_2753] {strides = array<i32>} : memref<768xf32, #tpu.memory_space<vmem>>, vector<16xf32>,
      %add3A_2755 = arith.addf %add3A_2746, %get3A_2754 : vector<16xf32>
      %get3A_2756 = arith.constant 656 : index
      %get3A_2757 = tpu.vector_load %arg6[%get3A_2756] {strides = array<i32>} : memref<768xf32, #tpu.memory_space<vmem>>, vector<16xf32>,
      %add3A_2758 = arith.addf %add3A_2749, %get3A_2757 : vector<16xf32>
      %get3A_2759 = arith.constant 672 : index
      %get3A_2760 = tpu.vector_load %arg6[%get3A_2759] {strides = array<i32>} : memref<768xf32, #tpu.memory_space<vmem>>, vector<16xf32>,
      %add3A_2761 = arith.addf %add3A_2752, %get3A_2760 : vector<16xf32>
      %get3A_2762 = arith.constant 688 : index
      %get3A_2763 = tpu.vector_load %arg6[%get3A_2762] {strides = array<i32>} : memref<768xf32, #tpu.memory_space<vmem>>, vector<16xf32>,
      %add3A_2764 = arith.addf %add3A_2755, %get3A_2763 : vector<16xf32>
      %get3A_2765 = arith.constant 704 : index
      %get3A_2766 = tpu.vector_load %arg6[%get3A_2765] {strides = array<i32>} : memref<768xf32, #tpu.memory_space<vmem>>, vector<16xf32>,
      %add3A_2767 = arith.addf %add3A_2758, %get3A_2766 : vector<16xf32>
      %get3A_2768 = arith.constant 720 : index
      %get3A_2769 = tpu.vector_load %arg6[%get3A_2768] {strides = array<i32>} : memref<768xf32, #tpu.memory_space<vmem>>, vector<16xf32>,
      %add3A_2770 = arith.addf %add3A_2761, %get3A_2769 : vector<16xf32>
      %get3A_2771 = arith.constant 736 : index
      %get3A_2772 = tpu.vector_load %arg6[%get3A_2771] {strides = array<i32>} : memref<768xf32, #tpu.memory_space<vmem>>, vector<16xf32>,
      %add3A_2773 = arith.addf %add3A_2764, %get3A_2772 : vector<16xf32>
      %get3A_2774 = arith.constant 752 : index
      %get3A_2775 = tpu.vector_load %arg6[%get3A_2774] {strides = array<i32>} : memref<768xf32, #tpu.memory_space<vmem>>, vector<16xf32>,
      %add3A_2776 = arith.addf %add3A_2767, %get3A_2775 : vector<16xf32>
      %div3A_2777 = arith.divf %add3A_2770, %add3A_2526 : vector<16xf32>
      %div3A_2778 = arith.divf %add3A_2773, %add3A_2535 : vector<16xf32>
      %add3A_2779 = arith.addf %div3A_2777, %div3A_2778 : vector<16xf32>
      %iota3A_2780 = tpu.iota {dimensions = array<i32: 0>} : vector<16xi32>
      %xor3A_2781 = arith.constant 8 : i32
      %xor3A_2782 = vector.broadcast %xor3A_2781 : i32 to vector<16xi32>
      %xor3A_2783 = arith.xori %iota3A_2780, %xor3A_2782 : vector<16xi32>
      %lt3A_2784 = arith.constant 0 : i32
      %lt3A_2785 = vector.broadcast %lt3A_2784 : i32 to vector<16xi32>
      %lt3A_2786 = arith.cmpi slt, %xor3A_2783, %lt3A_2785 : vector<16xi32>
      %add3A_2787 = arith.constant 16 : i32
      %add3A_2788 = vector.broadcast %add3A_2787 : i32 to vector<16xi32>
      %add3A_2789 = arith.addi %xor3A_2783, %add3A_2788 : vector<16xi32>
      %select_n3A_2790 = arith.select %lt3A_2786, %add3A_2789, %xor3A_2783 : vector<16xi1>, vector<16xi32>
      %broadcast_in_dim3A_2791 = vector.shape_cast %select_n3A_2790 : vector<16xi32> to vector<16x1xi32>
      %gather3A_2792 = vector.shape_cast %broadcast_in_dim3A_2791 : vector<16x1xi32> to vector<16xi32>
      %gather3A_2793 = tpu.dynamic_gather %add3A_2779[%gather3A_2792] in [0] : vector<16xf32>, vector<16xi32> -> vector<16xf32>
      %add3A_2794 = arith.addf %add3A_2779, %gather3A_2793 : vector<16xf32>
      %xor3A_2795 = arith.constant 4 : i32
      %xor3A_2796 = vector.broadcast %xor3A_2795 : i32 to vector<16xi32>
      %xor3A_2797 = arith.xori %iota3A_2780, %xor3A_2796 : vector<16xi32>
      %lt3A_2798 = arith.constant 0 : i32
      %lt3A_2799 = vector.broadcast %lt3A_2798 : i32 to vector<16xi32>
      %lt3A_2800 = arith.cmpi slt, %xor3A_2797, %lt3A_2799 : vector<16xi32>
      %add3A_2801 = arith.constant 16 : i32
      %add3A_2802 = vector.broadcast %add3A_2801 : i32 to vector<16xi32>
      %add3A_2803 = arith.addi %xor3A_2797, %add3A_2802 : vector<16xi32>
      %select_n3A_2804 = arith.select %lt3A_2800, %add3A_2803, %xor3A_2797 : vector<16xi1>, vector<16xi32>
      %broadcast_in_dim3A_2805 = vector.shape_cast %select_n3A_2804 : vector<16xi32> to vector<16x1xi32>
      %gather3A_2806 = vector.shape_cast %broadcast_in_dim3A_2805 : vector<16x1xi32> to vector<16xi32>
      %gather3A_2807 = tpu.dynamic_gather %add3A_2794[%gather3A_2806] in [0] : vector<16xf32>, vector<16xi32> -> vector<16xf32>
      %add3A_2808 = arith.addf %add3A_2794, %gather3A_2807 : vector<16xf32>
      %xor3A_2809 = arith.constant 2 : i32
      %xor3A_2810 = vector.broadcast %xor3A_2809 : i32 to vector<16xi32>
      %xor3A_2811 = arith.xori %iota3A_2780, %xor3A_2810 : vector<16xi32>
      %lt3A_2812 = arith.constant 0 : i32
      %lt3A_2813 = vector.broadcast %lt3A_2812 : i32 to vector<16xi32>
      %lt3A_2814 = arith.cmpi slt, %xor3A_2811, %lt3A_2813 : vector<16xi32>
      %add3A_2815 = arith.constant 16 : i32
      %add3A_2816 = vector.broadcast %add3A_2815 : i32 to vector<16xi32>
      %add3A_2817 = arith.addi %xor3A_2811, %add3A_2816 : vector<16xi32>
      %select_n3A_2818 = arith.select %lt3A_2814, %add3A_2817, %xor3A_2811 : vector<16xi1>, vector<16xi32>
      %broadcast_in_dim3A_2819 = vector.shape_cast %select_n3A_2818 : vector<16xi32> to vector<16x1xi32>
      %gather3A_2820 = vector.shape_cast %broadcast_in_dim3A_2819 : vector<16x1xi32> to vector<16xi32>
      %gather3A_2821 = tpu.dynamic_gather %add3A_2808[%gather3A_2820] in [0] : vector<16xf32>, vector<16xi32> -> vector<16xf32>
      %add3A_2822 = arith.addf %add3A_2808, %gather3A_2821 : vector<16xf32>
      %xor3A_2823 = arith.constant 1 : i32
      %xor3A_2824 = vector.broadcast %xor3A_2823 : i32 to vector<16xi32>
      %xor3A_2825 = arith.xori %iota3A_2780, %xor3A_2824 : vector<16xi32>
      %lt3A_2826 = arith.constant 0 : i32
      %lt3A_2827 = vector.broadcast %lt3A_2826 : i32 to vector<16xi32>
      %lt3A_2828 = arith.cmpi slt, %xor3A_2825, %lt3A_2827 : vector<16xi32>
      %add3A_2829 = arith.constant 16 : i32
      %add3A_2830 = vector.broadcast %add3A_2829 : i32 to vector<16xi32>
      %add3A_2831 = arith.addi %xor3A_2825, %add3A_2830 : vector<16xi32>
      %select_n3A_2832 = arith.select %lt3A_2828, %add3A_2831, %xor3A_2825 : vector<16xi1>, vector<16xi32>
      %broadcast_in_dim3A_2833 = vector.shape_cast %select_n3A_2832 : vector<16xi32> to vector<16x1xi32>
      %gather3A_2834 = vector.shape_cast %broadcast_in_dim3A_2833 : vector<16x1xi32> to vector<16xi32>
      %gather3A_2835 = tpu.dynamic_gather %add3A_2822[%gather3A_2834] in [0] : vector<16xf32>, vector<16xi32> -> vector<16xf32>
      %add3A_2836 = arith.addf %add3A_2822, %gather3A_2835 : vector<16xf32>
      %slice3A_2837 = vector.extract_strided_slice %add3A_2836 {offsets = [0], sizes = [1], strides = [1]} : vector<16xf32> to vector<1xf32>
      %squeeze3A_2838 = vector.extract %slice3A_2837[0] : f32 from vector<1xf32>
      %iota3A_2839 = tpu.iota {dimensions = array<i32: 0>} : vector<16xi32>
      %xor3A_2840 = arith.constant 8 : i32
      %xor3A_2841 = vector.broadcast %xor3A_2840 : i32 to vector<16xi32>
      %xor3A_2842 = arith.xori %iota3A_2839, %xor3A_2841 : vector<16xi32>
      %lt3A_2843 = arith.constant 0 : i32
      %lt3A_2844 = vector.broadcast %lt3A_2843 : i32 to vector<16xi32>
      %lt3A_2845 = arith.cmpi slt, %xor3A_2842, %lt3A_2844 : vector<16xi32>
      %add3A_2846 = arith.constant 16 : i32
      %add3A_2847 = vector.broadcast %add3A_2846 : i32 to vector<16xi32>
      %add3A_2848 = arith.addi %xor3A_2842, %add3A_2847 : vector<16xi32>
      %select_n3A_2849 = arith.select %lt3A_2845, %add3A_2848, %xor3A_2842 : vector<16xi1>, vector<16xi32>
      %broadcast_in_dim3A_2850 = vector.shape_cast %select_n3A_2849 : vector<16xi32> to vector<16x1xi32>
      %gather3A_2851 = vector.shape_cast %broadcast_in_dim3A_2850 : vector<16x1xi32> to vector<16xi32>
      %gather3A_2852 = tpu.dynamic_gather %add3A_2776[%gather3A_2851] in [0] : vector<16xf32>, vector<16xi32> -> vector<16xf32>
      %add3A_2853 = arith.addf %add3A_2776, %gather3A_2852 : vector<16xf32>
      %xor3A_2854 = arith.constant 4 : i32
      %xor3A_2855 = vector.broadcast %xor3A_2854 : i32 to vector<16xi32>
      %xor3A_2856 = arith.xori %iota3A_2839, %xor3A_2855 : vector<16xi32>
      %lt3A_2857 = arith.constant 0 : i32
      %lt3A_2858 = vector.broadcast %lt3A_2857 : i32 to vector<16xi32>
      %lt3A_2859 = arith.cmpi slt, %xor3A_2856, %lt3A_2858 : vector<16xi32>
      %add3A_2860 = arith.constant 16 : i32
      %add3A_2861 = vector.broadcast %add3A_2860 : i32 to vector<16xi32>
      %add3A_2862 = arith.addi %xor3A_2856, %add3A_2861 : vector<16xi32>
      %select_n3A_2863 = arith.select %lt3A_2859, %add3A_2862, %xor3A_2856 : vector<16xi1>, vector<16xi32>
      %broadcast_in_dim3A_2864 = vector.shape_cast %select_n3A_2863 : vector<16xi32> to vector<16x1xi32>
      %gather3A_2865 = vector.shape_cast %broadcast_in_dim3A_2864 : vector<16x1xi32> to vector<16xi32>
      %gather3A_2866 = tpu.dynamic_gather %add3A_2853[%gather3A_2865] in [0] : vector<16xf32>, vector<16xi32> -> vector<16xf32>
      %add3A_2867 = arith.addf %add3A_2853, %gather3A_2866 : vector<16xf32>
      %xor3A_2868 = arith.constant 2 : i32
      %xor3A_2869 = vector.broadcast %xor3A_2868 : i32 to vector<16xi32>
      %xor3A_2870 = arith.xori %iota3A_2839, %xor3A_2869 : vector<16xi32>
      %lt3A_2871 = arith.constant 0 : i32
      %lt3A_2872 = vector.broadcast %lt3A_2871 : i32 to vector<16xi32>
      %lt3A_2873 = arith.cmpi slt, %xor3A_2870, %lt3A_2872 : vector<16xi32>
      %add3A_2874 = arith.constant 16 : i32
      %add3A_2875 = vector.broadcast %add3A_2874 : i32 to vector<16xi32>
      %add3A_2876 = arith.addi %xor3A_2870, %add3A_2875 : vector<16xi32>
      %select_n3A_2877 = arith.select %lt3A_2873, %add3A_2876, %xor3A_2870 : vector<16xi1>, vector<16xi32>
      %broadcast_in_dim3A_2878 = vector.shape_cast %select_n3A_2877 : vector<16xi32> to vector<16x1xi32>
      %gather3A_2879 = vector.shape_cast %broadcast_in_dim3A_2878 : vector<16x1xi32> to vector<16xi32>
      %gather3A_2880 = tpu.dynamic_gather %add3A_2867[%gather3A_2879] in [0] : vector<16xf32>, vector<16xi32> -> vector<16xf32>
      %add3A_2881 = arith.addf %add3A_2867, %gather3A_2880 : vector<16xf32>
      %xor3A_2882 = arith.constant 1 : i32
      %xor3A_2883 = vector.broadcast %xor3A_2882 : i32 to vector<16xi32>
      %xor3A_2884 = arith.xori %iota3A_2839, %xor3A_2883 : vector<16xi32>
      %lt3A_2885 = arith.constant 0 : i32
      %lt3A_2886 = vector.broadcast %lt3A_2885 : i32 to vector<16xi32>
      %lt3A_2887 = arith.cmpi slt, %xor3A_2884, %lt3A_2886 : vector<16xi32>
      %add3A_2888 = arith.constant 16 : i32
      %add3A_2889 = vector.broadcast %add3A_2888 : i32 to vector<16xi32>
      %add3A_2890 = arith.addi %xor3A_2884, %add3A_2889 : vector<16xi32>
      %select_n3A_2891 = arith.select %lt3A_2887, %add3A_2890, %xor3A_2884 : vector<16xi1>, vector<16xi32>
      %broadcast_in_dim3A_2892 = vector.shape_cast %select_n3A_2891 : vector<16xi32> to vector<16x1xi32>
      %gather3A_2893 = vector.shape_cast %broadcast_in_dim3A_2892 : vector<16x1xi32> to vector<16xi32>
      %gather3A_2894 = tpu.dynamic_gather %add3A_2881[%gather3A_2893] in [0] : vector<16xf32>, vector<16xi32> -> vector<16xf32>
      %add3A_2895 = arith.addf %add3A_2881, %gather3A_2894 : vector<16xf32>
      %slice3A_2896 = vector.extract_strided_slice %add3A_2895 {offsets = [0], sizes = [1], strides = [1]} : vector<16xf32> to vector<1xf32>
      %squeeze3A_2897 = vector.extract %slice3A_2896[0] : f32 from vector<1xf32>
      %add3A_2898 = arith.addf %squeeze3A_2838, %squeeze3A_2897 : f32
      %get3A_2899 = arith.constant 288 : index
      %get3A_2900 = tpu.vector_load %arg4[%get3A_2899] {strides = array<i32>} : memref<13072xf32, #tpu.memory_space<vmem>>, vector<16xf32>,
      %slice3A_2901 = vector.extract_strided_slice %get3A_2900 {offsets = [0], sizes = [1], strides = [1]} : vector<16xf32> to vector<1xf32>
      %squeeze3A_2902 = vector.extract %slice3A_2901[0] : f32 from vector<1xf32>
      %get3A_2903 = arith.constant 336 : index
      %get3A_2904 = tpu.vector_load %arg4[%get3A_2903] {strides = array<i32>} : memref<13072xf32, #tpu.memory_space<vmem>>, vector<16xf32>,
      %mul3A_2905 = vector.broadcast %squeeze3A_2902 : f32 to vector<16xf32>
      %mul3A_2906 = arith.mulf %mul3A_2905, %get3A_2904 : vector<16xf32>
      %get3A_2907 = arith.constant 368 : index
      %get3A_2908 = tpu.vector_load %arg4[%get3A_2907] {strides = array<i32>} : memref<13072xf32, #tpu.memory_space<vmem>>, vector<16xf32>,
      %add3A_2909 = arith.addf %mul3A_2906, %get3A_2908 : vector<16xf32>
      %get3A_2910 = arith.constant 352 : index
      %get3A_2911 = tpu.vector_load %arg4[%get3A_2910] {strides = array<i32>} : memref<13072xf32, #tpu.memory_space<vmem>>, vector<16xf32>,
      %mul3A_2912 = vector.broadcast %squeeze3A_2902 : f32 to vector<16xf32>
      %mul3A_2913 = arith.mulf %mul3A_2912, %get3A_2911 : vector<16xf32>
      %get3A_2914 = arith.constant 384 : index
      %get3A_2915 = tpu.vector_load %arg4[%get3A_2914] {strides = array<i32>} : memref<13072xf32, #tpu.memory_space<vmem>>, vector<16xf32>,
      %add3A_2916 = arith.addf %mul3A_2913, %get3A_2915 : vector<16xf32>
      %get3A_2917 = arith.constant 304 : index
      %get3A_2918 = tpu.vector_load %arg4[%get3A_2917] {strides = array<i32>} : memref<13072xf32, #tpu.memory_space<vmem>>, vector<16xf32>,
      %mul3A_2919 = arith.mulf %add3A_2909, %get3A_2918 : vector<16xf32>
      %get3A_2920 = arith.constant 320 : index
      %get3A_2921 = tpu.vector_load %arg4[%get3A_2920] {strides = array<i32>} : memref<13072xf32, #tpu.memory_space<vmem>>, vector<16xf32>,
      %mul3A_2922 = arith.mulf %add3A_2916, %get3A_2921 : vector<16xf32>
      %add3A_2923 = arith.addf %mul3A_2919, %mul3A_2922 : vector<16xf32>
      %iota3A_2924 = tpu.iota {dimensions = array<i32: 0>} : vector<16xi32>
      %xor3A_2925 = arith.constant 8 : i32
      %xor3A_2926 = vector.broadcast %xor3A_2925 : i32 to vector<16xi32>
      %xor3A_2927 = arith.xori %iota3A_2924, %xor3A_2926 : vector<16xi32>
      %lt3A_2928 = arith.constant 0 : i32
      %lt3A_2929 = vector.broadcast %lt3A_2928 : i32 to vector<16xi32>
      %lt3A_2930 = arith.cmpi slt, %xor3A_2927, %lt3A_2929 : vector<16xi32>
      %add3A_2931 = arith.constant 16 : i32
      %add3A_2932 = vector.broadcast %add3A_2931 : i32 to vector<16xi32>
      %add3A_2933 = arith.addi %xor3A_2927, %add3A_2932 : vector<16xi32>
      %select_n3A_2934 = arith.select %lt3A_2930, %add3A_2933, %xor3A_2927 : vector<16xi1>, vector<16xi32>
      %broadcast_in_dim3A_2935 = vector.shape_cast %select_n3A_2934 : vector<16xi32> to vector<16x1xi32>
      %gather3A_2936 = vector.shape_cast %broadcast_in_dim3A_2935 : vector<16x1xi32> to vector<16xi32>
      %gather3A_2937 = tpu.dynamic_gather %add3A_2923[%gather3A_2936] in [0] : vector<16xf32>, vector<16xi32> -> vector<16xf32>
      %add3A_2938 = arith.addf %add3A_2923, %gather3A_2937 : vector<16xf32>
      %xor3A_2939 = arith.constant 4 : i32
      %xor3A_2940 = vector.broadcast %xor3A_2939 : i32 to vector<16xi32>
      %xor3A_2941 = arith.xori %iota3A_2924, %xor3A_2940 : vector<16xi32>
      %lt3A_2942 = arith.constant 0 : i32
      %lt3A_2943 = vector.broadcast %lt3A_2942 : i32 to vector<16xi32>
      %lt3A_2944 = arith.cmpi slt, %xor3A_2941, %lt3A_2943 : vector<16xi32>
      %add3A_2945 = arith.constant 16 : i32
      %add3A_2946 = vector.broadcast %add3A_2945 : i32 to vector<16xi32>
      %add3A_2947 = arith.addi %xor3A_2941, %add3A_2946 : vector<16xi32>
      %select_n3A_2948 = arith.select %lt3A_2944, %add3A_2947, %xor3A_2941 : vector<16xi1>, vector<16xi32>
      %broadcast_in_dim3A_2949 = vector.shape_cast %select_n3A_2948 : vector<16xi32> to vector<16x1xi32>
      %gather3A_2950 = vector.shape_cast %broadcast_in_dim3A_2949 : vector<16x1xi32> to vector<16xi32>
      %gather3A_2951 = tpu.dynamic_gather %add3A_2938[%gather3A_2950] in [0] : vector<16xf32>, vector<16xi32> -> vector<16xf32>
      %add3A_2952 = arith.addf %add3A_2938, %gather3A_2951 : vector<16xf32>
      %xor3A_2953 = arith.constant 2 : i32
      %xor3A_2954 = vector.broadcast %xor3A_2953 : i32 to vector<16xi32>
      %xor3A_2955 = arith.xori %iota3A_2924, %xor3A_2954 : vector<16xi32>
      %lt3A_2956 = arith.constant 0 : i32
      %lt3A_2957 = vector.broadcast %lt3A_2956 : i32 to vector<16xi32>
      %lt3A_2958 = arith.cmpi slt, %xor3A_2955, %lt3A_2957 : vector<16xi32>
      %add3A_2959 = arith.constant 16 : i32
      %add3A_2960 = vector.broadcast %add3A_2959 : i32 to vector<16xi32>
      %add3A_2961 = arith.addi %xor3A_2955, %add3A_2960 : vector<16xi32>
      %select_n3A_2962 = arith.select %lt3A_2958, %add3A_2961, %xor3A_2955 : vector<16xi1>, vector<16xi32>
      %broadcast_in_dim3A_2963 = vector.shape_cast %select_n3A_2962 : vector<16xi32> to vector<16x1xi32>
      %gather3A_2964 = vector.shape_cast %broadcast_in_dim3A_2963 : vector<16x1xi32> to vector<16xi32>
      %gather3A_2965 = tpu.dynamic_gather %add3A_2952[%gather3A_2964] in [0] : vector<16xf32>, vector<16xi32> -> vector<16xf32>
      %add3A_2966 = arith.addf %add3A_2952, %gather3A_2965 : vector<16xf32>
      %xor3A_2967 = arith.constant 1 : i32
      %xor3A_2968 = vector.broadcast %xor3A_2967 : i32 to vector<16xi32>
      %xor3A_2969 = arith.xori %iota3A_2924, %xor3A_2968 : vector<16xi32>
      %lt3A_2970 = arith.constant 0 : i32
      %lt3A_2971 = vector.broadcast %lt3A_2970 : i32 to vector<16xi32>
      %lt3A_2972 = arith.cmpi slt, %xor3A_2969, %lt3A_2971 : vector<16xi32>
      %add3A_2973 = arith.constant 16 : i32
      %add3A_2974 = vector.broadcast %add3A_2973 : i32 to vector<16xi32>
      %add3A_2975 = arith.addi %xor3A_2969, %add3A_2974 : vector<16xi32>
      %select_n3A_2976 = arith.select %lt3A_2972, %add3A_2975, %xor3A_2969 : vector<16xi1>, vector<16xi32>
      %broadcast_in_dim3A_2977 = vector.shape_cast %select_n3A_2976 : vector<16xi32> to vector<16x1xi32>
      %gather3A_2978 = vector.shape_cast %broadcast_in_dim3A_2977 : vector<16x1xi32> to vector<16xi32>
      %gather3A_2979 = tpu.dynamic_gather %add3A_2966[%gather3A_2978] in [0] : vector<16xf32>, vector<16xi32> -> vector<16xf32>
      %add3A_2980 = arith.addf %add3A_2966, %gather3A_2979 : vector<16xf32>
      %slice3A_2981 = vector.extract_strided_slice %add3A_2980 {offsets = [0], sizes = [1], strides = [1]} : vector<16xf32> to vector<1xf32>
      %squeeze3A_2982 = vector.extract %slice3A_2981[0] : f32 from vector<1xf32>
      %add3A_2983 = arith.addf %add3A_2898, %squeeze3A_2982 : f32
      %get3A_2984 = arith.constant 288 : index
      %get3A_2985 = tpu.vector_load %arg4[%get3A_2984] {strides = array<i32>} : memref<13072xf32, #tpu.memory_space<vmem>>, vector<16xf32>,
      %slice3A_2986 = vector.extract_strided_slice %get3A_2985 {offsets = [1], sizes = [1], strides = [1]} : vector<16xf32> to vector<1xf32>
      %squeeze3A_2987 = vector.extract %slice3A_2986[0] : f32 from vector<1xf32>
      %add3A_2988 = arith.addf %add3A_2983, %squeeze3A_2987 : f32
      %broadcast_in_dim3A_2989 = vector.broadcast %add3A_2988 : f32 to vector<16xf32>
      %neg3A = arith.constant 0.000000e+00 : f32
      %neg3A_2990 = vector.broadcast %neg3A : f32 to vector<16xf32>
      %neg3A_2991 = arith.subf %neg3A_2990, %broadcast_in_dim3A_2989 : vector<16xf32>
      %exp3A_2992 = math.exp %neg3A_2991 : vector<16xf32>
      %add3A_2993 = arith.constant 1.000000e+00 : f32
      %add3A_2994 = vector.broadcast %add3A_2993 : f32 to vector<16xf32>
      %add3A_2995 = arith.addf %add3A_2994, %exp3A_2992 : vector<16xf32>
      %div3A_2996 = arith.constant 1.000000e+00 : f32
      %div3A_2997 = vector.broadcast %div3A_2996 : f32 to vector<16xf32>
      %div3A_2998 = arith.divf %div3A_2997, %add3A_2995 : vector<16xf32>
      %swap3A_2999 = arith.constant 0 : index
      %swap3A_3000 = tpu.vector_load %arg7[%swap3A_2999] {strides = array<i32>} : memref<400xf32, #tpu.memory_space<vmem>>, vector<16xf32>,
      tpu.vector_store %arg7[%swap3A_2999], %div3A_2998 {strides = array<i32>} : memref<400xf32, #tpu.memory_space<vmem>>, vector<16xf32>,
      "tpu.region"() ({
        %run_scoped3A = tpu.sem_alloc : memref<!tpu.dma_semaphore, #tpu.memory_space<semaphore_mem>>
        %dma_start3A_3001 = arith.constant 0 : i32
        %dma_start3A_3002 = tpu.memref_slice %arg7[%dma_start3A_3001] : memref<400xf32, #tpu.memory_space<vmem>> -> memref<16xf32, #tpu.memory_space<vmem>>
        %dma_start3A_3003 = arith.constant 0 : i32
        %dma_start3A_3004 = tpu.memref_slice %arg7[%dma_start3A_3003] : memref<400xf32, #tpu.memory_space<vmem>> -> memref<16xf32, #tpu.memory_space<vmem>>
        tpu.enqueue_dma source(%dma_start3A_3004 : memref<16xf32, #tpu.memory_space<vmem>>) target(%arg3 : memref<16xf32, #tpu.memory_space<hbm>>) target_semaphore(%run_scoped3A : memref<!tpu.dma_semaphore, #tpu.memory_space<semaphore_mem>>)
        %dma_wait3A_3005 = arith.constant 0 : i32
        %dma_wait3A_3006 = tpu.memref_slice %arg7[%dma_wait3A_3005] : memref<400xf32, #tpu.memory_space<vmem>> -> memref<16xf32, #tpu.memory_space<vmem>>
        %dma_wait3A_3007 = arith.constant 0 : i32
        %dma_wait3A_3008 = tpu.memref_slice %arg7[%dma_wait3A_3007] : memref<400xf32, #tpu.memory_space<vmem>> -> memref<16xf32, #tpu.memory_space<vmem>>
        tpu.wait_dma2 semaphore(%run_scoped3A : memref<!tpu.dma_semaphore, #tpu.memory_space<semaphore_mem>>) src(%dma_wait3A_3008 : memref<16xf32, #tpu.memory_space<vmem>>) dst(%arg3 : memref<16xf32, #tpu.memory_space<hbm>>)
        tpu.yield
      }) : () -> ()
    } else {
    }
    return
  }
}

</mosaic_0001>

<sc_bundles>
// kernel: kernel.3.cloned.1.call-start
scs
__scs_entry_jumppad:
0x0: {  	(pc) =	sbr.rel $0x88, $3  }
0x1: {  	(tag) =	ssettag $0x0;
	lr =	simm.s32 $0x1  }
0x2: {  	[smem:$0x3F93] =	sst lr;
	_ =	strace $0xD0000000  }
0x3: {  	_ = 	snop  }
0x4: {  	_ = 	snop  }
0x5: {  	_ = 	snop  }
0x6: {  	_ = 	snop  }
0x7: {  	_ = 	snop  }
__scs_overlays_trampoline_lowered:
0x8: {  	[smem:$0x3FA2] =	sst s0  }
0x9: {  	[smem:$0x3FA3] =	sst s1  }
0xa: {  	[smem:$0x3FA4] =	sst s2  }
0xb: {  	[smem:$0x3FA5] =	sst s3  }
0xc: {  	[smem:$0x3FA6] =	sst s4  }
0xd: {  	[smem:$0x3FA7] =	sst s5  }
0xe: {  	[smem:$0x3FA8] =	sst s6  }
0xf: {  	[smem:$0x3FA9] =	sst s7  }
0x10: {  	[smem:$0x3FAA] =	sst s8  }
0x11: {  	[smem:$0x3FAB] =	sst s9;
	s0 =	simm.s32 @!p0 $0x0  }
0x12: {  	s1 =	sld [smem:$0x3F91];
	s0 =	simm.s32 @p0 $0x1  }
0x13: {  	[smem:$0x3FAC] =	sst s0;
	s0 =	simm.s32 @!p1 $0x0  }
0x14: {  	s2 =	sld [smem:$0x3F90];
	s0 =	simm.s32 @p1 $0x1  }
0x15: {  	[smem:$0x3FAD] =	sst s0;
	s0 =	simm.s32 @!p2 $0x0  }
0x16: {  	s3 =	sld [smem:$0x3FDB];
	s0 =	simm.s32 @p2 $0x1  }
0x17: {  	s4 =	simm.s32 $0x1BF5;
	[smem:$0x3FAF] =	sst s0  }
0x18: {  	s0 =	sld [smem:$0x3F92];
	_ =	swait.ge [sflag:s4], $0x0  }
0x19: {  	s7 =	sld [smem:$0x3F93]  }
0x1a: {  	s8 =	sadd.s32 $0xFFFFE003, lr  }
0x1b: {  	s9 =	sadd.s32 $0xFFFFFEF7, lr;
	s5 =	simm.s32 $0xFFFFFFFF;
	p2 =	slt.u32 s8, $0xFFFFF086  }
0x1c: {  	p1 =	slt.u32 s9, $0xF7A;
	s5 =	simm.s32 @!p2 $0x0  }
0x1d: {  	s5 =	simm.s32 @p1 $0x1;
	p0 =	seq.s32 s7, s2  }
0x1e: {  	s7 =	smul.u32 @!p0 $0xF7A, s2;
	p2 =	seq.s32 @!p0 s5, $0x0  }
0x1f: {  	s9 =	smul.u32 $0xF7A, s1;
	s8 =	simm.s32 @!p0 $0x1BF5;
	p2 =	por !p2, p0  }
0x20: {  	[sflag:s8] =	ssyncset.s32 @!p0 $0xFFFFF086;
	s6 =	sadd.s32 @!p0 s3, s7;
	s7 =	simm.s32 @!p0 $0x108  }
0x21: {  	s3 =	sadd.s32 s3, s9;
	s6 =	sadd.s32 @!p0 $0x88, s6;
	s7 =	simm.s32 @p2 $0x1082  }
0x22: {  	[simem:s7], [sflag:s8] =	dma.local @!p0 [hbm:s6], $0xF7A  }
0x23: {  	s9 =	sor.u32 $0xD0000000, s2;
	s6 =	simm.s32 $0x108;
	_ =	swait.ge @!p0 [sflag:s8], $0x0  }
0x24: {  	s3 =	sadd.s32 $0x88, s3;
	s6 =	simm.s32 @!p1 $0x1082;
	[sflag:s4] =	ssyncset.s32 $0xFFFFF086  }
0x25: {  	[simem:s6], [sflag:s4] =	dma.local [hbm:s3], $0xF7A  }
0x26: {  	[smem:$0x3F93] =	sst s1;
	(tag) =	ssettag s2;
	_ =	strace s9  }
0x27: {  	s1 =	sld [smem:$0x3FA3]  }
0x28: {  	s2 =	sld [smem:$0x3FA4]  }
0x29: {  	s4 =	sld [smem:$0x3FA6]  }
0x2a: {  	p0 =	seq.s32 s5, $0x0;
	s5 =	sld [smem:$0x3FA7]  }
0x2b: {  	s6 =	sld [smem:$0x3FA8]  }
0x2c: {  	s7 =	sld [smem:$0x3FA9]  }
0x2d: {  	s3 =	simm.s32 $0x108;
	s8 =	sld [smem:$0x3FAA]  }
0x2e: {  	s3 =	simm.s32 @!p0 $0x1082;
	s9 =	sld [smem:$0x3FAB]  }
0x2f: {  	lr =	sadd.s32 s0, s3;
	s0 =	sld [smem:$0x3FA2]  }
0x30: {  	s3 =	sld [smem:$0x3FA5]  }
0x31: {  	[smem:$0x3FAE] =	sst s10  }
0x32: {  	s10 =	sld [smem:$0x3FAC];
	_ =	sdelay $0x3  }
0x33: {  	p0 =	seq.s32 s10, $0x1;
	s10 =	sld [smem:$0x3FAE];
	_ =	sdelay $0x3  }
0x34: {  	[smem:$0x3FAE] =	sst s10  }
0x35: {  	s10 =	sld [smem:$0x3FAD];
	_ =	sdelay $0x3  }
0x36: {  	p1 =	seq.s32 s10, $0x1;
	s10 =	sld [smem:$0x3FAE];
	_ =	sdelay $0x3  }
0x37: {  	[smem:$0x3FAE] =	sst s10  }
0x38: {  	s10 =	sld [smem:$0x3FAF]  }
0x39: {  	_ = 	snop;
	(pc) =	sbr.ind lr, $3  }
0x3a: {  	_ = 	snop  }
0x3b: {  	_ = 	snop  }
0x3c: {  	p2 =	seq.s32 s10, $0x1;
	s10 =	sld [smem:$0x3FAE]  }
0x3d: {  	_ =	shalt  }
0x3e: {  	_ =	shalt  }
0x3f: {  	_ =	shalt  }
0x40: {  	_ =	shalt  }
0x41: {  	_ =	shalt  }
0x42: {  	_ =	shalt  }
0x43: {  	_ =	shalt  }
0x44: {  	_ =	shalt  }
0x45: {  	_ =	shalt  }
0x46: {  	_ =	shalt  }
0x47: {  	_ =	shalt  }
0x48: {  	_ =	shalt  }
0x49: {  	_ =	shalt  }
0x4a: {  	_ =	shalt  }
0x4b: {  	_ =	shalt  }
0x4c: {  	_ =	shalt  }
0x4d: {  	_ =	shalt  }
0x4e: {  	_ =	shalt  }
0x4f: {  	_ =	shalt  }
0x50: {  	_ =	shalt  }
0x51: {  	_ =	shalt  }
0x52: {  	_ =	shalt  }
0x53: {  	_ =	shalt  }
0x54: {  	_ =	shalt  }
0x55: {  	_ =	shalt  }
0x56: {  	_ =	shalt  }
0x57: {  	_ =	shalt  }
0x58: {  	_ =	shalt  }
0x59: {  	_ =	shalt  }
0x5a: {  	_ =	shalt  }
0x5b: {  	_ =	shalt  }
0x5c: {  	_ =	shalt  }
0x5d: {  	_ =	shalt  }
0x5e: {  	_ =	shalt  }
0x5f: {  	_ =	shalt  }
0x60: {  	_ =	shalt  }
0x61: {  	_ =	shalt  }
0x62: {  	_ =	shalt  }
0x63: {  	_ =	shalt  }
0x64: {  	_ =	shalt  }
0x65: {  	_ =	shalt  }
0x66: {  	_ =	shalt  }
0x67: {  	_ =	shalt  }
0x68: {  	_ =	shalt  }
0x69: {  	_ =	shalt  }
0x6a: {  	_ =	shalt  }
0x6b: {  	_ =	shalt  }
0x6c: {  	_ =	shalt  }
0x6d: {  	_ =	shalt  }
0x6e: {  	_ =	shalt  }
0x6f: {  	_ =	shalt  }
0x70: {  	_ =	shalt  }
0x71: {  	_ =	shalt  }
0x72: {  	_ =	shalt  }
0x73: {  	_ =	shalt  }
0x74: {  	_ =	shalt  }
0x75: {  	_ =	shalt  }
0x76: {  	_ =	shalt  }
0x77: {  	_ =	shalt  }
0x78: {  	_ =	shalt  }
0x79: {  	_ =	shalt  }
0x7a: {  	_ =	shalt  }
0x7b: {  	_ =	shalt  }
0x7c: {  	_ =	shalt  }
0x7d: {  	_ =	shalt  }
0x7e: {  	_ =	shalt  }
0x7f: {  	_ =	shalt  }
0x80: {  	_ =	shalt  }
0x81: {  	_ =	shalt  }
0x82: {  	_ =	shalt  }
0x83: {  	_ =	shalt  }
0x84: {  	_ =	shalt  }
0x85: {  	_ =	shalt  }
0x86: {  	_ =	shalt  }
0x87: {  	_ =	shalt  }
.Lfunc_end0:
.L_simem_size_0:
called_computation_lowered:
.L_overlay_start_0:
0x88: {  	s0 =	sld [smem:$0x3FD9]  }
0x89: {  	s1 =	sld [smem:$0x3FFE];
	_ =	sdelay $0x3  }
0x8a: {  	s0 =	sadd.s32 s1, s0  }
0x8b: {  	[smem:$0x3FBA] =	sst s0  }
0x8c: {  	_ = 	snop  }
0x8d: {  	s0 =	sld [smem:$0x3FD0];
	(tm) =	ssettm $0x1  }
0x8e: {  	s16 =	sld [smem:$0x3FFB];
	_ =	sdelay $0x3  }
0x8f: {  	_ =	strace s16  }
0x90: {  	s1 =	sld [smem:$0x3FFC];
	_ =	sdelay $0x3  }
0x91: {  	_ =	strace s1  }
0x92: {  	s1 =	sld [smem:$0x3FFD];
	_ =	sdelay $0x3  }
0x93: {  	_ =	strace s1  }
0x94: {  	_ =	strace $0x8FFFFFFF  }
0x95: {  	s17 =	sld [smem:$0x3FDB];
	_ =	sdelay $0x1  }
0x96: {  	s2 =	simm.s32 $_scs_section_size  }
0x97: {  	s3 =	simm.s32 $_size__tile_overlayer_lowered;
	s4 =	simm.s32 $_tile_overlayer_lowered  }
0x98: {  	s20 =	simm.s32 $0x1BFF;
	s19 =	sshll.u32 s4, $0x1;
	s1 =	sadd.s32 s2, s17  }
0x99: {  	s5 =	simm.s32 $0x0;
	s18 =	sshll.u32 s3, $0x1;
	s3 =	sadd.s32 s19, s1  }
0x9a: {  	[timem:s5], [sflag:s20] =	dma.local [hbm:s3], s18  }
0x9b: {  	_ =	swait.ge [sflag:s20], s18  }
0x9c: {  	s2 =	ssub.s32 $0x0, s18;
	[sflag:s20] =	ssyncset.done $0x0  }
0x9d: {  	[sflag:s20] =	ssyncadd.s32 s2;
	_ =	sdelay $0x1  }
0x9e: {  	s21 =	simm.s32 $0x1B8B  }
0x9f: {  	_ =	swait.ge [sflag:s21], $0x1  }
0xa0: {  	[sflag:s21] =	ssyncset.done $0x0  }
0xa1: {  	s23 =	simm.s32 $0x1B8E;
	s22 =	sld [smem:$0x3FFE];
	[sflag:s21] =	ssyncadd.s32 $0xFFFFFFFF  }
0xa2: {  	s24 =	simm.s32 $execute0_lowered;
	[smem:$0x3FD2] =	sst s23  }
0xa3: {  	s3 =	sshll.u32 s24, $0x1;
	_ =	strace $0x80000046;
	[dreg:$0x1] =	wrdreg $0xFFFFFFFF  }
0xa4: {  	s25 =	simm.s32 $_size_execute0_lowered;
	s1 =	sadd.s32 s1, s3;
	[dreg:$0x0] =	wrdreg $0x0  }
0xa5: {  	s3 =	sshll.u32 s25, $0x1;
	[dreg:$0x2] =	wrdreg s1  }
0xa6: {  	[dreg:$0x3] =	wrdreg s3  }
0xa7: {  	[dreg:$0x4] =	wrdreg $0xC0  }
0xa8: {  	_ =	task [dreg:s5], $0x5FFFF  }
0xa9: {  	[dreg:$0x1] =	wrdreg $0xFFFFFFFF  }
0xaa: {  	[dreg:$0x0] =	wrdreg $0x60  }
0xab: {  	[dreg:$0x2] =	wrdreg s22  }
0xac: {  	[dreg:$0x3] =	wrdreg s0  }
0xad: {  	[dreg:$0x4] =	wrdreg $0x3E000  }
0xae: {  	[dreg:$0x5] =	wrdreg $0x3E200  }
0xaf: {  	[dreg:$0x6] =	wrdreg $0x9  }
0xb0: {  	_ =	task.clear_ibuf [dreg:s5], $0x7FFFF;
	_ =	strace $0x90000046  }
0xb1: {  	s26 =	simm.s32 $0x9;
	_ =	strace $0x80000048  }
0xb2: {  	_ =	swait.ge [sflag:s26], $0x1  }
0xb3: {  	[sflag:s26] =	ssyncadd.s32 $0xFFFFFFFF  }
0xb4: {  	_ =	strace $0x90000048  }
0xb5: {  	_ =	sfence  }
0xb6: {  	s28 =	sld [smem:$0x0];
	_ =	sdelay $0x1  }
0xb7: {  	s29 =	srdreg.scid  }
0xb8: {  	s30 =	sshll.u32 s29, $0xD;
	s31 =	sshrl.u32 s29, $0x2  }
0xb9: {  	s2 =	sand.u32 $0x4000, s30;
	s1 =	sand.u32 $0x1, s29;
	s0 =	sadd.s32 s31, s28  }
0xba: {  	s1 =	sor.u32 s2, s1;
	s0 =	sshll.u32 s0, $0x11  }
0xbb: {  	s0 =	sor.u32 s0, s1  }
0xbc: {  	s0 =	sadd.s32 $0x8F2B, s0  }
0xbd: {  	[sflag:s0] =	ssyncadd.remote.s32 $0x1  }
0xbe: {  	_ =	sfence.sel $0xFFFF  }
0xbf: {  	[dreg:$0x0] =	wrdreg $0xFFFFFFFF;
	(pc) =	sbr.abs _section_cstart, $3  }
0xc0: {  	[dreg:$0x1] =	wrdreg $0xFFFFFFFF  }
0xc1: {  	_ =	task.clear_ibuf [dreg:s5], $0x2FFFF;
	_ =	strace $0x9FFFFFFF  }
0xc2: {  	(tm) =	ssettm $0x7FFFFFFF  }
0xc3: {  	_ =	shalt  }
tec
execute0_lowered:
.L_overlay_start_1:
0x0: {  	(tag) =	ssettag $0x1  }
0x1: {  	s4 =	rddreg [dreg:$0x0]  }
0x2: {  	s1 =	rddreg [dreg:$0x1]  }
0x3: {  	s3 =	rddreg [dreg:$0x2]  }
0x4: {  	s2 =	rddreg [dreg:$0x3]  }
0x5: {  	s0 =	rddreg [dreg:$0x4];
	s5 =	simm.s32 $0x0  }
0x6: {  	[smem:$0x7FF] =	sst s5  }
0x7: {  	s24 =	simm.s32 $0x2;
	s6 =	sadd.s32 $0x1600, s4;
	_ =	strace $0x80000047  }
0x8: {  	[tilespmem:s5], [sflag:$0x2] =	stream.linear.gather [hbm4b:s6+s5], $0x310, $0x38;
	[tilespmem:$0x3E50] =	vst v63  }
0x9: {  	_ =	swait.ge [sflag:s24], $0x310  }
0xa: {  	[sflag:s24] =	ssyncset.done $0x0  }
0xb: {  	s25 =	simm.s32 $0x310;
	s4 =	sadd.s32 $0x1662, s4;
	[sflag:s24] =	ssyncadd.s32 $0xFFFFFCF0  }
0xc: {  	[tilespmem:s25], [sflag:$0x1] =	stream.linear.gather [hbm4b:s4+s5], $0x3000, $0x38;
	[tilespmem:$0x3E50] =	vst v63  }
0xd: {  	v3 =	vld [tilespmem:$0x20]  }
0xe: {  	v4 =	vld [tilespmem:$0x60]  }
0xf: {  	v2 =	vld [tilespmem:$0x30]  }
0x10: {  	v5 =	vld [tilespmem:$0x70];
	_ =	sdelay $0x1  }
0x11: {  	v1 =	vld [tilespmem:$0x40]  }
0x12: {  	v6 =	vld [tilespmem:$0x80];
	_ =	sdelay $0x1  }
0x13: {  	v0 =	vld [tilespmem:$0x50];
	v4 =	vmul.f32 v4, v3;
	v5 =	vmul.f32 v5, v2  }
0x14: {  	v7 =	vld [tilespmem:$0x90]  }
0x15: {  	v4 =	vadd.f32 v5, v4;
	v5 =	vimm.s32 $0xFEDCBA98  }
0x16: {  	v8 =	vimm.s32 $0x76543210;
	v6 =	vmul.f32 v6, v1;
	v5 =	vunpack.c.l.s4.s8 v5  }
0x17: {  	v8 =	vunpack.c.l.s4.s8 v8  }
0x18: {  	v9 =	vimm.s32 $0x32107654;
	v4 =	vadd.f32 v6, v4;
	v5 =	vunpack.c.0.s8.s32 v5  }
0x19: {  	v6 =	vmul.f32 v7, v0;
	v7 =	vunpack.c.0.s8.s32 v8;
	v8 =	vimm.s32 $0xBA98FEDC  }
0x1a: {  	v9 =	vunpack.c.l.s4.s8 v9;
	v8 =	vunpack.c.l.s4.s8 v8;
	v5 =	vand.u32 $0xF, v5  }
0x1b: {  	v4 =	vadd.f32 v6, v4;
	v6 =	vcombine.low v5, v7  }
0x1c: {  	v5 =	vunpack.c.0.s8.s32 v8;
	v7 =	vunpack.c.0.s8.s32 v9  }
0x1d: {  	v10 =	vimm.s32 $0xDCFE98BA;
	v11 =	vimm.s32 $0x54761032;
	v12 =	vld [tilespmem:$0xB0];
	v9 =	vperm.xlane v4, v6  }
0x1e: {  	v8 =	vld [tilespmem:$0xA0];
	v5 =	vcombine.low v7, v5;
	v7 =	vunpack.c.l.s4.s8 v10;
	v10 =	vunpack.c.l.s4.s8 v11  }
0x1f: {  	v4 =	vadd.f32 v9, v4  }
0x20: {  	v9 =	vand.u32 $0xF, v5;
	v5 =	vunpack.c.0.s8.s32 v7;
	v7 =	vunpack.c.0.s8.s32 v10  }
0x21: {  	v13 =	vimm.s32 $0xEFCDAB89;
	v14 =	vimm.s32 $0x67452301;
	v10 =	vld [tilespmem:$0xC0];
	v11 =	vperm.xlane v4, v9  }
0x22: {  	v5 =	vcombine.low v7, v5;
	v7 =	vunpack.c.l.s4.s8 v13;
	v13 =	vunpack.c.l.s4.s8 v14  }
0x23: {  	v12 =	vmul.f32 v12, v2;
	v8 =	vmul.f32 v8, v3;
	v14 =	vld [tilespmem:$0xD0];
	v4 =	vadd.f32 v11, v4  }
0x24: {  	v11 =	vand.u32 $0xF, v5;
	v5 =	vunpack.c.0.s8.s32 v7;
	v7 =	vunpack.c.0.s8.s32 v13  }
0x25: {  	v13 =	vperm.xlane v4, v11  }
0x26: {  	v8 =	vadd.f32 v12, v8;
	v10 =	vmul.f32 v10, v1;
	v5 =	vcombine.low v7, v5  }
0x27: {  	v4 =	vadd.f32 v13, v4  }
0x28: {  	v7 =	vadd.f32 v10, v8;
	v8 =	vmul.f32 v14, v0;
	v10 =	vand.u32 $0xF, v5  }
0x29: {  	v5 =	vld [tilespmem:$0x0];
	v12 =	vperm.xlane v4, v10  }
0x2a: {  	v7 =	vadd.f32 v8, v7  }
0x2b: {  	v4 =	vadd.f32 v12, v4  }
0x2c: {  	v6 =	vperm.xlane v7, v6  }
0x2d: {  	(v2sf) =	vpush v4, $0x0  }
0x2e: {  	v4 =	vadd.f32 v6, v7;
	(v2sf) =	vpush v5, $0x0;
	_ =	sdelay $0x1  }
0x2f: {  	v6 =	vperm.xlane v4, v9;
	(v2sf) =	vpush v5, $0x1;
	_ =	sdelay $0x1  }
0x30: {  	v4 =	vadd.f32 v6, v4  }
0x31: {  	(v2sf) =	vpush v5, $0x2  }
0x32: {  	(v2sf) =	vpush v5, $0x3;
	v6 =	vperm.xlane v4, v11  }
0x33: {  	(v2sf) =	vpush v5, $0x4  }
0x34: {  	(v2sf) =	vpush v5, $0x5;
	v4 =	vadd.f32 v6, v4  }
0x35: {  	(v2sf) =	vpush v5, $0x6  }
0x36: {  	(v2sf) =	vpush v5, $0x7;
	v6 =	vperm.xlane v4, v10  }
0x37: {  	(v2sf) =	vpush v5, $0x8  }
0x38: {  	(v2sf) =	vpush v5, $0x9;
	v6 =	vadd.f32 v6, v4;
	v4 =	vld [tilespmem:$0x10]  }
0x39: {  	(v2sf) =	vpush v5, $0xA  }
0x3a: {  	(v2sf) =	vpush v5, $0xB;
	v6 =	vbroadcast v6, $0x0;
	s4 =	spop (v2sf)  }
0x3b: {  	(v2sf) =	vpush v5, $0xC;
	s26 =	spop (v2sf)  }
0x3c: {  	(v2sf) =	vpush v5, $0xD;
	v17 =	vmul.f32 v6, v5;
	s5 =	smul.f32 s26, s4  }
0x3d: {  	s28 =	spop (v2sf);
	v6 =	vmul.f32 v6, v4  }
0x3e: {  	(v2sf) =	vpush v5, $0xE;
	s6 =	smul.f32 s28, s4;
	v7 =	vadd.f32 s5, v17  }
0x3f: {  	v8 =	vadd.f32 s5, v6  }
0x40: {  	(v2sf) =	vpush v5, $0xF;
	s29 =	spop (v2sf);
	v10 =	vadd.f32 s6, v17;
	v9 =	vmul.f32 $2.000000030e-01, v7  }
0x41: {  	(v2sf) =	vpush v4, $0x0;
	s5 =	smul.f32 s29, s4;
	s30 =	spop (v2sf);
	v11 =	vmul.f32 $2.000000030e-01, v8  }
0x42: {  	v12 =	vadd.f32 s6, v6;
	s7 =	spop (v2sf);
	v7 =	vmax.f32 v7, v9;
	v9 =	vmul.f32 $2.000000030e-01, v10  }
0x43: {  	(v2sf) =	vpush v4, $0x1;
	s8 =	spop (v2sf);
	v35 =	vmax.f32 v8, v11;
	v8 =	vadd.f32 s5, v17  }
0x44: {  	s31 =	smul.f32 s30, s4;
	s9 =	spop (v2sf);
	v34 =	vmax.f32 v10, v9;
	v9 =	vmul.f32 $2.000000030e-01, v12;
	v10 =	vadd.f32 s5, v6  }
0x45: {  	(v2sf) =	vpush v4, $0x2;
	s11 =	spop (v2sf);
	v13 =	vmax.f32 v7, $-3.399999950e+38;
	v14 =	vmul.f32 $2.000000030e-01, v8  }
0x46: {  	s12 =	spop (v2sf);
	v40 =	vmax.f32 v12, v9;
	v9 =	vmul.f32 $2.000000030e-01, v10;
	v12 =	vadd.f32 s31, v17  }
0x47: {  	s6 =	smul.f32 s7, s4;
	v11 =	vmax.f32 v35, $-3.399999950e+38;
	s13 =	spop (v2sf);
	v41 =	vmax.f32 v8, v14;
	v8 =	vadd.f32 s31, v6  }
0x48: {  	v13 =	vmax.f32 v13, v34;
	s15 =	spop (v2sf);
	v43 =	vmax.f32 v10, v9;
	v9 =	vmul.f32 $2.000000030e-01, v12  }
0x49: {  	s16 =	spop (v2sf);
	v11 =	vmax.f32 v11, v40;
	v10 =	vadd.f32 s6, v17;
	v14 =	vmul.f32 $2.000000030e-01, v8  }
0x4a: {  	s5 =	smul.f32 s8, s4;
	v13 =	vmax.f32 v13, v41;
	s17 =	spop (v2sf);
	v11 =	vmax.f32 v11, v43;
	v42 =	vmax.f32 v12, v9  }
0x4b: {  	s19 =	spop (v2sf);
	v9 =	vmul.f32 $2.000000030e-01, v10;
	v12 =	vadd.f32 s6, v6;
	v39 =	vmax.f32 v8, v14  }
0x4c: {  	s20 =	smul.f32 s19, s4;
	v8 =	vadd.f32 s5, v17;
	v13 =	vmax.f32 v13, v42;
	v11 =	vmax.f32 v11, v39  }
0x4d: {  	s10 =	smul.f32 s9, s4;
	s7 =	spop (v2sf);
	v38 =	vmax.f32 v10, v9;
	v9 =	vmul.f32 $2.000000030e-01, v12;
	v10 =	vadd.f32 s5, v6  }
0x4e: {  	s21 =	smul.f32 s7, s4;
	v15 =	vadd.f32 s20, v17;
	v16 =	vadd.f32 s20, v6;
	v14 =	vmul.f32 $2.000000030e-01, v8  }
0x4f: {  	s6 =	smul.f32 s11, s4;
	s22 =	spop (v2sf);
	v44 =	vmax.f32 v12, v9;
	v9 =	vmul.f32 $2.000000030e-01, v10;
	v12 =	vadd.f32 s10, v17  }
0x50: {  	s23 =	smul.f32 s22, s4;
	v18 =	vadd.f32 s21, v17;
	v36 =	vmax.f32 v8, v14;
	v8 =	vadd.f32 s10, v6  }
0x51: {  	v37 =	vmax.f32 v10, v9;
	v9 =	vmul.f32 $2.000000030e-01, v12;
	v10 =	vadd.f32 s6, v17  }
0x52: {  	s5 =	smul.f32 s12, s4;
	v13 =	vmax.f32 v13, v38;
	v20 =	vadd.f32 s23, v17;
	v14 =	vmul.f32 $2.000000030e-01, v8  }
0x53: {  	v32 =	vmax.f32 v12, v9;
	v9 =	vmul.f32 $2.000000030e-01, v10;
	v12 =	vadd.f32 s6, v6  }
0x54: {  	v11 =	vmax.f32 v11, v44;
	v33 =	vmax.f32 v8, v14;
	v8 =	vadd.f32 s5, v17  }
0x55: {  	s14 =	smul.f32 s13, s4;
	v21 =	vmax.f32 v10, v9;
	v9 =	vmul.f32 $2.000000030e-01, v12;
	v10 =	vadd.f32 s5, v6  }
0x56: {  	v13 =	vmax.f32 v13, v36;
	v11 =	vmax.f32 v11, v37;
	v14 =	vmul.f32 $2.000000030e-01, v8  }
0x57: {  	s6 =	smul.f32 s15, s4;
	v28 =	vmax.f32 v12, v9;
	v9 =	vmul.f32 $2.000000030e-01, v10;
	v12 =	vadd.f32 s14, v17  }
0x58: {  	v13 =	vmax.f32 v13, v32;
	v25 =	vmax.f32 v8, v14;
	v8 =	vadd.f32 s14, v6  }
0x59: {  	v26 =	vmax.f32 v10, v9;
	v9 =	vmul.f32 $2.000000030e-01, v12;
	v10 =	vadd.f32 s6, v17  }
0x5a: {  	v11 =	vmax.f32 v11, v33;
	s5 =	smul.f32 s16, s4;
	v13 =	vmax.f32 v13, v21;
	v14 =	vmul.f32 $2.000000030e-01, v8  }
0x5b: {  	v24 =	vmax.f32 v12, v9;
	v9 =	vmul.f32 $2.000000030e-01, v10;
	v12 =	vadd.f32 s6, v6  }
0x5c: {  	v11 =	vmax.f32 v11, v28;
	v29 =	vmax.f32 v8, v14;
	v8 =	vadd.f32 s5, v17  }
0x5d: {  	v27 =	vmax.f32 v10, v9;
	v9 =	vmul.f32 $2.000000030e-01, v12;
	v10 =	vadd.f32 s5, v6  }
0x5e: {  	s18 =	smul.f32 s17, s4;
	v13 =	vmax.f32 v13, v25;
	v11 =	vmax.f32 v11, v26;
	v14 =	vmul.f32 $2.000000030e-01, v8  }
0x5f: {  	v11 =	vmax.f32 v11, v29;
	v30 =	vmax.f32 v12, v9;
	v9 =	vmul.f32 $2.000000030e-01, v10  }
0x60: {  	s24 =	spop (v2sf);
	v12 =	vadd.f32 s18, v17;
	v31 =	vmax.f32 v8, v14;
	v14 =	vadd.f32 s18, v6  }
0x61: {  	s25 =	smul.f32 s24, s4;
	v19 =	vmul.f32 $2.000000030e-01, v18;
	v13 =	vmax.f32 v13, v24;
	v11 =	vmax.f32 v11, v30  }
0x62: {  	v10 =	vmax.f32 v10, v9;
	v8 =	vmul.f32 $2.000000030e-01, v12;
	v9 =	vmul.f32 $2.000000030e-01, v14  }
0x63: {  	v45 =	vadd.f32 s25, v17;
	v13 =	vmax.f32 v13, v27;
	v11 =	vmax.f32 v11, v10  }
0x64: {  	v8 =	vmax.f32 v12, v8;
	v9 =	vmax.f32 v14, v9;
	v12 =	vmul.f32 $2.000000030e-01, v15  }
0x65: {  	v13 =	vmax.f32 v13, v31;
	v14 =	vmax.f32 v11, v9;
	v11 =	vmul.f32 $2.000000030e-01, v16  }
0x66: {  	s26 =	spop (v2sf);
	v13 =	vmax.f32 v13, v8;
	v12 =	vmax.f32 v15, v12;
	v15 =	vadd.f32 s21, v6  }
0x67: {  	s5 =	smul.f32 s26, s4;
	v22 =	vmax.f32 v13, v12;
	v13 =	vmax.f32 v16, v11;
	v11 =	vmax.f32 v18, v19  }
0x68: {  	v18 =	vmul.f32 $2.000000030e-01, v20;
	v19 =	vadd.f32 s23, v6;
	v16 =	vmul.f32 $2.000000030e-01, v15  }
0x69: {  	v47 =	vadd.f32 s5, v6;
	v23 =	vmax.f32 v14, v13;
	v22 =	vmax.f32 v22, v11  }
0x6a: {  	s28 =	spop (v2sf);
	v14 =	vmax.f32 v20, v18;
	v15 =	vmax.f32 v15, v16;
	v16 =	vmul.f32 $2.000000030e-01, v19  }
0x6b: {  	s4 =	smul.f32 s28, s4;
	v20 =	vmax.f32 v22, v14;
	v22 =	vmul.f32 $2.000000030e-01, v45;
	v18 =	vmax.f32 v23, v15  }
0x6c: {  	v23 =	vadd.f32 s5, v17;
	v16 =	vmax.f32 v19, v16;
	v19 =	vadd.f32 s25, v6  }
0x6d: {  	v17 =	vadd.f32 s4, v17;
	v6 =	vadd.f32 s4, v6;
	v46 =	vmax.f32 v18, v16  }
0x6e: {  	v18 =	vmax.f32 v45, v22;
	v52 =	vmul.f32 $2.000000030e-01, v23;
	v22 =	vmul.f32 $2.000000030e-01, v19  }
0x6f: {  	v48 =	vmul.f32 $2.000000030e-01, v17;
	v20 =	vmax.f32 v20, v18  }
0x70: {  	v53 =	vmul.f32 $2.000000030e-01, v6;
	v22 =	vmax.f32 v19, v22;
	v19 =	vmax.f32 v23, v52  }
0x71: {  	v17 =	vmax.f32 v17, v48;
	v23 =	vmul.f32 $2.000000030e-01, v47;
	v20 =	vmax.f32 v20, v19  }
0x72: {  	v59 =	vbroadcast v5, $0x0;
	v6 =	vmax.f32 v6, v53;
	v20 =	vmax.f32 v20, v17  }
0x73: {  	v46 =	vmax.f32 v46, v22;
	v23 =	vmax.f32 v47, v23;
	v54 =	vsub.f32 v7, v20  }
0x74: {  	v46 =	vmax.f32 v46, v23;
	v34 =	vsub.f32 v34, v20;
	v56 =	vsub.f32 v41, v20  }
0x75: {  	v62 =	vsub.f32 v42, v20;
	v38 =	vsub.f32 v38, v20;
	v7 =	vmax.f32 v46, v6  }
0x76: {  	v50 =	vbroadcast v5, $0x1;
	v36 =	vsub.f32 v36, v20;
	v35 =	vsub.f32 v35, v7  }
0x77: {  	v32 =	vsub.f32 v32, v20;
	v21 =	vsub.f32 v21, v20;
	v45 =	vmul.f32 $1.442695020e+00, v54  }
0x78: {  	v25 =	vsub.f32 v25, v20;
	v24 =	vsub.f32 v24, v20;
	v35 =	vmul.f32 $1.442695020e+00, v35  }
0x79: {  	v8 =	vsub.f32 v8, v20;
	v34 =	vmul.f32 $1.442695020e+00, v34;
	(erf) = vpow2.f32 v45  }
0x7a: {  	v55 =	vsub.f32 v40, v7;
	v38 =	vmul.f32 $1.442695020e+00, v38;
	(erf) = vpow2.f32 v35  }
0x7b: {  	v57 =	vsub.f32 v43, v7;
	v36 =	vmul.f32 $1.442695020e+00, v36;
	(erf) = vpow2.f32 v34  }
0x7c: {  	v39 =	vsub.f32 v39, v7;
	v32 =	vmul.f32 $1.442695020e+00, v32;
	v21 =	vmul.f32 $1.442695020e+00, v21  }
0x7d: {  	v53 =	vsub.f32 v44, v7;
	v25 =	vmul.f32 $1.442695020e+00, v25;
	v35 =	vmul.f32 $1.442695020e+00, v55  }
0x7e: {  	v33 =	vsub.f32 v33, v7;
	v8 =	vmul.f32 $1.442695020e+00, v8;
	v52 =	vmul.f32 $1.442695020e+00, v39  }
0x7f: {  	v28 =	vsub.f32 v28, v7;
	v34 =	vmul.f32 $1.442695020e+00, v56;
	(erf) = vpow2.f32 v35  }
0x80: {  	v10 =	vsub.f32 v10, v7;
	v33 =	vmul.f32 $1.442695020e+00, v33;
	v35 =	vmul.f32 $1.442695020e+00, v57  }
0x81: {  	v9 =	vsub.f32 v9, v7;
	v28 =	vmul.f32 $1.442695020e+00, v28;
	(erf) = vpow2.f32 v34  }
0x82: {  	v13 =	vsub.f32 v13, v7;
	v34 =	vmul.f32 $1.442695020e+00, v62;
	(erf) = vpow2.f32 v35;
	v58 =	vpop (erf)  }
0x83: {  	v6 =	vsub.f32 v6, v7;
	v10 =	vmul.f32 $1.442695020e+00, v10;
	v9 =	vmul.f32 $1.442695020e+00, v9;
	v61 =	vpop (erf)  }
0x84: {  	v55 =	vmul.f32 $1.442695020e+00, v53;
	v60 =	vadd.f32 $0.0e+00, v58;
	v51 =	vpop (erf);
	(erf) = vpow2.f32 v34  }
0x85: {  	v40 =	vmul.f32 v58, v59;
	v58 =	vsub.f32 v37, v7;
	(erf) = vpow2.f32 v52  }
0x86: {  	v57 =	vbroadcast v5, $0x2;
	v63 =	vadd.f32 $0.0e+00, v61;
	v41 =	vmul.f32 v61, v59  }
0x87: {  	v48 =	vadd.f32 $0.0e+00, v40;
	v34 =	vmul.f32 $1.442695020e+00, v58;
	(erf) = vpow2.f32 v38  }
0x88: {  	v54 =	vpop (erf);
	v43 =	vadd.f32 v60, v51;
	v45 =	vmul.f32 v51, v50;
	(erf) = vpow2.f32 v55  }
0x89: {  	v49 =	vadd.f32 $0.0e+00, v41;
	v42 =	vadd.f32 v63, v54;
	v56 =	vmul.f32 v54, v50  }
0x8a: {  	v60 =	vpop (erf);
	v63 =	vbroadcast v5, $0x3;
	v35 =	vadd.f32 v48, v45;
	(erf) = vpow2.f32 v36  }
0x8b: {  	v61 =	vpop (erf);
	v62 =	vadd.f32 v43, v60;
	v39 =	vmul.f32 v60, v57;
	(erf) = vpow2.f32 v34  }
0x8c: {  	v48 =	vbroadcast v5, $0x4;
	v59 =	vadd.f32 v49, v56;
	v38 =	vmul.f32 v61, v57  }
0x8d: {  	v42 =	vadd.f32 v42, v61;
	v57 =	vbroadcast v5, $0x5;
	v44 =	vadd.f32 v35, v39;
	v45 =	vpop (erf)  }
0x8e: {  	v37 =	vadd.f32 v59, v38;
	v59 =	vbroadcast v5, $0x6;
	v46 =	vmul.f32 v45, v63;
	v47 =	vpop (erf)  }
0x8f: {  	v35 =	vadd.f32 v62, v45;
	v62 =	vbroadcast v5, $0xA;
	v49 =	vadd.f32 v42, v47  }
0x90: {  	v36 =	vmul.f32 v47, v63;
	v50 =	vpop (erf);
	(erf) = vpow2.f32 v32;
	v51 =	vadd.f32 v44, v46  }
0x91: {  	v52 =	vpop (erf);
	v53 =	vmul.f32 v50, v48;
	(erf) = vpow2.f32 v33;
	v35 =	vadd.f32 v35, v50  }
0x92: {  	v54 =	vadd.f32 v37, v36;
	v55 =	vmul.f32 v52, v48;
	v34 =	vadd.f32 v49, v52  }
0x93: {  	v56 =	vpop (erf);
	(erf) = vpow2.f32 v21;
	v21 =	vsub.f32 v26, v7;
	v32 =	vadd.f32 v51, v53  }
0x94: {  	v58 =	vpop (erf);
	v35 =	vadd.f32 v35, v56;
	v36 =	vmul.f32 v56, v57;
	(erf) = vpow2.f32 v28  }
0x95: {  	v33 =	vadd.f32 v54, v55;
	v34 =	vadd.f32 v34, v58;
	v21 =	vmul.f32 $1.442695020e+00, v21  }
0x96: {  	v37 =	vmul.f32 v58, v57;
	(erf) = vpow2.f32 v25;
	v25 =	vsub.f32 v29, v7  }
0x97: {  	(erf) = vpow2.f32 v21;
	v21 =	vmul.f32 $1.442695020e+00, v24;
	v24 =	vsub.f32 v27, v20  }
0x98: {  	v29 =	vsub.f32 v30, v7;
	v27 =	vbroadcast v5, $0x7;
	v25 =	vmul.f32 $1.442695020e+00, v25  }
0x99: {  	v30 =	vadd.f32 v33, v37;
	v60 =	vpop (erf);
	(erf) = vpow2.f32 v21;
	v21 =	vmul.f32 $1.442695020e+00, v24  }
0x9a: {  	v24 =	vsub.f32 v31, v20;
	v28 =	vpop (erf);
	v61 =	vmul.f32 v60, v59;
	(erf) = vpow2.f32 v25  }
0x9b: {  	v26 =	vadd.f32 v32, v36;
	v25 =	vmul.f32 $1.442695020e+00, v29;
	v38 =	vmul.f32 v28, v59  }
0x9c: {  	v29 =	vadd.f32 v35, v60;
	(erf) = vpow2.f32 v21;
	v21 =	vmul.f32 $1.442695020e+00, v24  }
0x9d: {  	v24 =	vadd.f32 v34, v28;
	v28 =	vpop (erf);
	v26 =	vadd.f32 v26, v61;
	(erf) = vpow2.f32 v25  }
0x9e: {  	v31 =	vmul.f32 v28, v27;
	v25 =	vadd.f32 v30, v38;
	v30 =	vpop (erf);
	(erf) = vpow2.f32 v21  }
0x9f: {  	v21 =	vadd.f32 v29, v28;
	v28 =	vbroadcast v5, $0x8;
	v27 =	vmul.f32 v30, v27  }
0xa0: {  	v24 =	vadd.f32 v24, v30;
	v29 =	vpop (erf);
	(erf) = vpow2.f32 v10;
	v10 =	vsub.f32 v12, v20  }
0xa1: {  	v26 =	vadd.f32 v26, v31;
	v21 =	vadd.f32 v21, v29;
	v29 =	vmul.f32 v29, v28  }
0xa2: {  	(erf) = vpow2.f32 v8;
	v25 =	vadd.f32 v25, v27;
	v8 =	vmul.f32 $1.442695020e+00, v10  }
0xa3: {  	v10 =	vsub.f32 v11, v20;
	(erf) = vpow2.f32 v9;
	v9 =	vmul.f32 $1.442695020e+00, v13;
	v27 =	vpop (erf)  }
0xa4: {  	v11 =	vsub.f32 v15, v7;
	v24 =	vadd.f32 v24, v27;
	v27 =	vmul.f32 v27, v28  }
0xa5: {  	v26 =	vadd.f32 v26, v29;
	(erf) = vpow2.f32 v8;
	v8 =	vmul.f32 $1.442695020e+00, v10  }
0xa6: {  	v10 =	vsub.f32 v14, v20;
	v28 =	vbroadcast v5, $0x9;
	v29 =	vpop (erf);
	(erf) = vpow2.f32 v9  }
0xa7: {  	v9 =	vmul.f32 $1.442695020e+00, v11;
	v11 =	vsub.f32 v16, v7;
	v21 =	vadd.f32 v21, v29  }
0xa8: {  	v25 =	vadd.f32 v25, v27;
	v29 =	vmul.f32 v29, v28;
	v27 =	vpop (erf);
	(erf) = vpow2.f32 v8  }
0xa9: {  	v8 =	vmul.f32 $1.442695020e+00, v10;
	v10 =	vsub.f32 v18, v20;
	v28 =	vmul.f32 v27, v28  }
0xaa: {  	v30 =	vpop (erf);
	(erf) = vpow2.f32 v9;
	v9 =	vmul.f32 $1.442695020e+00, v11;
	v11 =	vsub.f32 v22, v7  }
0xab: {  	v31 =	vpop (erf);
	(erf) = vpow2.f32 v8;
	v8 =	vmul.f32 $1.442695020e+00, v10;
	v10 =	vsub.f32 v19, v20  }
0xac: {  	v63 =	vpop (erf);
	(erf) = vpow2.f32 v9;
	v9 =	vmul.f32 $1.442695020e+00, v11;
	v11 =	vsub.f32 v23, v7  }
0xad: {  	v14 =	vadd.f32 v24, v27;
	v22 =	vbroadcast v5, $0xC;
	v21 =	vadd.f32 v21, v30  }
0xae: {  	v13 =	vpop (erf);
	(erf) = vpow2.f32 v8;
	v8 =	vmul.f32 $1.442695020e+00, v10;
	v10 =	vsub.f32 v17, v20  }
0xaf: {  	v12 =	vadd.f32 v21, v63;
	v15 =	vpop (erf);
	(erf) = vpow2.f32 v9;
	v9 =	vmul.f32 $1.442695020e+00, v11  }
0xb0: {  	v19 =	vadd.f32 v25, v28;
	v11 =	vpop (erf);
	(erf) = vpow2.f32 v8;
	v8 =	vmul.f32 $1.442695020e+00, v10  }
0xb1: {  	v16 =	vmul.f32 v30, v62;
	v14 =	vadd.f32 v14, v31;
	v12 =	vadd.f32 v12, v15  }
0xb2: {  	v10 =	vadd.f32 v26, v29;
	v17 =	vpop (erf);
	(erf) = vpow2.f32 v9;
	v9 =	vbroadcast v5, $0xB  }
0xb3: {  	v24 =	vmul.f32 v31, v62;
	v18 =	vpop (erf);
	v12 =	vadd.f32 v12, v17;
	(erf) = vpow2.f32 v8  }
0xb4: {  	v14 =	vadd.f32 v14, v13;
	v10 =	vadd.f32 v10, v16;
	v16 =	vmul.f32 v63, v9;
	v8 =	vpop (erf)  }
0xb5: {  	v6 =	vmul.f32 $1.442695020e+00, v6;
	v20 =	vpop (erf);
	v12 =	vadd.f32 v12, v8  }
0xb6: {  	v19 =	vadd.f32 v19, v24;
	v15 =	vmul.f32 v15, v22;
	v14 =	vadd.f32 v14, v11;
	v21 =	vpop (erf)  }
0xb7: {  	v25 =	vbroadcast v5, $0xD;
	v10 =	vadd.f32 v10, v16;
	v7 =	vpop (erf);
	v12 =	vadd.f32 v12, v21  }
0xb8: {  	v26 =	vbroadcast v5, $0xE;
	v5 =	vbroadcast v5, $0xF;
	v14 =	vadd.f32 v14, v18;
	v16 =	vpop (erf)  }
0xb9: {  	v17 =	vmul.f32 v17, v25;
	v10 =	vadd.f32 v10, v15;
	v23 =	vpop (erf);
	v12 =	vadd.f32 v12, v16  }
0xba: {  	v9 =	vmul.f32 v13, v9;
	v8 =	vmul.f32 v8, v26;
	v14 =	vadd.f32 v14, v20;
	v15 =	vpop (erf)  }
0xbb: {  	(erf) = vpow2.f32 v6;
	v10 =	vadd.f32 v10, v17;
	v6 =	vpop (erf);
	v12 =	vadd.f32 v12, v15  }
0xbc: {  	v11 =	vmul.f32 v11, v22;
	v9 =	vadd.f32 v19, v9;
	v13 =	vadd.f32 v14, v7;
	v24 =	vpop (erf)  }
0xbd: {  	v14 =	vmul.f32 v21, v5;
	v8 =	vadd.f32 v10, v8;
	v12 =	vadd.f32 v12, v24  }
0xbe: {  	v9 =	vadd.f32 v9, v11;
	v10 =	vbroadcast v4, $0x0  }
0xbf: {  	v11 =	vmul.f32 v18, v25;
	v8 =	vadd.f32 v8, v14;
	(erf) = vrcp.f32 v12  }
0xc0: {  	v14 =	vbroadcast v4, $0x1;
	v12 =	vadd.f32 v13, v23;
	v13 =	vmul.f32 v16, v10  }
0xc1: {  	v16 =	vbroadcast v4, $0x2;
	v4 =	vadd.f32 v9, v11  }
0xc2: {  	v9 =	vmul.f32 v20, v26;
	v8 =	vadd.f32 v8, v13;
	v13 =	vmul.f32 v15, v14  }
0xc3: {  	v12 =	vadd.f32 v12, v6  }
0xc4: {  	v5 =	vmul.f32 v7, v5;
	v15 =	vpop (erf);
	v4 =	vadd.f32 v4, v9;
	v8 =	vadd.f32 v8, v13  }
0xc5: {  	v11 =	vadd.f32 v12, v15;
	v12 =	vmul.f32 v24, v16  }
0xc6: {  	v4 =	vadd.f32 v4, v5  }
0xc7: {  	v5 =	vmul.f32 v23, v10;
	(erf) = vrcp.f32 v11;
	v7 =	vadd.f32 v8, v12  }
0xc8: {  	v8 =	vpop (erf)  }
0xc9: {  	v6 =	vmul.f32 v6, v14;
	v5 =	vadd.f32 v4, v5;
	v9 =	vmul.f32 v8, v7  }
0xca: {  	v4 =	vld [tilespmem:$0xF0]  }
0xcb: {  	v6 =	vadd.f32 v5, v6;
	v7 =	vld [tilespmem:$0xE0];
	v8 =	vmul.f32 v15, v16;
	v10 =	vbroadcast v9, $0x0  }
0xcc: {  	v5 =	vld [tilespmem:$0x100];
	v18 =	vbroadcast v9, $0x2  }
0xcd: {  	v8 =	vadd.f32 v6, v8;
	v6 =	vld [tilespmem:$0x110];
	v21 =	vbroadcast v9, $0x3;
	v11 =	vmul.f32 v10, v3  }
0xce: {  	v12 =	vmul.f32 v10, v2;
	v14 =	vmul.f32 v10, v1  }
0xcf: {  	v10 =	vmul.f32 v10, v0;
	v19 =	vmul.f32 v18, v3  }
0xd0: {  	v20 =	vmul.f32 v18, v2;
	v13 =	vpop (erf);
	v11 =	vadd.f32 v11, v7;
	v12 =	vadd.f32 v12, v4  }
0xd1: {  	v8 =	vmul.f32 v13, v8;
	v13 =	vbroadcast v9, $0x1;
	v14 =	vadd.f32 v14, v5  }
0xd2: {  	v10 =	vadd.f32 v10, v6;
	v11 =	vmax.f32 v11, $0.0e+00;
	v12 =	vmax.f32 v12, $0.0e+00  }
0xd3: {  	v15 =	vmul.f32 v13, v3;
	v16 =	vmul.f32 v13, v2;
	v14 =	vmax.f32 v14, $0.0e+00  }
0xd4: {  	v17 =	vmul.f32 v13, v1;
	v13 =	vmul.f32 v13, v0;
	v10 =	vmax.f32 v10, $0.0e+00  }
0xd5: {  	[tilespmem:$0x3380] =	vst v11;
	v11 =	vadd.f32 v19, v7;
	v19 =	vmul.f32 v18, v1;
	v15 =	vadd.f32 v15, v7  }
0xd6: {  	v18 =	vmul.f32 v18, v0;
	v16 =	vadd.f32 v16, v4;
	v13 =	vadd.f32 v13, v6  }
0xd7: {  	[tilespmem:$0x33A0] =	vst v14;
	v17 =	vadd.f32 v17, v5;
	v14 =	vadd.f32 v19, v5;
	v19 =	vmul.f32 v21, v3  }
0xd8: {  	[tilespmem:$0x3390] =	vst v12;
	v15 =	vmax.f32 v15, $0.0e+00;
	v12 =	vmax.f32 v13, $0.0e+00;
	v13 =	vadd.f32 v20, v4  }
0xd9: {  	v11 =	vmax.f32 v11, $0.0e+00;
	v16 =	vmax.f32 v16, $0.0e+00;
	[tilespmem:$0x33C0] =	vst v15;
	v15 =	vadd.f32 v19, v7  }
0xda: {  	[tilespmem:$0x33B0] =	vst v10;
	v10 =	vmax.f32 v13, $0.0e+00;
	v13 =	vadd.f32 v18, v6;
	v18 =	vmul.f32 v21, v2  }
0xdb: {  	v17 =	vmax.f32 v17, $0.0e+00;
	v14 =	vmax.f32 v14, $0.0e+00;
	v19 =	vmul.f32 v21, v1  }
0xdc: {  	[tilespmem:$0x33D0] =	vst v16;
	v15 =	vmax.f32 v15, $0.0e+00;
	v16 =	vadd.f32 v18, v4;
	v18 =	vbroadcast v9, $0x4  }
0xdd: {  	[tilespmem:$0x33E0] =	vst v17;
	v17 =	vadd.f32 v19, v5;
	v19 =	vmul.f32 v21, v0;
	v13 =	vmax.f32 v13, $0.0e+00  }
0xde: {  	[tilespmem:$0x33F0] =	vst v12;
	v12 =	vmax.f32 v16, $0.0e+00;
	v16 =	vmul.f32 v18, v3;
	v20 =	vmul.f32 v18, v2  }
0xdf: {  	[tilespmem:$0x3400] =	vst v11;
	v11 =	vmax.f32 v17, $0.0e+00;
	v17 =	vadd.f32 v19, v6;
	v19 =	vmul.f32 v18, v1  }
0xe0: {  	[tilespmem:$0x3410] =	vst v10;
	v10 =	vadd.f32 v16, v7;
	v16 =	vadd.f32 v20, v4;
	v20 =	vbroadcast v9, $0x5  }
0xe1: {  	[tilespmem:$0x3420] =	vst v14;
	v18 =	vmul.f32 v18, v0;
	v14 =	vmax.f32 v17, $0.0e+00;
	v17 =	vadd.f32 v19, v5  }
0xe2: {  	[tilespmem:$0x3430] =	vst v13;
	v19 =	vbroadcast v9, $0x6;
	v13 =	vmax.f32 v16, $0.0e+00;
	v16 =	vmul.f32 v20, v3  }
0xe3: {  	[tilespmem:$0x3440] =	vst v15;
	v15 =	vmax.f32 v17, $0.0e+00;
	v17 =	vadd.f32 v18, v6;
	v18 =	vmul.f32 v20, v2  }
0xe4: {  	[tilespmem:$0x3450] =	vst v12;
	v10 =	vmax.f32 v10, $0.0e+00;
	v12 =	vadd.f32 v16, v7;
	v16 =	vmul.f32 v20, v1  }
0xe5: {  	[tilespmem:$0x3460] =	vst v11;
	v11 =	vmax.f32 v17, $0.0e+00;
	v17 =	vadd.f32 v18, v4;
	v18 =	vmul.f32 v20, v0  }
0xe6: {  	[tilespmem:$0x3470] =	vst v14;
	v12 =	vmax.f32 v12, $0.0e+00;
	v14 =	vadd.f32 v16, v5;
	v16 =	vmul.f32 v19, v3  }
0xe7: {  	[tilespmem:$0x3480] =	vst v10;
	v10 =	vmax.f32 v17, $0.0e+00;
	v17 =	vadd.f32 v18, v6;
	v18 =	vmul.f32 v19, v2  }
0xe8: {  	[tilespmem:$0x3490] =	vst v13;
	v13 =	vmax.f32 v14, $0.0e+00;
	v14 =	vadd.f32 v16, v7;
	v16 =	vmul.f32 v19, v1  }
0xe9: {  	[tilespmem:$0x34A0] =	vst v15;
	v15 =	vmax.f32 v17, $0.0e+00;
	v17 =	vadd.f32 v18, v4;
	v18 =	vbroadcast v9, $0x7  }
0xea: {  	[tilespmem:$0x34B0] =	vst v11;
	v11 =	vmax.f32 v14, $0.0e+00;
	v14 =	vadd.f32 v16, v5;
	v16 =	vmul.f32 v19, v0  }
0xeb: {  	[tilespmem:$0x34C0] =	vst v12;
	v12 =	vmax.f32 v17, $0.0e+00;
	v17 =	vmul.f32 v18, v3;
	v19 =	vmul.f32 v18, v2  }
0xec: {  	[tilespmem:$0x34D0] =	vst v10;
	v10 =	vmax.f32 v14, $0.0e+00;
	v14 =	vadd.f32 v16, v6;
	v16 =	vmul.f32 v18, v1  }
0xed: {  	[tilespmem:$0x34E0] =	vst v13;
	v13 =	vadd.f32 v17, v7;
	v17 =	vadd.f32 v19, v4;
	v19 =	vbroadcast v9, $0x8  }
0xee: {  	[tilespmem:$0x34F0] =	vst v15;
	v14 =	vmax.f32 v14, $0.0e+00;
	v15 =	vadd.f32 v16, v5;
	v16 =	vmul.f32 v18, v0  }
0xef: {  	[tilespmem:$0x3500] =	vst v11;
	v11 =	vmax.f32 v13, $0.0e+00;
	v13 =	vmax.f32 v17, $0.0e+00;
	v17 =	vmul.f32 v19, v3  }
0xf0: {  	[tilespmem:$0x3510] =	vst v12;
	v12 =	vmax.f32 v15, $0.0e+00;
	v15 =	vadd.f32 v16, v6;
	v16 =	vmul.f32 v19, v2  }
0xf1: {  	[tilespmem:$0x3520] =	vst v10;
	v18 =	vbroadcast v9, $0x9;
	v10 =	vadd.f32 v17, v7;
	v17 =	vmul.f32 v19, v1  }
0xf2: {  	[tilespmem:$0x3530] =	vst v14;
	v14 =	vmax.f32 v15, $0.0e+00;
	v15 =	vadd.f32 v16, v4;
	v16 =	vmul.f32 v19, v0  }
0xf3: {  	[tilespmem:$0x3540] =	vst v11;
	v10 =	vmax.f32 v10, $0.0e+00;
	v11 =	vadd.f32 v17, v5;
	v17 =	vmul.f32 v18, v3  }
0xf4: {  	[tilespmem:$0x3550] =	vst v13;
	v13 =	vmax.f32 v15, $0.0e+00;
	v15 =	vadd.f32 v16, v6;
	v16 =	vmul.f32 v18, v2  }
0xf5: {  	[tilespmem:$0x3560] =	vst v12;
	v11 =	vmax.f32 v11, $0.0e+00;
	v12 =	vadd.f32 v17, v7;
	v17 =	vmul.f32 v18, v1  }
0xf6: {  	[tilespmem:$0x3570] =	vst v14;
	v14 =	vmax.f32 v15, $0.0e+00;
	v15 =	vadd.f32 v16, v4;
	v16 =	vbroadcast v9, $0xA  }
0xf7: {  	[tilespmem:$0x3580] =	vst v10;
	v10 =	vmax.f32 v12, $0.0e+00;
	v12 =	vadd.f32 v17, v5;
	v17 =	vmul.f32 v18, v0  }
0xf8: {  	[tilespmem:$0x3590] =	vst v13;
	v13 =	vmax.f32 v15, $0.0e+00;
	v15 =	vmul.f32 v16, v3;
	v18 =	vmul.f32 v16, v2  }
0xf9: {  	[tilespmem:$0x35A0] =	vst v11;
	v11 =	vmax.f32 v12, $0.0e+00;
	v12 =	vadd.f32 v17, v6;
	v17 =	vmul.f32 v16, v1  }
0xfa: {  	[tilespmem:$0x35B0] =	vst v14;
	v14 =	vadd.f32 v15, v7;
	v15 =	vadd.f32 v18, v4;
	v18 =	vbroadcast v9, $0xB  }
0xfb: {  	[tilespmem:$0x35C0] =	vst v10;
	v16 =	vmul.f32 v16, v0;
	v10 =	vmax.f32 v12, $0.0e+00;
	v12 =	vadd.f32 v17, v5  }
0xfc: {  	[tilespmem:$0x35D0] =	vst v13;
	v13 =	vmax.f32 v14, $0.0e+00;
	v14 =	vmax.f32 v15, $0.0e+00;
	v15 =	vmul.f32 v18, v3  }
0xfd: {  	[tilespmem:$0x35E0] =	vst v11;
	v11 =	vmax.f32 v12, $0.0e+00;
	v12 =	vadd.f32 v16, v6;
	v16 =	vmul.f32 v18, v2  }
0xfe: {  	v17 =	vbroadcast v9, $0xC;
	[tilespmem:$0x35F0] =	vst v10;
	v10 =	vadd.f32 v15, v7;
	v15 =	vmul.f32 v18, v1  }
0xff: {  	[tilespmem:$0x3600] =	vst v13;
	v12 =	vmax.f32 v12, $0.0e+00;
	v13 =	vadd.f32 v16, v4;
	v16 =	vmul.f32 v18, v0  }
0x100: {  	[tilespmem:$0x3610] =	vst v14;
	v10 =	vmax.f32 v10, $0.0e+00;
	v14 =	vadd.f32 v15, v5;
	v15 =	vmul.f32 v17, v3  }
0x101: {  	[tilespmem:$0x3620] =	vst v11;
	v11 =	vmax.f32 v13, $0.0e+00;
	v13 =	vadd.f32 v16, v6;
	v16 =	vmul.f32 v17, v2  }
0x102: {  	[tilespmem:$0x3630] =	vst v12;
	v12 =	vmax.f32 v14, $0.0e+00;
	v14 =	vadd.f32 v15, v7;
	v15 =	vmul.f32 v17, v1  }
0x103: {  	[tilespmem:$0x3640] =	vst v10;
	v10 =	vmax.f32 v13, $0.0e+00;
	v13 =	vadd.f32 v16, v4;
	v16 =	vbroadcast v9, $0xD  }
0x104: {  	[tilespmem:$0x3650] =	vst v11;
	v11 =	vmax.f32 v14, $0.0e+00;
	v14 =	vadd.f32 v15, v5;
	v15 =	vmul.f32 v17, v0  }
0x105: {  	[tilespmem:$0x3660] =	vst v12;
	v12 =	vmax.f32 v13, $0.0e+00;
	v13 =	vmul.f32 v16, v3;
	v17 =	vmul.f32 v16, v2  }
0x106: {  	[tilespmem:$0x3670] =	vst v10;
	v10 =	vmax.f32 v14, $0.0e+00;
	v14 =	vadd.f32 v15, v6;
	v15 =	vmul.f32 v16, v1  }
0x107: {  	[tilespmem:$0x3680] =	vst v11;
	v11 =	vadd.f32 v13, v7;
	v13 =	vadd.f32 v17, v4;
	v17 =	vbroadcast v9, $0xE  }
0x108: {  	[tilespmem:$0x3690] =	vst v12;
	v12 =	vmax.f32 v14, $0.0e+00;
	v14 =	vadd.f32 v15, v5;
	v15 =	vmul.f32 v16, v0  }
0x109: {  	[tilespmem:$0x36A0] =	vst v10;
	v10 =	vmax.f32 v11, $0.0e+00;
	v11 =	vmax.f32 v13, $0.0e+00;
	v13 =	vmul.f32 v17, v3  }
0x10a: {  	[tilespmem:$0x36B0] =	vst v12;
	v12 =	vmax.f32 v14, $0.0e+00;
	v14 =	vadd.f32 v15, v6;
	v15 =	vmul.f32 v17, v2  }
0x10b: {  	[tilespmem:$0x36C0] =	vst v10;
	v10 =	vadd.f32 v13, v7;
	v13 =	vmul.f32 v17, v1  }
0x10c: {  	v9 =	vbroadcast v9, $0xF;
	[tilespmem:$0x36D0] =	vst v11;
	v11 =	vmax.f32 v14, $0.0e+00;
	v14 =	vadd.f32 v15, v4  }
0x10d: {  	[tilespmem:$0x36E0] =	vst v12;
	v15 =	vmul.f32 v17, v0;
	v12 =	vadd.f32 v13, v5  }
0x10e: {  	v10 =	vmax.f32 v10, $0.0e+00;
	v13 =	vmul.f32 v9, v3;
	[tilespmem:$0x36F0] =	vst v11;
	v11 =	vmax.f32 v14, $0.0e+00  }
0x10f: {  	[tilespmem:$0x3700] =	vst v10;
	v14 =	vadd.f32 v15, v6;
	v15 =	vmul.f32 v9, v2;
	v10 =	vmax.f32 v12, $0.0e+00  }
0x110: {  	v12 =	vadd.f32 v13, v7;
	v13 =	vmul.f32 v9, v1;
	v9 =	vmul.f32 v9, v0  }
0x111: {  	[tilespmem:$0x3710] =	vst v11;
	v11 =	vmax.f32 v14, $0.0e+00;
	v14 =	vadd.f32 v15, v4;
	v15 =	vbroadcast v8, $0x0  }
0x112: {  	[tilespmem:$0x3720] =	vst v10;
	v10 =	vmax.f32 v12, $0.0e+00;
	v12 =	vadd.f32 v13, v5;
	v9 =	vadd.f32 v9, v6  }
0x113: {  	[tilespmem:$0x3730] =	vst v11;
	v11 =	vmax.f32 v14, $0.0e+00;
	v13 =	vmul.f32 v15, v3;
	v14 =	vmul.f32 v15, v2  }
0x114: {  	[tilespmem:$0x3740] =	vst v10;
	v10 =	vmax.f32 v12, $0.0e+00;
	v12 =	vmul.f32 v15, v1;
	v9 =	vmax.f32 v9, $0.0e+00  }
0x115: {  	[tilespmem:$0x3750] =	vst v11;
	v11 =	vadd.f32 v13, v7;
	v13 =	vadd.f32 v14, v4;
	v14 =	vbroadcast v8, $0x1  }
0x116: {  	[tilespmem:$0x3760] =	vst v10;
	v10 =	vadd.f32 v12, v5;
	v12 =	vmul.f32 v15, v0;
	v8 =	vbroadcast v8, $0x2  }
0x117: {  	[tilespmem:$0x3770] =	vst v9;
	v9 =	vmax.f32 v11, $0.0e+00;
	v11 =	vmax.f32 v13, $0.0e+00;
	v13 =	vmul.f32 v14, v3  }
0x118: {  	v3 =	vmul.f32 v8, v3;
	[tilespmem:$0x3780] =	vst v9;
	v9 =	vmax.f32 v10, $0.0e+00;
	v10 =	vadd.f32 v12, v6  }
0x119: {  	v12 =	vmul.f32 v14, v2;
	[tilespmem:$0x3790] =	vst v11;
	v11 =	vadd.f32 v13, v7  }
0x11a: {  	v2 =	vmul.f32 v8, v2;
	[tilespmem:$0x37A0] =	vst v9;
	v3 =	vadd.f32 v3, v7;
	v9 =	vmax.f32 v10, $0.0e+00  }
0x11b: {  	v13 =	vmul.f32 v14, v1;
	v10 =	vadd.f32 v12, v4;
	[tilespmem:$0x37B0] =	vst v9;
	v9 =	vmax.f32 v11, $0.0e+00  }
0x11c: {  	v1 =	vmul.f32 v8, v1;
	v2 =	vadd.f32 v2, v4;
	v3 =	vmax.f32 v3, $0.0e+00;
	[tilespmem:$0x37C0] =	vst v9  }
0x11d: {  	v12 =	vmul.f32 v14, v0;
	v11 =	vadd.f32 v13, v5;
	v9 =	vmax.f32 v10, $0.0e+00;
	[tilespmem:$0x3800] =	vst v3  }
0x11e: {  	v0 =	vmul.f32 v8, v0;
	v1 =	vadd.f32 v1, v5;
	v2 =	vmax.f32 v2, $0.0e+00;
	[tilespmem:$0x37D0] =	vst v9  }
0x11f: {  	v10 =	vadd.f32 v12, v6;
	v9 =	vmax.f32 v11, $0.0e+00;
	[tilespmem:$0x3810] =	vst v2  }
0x120: {  	v0 =	vadd.f32 v0, v6;
	v1 =	vmax.f32 v1, $0.0e+00;
	[tilespmem:$0x37E0] =	vst v9  }
0x121: {  	v7 =	vmax.f32 v10, $0.0e+00;
	[tilespmem:$0x3820] =	vst v1  }
0x122: {  	v0 =	vmax.f32 v0, $0.0e+00;
	[tilespmem:$0x37F0] =	vst v7  }
0x123: {  	s29 =	simm.s32 $0x1;
	[tilespmem:$0x3830] =	vst v0  }
0x124: {  	_ =	swait.ge [sflag:s29], $0x3000  }
0x125: {  	[sflag:s29] =	ssyncset.done $0x0  }
0x126: {  	[sflag:s29] =	ssyncadd.s32 $0xFFFFD000  }
0x127: {  	v12 =	vld [tilespmem:$0x190]  }
0x128: {  	v13 =	vld [tilespmem:$0x1A0]  }
0x129: {  	v10 =	vld [tilespmem:$0x1B0]  }
0x12a: {  	v8 =	vld [tilespmem:$0x1C0]  }
0x12b: {  	v6 =	vld [tilespmem:$0x1D0]  }
0x12c: {  	v3 =	vld [tilespmem:$0x1E0]  }
0x12d: {  	v2 =	vld [tilespmem:$0x1F0]  }
0x12e: {  	v1 =	vld [tilespmem:$0x200]  }
0x12f: {  	v15 =	vld [tilespmem:$0x210]  }
0x130: {  	s4 =	stileid.u32;
	v16 =	vld [tilespmem:$0x220]  }
0x131: {  	s5 =	sshll.u32 s4, $0x6;
	v14 =	vld [tilespmem:$0x230]  }
0x132: {  	s30 =	sadd.s32 $0x0, s5;
	v11 =	vld [tilespmem:$0x240]  }
0x133: {  	v0 =	vmov s30;
	v9 =	vld [tilespmem:$0x250]  }
0x134: {  	s31 =	simm.s32 $0x380;
	v7 =	vld [tilespmem:$0x260]  }
0x135: {  	v17 =	vld [tilespmem:s31+$0xFFFFFFA0]  }
0x136: {  	v18 =	vld [tilespmem:s31+$0xFFFFFFB0]  }
0x137: {  	s6 =	simm.s32 $0x3380;
	v19 =	vld [tilespmem:s31+$0xFFFFFFC0]  }
0x138: {  	v20 =	vld.idx.msk [tilespmem:v0+s6+$0x0], $0xffff  }
0x139: {  	v0 =	vld [tilespmem:s31+$0x0]  }
0x13a: {  	v22 =	vld [tilespmem:s31+$0xFFFFFFD0]  }
0x13b: {  	s8 =	sadd.s32 $0x1, s5;
	v25 =	vld [tilespmem:s31+$0xFFFFFFE0]  }
0x13c: {  	v21 =	vmov s8;
	v27 =	vld [tilespmem:s31+$0xFFFFFFF0]  }
0x13d: {  	v5 =	vld [tilespmem:$0x270]  }
0x13e: {  	v4 =	vld [tilespmem:$0x280];
	v0 =	vmul.f32 v20, v0  }
0x13f: {  	s7 =	simm.s32 $0x400;
	v24 =	vimm.f32 $0.0e+00;
	v26 =	vld [tilespmem:s31+$0xFFFFFF90];
	v23 =	vmul.f32 v20, v17;
	v29 =	vmul.f32 v20, v18  }
0x140: {  	v28 =	vld [tilespmem:s7+$0x0];
	v19 =	vmul.f32 v20, v19;
	v30 =	vmul.f32 v20, v22;
	v18 =	vmov s5  }
0x141: {  	v31 =	vmul.f32 v20, v25;
	v32 =	vmul.f32 v20, v27;
	v17 =	vadd.f32 v0, v24;
	v0 =	vld.idx.msk [tilespmem:v21+s6+$0x0], $0xffff  }
0x142: {  	v27 =	vimm.f32 $0.0e+00;
	v22 =	vadd.f32 v23, v24;
	v21 =	vadd.f32 v29, v24;
	v29 =	vld [tilespmem:s7+$0xFFFFFFA0]  }
0x143: {  	s9 =	sadd.s32 $0x2, s5;
	s8 =	simm.s32 $0x3;
	v25 =	vimm.f32 $0.0e+00;
	v23 =	vadd.f32 v19, v24;
	v19 =	vadd.f32 v30, v24;
	v30 =	vld [tilespmem:s7+$0xFFFFFFB0]  }
.LBB2_1:
0x144: {  	p0 =	sne.s32 s8, $0x3F;
	v33 =	vmov s9;
	v34 =	vld [tilespmem:s7+$0xFFFFFFC0];
	v26 =	vmul.f32 v20, v26;
	v24 =	vadd.f32 v31, v24  }
0x145: {  	v31 =	vld [tilespmem:s7+$0xFFFFFFD0];
	v27 =	vadd.f32 v32, v27  }
0x146: {  	v20 =	vmov v0;
	v32 =	vld [tilespmem:s7+$0xFFFFFFE0];
	v28 =	vmul.f32 v0, v28;
	v25 =	vadd.f32 v26, v25  }
0x147: {  	v35 =	vld [tilespmem:s7+$0xFFFFFFF0];
	v29 =	vmul.f32 v20, v29  }
.Ltmp0:
0x148: {  	v26 =	vld [tilespmem:s7+$0xFFFFFF90];
	v30 =	vmul.f32 v20, v30;
	v17 =	vadd.f32 v28, v17;
	(pc) =	sbr.rel @p0 .LBB2_1-.Ltmp0, $4  }
0x149: {  	s7 =	sadd.s32 $0x80, s7;
	v0 =	vld.idx.msk [tilespmem:v33+s6+$0x0], $0xffff;
	v22 =	vadd.f32 v29, v22;
	v33 =	vmul.f32 v20, v34  }
0x14a: {  	v28 =	vld [tilespmem:s7+$0x0];
	v21 =	vadd.f32 v30, v21;
	v34 =	vmul.f32 v20, v31  }
0x14b: {  	v29 =	vld [tilespmem:s7+$0xFFFFFFA0];
	v23 =	vadd.f32 v33, v23;
	v31 =	vmul.f32 v20, v32  }
0x14c: {  	s9 =	sadd.s32 s5, s8;
	s8 =	sadd.s32 $0x1, s8;
	v30 =	vld [tilespmem:s7+$0xFFFFFFB0];
	v19 =	vadd.f32 v34, v19;
	v32 =	vmul.f32 v20, v35  }
0x14d: {  	v34 =	vld [tilespmem:s7+$0xFFFFFFC0]  }
0x14e: {  	v35 =	vld [tilespmem:s7+$0xFFFFFFD0]  }
0x14f: {  	v36 =	vld [tilespmem:s7+$0xFFFFFFE0]  }
0x150: {  	v33 =	vmov s9;
	v37 =	vld [tilespmem:s7+$0xFFFFFFF0]  }
0x151: {  	v38 =	vld [tilespmem:s7+$0xFFFFFF90];
	s5 =	sadd.s32 $0x80, s7  }
0x152: {  	v39 =	vld [tilespmem:s5+$0xFFFFFFA0]  }
0x153: {  	v20 =	vmul.f32 v20, v26;
	v62 =	vld [tilespmem:s5+$0xFFFFFF90]  }
0x154: {  	v24 =	vadd.f32 v31, v24;
	v27 =	vadd.f32 v32, v27;
	v63 =	vld [tilespmem:s5+$0xFFFFFFB0];
	v28 =	vmul.f32 v0, v28  }
0x155: {  	v20 =	vadd.f32 v20, v25;
	v29 =	vmul.f32 v0, v29;
	v40 =	vmul.f32 v0, v30;
	v33 =	vld.idx.msk [tilespmem:v33+s6+$0x0], $0xffff  }
0x156: {  	v42 =	vld [tilespmem:s5+$0xFFFFFFC0];
	v17 =	vadd.f32 v28, v17;
	v41 =	vmul.f32 v0, v34;
	v43 =	vmul.f32 v0, v38  }
0x157: {  	v44 =	vld [tilespmem:s5+$0xFFFFFFD0];
	v22 =	vadd.f32 v29, v22;
	v45 =	vmul.f32 v0, v35;
	v47 =	vmul.f32 v0, v36  }
0x158: {  	v48 =	vld [tilespmem:s5+$0xFFFFFFE0];
	v0 =	vmul.f32 v0, v37;
	v21 =	vadd.f32 v40, v21;
	v23 =	vadd.f32 v41, v23  }
0x159: {  	v40 =	vimm.s32 $0xFEDCBA98;
	v20 =	vadd.f32 v43, v20;
	v19 =	vadd.f32 v45, v19  }
0x15a: {  	v24 =	vadd.f32 v47, v24;
	v46 =	vmul.f32 v33, v39;
	v26 =	vmul.f32 v33, v62  }
0x15b: {  	v51 =	vld [tilespmem:s5+$0xFFFFFFF0];
	v0 =	vadd.f32 v0, v27;
	v41 =	vimm.s32 $0x76543210;
	v31 =	vmul.f32 v33, v63  }
0x15c: {  	v49 =	vmul.f32 v33, v42;
	v22 =	vadd.f32 v46, v22;
	v20 =	vadd.f32 v26, v20  }
0x15d: {  	v56 =	vld [tilespmem:s5+$0x0];
	v43 =	vimm.s32 $0xBA98FEDC;
	v50 =	vmul.f32 v33, v44;
	v25 =	vmul.f32 v33, v48  }
0x15e: {  	v21 =	vadd.f32 v31, v21;
	v52 =	vmul.f32 v20, v12;
	v53 =	vmul.f32 v22, v13  }
0x15f: {  	v30 =	vunpack.c.l.s4.s8 v43;
	v54 =	vmul.f32 v20, v15;
	v55 =	vmul.f32 v22, v16  }
0x160: {  	v29 =	vmul.f32 v33, v51;
	v23 =	vadd.f32 v49, v23;
	v58 =	vmul.f32 v21, v10  }
0x161: {  	v59 =	vmul.f32 v21, v14;
	v57 =	vadd.f32 v53, v52;
	v27 =	vadd.f32 v55, v54  }
0x162: {  	v34 =	vmul.f32 v33, v56;
	v19 =	vadd.f32 v50, v19;
	v60 =	vmul.f32 v23, v8  }
0x163: {  	v61 =	vmul.f32 v23, v11;
	v26 =	vadd.f32 v58, v57;
	v27 =	vadd.f32 v59, v27  }
0x164: {  	v44 =	vimm.s32 $0x32107654;
	v24 =	vadd.f32 v25, v24;
	v63 =	vmul.f32 v19, v6  }
0x165: {  	v35 =	vmul.f32 v19, v9;
	v62 =	vadd.f32 v60, v26;
	v27 =	vadd.f32 v61, v27  }
0x166: {  	v0 =	vadd.f32 v29, v0;
	v17 =	vadd.f32 v34, v17;
	v36 =	vmul.f32 v24, v3  }
0x167: {  	v37 =	vmul.f32 v24, v7;
	v25 =	vadd.f32 v63, v62;
	v27 =	vadd.f32 v35, v27  }
0x168: {  	v29 =	vunpack.c.l.s4.s8 v40;
	v38 =	vmul.f32 v0, v2;
	v39 =	vmul.f32 v0, v5  }
0x169: {  	v26 =	vunpack.c.l.s4.s8 v41;
	v25 =	vadd.f32 v36, v25;
	v27 =	vadd.f32 v37, v27  }
0x16a: {  	v42 =	vmul.f32 v17, v1;
	v29 =	vunpack.c.0.s8.s32 v29;
	v45 =	vmul.f32 v17, v4  }
0x16b: {  	v26 =	vunpack.c.0.s8.s32 v26;
	v25 =	vadd.f32 v38, v25;
	v27 =	vadd.f32 v39, v27  }
0x16c: {  	v31 =	vunpack.c.l.s4.s8 v44;
	v46 =	vunpack.c.0.s8.s32 v30;
	v29 =	vand.u32 $0xF, v29  }
0x16d: {  	v26 =	vcombine.low v29, v26;
	v25 =	vadd.f32 v42, v25;
	v27 =	vadd.f32 v45, v27  }
0x16e: {  	v49 =	vimm.s32 $0xDCFE98BA;
	v50 =	vimm.s32 $0x54761032;
	v47 =	vunpack.c.0.s8.s32 v31  }
0x16f: {  	v51 =	vunpack.c.l.s4.s8 v49;
	v48 =	vperm.xlane v25, v26;
	v26 =	vperm.xlane v27, v26  }
0x170: {  	v52 =	vunpack.c.l.s4.s8 v50;
	v29 =	vcombine.low v47, v46  }
0x171: {  	v28 =	vunpack.c.0.s8.s32 v51;
	v25 =	vadd.f32 v48, v25;
	v26 =	vadd.f32 v26, v27  }
0x172: {  	v54 =	vimm.s32 $0xEFCDAB89;
	v30 =	vunpack.c.0.s8.s32 v52;
	v29 =	vand.u32 $0xF, v29  }
0x173: {  	v55 =	vimm.s32 $0x67452301;
	v53 =	vperm.xlane v25, v29;
	v29 =	vperm.xlane v26, v29  }
0x174: {  	v56 =	vunpack.c.l.s4.s8 v54;
	v57 =	vunpack.c.l.s4.s8 v55;
	v28 =	vcombine.low v30, v28  }
0x175: {  	v25 =	vadd.f32 v53, v25;
	v26 =	vadd.f32 v29, v26  }
0x176: {  	v59 =	vunpack.c.0.s8.s32 v56;
	v60 =	vunpack.c.0.s8.s32 v57;
	v58 =	vand.u32 $0xF, v28  }
0x177: {  	v61 =	vperm.xlane v25, v58;
	v27 =	vperm.xlane v26, v58  }
0x178: {  	v28 =	vcombine.low v60, v59  }
0x179: {  	v25 =	vadd.f32 v61, v25;
	v26 =	vadd.f32 v27, v26  }
0x17a: {  	v62 =	vand.u32 $0xF, v28  }
0x17b: {  	[tilespmem:$0x3880] =	vst v20;
	v20 =	vperm.xlane v25, v62;
	v27 =	vperm.xlane v26, v62  }
0x17c: {  	[tilespmem:$0x3890] =	vst v22  }
0x17d: {  	p0 =	sgt.u32 s4, $0x2;
	[tilespmem:$0x38A0] =	vst v21;
	v20 =	vadd.f32 v20, v25;
	v63 =	vadd.f32 v27, v26  }
.Ltmp1:
0x17e: {  	vm0 =	vmmov $0x1;
	[tilespmem:$0x38B0] =	vst v23;
	(pc) =	sbr.rel @p0 .LBB2_6-.Ltmp1, $4  }
0x17f: {  	s30 =	smul.u32 $0x18, s4;
	[tilespmem:$0x38C0] =	vst v19;
	v19 =	vnsel vm0, $0x0, v20;
	v20 =	vbroadcast v63, $0x0  }
0x180: {  	s31 =	smul.u32 $0xC0, s4;
	vm15 =	vcmask $0x704;
	[tilespmem:$0x38D0] =	vst v24;
	v19 =	vadd.f32 $0.0e+00, v19  }
0x181: {  	[tilespmem:$0x38E0] =	vst v0;
	v20 =	vnsel vm15, $0x0, v20  }
0x182: {  	s5 =	sadd.s32 s30, s3;
	s6 =	sshrl.u32 s31, $0x2;
	v0 =	vmov s30;
	[tilespmem:$0x38F0] =	vst v17;
	v17 =	vadd.f32 v20, v19  }
0x183: {  	v21 =	vor.u32 $0x400, v18;
	s7 =	simm.s32 $0x0  }
0x184: {  	v18 =	vadd.s32 s7, v21  }
0x185: {  	v18 =	vbroadcast v18, $0x0;
	_ =	sdelay $0x1  }
0x186: {  	s8 =	simm.s32 $0x380  }
0x187: {  	v19 =	vld [tilespmem:s8+$0xFFFFFFA0]  }
0x188: {  	v22 =	vld [tilespmem:s8+$0xFFFFFFB0]  }
0x189: {  	s7 =	simm.s32 $0x3380;
	v24 =	vld [tilespmem:s8+$0xFFFFFFC0]  }
0x18a: {  	v23 =	vld.idx.msk [tilespmem:v18+s7+$0x0], $0xffff  }
0x18b: {  	s9 =	simm.s32 $0x1;
	v18 =	vld [tilespmem:s8+$0x0]  }
0x18c: {  	v20 =	vadd.s32 s9, v21;
	v26 =	vld [tilespmem:s8+$0xFFFFFFD0]  }
0x18d: {  	v27 =	vld [tilespmem:s8+$0xFFFFFFE0];
	v20 =	vbroadcast v20, $0x0;
	_ =	sdelay $0x2  }
0x18e: {  	v25 =	vimm.f32 $0.0e+00;
	s31 =	simm.s32 $0x2;
	v28 =	vld [tilespmem:s8+$0xFFFFFFF0];
	v18 =	vmul.f32 v23, v18;
	v29 =	vmul.f32 v23, v19  }
0x18f: {  	v30 =	vld [tilespmem:s8+$0xFFFFFF90];
	v35 =	vadd.s32 s31, v21;
	s8 =	simm.s32 $0x400;
	v22 =	vmul.f32 v23, v22;
	v32 =	vmul.f32 v23, v24  }
0x190: {  	v31 =	vld [tilespmem:s8+$0x0];
	v33 =	vmul.f32 v23, v26;
	v34 =	vmul.f32 v23, v27;
	v26 =	vimm.f32 $0.0e+00  }
0x191: {  	v27 =	vimm.f32 $0.0e+00;
	v19 =	vadd.f32 v18, v25;
	v18 =	vld.idx.msk [tilespmem:v20+s7+$0x0], $0xffff;
	v24 =	vadd.f32 v29, v25  }
0x192: {  	s9 =	simm.s32 $0x3;
	v22 =	vadd.f32 v22, v25;
	v20 =	vadd.f32 v32, v25;
	v32 =	vld [tilespmem:s8+$0xFFFFFFA0];
	v29 =	vimm.f32 $0.0e+00  }
.LBB2_4:
0x193: {  	p0 =	sne.s32 s9, $0x3F;
	v35 =	vbroadcast v35, $0x0;
	v36 =	vld [tilespmem:s8+$0xFFFFFFB0];
	v25 =	vadd.f32 v33, v25;
	v28 =	vmul.f32 v23, v28  }
0x194: {  	v33 =	vld [tilespmem:s8+$0xFFFFFFC0];
	v30 =	vmul.f32 v23, v30;
	v29 =	vadd.f32 v34, v29  }
0x195: {  	v34 =	vld [tilespmem:s8+$0xFFFFFFD0];
	v26 =	vadd.f32 v28, v26  }
0x196: {  	v23 =	vmov v18;
	v37 =	vld [tilespmem:s8+$0xFFFFFFE0];
	v31 =	vmul.f32 v18, v31;
	v27 =	vadd.f32 v30, v27  }
.Ltmp2:
0x197: {  	v28 =	vld [tilespmem:s8+$0xFFFFFFF0];
	v32 =	vmul.f32 v23, v32;
	(pc) =	sbr.rel @p0 .LBB2_4-.Ltmp2, $4  }
0x198: {  	v30 =	vld [tilespmem:s8+$0xFFFFFF90];
	v36 =	vmul.f32 v23, v36;
	v19 =	vadd.f32 v31, v19  }
0x199: {  	s8 =	sadd.s32 $0x80, s8;
	v18 =	vld.idx.msk [tilespmem:v35+s7+$0x0], $0xffff;
	v24 =	vadd.f32 v32, v24;
	v38 =	vmul.f32 v23, v33  }
0x19a: {  	v31 =	vld [tilespmem:s8+$0x0];
	v22 =	vadd.f32 v36, v22;
	v33 =	vmul.f32 v23, v34  }
0x19b: {  	v35 =	vadd.s32 s9, v21;
	s9 =	sadd.s32 $0x1, s9;
	v32 =	vld [tilespmem:s8+$0xFFFFFFA0];
	v20 =	vadd.f32 v38, v20;
	v34 =	vmul.f32 v23, v37  }
0x19c: {  	v51 =	vld [tilespmem:s8+$0xFFFFFFB0]  }
0x19d: {  	v36 =	vld [tilespmem:s8+$0xFFFFFFC0]  }
0x19e: {  	v21 =	vbroadcast v35, $0x0;
	v37 =	vld [tilespmem:s8+$0xFFFFFFD0]  }
0x19f: {  	v38 =	vld [tilespmem:s8+$0xFFFFFFE0]  }
0x1a0: {  	v39 =	vld [tilespmem:s8+$0xFFFFFFF0]  }
0x1a1: {  	v40 =	vld [tilespmem:s8+$0xFFFFFF90];
	s31 =	sadd.s32 $0x80, s8  }
0x1a2: {  	v41 =	vld [tilespmem:s31+$0xFFFFFFA0]  }
0x1a3: {  	v25 =	vadd.f32 v33, v25;
	v53 =	vld [tilespmem:s31+$0xFFFFFF90]  }
0x1a4: {  	v28 =	vmul.f32 v23, v28;
	v45 =	vimm.s32 $0xFEDCBA98;
	v52 =	vmul.f32 v23, v30;
	v21 =	vld.idx.msk [tilespmem:v21+s7+$0x0], $0xffff  }
0x1a5: {  	v29 =	vadd.f32 v34, v29;
	v54 =	vld [tilespmem:s31+$0xFFFFFFB0];
	v31 =	vmul.f32 v18, v31;
	v32 =	vmul.f32 v18, v32  }
0x1a6: {  	v56 =	vld [tilespmem:s31+$0xFFFFFFC0];
	v26 =	vadd.f32 v28, v26;
	v55 =	vmul.f32 v18, v51;
	v57 =	vmul.f32 v18, v40  }
0x1a7: {  	v58 =	vld [tilespmem:s31+$0xFFFFFFD0];
	v23 =	vadd.f32 v52, v27;
	v59 =	vmul.f32 v18, v36;
	v60 =	vmul.f32 v18, v37  }
0x1a8: {  	v62 =	vmul.f32 v18, v38;
	v24 =	vadd.f32 v32, v24;
	v22 =	vadd.f32 v55, v22  }
0x1a9: {  	v23 =	vadd.f32 v57, v23;
	v61 =	vmul.f32 v21, v41;
	v30 =	vmul.f32 v21, v53  }
0x1aa: {  	v18 =	vmul.f32 v18, v39;
	v20 =	vadd.f32 v59, v20;
	v25 =	vadd.f32 v60, v25  }
0x1ab: {  	v63 =	vld [tilespmem:s31+$0xFFFFFFE0];
	v33 =	vmul.f32 v21, v54;
	v24 =	vadd.f32 v61, v24;
	v23 =	vadd.f32 v30, v23  }
0x1ac: {  	v27 =	vadd.f32 v62, v29;
	v28 =	vmul.f32 v21, v56;
	v36 =	vmul.f32 v21, v58  }
0x1ad: {  	v37 =	vld [tilespmem:s31+$0xFFFFFFF0];
	v22 =	vadd.f32 v33, v22;
	v12 =	vmul.f32 v23, v12;
	v13 =	vmul.f32 v24, v13  }
0x1ae: {  	v40 =	vadd.f32 v18, v26;
	v15 =	vmul.f32 v23, v15;
	v16 =	vmul.f32 v24, v16  }
0x1af: {  	v20 =	vadd.f32 v28, v20;
	v10 =	vmul.f32 v22, v10;
	v12 =	vadd.f32 v13, v12  }
0x1b0: {  	v39 =	vmul.f32 v21, v63;
	v14 =	vmul.f32 v22, v14;
	v15 =	vadd.f32 v16, v15  }
0x1b1: {  	v8 =	vmul.f32 v20, v8;
	v16 =	vadd.f32 v36, v25;
	v10 =	vadd.f32 v10, v12  }
0x1b2: {  	v38 =	vld [tilespmem:s31+$0x0];
	v41 =	vmul.f32 v21, v37;
	v11 =	vmul.f32 v20, v11;
	v14 =	vadd.f32 v14, v15  }
0x1b3: {  	v15 =	vadd.f32 v39, v27;
	v6 =	vmul.f32 v16, v6;
	v8 =	vadd.f32 v8, v10  }
0x1b4: {  	v46 =	vimm.s32 $0x76543210;
	v9 =	vmul.f32 v16, v9;
	v11 =	vadd.f32 v11, v14  }
0x1b5: {  	v42 =	vadd.f32 v41, v40;
	v3 =	vmul.f32 v15, v3;
	v6 =	vadd.f32 v6, v8  }
0x1b6: {  	v19 =	vadd.f32 v31, v19;
	v7 =	vmul.f32 v15, v7;
	v9 =	vadd.f32 v9, v11  }
0x1b7: {  	v2 =	vmul.f32 v42, v2;
	v13 =	vmul.f32 v21, v38;
	v3 =	vadd.f32 v3, v6  }
0x1b8: {  	v48 =	vimm.s32 $0xBA98FEDC;
	v44 =	vadd.f32 v7, v9;
	v7 =	vunpack.c.l.s4.s8 v45  }
0x1b9: {  	v43 =	vadd.f32 v13, v19;
	v2 =	vadd.f32 v2, v3;
	v3 =	vunpack.c.l.s4.s8 v46  }
0x1ba: {  	v49 =	vimm.s32 $0x32107654;
	v5 =	vmul.f32 v42, v5;
	v47 =	vunpack.c.0.s8.s32 v7  }
0x1bb: {  	v1 =	vmul.f32 v43, v1;
	v9 =	vunpack.c.l.s4.s8 v49;
	v3 =	vunpack.c.0.s8.s32 v3  }
0x1bc: {  	v5 =	vadd.f32 v5, v44;
	v7 =	vunpack.c.l.s4.s8 v48;
	v6 =	vand.u32 $0xF, v47  }
0x1bd: {  	v1 =	vadd.f32 v1, v2;
	v2 =	vmul.f32 v43, v4;
	v3 =	vcombine.low v6, v3  }
0x1be: {  	v53 =	vimm.s32 $0xDCFE98BA;
	v51 =	vunpack.c.0.s8.s32 v9;
	v50 =	vunpack.c.0.s8.s32 v7  }
0x1bf: {  	v54 =	vimm.s32 $0x54761032;
	v2 =	vadd.f32 v2, v5;
	v52 =	vperm.xlane v1, v3  }
0x1c0: {  	v55 =	vunpack.c.l.s4.s8 v53;
	v56 =	vunpack.c.l.s4.s8 v54;
	v4 =	vcombine.low v51, v50  }
0x1c1: {  	v59 =	vimm.s32 $0x67452301;
	v3 =	vperm.xlane v2, v3;
	v1 =	vadd.f32 v52, v1  }
0x1c2: {  	v5 =	vunpack.c.0.s8.s32 v55;
	v6 =	vunpack.c.0.s8.s32 v56;
	v4 =	vand.u32 $0xF, v4  }
0x1c3: {  	v58 =	vimm.s32 $0xEFCDAB89;
	v2 =	vadd.f32 v3, v2;
	v57 =	vperm.xlane v1, v4  }
0x1c4: {  	v60 =	vunpack.c.l.s4.s8 v58;
	v61 =	vunpack.c.l.s4.s8 v59;
	v3 =	vcombine.low v6, v5  }
0x1c5: {  	v4 =	vperm.xlane v2, v4;
	v1 =	vadd.f32 v57, v1  }
0x1c6: {  	v5 =	vunpack.c.0.s8.s32 v60;
	v6 =	vunpack.c.0.s8.s32 v61;
	v3 =	vand.u32 $0xF, v3  }
0x1c7: {  	v2 =	vadd.f32 v4, v2;
	v7 =	vperm.xlane v1, v3  }
0x1c8: {  	v62 =	vcombine.low v6, v5  }
0x1c9: {  	v3 =	vperm.xlane v2, v3;
	v1 =	vadd.f32 v7, v1  }
0x1ca: {  	v4 =	vand.u32 $0xF, v62  }
0x1cb: {  	v2 =	vadd.f32 v3, v2;
	v63 =	vperm.xlane v1, v4;
	_ =	sdelay $0x1  }
0x1cc: {  	[tilespmem:$0x3900] =	vst v23;
	v3 =	vperm.xlane v2, v4;
	v1 =	vadd.f32 v63, v1  }
0x1cd: {  	[tilespmem:$0x3910] =	vst v24  }
0x1ce: {  	[tilespmem:$0x3920] =	vst v22;
	v2 =	vadd.f32 v3, v2;
	v1 =	vbroadcast v1, $0x0  }
0x1cf: {  	vm0 =	vcmask $0xB08;
	[tilespmem:$0x3930] =	vst v20  }
0x1d0: {  	[tilespmem:$0x3960] =	vst v42;
	v2 =	vbroadcast v2, $0x0;
	v1 =	vnsel vm0, $0x0, v1  }
0x1d1: {  	vm15 =	vcmask $0xF0C;
	[tilespmem:$0x3940] =	vst v16;
	v1 =	vadd.f32 v1, v17  }
0x1d2: {  	[tilespmem:$0x3950] =	vst v15;
	v2 =	vnsel vm15, $0x0, v2  }
0x1d3: {  	[tilespmem:$0x3970] =	vst v43;
	v17 =	vadd.f32 v2, v1  }
.LBB2_6:
0x1d4: {  	_ = 	snop  }
0x1d5: {  	s7 =	simm.s32 $0x3B80;
	s28 =	simm.s32 $0x2;
	[tilespmem:$0x3B80] =	vst v17  }
0x1d6: {  	[spmem:s5] =	stream.linear.scatter [tilespmem:s7], [sflag:$0x2], $0x10, $0x38;
	[tilespmem:$0x3E50] =	vst v63  }
0x1d7: {  	_ =	swait.ge [sflag:s28], $0x10  }
0x1d8: {  	v1 =	vlaneseq.u32;
	[sflag:s28] =	ssyncset.done $0x0  }
0x1d9: {  	v1 =	vmul.u32 $0x18, v1;
	[sflag:s28] =	ssyncadd.s32 $0xFFFFFFF0  }
0x1da: {  	[bflag:$0x0] =	sbarrier.arrive $0xFFFF  }
0x1db: {  	v2 =	vor.u32 $0x1, v1;
	[tilespmem:s7], [sflag:$0x2] =	stream.linear.gather [spmem:s3], $0x200, $0x38;
	[tilespmem:$0x3E50] =	vst v63  }
0x1dc: {  	v3 =	vor.u32 $0x2, v1;
	_ =	swait.ge [sflag:s28], $0x200  }
0x1dd: {  	v4 =	vor.u32 $0x3, v1;
	[sflag:s28] =	ssyncset.done $0x0  }
0x1de: {  	[sflag:s28] =	ssyncadd.s32 $0xFFFFFE00  }
0x1df: {  	v38 =	vld.idx.msk [tilespmem:v1+s7+$0x0], $0xffff  }
0x1e0: {  	s29 =	simm.s32 $0x1;
	v9 =	vld.idx.msk [tilespmem:v2+s7+$0x0], $0xffff  }
0x1e1: {  	v57 =	vmov s29;
	s5 =	simm.s32 $0x0;
	v37 =	vld.idx.msk [tilespmem:v3+s7+$0x0], $0xffff  }
0x1e2: {  	s8 =	simm.s32 $0x2340;
	v59 =	vadd.s32 $0x290, v57;
	v7 =	vmov s5;
	v12 =	vld.idx.msk [tilespmem:v4+s7+$0x0], $0xffff  }
0x1e3: {  	v8 =	vadd.s32 $0x290, v7;
	v58 =	vld [tilespmem:s8+$0xFFFFFFD0]  }
0x1e4: {  	v5 =	vld [tilespmem:s8+$0x0]  }
0x1e5: {  	v60 =	vor.u32 $0x80, v57;
	v6 =	vld [tilespmem:s8+$0xFFFFFFE0]  }
0x1e6: {  	v10 =	vld [tilespmem:s8+$0xFFFFFFF0]  }
0x1e7: {  	v3 =	vld.idx.msk [tilespmem:v59+s5+$0x0], $0xffff  }
0x1e8: {  	v11 =	vor.u32 $0x80, v7;
	s7 =	simm.s32 $0x3880;
	v8 =	vld.idx.msk [tilespmem:v8+s5+$0x0], $0xffff  }
0x1e9: {  	s30 =	simm.s32 $0x3;
	v1 =	vld.idx.msk [tilespmem:v57+s7+$0x0], $0xffff  }
0x1ea: {  	v13 =	vmov s30;
	v4 =	vld.idx.msk [tilespmem:v60+s7+$0x0], $0xffff  }
0x1eb: {  	v14 =	vadd.s32 $0x290, v13;
	s3 =	simm.s32 $0x2380;
	v7 =	vld.idx.msk [tilespmem:v7+s7+$0x0], $0xffff  }
0x1ec: {  	s31 =	simm.s32 $0x2;
	v16 =	vld [tilespmem:s3+$0xFFFFFFD0]  }
0x1ed: {  	v61 =	vor.u32 $0x2, v0;
	v25 =	vmov s31;
	v15 =	vld.idx.msk [tilespmem:v11+s7+$0x0], $0xffff  }
0x1ee: {  	v19 =	vimm.f32 $0.0e+00;
	v20 =	vor.u32 $0x80, v13;
	v31 =	vadd.s32 $0x290, v25;
	v21 =	vld [tilespmem:s3+$0xFFFFFFE0]  }
0x1ef: {  	v18 =	vld [tilespmem:s3+$0xFFFFFFF0];
	v24 =	vadd.f32 v6, v58;
	v26 =	vmul.f32 v1, v10;
	v22 =	vmul.f32 v4, v10  }
0x1f0: {  	v32 =	vor.u32 $0x80, v25;
	[tilespmem:$0x1FFE0] =	vst v0;
	v14 =	vld.idx.msk [tilespmem:v14+s5+$0x0], $0xffff;
	v23 =	vmul.f32 v4, v5;
	v62 =	vmul.f32 v7, v58  }
0x1f1: {  	[tilespmem:$0x1FFF0] =	vst v61;
	v11 =	vld [tilespmem:s3+$0x0];
	v7 =	vmul.f32 v7, v6;
	v10 =	vadd.f32 v5, v10;
	v8 =	vmul.f32 v24, v8  }
0x1f2: {  	v17 =	vld.idx.msk [tilespmem:v13+s7+$0x0], $0xffff;
	v2 =	vmul.f32 v15, v58;
	v63 =	vmul.f32 v15, v6;
	v39 =	vadd.f32 v62, v19  }
0x1f3: {  	v29 =	vld.idx.msk [tilespmem:v25+s7+$0x0], $0xffff;
	v35 =	vadd.f32 v7, v19;
	v47 =	vmul.f32 v10, v3;
	v46 =	vadd.f32 v8, v19  }
0x1f4: {  	s6 =	sadd.s32 s6, s2;
	s8 =	simm.s32 $0x4;
	v41 =	vmul.f32 v1, v5;
	v24 =	vld.idx.msk [tilespmem:v20+s7+$0x0], $0xffff;
	v43 =	vadd.f32 v2, v19;
	v44 =	vadd.f32 v63, v19  }
.LBB2_7:
0x1f5: {  	s9 =	sadd.s32 $0x1, s8;
	v2 =	vadd.f32 v47, v46  }
0x1f6: {  	p0 =	slt.u32 s8, $0x7E;
	v1 =	vld.idx.msk [tilespmem:v31+s5+$0x0], $0xffff;
	v3 =	vadd.f32 v26, v39;
	v4 =	vmovc v16;
	v5 =	vmovc v11;
	v6 =	vmov v21;
	v7 =	vmov v18;
	s10 =	smov.u32 s8;
	s8 =	sadd.s32 $0x2, s8  }
0x1f7: {  	s3 =	sadd.s32 $0x40, s3;
	v8 =	vmov s9;
	v10 =	vld.idx.msk [tilespmem:v32+s7+$0x0], $0xffff;
	v13 =	vadd.f32 v22, v43;
	v15 =	vadd.f32 v23, v44  }
0x1f8: {  	v25 =	vadd.f32 v41, v35;
	v27 =	vmovc v17;
	v16 =	vld [tilespmem:s3+$0xFFFFFFD0];
	v19 =	vadd.s32 $0x290, v8;
	v20 =	vor.u32 $0x80, v8  }
0x1f9: {  	v28 =	vadd.f32 v6, v4;
	v26 =	vmul.f32 v27, v7;
	v30 =	vmov v14;
	v11 =	vld [tilespmem:s3+$0x0]  }
0x1fa: {  	v34 =	vmov s10;
	v22 =	vmul.f32 v24, v7;
	v23 =	vmul.f32 v24, v5;
	v21 =	vld [tilespmem:s3+$0xFFFFFFE0]  }
.Ltmp3:
0x1fb: {  	v31 =	vadd.s32 $0x290, v34;
	v32 =	vor.u32 $0x80, v34;
	v24 =	vmul.f32 v29, v4;
	v18 =	vld [tilespmem:s3+$0xFFFFFFF0];
	(pc) =	sbr.rel @p0 .LBB2_7-.Ltmp3, $4  }
0x1fc: {  	v7 =	vadd.f32 v5, v7;
	v1 =	vmul.f32 v28, v1;
	v17 =	vld.idx.msk [tilespmem:v8+s7+$0x0], $0xffff;
	v8 =	vmul.f32 v29, v6  }
0x1fd: {  	v39 =	vadd.f32 v24, v3;
	v3 =	vmul.f32 v10, v4;
	v4 =	vmul.f32 v10, v6;
	v14 =	vld.idx.msk [tilespmem:v19+s5+$0x0], $0xffff  }
0x1fe: {  	v47 =	vmul.f32 v7, v30;
	v46 =	vadd.f32 v1, v2;
	v24 =	vld.idx.msk [tilespmem:v20+s7+$0x0], $0xffff;
	v35 =	vadd.f32 v8, v25  }
0x1ff: {  	v41 =	vmul.f32 v27, v5;
	v43 =	vadd.f32 v3, v13;
	v44 =	vadd.f32 v4, v15;
	v29 =	vld.idx.msk [tilespmem:v34+s7+$0x0], $0xffff  }
0x200: {  	v1 =	vbroadcast v38, $0x0;
	v3 =	vbroadcast v38, $0x1  }
0x201: {  	v5 =	vbroadcast v38, $0x2;
	v34 =	vbroadcast v38, $0x6  }
0x202: {  	v48 =	vbroadcast v38, $0x9;
	v58 =	vbroadcast v38, $0xB  }
0x203: {  	v61 =	vbroadcast v38, $0xC;
	v2 =	vadd.f32 v9, v1;
	v4 =	vadd.f32 v12, v1  }
0x204: {  	v63 =	vbroadcast v38, $0xD;
	v6 =	vadd.f32 v9, v3;
	v3 =	vadd.f32 v12, v3  }
0x205: {  	v8 =	vadd.f32 v9, v5;
	v5 =	vadd.f32 v12, v5;
	v1 =	vmul.f32 $2.000000030e-01, v2  }
0x206: {  	v57 =	vadd.f32 v12, v48;
	v52 =	vadd.f32 v9, v58;
	v7 =	vmul.f32 $2.000000030e-01, v4  }
0x207: {  	v13 =	vmul.f32 $2.000000030e-01, v3;
	v10 =	vmax.f32 v2, v1;
	v2 =	vmul.f32 $2.000000030e-01, v6  }
0x208: {  	v33 =	vmax.f32 v4, v7;
	v4 =	vmul.f32 $2.000000030e-01, v8;
	v7 =	vbroadcast v38, $0x3  }
0x209: {  	v62 =	vadd.f32 v9, v61;
	v20 =	vmax.f32 v3, v13;
	v2 =	vmax.f32 v6, v2  }
0x20a: {  	v15 =	vmax.f32 v8, v4;
	v4 =	vadd.f32 v9, v7;
	v6 =	vbroadcast v38, $0x4  }
0x20b: {  	v13 =	vbroadcast v38, $0x5;
	v8 =	vmul.f32 $2.000000030e-01, v5;
	v7 =	vadd.f32 v12, v7  }
0x20c: {  	v19 =	vmul.f32 $2.000000030e-01, v4;
	v25 =	vadd.f32 v9, v6;
	v6 =	vadd.f32 v12, v6  }
0x20d: {  	v3 =	vmax.f32 v5, v8;
	v5 =	vmul.f32 $2.000000030e-01, v7;
	v8 =	vadd.f32 v9, v13  }
0x20e: {  	v4 =	vmax.f32 v4, v19;
	v19 =	vmul.f32 $2.000000030e-01, v25;
	v28 =	vmul.f32 $2.000000030e-01, v6  }
0x20f: {  	v59 =	vmul.f32 $2.000000030e-01, v57;
	v27 =	vmax.f32 v7, v5;
	v7 =	vmul.f32 $2.000000030e-01, v8  }
0x210: {  	v13 =	vadd.f32 v12, v13;
	v5 =	vmax.f32 v25, v19;
	v30 =	vmax.f32 v6, v28  }
0x211: {  	v6 =	vmax.f32 v8, v7;
	v7 =	vadd.f32 v9, v34;
	v8 =	vbroadcast v38, $0x7  }
0x212: {  	v19 =	vmul.f32 $2.000000030e-01, v13;
	v25 =	vadd.f32 v12, v34;
	v28 =	vbroadcast v38, $0x8  }
0x213: {  	v54 =	vmul.f32 $2.000000030e-01, v7;
	v42 =	vadd.f32 v9, v8;
	v45 =	vadd.f32 v12, v8  }
0x214: {  	v36 =	vmax.f32 v13, v19;
	v8 =	vmul.f32 $2.000000030e-01, v25;
	v13 =	vadd.f32 v9, v28  }
0x215: {  	v60 =	vmul.f32 $2.000000030e-01, v52;
	v7 =	vmax.f32 v7, v54;
	v19 =	vmul.f32 $2.000000030e-01, v42  }
0x216: {  	v55 =	vmul.f32 $2.000000030e-01, v45;
	v40 =	vmax.f32 v25, v8;
	v25 =	vmul.f32 $2.000000030e-01, v13  }
0x217: {  	v54 =	vbroadcast v38, $0xE;
	v8 =	vmax.f32 v42, v19;
	v19 =	vadd.f32 v12, v28  }
0x218: {  	v13 =	vmax.f32 v13, v25;
	v25 =	vadd.f32 v9, v48;
	v28 =	vbroadcast v38, $0xA  }
0x219: {  	v45 =	vmax.f32 v45, v55;
	v48 =	vadd.f32 v12, v58;
	v56 =	vmul.f32 $2.000000030e-01, v19  }
0x21a: {  	v50 =	vmul.f32 $2.000000030e-01, v25;
	v51 =	vadd.f32 v9, v28;
	v28 =	vadd.f32 v12, v28  }
0x21b: {  	v42 =	vadd.f32 v12, v61;
	v55 =	vmul.f32 $2.000000030e-01, v62;
	v49 =	vmax.f32 v19, v56  }
0x21c: {  	v19 =	vmax.f32 v25, v50;
	v25 =	vmul.f32 $2.000000030e-01, v51;
	v53 =	vmul.f32 $2.000000030e-01, v28  }
0x21d: {  	v61 =	vmul.f32 $2.000000030e-01, v42;
	v50 =	vmax.f32 v57, v59;
	v56 =	vadd.f32 v9, v63  }
0x21e: {  	v57 =	vadd.f32 v9, v54;
	v25 =	vmax.f32 v51, v25;
	v51 =	vmax.f32 v28, v53  }
0x21f: {  	v28 =	vmax.f32 v52, v60;
	v60 =	vmul.f32 $2.000000030e-01, v48;
	v52 =	vadd.f32 v12, v63  }
0x220: {  	v34 =	vmax.f32 v62, v55;
	v58 =	vmul.f32 $2.000000030e-01, v56;
	v62 =	vmul.f32 $2.000000030e-01, v57  }
0x221: {  	v55 =	vmax.f32 v42, v61;
	v63 =	vbroadcast v38, $0xF;
	v59 =	vmul.f32 $2.000000030e-01, v52  }
0x222: {  	v38 =	vmax.f32 v56, v58;
	v42 =	vmax.f32 v57, v62;
	v57 =	vbroadcast v37, $0x0  }
0x223: {  	v56 =	vmax.f32 v52, v59;
	v52 =	vadd.f32 v12, v54;
	v54 =	vadd.f32 v9, v63;
	_ =	sdelay $0x1  }
0x224: {  	v53 =	vmax.f32 v48, v60;
	v61 =	vadd.f32 v57, v9;
	v48 =	vmul.f32 $2.000000030e-01, v54;
	_ =	sdelay $0x1  }
0x225: {  	v48 =	vmax.f32 v54, v48;
	v54 =	vmul.f32 $2.000000030e-01, v61  }
0x226: {  	v1 =	vbroadcast v37, $0x2  }
0x227: {  	v60 =	vbroadcast v37, $0x1;
	v37 =	vmax.f32 v61, v54;
	v54 =	vmax.f32 v10, $-3.399999950e+38  }
0x228: {  	[tilespmem:$0x1FFC0] =	vst v2;
	v54 =	vmax.f32 v54, v2;
	v2 =	vld [tilespmem:$0x1FFE0];
	_ =	sdelay $0x1  }
0x229: {  	v59 =	vadd.f32 v12, v63;
	v62 =	vadd.f32 v12, v57;
	v58 =	vmul.f32 $2.000000030e-01, v52;
	_ =	sdelay $0x1  }
0x22a: {  	v0 =	vmul.f32 $2.000000030e-01, v62;
	v57 =	vmax.f32 v52, v58;
	v58 =	vmul.f32 $2.000000030e-01, v59  }
0x22b: {  	v63 =	vadd.f32 v60, v9;
	v60 =	vadd.f32 v12, v60  }
0x22c: {  	v58 =	vmax.f32 v59, v58;
	v59 =	vmax.f32 v62, v0;
	v0 =	vadd.f32 v1, v9  }
0x22d: {  	s3 =	simm.s32 $0x3B80;
	[tilespmem:$0x1FFB0] =	vst v10;
	v10 =	vmov v33;
	v61 =	vmax.f32 v33, $-3.399999950e+38;
	v33 =	vmul.f32 $2.000000030e-01, v60  }
0x22e: {  	v54 =	vmax.f32 v54, v15;
	v62 =	vld.idx.msk [tilespmem:v2+s3+$0x0], $0xffff;
	v2 =	vmul.f32 $2.000000030e-01, v0  }
0x22f: {  	v60 =	vmax.f32 v60, v33;
	v33 =	vmax.f32 v54, v4  }
0x230: {  	v54 =	vmax.f32 v0, v2;
	v2 =	vmax.f32 v33, v5  }
0x231: {  	v1 =	vadd.f32 v12, v1;
	v2 =	vmax.f32 v2, v6  }
0x232: {  	v2 =	vmax.f32 v2, v7  }
0x233: {  	v61 =	vmax.f32 v61, v20;
	v33 =	vmul.f32 $2.000000030e-01, v1;
	v2 =	vmax.f32 v2, v8  }
0x234: {  	v61 =	vmax.f32 v61, v3;
	v2 =	vmax.f32 v2, v13  }
0x235: {  	v0 =	vmax.f32 v61, v27;
	v61 =	vmax.f32 v1, v33;
	v1 =	vmax.f32 v2, v19;
	v2 =	vld [tilespmem:$0x1FFF0];
	_ =	sdelay $0x3  }
0x236: {  	v0 =	vmax.f32 v0, v30  }
0x237: {  	v52 =	vmul.f32 $2.000000030e-01, v63;
	v0 =	vmax.f32 v0, v36;
	v62 =	vbroadcast v62, $0x0  }
0x238: {  	v0 =	vmax.f32 v0, v40  }
0x239: {  	v52 =	vmax.f32 v63, v52;
	v0 =	vmax.f32 v0, v45;
	v63 =	vadd.f32 v62, v9  }
0x23a: {  	v0 =	vmax.f32 v0, v49;
	v2 =	vld.idx.msk [tilespmem:v2+s3+$0x0], $0xffff  }
0x23b: {  	v0 =	vmax.f32 v0, v50;
	v1 =	vmax.f32 v1, v25;
	v33 =	vmul.f32 $2.000000030e-01, v63  }
0x23c: {  	v62 =	vadd.f32 v62, v12;
	v0 =	vmax.f32 v0, v51;
	v1 =	vmax.f32 v1, v28  }
0x23d: {  	v0 =	vmax.f32 v0, v53;
	v1 =	vmax.f32 v1, v34;
	v63 =	vmax.f32 v63, v33  }
0x23e: {  	v0 =	vmax.f32 v0, v55;
	v1 =	vmax.f32 v1, v38;
	v33 =	vmul.f32 $2.000000030e-01, v62  }
0x23f: {  	v0 =	vmax.f32 v0, v56;
	v1 =	vmax.f32 v1, v42;
	v2 =	vbroadcast v2, $0x0  }
0x240: {  	v62 =	vmax.f32 v62, v33;
	v0 =	vmax.f32 v0, v57;
	v1 =	vmax.f32 v1, v48  }
0x241: {  	v0 =	vmax.f32 v0, v58;
	v1 =	vmax.f32 v1, v37;
	v9 =	vadd.f32 v2, v9  }
0x242: {  	v0 =	vmax.f32 v0, v59;
	v1 =	vmax.f32 v1, v52;
	v2 =	vadd.f32 v2, v12  }
0x243: {  	v12 =	vmax.f32 v0, v60;
	v0 =	vmax.f32 v1, v54;
	v1 =	vmul.f32 $2.000000030e-01, v9  }
0x244: {  	v33 =	vmax.f32 v12, v61;
	v12 =	vsub.f32 v63, v0;
	v63 =	vmul.f32 $2.000000030e-01, v2  }
0x245: {  	v1 =	vmax.f32 v9, v1;
	v9 =	vsub.f32 v62, v33  }
0x246: {  	v12 =	vmul.f32 $1.442695020e+00, v12;
	v2 =	vmax.f32 v2, v63;
	v1 =	vsub.f32 v1, v0  }
0x247: {  	v2 =	vsub.f32 v2, v33;
	v9 =	vmul.f32 $1.442695020e+00, v9  }
0x248: {  	(erf) = vpow2.f32 v12;
	v1 =	vmul.f32 $1.442695020e+00, v1  }
0x249: {  	v12 =	vld.idx.msk [tilespmem:v32+s7+$0x0], $0xffff;
	v2 =	vmul.f32 $1.442695020e+00, v2;
	(erf) = vpow2.f32 v9  }
0x24a: {  	v63 =	vmul.f32 v17, v18;
	(erf) = vpow2.f32 v1  }
0x24b: {  	v17 =	vmul.f32 v17, v11;
	v9 =	vadd.f32 v22, v43;
	(erf) = vpow2.f32 v2  }
0x24c: {  	v22 =	vadd.f32 v23, v44;
	v23 =	vld.idx.msk [tilespmem:v31+s5+$0x0], $0xffff;
	v31 =	vmul.f32 v29, v16;
	v1 =	vadd.f32 v47, v46  }
0x24d: {  	v29 =	vmul.f32 v29, v21;
	v2 =	vadd.f32 v26, v39;
	v26 =	vadd.f32 v41, v35  }
0x24e: {  	v32 =	vmul.f32 v12, v16;
	v16 =	vadd.f32 v21, v16;
	v12 =	vmul.f32 v12, v21  }
0x24f: {  	v21 =	vmul.f32 v24, v18;
	v24 =	vmul.f32 v24, v11;
	v11 =	vadd.f32 v11, v18  }
0x250: {  	v2 =	vadd.f32 v31, v2;
	v9 =	vadd.f32 v32, v9  }
0x251: {  	v12 =	vadd.f32 v12, v22;
	v26 =	vadd.f32 v29, v26;
	v16 =	vmul.f32 v16, v23;
	v31 =	vpop (erf)  }
0x252: {  	v9 =	vadd.f32 v21, v9;
	v2 =	vadd.f32 v63, v2;
	v22 =	vpop (erf)  }
0x253: {  	v11 =	vmul.f32 v11, v14;
	v12 =	vadd.f32 v24, v12;
	v1 =	vadd.f32 v16, v1;
	v21 =	vpop (erf)  }
0x254: {  	v17 =	vadd.f32 v17, v26;
	v9 =	vmul.f32 v21, v9;
	v18 =	vpop (erf)  }
0x255: {  	p0 =	slt.u32 s4, $0x3;
	v2 =	vmul.f32 v31, v2;
	v1 =	vadd.f32 v11, v1;
	v12 =	vmul.f32 v18, v12  }
0x256: {  	p6 =	seq.s32 s4, $0xF;
	v14 =	vmul.f32 v22, v17;
	v9 =	vpsel !p0, $0x0, v9  }
0x257: {  	[tilespmem:$0x1FFD0] =	vst v15;
	v1 =	vpsel !p6, $0x0, v1;
	v2 =	vadd.f32 v9, v2;
	v9 =	vpsel !p0, $0x0, v12  }
0x258: {  	[tilespmem:$0x3DA0] =	vst v1;
	v9 =	vadd.f32 v9, v14  }
0x259: {  	[tilespmem:$0x3D80] =	vst v2  }
0x25a: {  	s31 =	simm.s32 $0x3D80;
	s5 =	simm.s32 $0x2;
	[tilespmem:$0x3D90] =	vst v9  }
0x25b: {  	[spmem:s6] =	stream.linear.scatter [tilespmem:s31], [sflag:$0x2], $0x30, $0x38;
	[tilespmem:$0x3E50] =	vst v63  }
0x25c: {  	_ =	swait.ge [sflag:s5], $0x30  }
0x25d: {  	[sflag:s5] =	ssyncset.done $0x0  }
0x25e: {  	[sflag:s5] =	ssyncadd.s32 $0xFFFFFFD0  }
0x25f: {  	p0 =	sne.s32 s4, $0x0;
	[bflag:$0x0] =	sbarrier.arrive $0xFFFF  }
0x260: {  	_ =	sfence.sel @p0 $0x180000  }
0x261: {  	[bflag:$0x0] =	sbarrier.arrive @p0 $0xFFFF  }
0x262: {  	_ =	strace @p0 $0x90000047  }
0x263: {  	[bflag:$0x2] =	sbarrier.arrive @p0 $0xFFFF  }
0x264: {  	_ =	shalt @p0  }
.LBB2_9:
0x265: {  	v1 =	vsub.f32 v61, v33  }
0x266: {  	v2 =	vsub.f32 v60, v33;
	v9 =	vsub.f32 v59, v33  }
0x267: {  	v11 =	vsub.f32 v58, v33;
	v12 =	vsub.f32 v57, v33;
	v1 =	vmul.f32 $1.442695020e+00, v1  }
0x268: {  	v15 =	vsub.f32 v56, v33;
	v2 =	vmul.f32 $1.442695020e+00, v2;
	v63 =	vmul.f32 $1.442695020e+00, v9  }
0x269: {  	v17 =	vsub.f32 v55, v33;
	v14 =	vmul.f32 $1.442695020e+00, v11;
	(erf) = vpow2.f32 v1  }
0x26a: {  	v21 =	vsub.f32 v53, v33;
	v16 =	vmul.f32 $1.442695020e+00, v12;
	(erf) = vpow2.f32 v2  }
0x26b: {  	v23 =	vsub.f32 v51, v33;
	v18 =	vmul.f32 $1.442695020e+00, v15;
	(erf) = vpow2.f32 v63  }
0x26c: {  	v26 =	vsub.f32 v50, v33;
	v22 =	vmul.f32 $1.442695020e+00, v17;
	(erf) = vpow2.f32 v14  }
0x26d: {  	v31 =	vsub.f32 v49, v33;
	v24 =	vmul.f32 $1.442695020e+00, v21;
	(erf) = vpow2.f32 v16  }
0x26e: {  	v35 =	vsub.f32 v45, v33;
	v29 =	vmul.f32 $1.442695020e+00, v23;
	(erf) = vpow2.f32 v18  }
0x26f: {  	v46 =	vsub.f32 v20, v33;
	v32 =	vmul.f32 $1.442695020e+00, v26;
	(erf) = vpow2.f32 v22  }
0x270: {  	v39 =	vmul.f32 $1.442695020e+00, v31;
	v12 =	vsub.f32 v40, v33;
	(erf) = vpow2.f32 v24  }
0x271: {  	v40 =	vmul.f32 $1.442695020e+00, v35;
	v14 =	vsub.f32 v36, v33;
	(erf) = vpow2.f32 v29  }
0x272: {  	v49 =	vmul.f32 $1.442695020e+00, v46;
	v16 =	vsub.f32 v30, v33;
	v9 =	vpop (erf);
	(erf) = vpow2.f32 v32  }
0x273: {  	v17 =	vsub.f32 v27, v33;
	v41 =	vmul.f32 $1.442695020e+00, v12;
	v11 =	vpop (erf);
	(erf) = vpow2.f32 v39  }
0x274: {  	v43 =	vmul.f32 $1.442695020e+00, v14;
	v18 =	vsub.f32 v3, v33;
	v12 =	vpop (erf);
	(erf) = vpow2.f32 v40  }
0x275: {  	v44 =	vmul.f32 $1.442695020e+00, v16;
	v14 =	vpop (erf);
	(erf) = vpow2.f32 v41  }
0x276: {  	v10 =	vsub.f32 v10, v33;
	v45 =	vmul.f32 $1.442695020e+00, v17;
	v16 =	vpop (erf);
	(erf) = vpow2.f32 v43  }
0x277: {  	v50 =	vsub.f32 v54, v0;
	v47 =	vmul.f32 $1.442695020e+00, v18;
	v35 =	vpop (erf);
	(erf) = vpow2.f32 v44  }
0x278: {  	v53 =	vsub.f32 v52, v0;
	v51 =	vmul.f32 $1.442695020e+00, v10;
	v18 =	vpop (erf);
	(erf) = vpow2.f32 v45  }
0x279: {  	v55 =	vsub.f32 v37, v0;
	v54 =	vmul.f32 $1.442695020e+00, v50;
	v20 =	vpop (erf);
	(erf) = vpow2.f32 v47  }
0x27a: {  	v57 =	vsub.f32 v48, v0;
	v56 =	vmul.f32 $1.442695020e+00, v53;
	v21 =	vpop (erf);
	(erf) = vpow2.f32 v49  }
0x27b: {  	v59 =	vsub.f32 v42, v0;
	v58 =	vmul.f32 $1.442695020e+00, v55;
	v22 =	vpop (erf);
	(erf) = vpow2.f32 v51  }
0x27c: {  	v37 =	vsub.f32 v25, v0;
	v60 =	vmul.f32 $1.442695020e+00, v57;
	v23 =	vpop (erf);
	(erf) = vpow2.f32 v54  }
0x27d: {  	v61 =	vsub.f32 v38, v0;
	v62 =	vmul.f32 $1.442695020e+00, v59;
	v24 =	vpop (erf);
	(erf) = vpow2.f32 v56  }
0x27e: {  	v42 =	vmul.f32 $1.442695020e+00, v37;
	v63 =	vsub.f32 v34, v0;
	v26 =	vpop (erf);
	(erf) = vpow2.f32 v58  }
0x27f: {  	v33 =	vsub.f32 v28, v0;
	v32 =	vmul.f32 $1.442695020e+00, v61;
	v27 =	vpop (erf);
	(erf) = vpow2.f32 v60  }
0x280: {  	v13 =	vsub.f32 v13, v0;
	v36 =	vmul.f32 $1.442695020e+00, v63;
	v34 =	vpop (erf);
	(erf) = vpow2.f32 v62  }
0x281: {  	v39 =	vmul.f32 $1.442695020e+00, v33;
	v40 =	vsub.f32 v19, v0;
	v38 =	vpop (erf);
	(erf) = vpow2.f32 v32  }
0x282: {  	v8 =	vsub.f32 v8, v0;
	v46 =	vmul.f32 $1.442695020e+00, v13;
	v54 =	vld [tilespmem:$0x1FFD0];
	v41 =	vpop (erf);
	(erf) = vpow2.f32 v36  }
0x283: {  	v4 =	vsub.f32 v4, v0;
	v44 =	vmul.f32 $1.442695020e+00, v40;
	v56 =	vld [tilespmem:$0x1FFC0];
	v43 =	vpop (erf);
	(erf) = vpow2.f32 v39  }
0x284: {  	v48 =	vmul.f32 $1.442695020e+00, v8;
	v47 =	vsub.f32 v7, v0;
	v58 =	vld [tilespmem:$0x1FFB0];
	v45 =	vpop (erf);
	(erf) = vpow2.f32 v42  }
0x285: {  	v55 =	vmul.f32 $1.442695020e+00, v4;
	v49 =	vsub.f32 v6, v0;
	v7 =	vpop (erf);
	(erf) = vpow2.f32 v44  }
0x286: {  	v50 =	vmul.f32 $1.442695020e+00, v47;
	v51 =	vsub.f32 v5, v0;
	v6 =	vpop (erf);
	(erf) = vpow2.f32 v46  }
0x287: {  	v52 =	vmul.f32 $1.442695020e+00, v49;
	v3 =	vsub.f32 v54, v0;
	v5 =	vpop (erf);
	(erf) = vpow2.f32 v48  }
0x288: {  	v53 =	vmul.f32 $1.442695020e+00, v51;
	v4 =	vsub.f32 v56, v0;
	v8 =	vpop (erf);
	(erf) = vpow2.f32 v50  }
0x289: {  	v57 =	vmul.f32 $1.442695020e+00, v3;
	v59 =	vsub.f32 v58, v0;
	v13 =	vpop (erf);
	(erf) = vpow2.f32 v52  }
0x28a: {  	v60 =	vmul.f32 $1.442695020e+00, v4;
	v29 =	vpop (erf);
	(erf) = vpow2.f32 v53  }
0x28b: {  	v0 =	vmul.f32 $1.442695020e+00, v59;
	v3 =	vpop (erf);
	(erf) = vpow2.f32 v55  }
0x28c: {  	v10 =	vpop (erf);
	(erf) = vpow2.f32 v57  }
0x28d: {  	v61 =	vadd.f32 $0.0e+00, v45;
	v2 =	vpop (erf);
	(erf) = vpow2.f32 v60  }
0x28e: {  	v4 =	vpop (erf);
	(erf) = vpow2.f32 v0  }
0x28f: {  	v62 =	vadd.f32 v61, v43;
	v0 =	vpop (erf)  }
0x290: {  	v63 =	vpop (erf)  }
0x291: {  	v1 =	vadd.f32 v62, v41;
	v36 =	vpop (erf)  }
0x292: {  	v37 =	vpop (erf)  }
0x293: {  	v1 =	vadd.f32 v1, v38;
	v38 =	vpop (erf)  }
0x294: {  	v31 =	vpop (erf)  }
0x295: {  	v39 =	vpop (erf)  }
0x296: {  	s4 =	simm.s32 $0x3880;
	v40 =	vpop (erf)  }
0x297: {  	[tilespmem:s4], [sflag:$0x2] =	stream.linear.gather [spmem:s2], $0x300, $0x38;
	v32 =	vpop (erf);
	[tilespmem:$0x3E50] =	vst v63  }
0x298: {  	_ =	swait.ge [sflag:s5], $0x300  }
0x299: {  	v1 =	vadd.f32 v1, v34;
	[sflag:s5] =	ssyncset.done $0x0  }
0x29a: {  	[sflag:s5] =	ssyncadd.s32 $0xFFFFFD00  }
0x29b: {  	v1 =	vadd.f32 v1, v27;
	v41 =	vld [tilespmem:$0x3880]  }
0x29c: {  	v42 =	vld [tilespmem:$0x3890]  }
0x29d: {  	v1 =	vadd.f32 v1, v26;
	v43 =	vld [tilespmem:$0x38A0]  }
0x29e: {  	v45 =	vld [tilespmem:$0x38B0]  }
0x29f: {  	v1 =	vadd.f32 v1, v24;
	v46 =	vld [tilespmem:$0x38C0]  }
0x2a0: {  	v44 =	vadd.f32 $0.0e+00, v32;
	v48 =	vld [tilespmem:$0x38D0]  }
0x2a1: {  	v1 =	vadd.f32 v1, v23;
	v49 =	vld [tilespmem:$0x38E0]  }
0x2a2: {  	v47 =	vadd.f32 v44, v40;
	v51 =	vld [tilespmem:$0x38F0]  }
0x2a3: {  	v1 =	vadd.f32 v1, v22;
	v52 =	vld [tilespmem:$0x3900]  }
0x2a4: {  	v54 =	vld [tilespmem:$0x3910];
	v50 =	vadd.f32 v47, v39  }
0x2a5: {  	v1 =	vadd.f32 v1, v21;
	v55 =	vld [tilespmem:$0x3920]  }
0x2a6: {  	v56 =	vld [tilespmem:$0x3930];
	v53 =	vadd.f32 v50, v31  }
0x2a7: {  	v1 =	vadd.f32 v1, v20;
	v57 =	vld [tilespmem:$0x3940]  }
0x2a8: {  	v58 =	vld [tilespmem:$0x3950];
	v15 =	vadd.f32 v53, v38  }
0x2a9: {  	v59 =	vld [tilespmem:$0x3960];
	v1 =	vadd.f32 v1, v18  }
0x2aa: {  	v61 =	vld [tilespmem:$0x3970];
	v15 =	vadd.f32 v15, v37  }
0x2ab: {  	v62 =	vld [tilespmem:$0x3980];
	v1 =	vadd.f32 v1, v35  }
0x2ac: {  	v34 =	vld [tilespmem:$0x3990];
	v60 =	vadd.f32 v15, v36  }
0x2ad: {  	v44 =	vld [tilespmem:$0x39F0];
	v1 =	vadd.f32 v1, v16  }
0x2ae: {  	v19 =	vld [tilespmem:$0x3B20];
	v63 =	vadd.f32 v60, v63  }
0x2af: {  	v21 =	vld [tilespmem:$0x3B30];
	v1 =	vadd.f32 v1, v14  }
0x2b0: {  	v22 =	vld [tilespmem:$0x3B50];
	v23 =	vadd.f32 $0.0e+00, v42;
	v0 =	vadd.f32 v63, v0  }
0x2b1: {  	v24 =	vld [tilespmem:$0x3B40];
	v37 =	vadd.f32 $0.0e+00, v41;
	v1 =	vadd.f32 v1, v12  }
0x2b2: {  	v25 =	vld [tilespmem:$0x3B70];
	v41 =	vadd.f32 v46, v23;
	v0 =	vadd.f32 v0, v4  }
0x2b3: {  	v27 =	vld [tilespmem:$0x120];
	v40 =	vadd.f32 v45, v37;
	v1 =	vadd.f32 v1, v11  }
0x2b4: {  	v39 =	vld [tilespmem:$0x39D0];
	v12 =	vadd.f32 v51, v41;
	v0 =	vadd.f32 v0, v2  }
0x2b5: {  	v47 =	vld [tilespmem:$0x3A20];
	v1 =	vadd.f32 v1, v9;
	v9 =	vadd.f32 v49, v40  }
0x2b6: {  	v50 =	vld [tilespmem:$0x3A50];
	v0 =	vadd.f32 v0, v10  }
0x2b7: {  	v35 =	vld [tilespmem:$0x39A0];
	v12 =	vadd.f32 v55, v12;
	v9 =	vadd.f32 v54, v9  }
0x2b8: {  	v43 =	vadd.f32 $0.0e+00, v43;
	v36 =	vld [tilespmem:$0x39B0];
	v0 =	vadd.f32 v0, v3  }
0x2b9: {  	v38 =	vld [tilespmem:$0x39C0];
	v12 =	vadd.f32 v58, v12;
	v9 =	vadd.f32 v57, v9  }
0x2ba: {  	v42 =	vld [tilespmem:$0x39E0];
	v2 =	vadd.f32 v48, v43;
	v0 =	vadd.f32 v0, v29  }
0x2bb: {  	v46 =	vld [tilespmem:$0x3A10];
	v12 =	vadd.f32 v62, v12;
	v9 =	vadd.f32 v61, v9  }
0x2bc: {  	v45 =	vld [tilespmem:$0x3A00];
	v2 =	vadd.f32 v52, v2;
	v0 =	vadd.f32 v0, v13  }
0x2bd: {  	v49 =	vld [tilespmem:$0x3A40];
	v11 =	vadd.f32 v36, v12;
	v9 =	vadd.f32 v35, v9  }
0x2be: {  	v48 =	vld [tilespmem:$0x3A30];
	v2 =	vadd.f32 v56, v2;
	v0 =	vadd.f32 v0, v8  }
0x2bf: {  	v51 =	vld [tilespmem:$0x3A60];
	v55 =	vadd.f32 v42, v11;
	v4 =	vadd.f32 v39, v9  }
0x2c0: {  	v52 =	vld [tilespmem:$0x3A70];
	v2 =	vadd.f32 v59, v2;
	v0 =	vadd.f32 v0, v5  }
0x2c1: {  	v54 =	vld [tilespmem:$0x3A90];
	v9 =	vadd.f32 v46, v55;
	v4 =	vadd.f32 v45, v4  }
0x2c2: {  	v56 =	vld [tilespmem:$0x3AA0];
	v2 =	vadd.f32 v34, v2;
	v0 =	vadd.f32 v0, v6  }
0x2c3: {  	v58 =	vld [tilespmem:$0x3AC0];
	v60 =	vadd.f32 v49, v9;
	v3 =	vadd.f32 v48, v4  }
0x2c4: {  	v59 =	vld [tilespmem:$0x3AD0];
	v2 =	vadd.f32 v38, v2;
	v0 =	vadd.f32 v0, v7  }
0x2c5: {  	v63 =	vld [tilespmem:$0x3B00];
	v4 =	vadd.f32 v52, v60;
	v3 =	vadd.f32 v51, v3  }
0x2c6: {  	v62 =	vld [tilespmem:$0x3AF0];
	v2 =	vadd.f32 v44, v2;
	(erf) = vrcp.f32 v0  }
0x2c7: {  	v53 =	vld [tilespmem:$0x3A80];
	v18 =	vadd.f32 v56, v4;
	v17 =	vadd.f32 v54, v3;
	(erf) = vrcp.f32 v1  }
0x2c8: {  	v33 =	vimm.s32 $0x76543210;
	v30 =	vld [tilespmem:$0x150];
	v2 =	vadd.f32 v47, v2  }
0x2c9: {  	v40 =	vbroadcast v27, $0x0;
	v57 =	vld [tilespmem:$0x3AB0];
	v3 =	vadd.f32 v59, v18;
	v0 =	vadd.f32 v58, v17  }
0x2ca: {  	v23 =	vld [tilespmem:$0x3B60];
	v35 =	vunpack.c.l.s4.s8 v33;
	v29 =	vimm.s32 $0xFEDCBA98;
	v2 =	vadd.f32 v50, v2  }
0x2cb: {  	v61 =	vld [tilespmem:$0x3AE0];
	v31 =	vunpack.c.l.s4.s8 v29;
	v3 =	vadd.f32 v63, v3;
	v0 =	vadd.f32 v62, v0  }
0x2cc: {  	v32 =	vld [tilespmem:$0x160];
	v39 =	vimm.s32 $0x32107654;
	v46 =	vimm.s32 $0xDCFE98BA;
	v20 =	vadd.f32 v53, v2  }
0x2cd: {  	v16 =	vld [tilespmem:$0x3B10];
	v10 =	vunpack.c.l.s4.s8 v39;
	v2 =	vadd.f32 v21, v3;
	v0 =	vadd.f32 v19, v0  }
0x2ce: {  	v34 =	vld [tilespmem:$0x170];
	v36 =	vunpack.c.0.s8.s32 v31;
	v38 =	vimm.s32 $0xBA98FEDC;
	v1 =	vadd.f32 v57, v20  }
0x2cf: {  	v37 =	vld [tilespmem:$0x180];
	v8 =	vmul.f32 v30, v40;
	v2 =	vadd.f32 v23, v2;
	v0 =	vadd.f32 v22, v0;
	v26 =	vpop (erf)  }
0x2d0: {  	v41 =	vld [tilespmem:$0x130];
	v9 =	vunpack.c.l.s4.s8 v38;
	v48 =	vunpack.c.l.s4.s8 v46;
	v1 =	vadd.f32 v61, v1;
	v28 =	vpop (erf)  }
0x2d1: {  	v42 =	vld [tilespmem:$0x140];
	v52 =	vimm.s32 $0xEFCDAB89;
	v0 =	vmul.f32 v0, v26;
	v2 =	vmul.f32 v2, v28  }
0x2d2: {  	v44 =	vunpack.c.0.s8.s32 v10;
	v6 =	vmul.f32 v32, v40;
	v1 =	vadd.f32 v16, v1  }
0x2d3: {  	v7 =	vadd.f32 v34, v8;
	v0 =	vadd.f32 v2, v0;
	v2 =	vunpack.c.0.s8.s32 v35  }
0x2d4: {  	v4 =	vadd.f32 v37, v6;
	v3 =	vand.u32 $0xF, v36;
	v1 =	vadd.f32 v24, v1  }
0x2d5: {  	v43 =	vunpack.c.0.s8.s32 v9;
	v47 =	vimm.s32 $0x54761032;
	v2 =	vcombine.low v3, v2  }
0x2d6: {  	v7 =	vmul.f32 v41, v7;
	v4 =	vmul.f32 v42, v4;
	v1 =	vadd.f32 v25, v1  }
0x2d7: {  	v49 =	vunpack.c.l.s4.s8 v47;
	v54 =	vimm.s32 $0x67452301;
	v45 =	vperm.xlane v0, v2  }
0x2d8: {  	v4 =	vadd.f32 v4, v7;
	v3 =	vcombine.low v44, v43;
	v50 =	vperm.xlane v1, v2  }
0x2d9: {  	v6 =	vunpack.c.0.s8.s32 v48;
	v8 =	vunpack.c.0.s8.s32 v49;
	v0 =	vadd.f32 v0, v45  }
0x2da: {  	v3 =	vand.u32 $0xF, v3;
	v2 =	vperm.xlane v4, v2;
	v1 =	vadd.f32 v50, v1  }
0x2db: {  	v9 =	vunpack.c.l.s4.s8 v54;
	v53 =	vunpack.c.l.s4.s8 v52;
	v51 =	vperm.xlane v0, v3  }
0x2dc: {  	v6 =	vcombine.low v8, v6;
	v2 =	vadd.f32 v4, v2;
	v55 =	vperm.xlane v1, v3  }
0x2dd: {  	v58 =	vunpack.c.0.s8.s32 v9;
	v57 =	vunpack.c.0.s8.s32 v53;
	v0 =	vadd.f32 v0, v51  }
0x2de: {  	v56 =	vand.u32 $0xF, v6;
	v3 =	vperm.xlane v2, v3;
	v1 =	vadd.f32 v55, v1  }
0x2df: {  	v59 =	vperm.xlane v0, v56  }
0x2e0: {  	v6 =	vcombine.low v58, v57;
	v2 =	vadd.f32 v2, v3;
	v60 =	vperm.xlane v1, v56  }
0x2e1: {  	v0 =	vadd.f32 v0, v59  }
0x2e2: {  	v61 =	vand.u32 $0xF, v6;
	v4 =	vperm.xlane v2, v56;
	v1 =	vadd.f32 v60, v1  }
0x2e3: {  	v6 =	vperm.xlane v0, v61  }
0x2e4: {  	v2 =	vadd.f32 v2, v4;
	v7 =	vperm.xlane v1, v61  }
0x2e5: {  	v0 =	vadd.f32 v0, v6  }
0x2e6: {  	v3 =	vperm.xlane v2, v61;
	v1 =	vadd.f32 v7, v1  }
0x2e7: {  	(v2sf) =	vpush v0, $0x0  }
0x2e8: {  	v62 =	vadd.f32 v2, v3;
	(v2sf) =	vpush v1, $0x0;
	_ =	sdelay $0x1  }
0x2e9: {  	(v2sf) =	vpush v62, $0x0;
	_ =	sdelay $0x1  }
0x2ea: {  	(v2sf) =	vpush v27, $0x1;
	_ =	sdelay $0x9  }
0x2eb: {  	s26 =	spop (v2sf)  }
0x2ec: {  	s28 =	spop (v2sf)  }
0x2ed: {  	s2 =	sadd.f32 s28, s26  }
0x2ee: {  	s29 =	spop (v2sf)  }
0x2ef: {  	s2 =	sadd.f32 s29, s2  }
0x2f0: {  	s30 =	spop (v2sf)  }
0x2f1: {  	s2 =	sadd.f32 s2, s30;
	_ =	sdelay $0x1  }
0x2f2: {  	v63 =	vmov s2  }
0x2f3: {  	v0 =	vsub.f32 $0.0e+00, v63;
	_ =	sdelay $0x1  }
0x2f4: {  	v0 =	vmul.f32 $1.442695020e+00, v0;
	_ =	sdelay $0x1  }
0x2f5: {  	v0 =	vbroadcast v0, $0x0;
	_ =	sdelay $0x1  }
0x2f6: {  	(erf) = vpow2.f32 v0;
	_ =	sdelay $0x8  }
0x2f7: {  	v0 =	vpop (erf)  }
0x2f8: {  	v0 =	vadd.f32 $1.000000000e+00, v0;
	_ =	sdelay $0x1  }
0x2f9: {  	(erf) = vrcp.f32 v0;
	_ =	sdelay $0x8  }
0x2fa: {  	v0 =	vpop (erf)  }
0x2fb: {  	s31 =	simm.s32 $0x0;
	[tilespmem:$0x3B80] =	vst v0  }
0x2fc: {  	[hbm4b:s1+s31] =	stream.linear.scatter [tilespmem:s3], [sflag:$0x2], $0x10, $0x38;
	[tilespmem:$0x3E50] =	vst v63  }
0x2fd: {  	_ =	swait.ge [sflag:s5], $0x10  }
0x2fe: {  	[sflag:s5] =	ssyncset.done $0x0  }
0x2ff: {  	[sflag:s5] =	ssyncadd.s32 $0xFFFFFFF0  }
0x300: {  	_ =	sfence.sel $0x180000  }
0x301: {  	[bflag:$0x0] =	sbarrier.arrive $0xFFFF  }
0x302: {  	_ =	strace $0x90000047  }
0x303: {  	s0 =	sadd.s32 $0x100000, s0;
	[bflag:$0x2] =	sbarrier.arrive $0xFFFF  }
0x304: {  	[sflag:s0] =	ssyncadd.tile.s32 $0x1;
	_ =	shalt  }
.Lfunc_end2:
_tile_overlayer_lowered:
.L_overlay_start_2:
0x305: {  	(tag) =	ssettag $0x2  }
0x306: {  	s0 =	rddreg [dreg:$0x0];
	s2 =	stileid.u32  }
0x307: {  	s1 =	rddreg [dreg:$0x1];
	p0 =	sne.s32 s2, $0x0  }
0x308: {  	s3 =	rddreg [dreg:$0x2];
	[bflag:$0x3] =	sbarrier.arrive $0xFFFF;
	s2 =	simm.s32 @!p0 $0x1C02  }
0x309: {  	[timem:s3], [sflag:s2] =	dma.local @!p0 [hbm:s0], s1  }
0x30a: {  	s0 =	simm.s32 @!p0 $0x2  }
0x30b: {  	_ =	swait.ge @!p0 [sflag:s0], s1  }
0x30c: {  	s1 =	ssub.s32 @!p0 $0x0, s1;
	[sflag:s0] =	ssyncset.done @!p0 $0x0  }
0x30d: {  	[sflag:s0] =	ssyncadd.s32 @!p0 s1  }
0x30e: {  	[bflag:$0x3] =	sbarrier.arrive $0xFFFF  }
0x30f: {  	_ =	shalt  }

</sc_bundles>
